<compile_context>
chip_gen: v7x
topology: tpu7x:2x2x1
jax: 0.10.2.dev20260603
libtpu: 0.0.44.dev20260713+nightly
codegen_flags: <defaults>
</compile_context>

<pallas_src>
import functools

import jax
import jax.numpy as jnp
from jax import lax
from jax.experimental import pallas as pl
from jax.experimental.pallas import tpu as pltpu
from jax.experimental.pallas import tpu_sc as plsc

N = 10000
E = 320000
D_IN = 128
D_H = 256
N_CLASSES = 10
N_GRAPHS = 128

NC, NS = 2, 16
CHUNK = 128
NCHUNK = 160
EPT = NCHUNK * CHUNK
EPAD = NS * EPT
NPAD = 10240
DUMMY = N
ROWS_PER_TILE = NPAD // NS
DH = 128

_mesh = plsc.VectorSubcoreMesh(
    core_axis_name="c", subcore_axis_name="s", num_cores=NC, num_subcores=NS)


def _deg_body(dst_hbm, ones_hbm, zeros_hbm, out_hbm, acc, dstv, onesv):
  c = lax.axis_index("c")
  s = lax.axis_index("s")
  pltpu.sync_copy(dst_hbm.at[s], dstv)
  pltpu.sync_copy(ones_hbm, onesv)
  rows = pl.ds(s * ROWS_PER_TILE, ROWS_PER_TILE)
  pltpu.sync_copy(zeros_hbm, acc.at[rows])
  plsc.subcore_barrier()

  base = c * (NCHUNK // 2)

  def hist_body(j, _):
    pltpu.sync_copy(onesv, acc.at[dstv.at[base + j]], add=True)
    return 0
  lax.fori_loop(0, NCHUNK // 2, hist_body, 0)

  plsc.subcore_barrier()
  pltpu.sync_copy(acc.at[rows], out_hbm.at[c].at[rows])


def _deg(dst3):
  ones = jnp.ones((CHUNK, DH), jnp.float32)
  zeros = jnp.zeros((ROWS_PER_TILE, DH), jnp.float32)
  return pl.kernel(
      _deg_body,
      out_type=jax.ShapeDtypeStruct((NC, NPAD, DH), jnp.float32),
      mesh=_mesh,
      scratch_types=[
          pltpu.VMEM_SHARED((NPAD, DH), jnp.float32),
          pltpu.VMEM((NCHUNK, CHUNK), jnp.int32),
          pltpu.VMEM((CHUNK, DH), jnp.float32),
      ],
  )(dst3, ones, zeros)


SK = 16
NSUP = NCHUNK // SK


def _scatter_body(g_hbm, src_hbm, dst_hbm, zeros_hbm, out_hbm,
                  acc, sidx, didx, buf, sem0, sem1, *, edge_split):
  c = lax.axis_index("c")
  s = lax.axis_index("s")
  rows = pl.ds(s * ROWS_PER_TILE, ROWS_PER_TILE)
  pltpu.sync_copy(zeros_hbm, acc.at[rows])
  plsc.subcore_barrier()

  if edge_split:
    table = g_hbm
    nsup = jnp.where(c == 0, 7, NSUP - 7)
    sup0 = jnp.where(c == 0, 0, 7)
  else:
    table = g_hbm.at[c]
    nsup = NSUP
    sup0 = 0

  def gather(jl, slot, sem):
    pltpu.async_copy(table.at[sidx.at[jl]], buf.at[slot], sem)

  def gwait(jl, slot, sem):
    pltpu.make_async_copy(table.at[sidx.at[jl]], buf.at[slot], sem).wait()

  def scat(jl, slot):
    pltpu.sync_copy(buf.at[slot], acc.at[didx.at[jl]], add=True)

  def sup_body(ul, _):
    u = sup0 + ul
    pltpu.sync_copy(src_hbm.at[s].at[pl.ds(u * SK, SK)], sidx)
    pltpu.sync_copy(dst_hbm.at[s].at[pl.ds(u * SK, SK)], didx)
    gather(0, 0, sem0)

    def pair_body(i, _):
      j0 = 2 * i
      j1 = j0 + 1
      gather(j1, 1, sem1)
      gwait(j0, 0, sem0)
      scat(j0, 0)

      @pl.when(i < SK // 2 - 1)
      def _():
        gather(j0 + 2, 0, sem0)
      gwait(j1, 1, sem1)
      scat(j1, 1)
      return 0
    lax.fori_loop(0, SK // 2, pair_body, 0)
    return 0
  lax.fori_loop(0, nsup, sup_body, 0)

  plsc.subcore_barrier()
  pltpu.sync_copy(acc.at[rows], out_hbm.at[c].at[rows])


def _scatter(g, src3, dst3, edge_split):
  zeros = jnp.zeros((ROWS_PER_TILE, DH), jnp.float32)
  body = functools.partial(_scatter_body, edge_split=edge_split)
  return pl.kernel(
      body,
      out_type=jax.ShapeDtypeStruct((NC, NPAD, DH), jnp.float32),
      mesh=_mesh,
      scratch_types=[
          pltpu.VMEM_SHARED((NPAD, DH), jnp.float32),
          pltpu.VMEM((SK, CHUNK), jnp.int32),
          pltpu.VMEM((SK, CHUNK), jnp.int32),
          pltpu.VMEM((2, CHUNK, DH), jnp.float32),
          pltpu.SemaphoreType.DMA,
          pltpu.SemaphoreType.DMA,
      ],
  )(g, src3, dst3, zeros)


TN = 2048
BATCH_PAD = 2 * N_GRAPHS


def _t1_body(deg_ref, x_ref, dinv_ref, g_ref):
  deg = deg_ref[0, :, 0] + deg_ref[1, :, 0] + 1.0
  dinv = lax.rsqrt(deg)[:, None]
  dinv_ref[...] = dinv
  g_ref[...] = x_ref[...] * dinv


def _t1(deg3, x):
  return pl.pallas_call(
      _t1_body,
      grid=(NPAD // TN,),
      in_specs=[
          pl.BlockSpec((NC, TN, DH), lambda i: (0, i, 0)),
          pl.BlockSpec((TN, D_IN), lambda i: (i, 0)),
      ],
      out_specs=[
          pl.BlockSpec((TN, 1), lambda i: (i, 0)),
          pl.BlockSpec((TN, D_IN), lambda i: (i, 0)),
      ],
      out_shape=[
          jax.ShapeDtypeStruct((NPAD, 1), jnp.float32),
          jax.ShapeDtypeStruct((NPAD, D_IN), jnp.float32),
      ],
  )(deg3, x)


def _dense1_body(s_ref, g_ref, dinv_ref, w_ref, b_ref, out_ref):
  dinv = dinv_ref[...]
  p = (s_ref[0] + s_ref[1] + g_ref[...]) * dinv
  h = jnp.dot(p, w_ref[...], preferred_element_type=jnp.float32) + b_ref[...]
  z = jnp.maximum(h, 0.0) * dinv
  out_ref[0] = z[:, :DH]
  out_ref[1] = z[:, DH:]


def _dense1(s, g, dinv, W, b):
  return pl.pallas_call(
      _dense1_body,
      grid=(NPAD // TN,),
      in_specs=[
          pl.BlockSpec((NC, TN, DH), lambda i: (0, i, 0)),
          pl.BlockSpec((TN, D_IN), lambda i: (i, 0)),
          pl.BlockSpec((TN, 1), lambda i: (i, 0)),
          pl.BlockSpec((D_IN, D_H), lambda i: (0, 0)),
          pl.BlockSpec((1, D_H), lambda i: (0, 0)),
      ],
      out_specs=pl.BlockSpec((NC, TN, DH), lambda i: (0, i, 0)),
      out_shape=jax.ShapeDtypeStruct((NC, NPAD, DH), jnp.float32),
  )(s, g, dinv, W, b)


def _dense2_body(s_ref, g_ref, dinv_ref, w_ref, b_ref, out_ref):
  dinv = dinv_ref[...]
  p = (jnp.concatenate([s_ref[0], s_ref[1]], axis=1)
       + jnp.concatenate([g_ref[0], g_ref[1]], axis=1)) * dinv
  h = jnp.dot(p, w_ref[...], preferred_element_type=jnp.float32) + b_ref[...]
  z = jnp.maximum(h, 0.0) * dinv
  out_ref[0] = z[:, :DH]
  out_ref[1] = z[:, DH:]


def _dense2(s_split, g_split, dinv, W, b):
  return pl.pallas_call(
      _dense2_body,
      grid=(NPAD // TN,),
      in_specs=[
          pl.BlockSpec((NC, TN, DH), lambda i: (0, i, 0)),
          pl.BlockSpec((NC, TN, DH), lambda i: (0, i, 0)),
          pl.BlockSpec((TN, 1), lambda i: (i, 0)),
          pl.BlockSpec((D_H, D_H), lambda i: (0, 0)),
          pl.BlockSpec((1, D_H), lambda i: (0, 0)),
      ],
      out_specs=pl.BlockSpec((NC, TN, DH), lambda i: (0, i, 0)),
      out_shape=jax.ShapeDtypeStruct((NC, NPAD, DH), jnp.float32),
  )(s_split, g_split, dinv, W, b)


def _pool_body(s_ref, g_ref, dinv_ref, batch_ref, pp_ref, cnt_ref):
  i = pl.program_id(0)
  dinv = dinv_ref[...]
  p = (jnp.concatenate([s_ref[0], s_ref[1]], axis=1)
       + jnp.concatenate([g_ref[0], g_ref[1]], axis=1)) * dinv
  gids = lax.broadcasted_iota(jnp.int32, (1, N_GRAPHS), 1)
  mask = (batch_ref[...] == gids).astype(jnp.float32)

  @pl.when(i == 0)
  def _():
    pp_ref[...] = jnp.zeros_like(pp_ref)
    cnt_ref[...] = jnp.zeros_like(cnt_ref)

  pp_ref[...] += lax.dot_general(
      mask, p, (((0,), (0,)), ((), ())), preferred_element_type=jnp.float32)
  cnt_ref[...] += jnp.sum(mask, axis=0, keepdims=True)


def _pool(s_split, g_split, dinv, batch2):
  return pl.pallas_call(
      _pool_body,
      grid=(NPAD // TN,),
      in_specs=[
          pl.BlockSpec((NC, TN, DH), lambda i: (0, i, 0)),
          pl.BlockSpec((NC, TN, DH), lambda i: (0, i, 0)),
          pl.BlockSpec((TN, 1), lambda i: (i, 0)),
          pl.BlockSpec((TN, 1), lambda i: (i, 0)),
      ],
      out_specs=[
          pl.BlockSpec((N_GRAPHS, D_H), lambda i: (0, 0)),
          pl.BlockSpec((1, N_GRAPHS), lambda i: (0, 0)),
      ],
      out_shape=[
          jax.ShapeDtypeStruct((N_GRAPHS, D_H), jnp.float32),
          jax.ShapeDtypeStruct((1, N_GRAPHS), jnp.float32),
      ],
  )(s_split, g_split, dinv, batch2)


def _head_body(pp_ref, cnt_ref, w3_ref, b3_ref, wl_ref, bl_ref, out_ref):
  cnt = cnt_ref[...][0][:, None]
  pooled = (jnp.dot(pp_ref[...], w3_ref[...], preferred_element_type=jnp.float32)
            + cnt * b3_ref[...])
  out_ref[...] = (jnp.dot(pooled, wl_ref[...], preferred_element_type=jnp.float32)
                  + bl_ref[...])


def _head(pp, cnt, W3, b3, Wl, bl):
  return pl.pallas_call(
      _head_body,
      out_shape=jax.ShapeDtypeStruct((N_GRAPHS, N_CLASSES), jnp.float32),
  )(pp, cnt, W3, b3, Wl, bl)


def kernel(x, edge_index, batch, W1, b1, W2, b2, W3, b3, Wl, bl):
  src = edge_index[0]
  dst = edge_index[1]
  srcp = jnp.concatenate([src, jnp.zeros((EPAD - E,), jnp.int32)])
  dstp = jnp.concatenate([dst, jnp.full((EPAD - E,), DUMMY, jnp.int32)])
  src3 = srcp.reshape(NS, NCHUNK, CHUNK)
  dst3 = dstp.reshape(NS, NCHUNK, CHUNK)

  xpad = jnp.concatenate([x, jnp.zeros((NPAD - N, D_IN), jnp.float32)])
  batchpad = jnp.concatenate(
      [batch, jnp.full((NPAD - N,), BATCH_PAD, jnp.int32)]).reshape(NPAD, 1)

  deg3 = _deg(dst3)
  dinv, g0 = _t1(deg3, xpad)
  s0 = _scatter(g0, src3, dst3, edge_split=True)
  z1 = _dense1(s0, g0, dinv, W1, b1.reshape(1, D_H))
  s1 = _scatter(z1, src3, dst3, edge_split=False)
  z2 = _dense2(s1, z1, dinv, W2, b2.reshape(1, D_H))
  s2 = _scatter(z2, src3, dst3, edge_split=False)
  pp, cnt = _pool(s2, z2, dinv, batchpad)
  return _head(pp, cnt, W3, b3.reshape(1, D_H), Wl, bl.reshape(1, N_CLASSES))

# --- scband reference (transcript-rebuilt; emitter-appended) ---
"""Pipeline reference for scband-gcn-noedge-3315714752815 (READ-ONLY COPY).

The authoritative reference and input builder live on the scoring server;
editing this copy changes nothing except your own understanding.
"""

import jax, jax.numpy as jnp
import numpy as np

N = 10000
E = 320000
D_IN = 128
D_H = 256
N_CLASSES = 10
N_GRAPHS = 128


def gcn_conv(x, edge_index, W, b):
    # Faithful PyG GCNConv: add self-loops, symmetric normalization, linear, scatter-add
    n = x.shape[0]
    loop = jnp.arange(n, dtype=edge_index.dtype)
    src = jnp.concatenate([edge_index[0], loop])
    dst = jnp.concatenate([edge_index[1], loop])
    deg = jnp.zeros((n,), x.dtype).at[dst].add(1.0)
    dinv = jnp.where(deg > 0, deg ** -0.5, 0.0)
    norm = dinv[src] * dinv[dst]
    h = x @ W
    msg = h[src] * norm[:, None]
    out = jnp.zeros((n, W.shape[1]), x.dtype).at[dst].add(msg)
    return out + b


def setup_inputs(seed: int = 0):
    key = jax.random.key(seed)
    ks = jax.random.split(key, 12)
    x = jax.random.normal(ks[0], (N, D_IN), jnp.float32)
    edge_index = jax.random.randint(ks[1], (2, E), 0, N, dtype=jnp.int32)
    batch = jnp.sort(jax.random.randint(ks[2], (N,), 0, N_GRAPHS, dtype=jnp.int32))
    s1 = 1.0 / np.sqrt(D_IN)
    s2 = 1.0 / np.sqrt(D_H)
    W1 = jax.random.uniform(ks[3], (D_IN, D_H), jnp.float32, -s1, s1)
    b1 = jnp.zeros((D_H,), jnp.float32)
    W2 = jax.random.uniform(ks[4], (D_H, D_H), jnp.float32, -s2, s2)
    b2 = jnp.zeros((D_H,), jnp.float32)
    W3 = jax.random.uniform(ks[5], (D_H, D_H), jnp.float32, -s2, s2)
    b3 = jnp.zeros((D_H,), jnp.float32)
    Wl = jax.random.uniform(ks[6], (D_H, N_CLASSES), jnp.float32, -s2, s2)
    bl = jax.random.uniform(ks[7], (N_CLASSES,), jnp.float32, -s2, s2)
    return {"x": x, "edge_index": edge_index, "batch": batch,
            "W1": W1, "b1": b1, "W2": W2, "b2": b2, "W3": W3, "b3": b3,
            "Wl": Wl, "bl": bl}


def reference(x, edge_index, batch, W1, b1, W2, b2, W3, b3, Wl, bl):
    h = jax.nn.relu(gcn_conv(x, edge_index, W1, b1))
    h = jax.nn.relu(gcn_conv(h, edge_index, W2, b2))
    h = gcn_conv(h, edge_index, W3, b3)
    pooled = jax.ops.segment_sum(h, batch, num_segments=N_GRAPHS)
    # F.dropout(p=0.5, training=self.training) is identity in eval mode
    out = pooled @ Wl + bl
    return out

if __name__ == "__main__":
    import jax
    _d = setup_inputs()
    print(jax.jit(kernel)(*tuple(_d.values())))

</pallas_src>

<mosaic_0001>
#map = affine_map<(d0, d1) -> (0, 0, 0)>
#map1 = affine_map<(d0, d1) -> (0, 0)>
module attributes {stable_mosaic.version = 14 : i64} {
  func.func @_scatter_body(%arg0: i32, %arg1: i32, %arg2: memref<2x10240x128xf32, #tpu.memory_space<hbm>>, %arg3: memref<16x160x128xi32, #tpu.memory_space<hbm>>, %arg4: memref<16x160x128xi32, #tpu.memory_space<hbm>>, %arg5: memref<640x128xf32, #tpu.memory_space<hbm>>, %arg6: memref<2x10240x128xf32, #tpu.memory_space<hbm>>, %arg7: memref<10240x128xf32, #tpu.memory_space<vmem_shared>>, %arg8: memref<16x128xi32, #tpu.memory_space<vmem>>, %arg9: memref<16x128xi32, #tpu.memory_space<vmem>>, %arg10: memref<2x128x128xf32, #tpu.memory_space<vmem>>, %arg11: memref<!tpu.dma_semaphore, #tpu.memory_space<semaphore_mem>>, %arg12: memref<!tpu.dma_semaphore, #tpu.memory_space<semaphore_mem>>) attributes {dimension_semantics = [#tpu.dimension_semantics<core_parallel>, #tpu.dimension_semantics<subcore_parallel>], iteration_bounds = array<i64: 2, 16>, scalar_prefetch = 0 : i64, scratch_operands = 6 : i64, tpu.core_type = #tpu.core_type<sc_vector_subcore>, window_params = [{transform_indices = #map}, {transform_indices = #map}, {transform_indices = #map}, {transform_indices = #map1}, {transform_indices = #map}]} {
    %mul3A = arith.constant 640 : i32
    %mul3A_0 = arith.muli %arg1, %mul3A : i32
    "tpu.region"() ({
      %run_scoped3A = tpu.sem_alloc : memref<!tpu.dma_semaphore, #tpu.memory_space<semaphore_mem>>
      %dma_start3A = arith.constant 0 : i32
      %dma_start3A_8 = tpu.memref_slice %arg7[%mul3A_0, %dma_start3A] : memref<10240x128xf32, #tpu.memory_space<vmem_shared>> -> memref<640x128xf32, #tpu.memory_space<vmem_shared>>
      tpu.enqueue_dma source(%arg5 : memref<640x128xf32, #tpu.memory_space<hbm>>) target(%dma_start3A_8 : memref<640x128xf32, #tpu.memory_space<vmem_shared>>) target_semaphore(%run_scoped3A : memref<!tpu.dma_semaphore, #tpu.memory_space<semaphore_mem>>)
      %dma_wait3A = arith.constant 0 : i32
      %dma_wait3A_9 = tpu.memref_slice %arg7[%mul3A_0, %dma_wait3A] : memref<10240x128xf32, #tpu.memory_space<vmem_shared>> -> memref<640x128xf32, #tpu.memory_space<vmem_shared>>
      tpu.wait_dma2 semaphore(%run_scoped3A : memref<!tpu.dma_semaphore, #tpu.memory_space<semaphore_mem>>) src(%arg5 : memref<640x128xf32, #tpu.memory_space<hbm>>) dst(%dma_wait3A_9 : memref<640x128xf32, #tpu.memory_space<vmem_shared>>)
      tpu.yield
    }) : () -> ()
    %barrier3A = arith.constant 0 : index
    tpu.barrier barrier_id(%barrier3A)
    %scan3A = arith.constant 0 : i32
    %scan3A_1 = arith.constant 0 : i32
    %scan3A_2 = arith.constant 10 : i32
    %scan3A_3 = arith.addi %scan3A_1, %scan3A_2 : i32
    %scan3A_4 = arith.constant 1 : i32
    %scan3A_5 = scf.for %scan3A_8 = %scan3A_1 to %scan3A_3 step %scan3A_4 iter_args(%scan3A_9 = %scan3A) -> (i32)  : i32 {
      %add3A = arith.constant 0 : i32
      %add3A_10 = arith.addi %add3A, %scan3A_8 : i32
      %mul3A_11 = arith.constant 16 : i32
      %mul3A_12 = arith.muli %add3A_10, %mul3A_11 : i32
      "tpu.region"() ({
        %run_scoped3A = tpu.sem_alloc : memref<!tpu.dma_semaphore, #tpu.memory_space<semaphore_mem>>
        %dma_start3A_38 = arith.constant 0 : i32
        %dma_start3A_39 = arith.constant 0 : i32
        %dma_start3A_40 = tpu.memref_slice %arg3[%arg1, %dma_start3A_38, %dma_start3A_39] : memref<16x160x128xi32, #tpu.memory_space<hbm>> -> memref<1x160x128xi32, #tpu.memory_space<hbm>>
        %dma_start3A_41 = tpu.memref_squeeze %dma_start3A_40 : memref<1x160x128xi32, #tpu.memory_space<hbm>> -> memref<160x128xi32, #tpu.memory_space<hbm>>
        %dma_start3A_42 = arith.constant 0 : i32
        %dma_start3A_43 = tpu.memref_slice %dma_start3A_41[%mul3A_12, %dma_start3A_42] : memref<160x128xi32, #tpu.memory_space<hbm>> -> memref<16x128xi32, #tpu.memory_space<hbm>>
        %dma_start3A_44 = arith.constant 0 : i32
        %dma_start3A_45 = arith.constant 0 : i32
        %dma_start3A_46 = tpu.memref_slice %arg3[%arg1, %dma_start3A_44, %dma_start3A_45] : memref<16x160x128xi32, #tpu.memory_space<hbm>> -> memref<1x160x128xi32, #tpu.memory_space<hbm>>
        %dma_start3A_47 = tpu.memref_squeeze %dma_start3A_46 : memref<1x160x128xi32, #tpu.memory_space<hbm>> -> memref<160x128xi32, #tpu.memory_space<hbm>>
        %dma_start3A_48 = arith.constant 0 : i32
        %dma_start3A_49 = tpu.memref_slice %dma_start3A_47[%mul3A_12, %dma_start3A_48] : memref<160x128xi32, #tpu.memory_space<hbm>> -> memref<16x128xi32, #tpu.memory_space<hbm>>
        tpu.enqueue_dma source(%dma_start3A_49 : memref<16x128xi32, #tpu.memory_space<hbm>>) target(%arg8 : memref<16x128xi32, #tpu.memory_space<vmem>>) target_semaphore(%run_scoped3A : memref<!tpu.dma_semaphore, #tpu.memory_space<semaphore_mem>>)
        %dma_wait3A = arith.constant 0 : i32
        %dma_wait3A_50 = arith.constant 0 : i32
        %dma_wait3A_51 = tpu.memref_slice %arg3[%arg1, %dma_wait3A, %dma_wait3A_50] : memref<16x160x128xi32, #tpu.memory_space<hbm>> -> memref<1x160x128xi32, #tpu.memory_space<hbm>>
        %dma_wait3A_52 = tpu.memref_squeeze %dma_wait3A_51 : memref<1x160x128xi32, #tpu.memory_space<hbm>> -> memref<160x128xi32, #tpu.memory_space<hbm>>
        %dma_wait3A_53 = arith.constant 0 : i32
        %dma_wait3A_54 = tpu.memref_slice %dma_wait3A_52[%mul3A_12, %dma_wait3A_53] : memref<160x128xi32, #tpu.memory_space<hbm>> -> memref<16x128xi32, #tpu.memory_space<hbm>>
        %dma_wait3A_55 = arith.constant 0 : i32
        %dma_wait3A_56 = arith.constant 0 : i32
        %dma_wait3A_57 = tpu.memref_slice %arg3[%arg1, %dma_wait3A_55, %dma_wait3A_56] : memref<16x160x128xi32, #tpu.memory_space<hbm>> -> memref<1x160x128xi32, #tpu.memory_space<hbm>>
        %dma_wait3A_58 = tpu.memref_squeeze %dma_wait3A_57 : memref<1x160x128xi32, #tpu.memory_space<hbm>> -> memref<160x128xi32, #tpu.memory_space<hbm>>
        %dma_wait3A_59 = arith.constant 0 : i32
        %dma_wait3A_60 = tpu.memref_slice %dma_wait3A_58[%mul3A_12, %dma_wait3A_59] : memref<160x128xi32, #tpu.memory_space<hbm>> -> memref<16x128xi32, #tpu.memory_space<hbm>>
        tpu.wait_dma2 semaphore(%run_scoped3A : memref<!tpu.dma_semaphore, #tpu.memory_space<semaphore_mem>>) src(%dma_wait3A_60 : memref<16x128xi32, #tpu.memory_space<hbm>>) dst(%arg8 : memref<16x128xi32, #tpu.memory_space<vmem>>)
        tpu.yield
      }) : () -> ()
      %mul3A_13 = arith.constant 16 : i32
      %mul3A_14 = arith.muli %add3A_10, %mul3A_13 : i32
      "tpu.region"() ({
        %run_scoped3A = tpu.sem_alloc : memref<!tpu.dma_semaphore, #tpu.memory_space<semaphore_mem>>
        %dma_start3A_38 = arith.constant 0 : i32
        %dma_start3A_39 = arith.constant 0 : i32
        %dma_start3A_40 = tpu.memref_slice %arg4[%arg1, %dma_start3A_38, %dma_start3A_39] : memref<16x160x128xi32, #tpu.memory_space<hbm>> -> memref<1x160x128xi32, #tpu.memory_space<hbm>>
        %dma_start3A_41 = tpu.memref_squeeze %dma_start3A_40 : memref<1x160x128xi32, #tpu.memory_space<hbm>> -> memref<160x128xi32, #tpu.memory_space<hbm>>
        %dma_start3A_42 = arith.constant 0 : i32
        %dma_start3A_43 = tpu.memref_slice %dma_start3A_41[%mul3A_14, %dma_start3A_42] : memref<160x128xi32, #tpu.memory_space<hbm>> -> memref<16x128xi32, #tpu.memory_space<hbm>>
        %dma_start3A_44 = arith.constant 0 : i32
        %dma_start3A_45 = arith.constant 0 : i32
        %dma_start3A_46 = tpu.memref_slice %arg4[%arg1, %dma_start3A_44, %dma_start3A_45] : memref<16x160x128xi32, #tpu.memory_space<hbm>> -> memref<1x160x128xi32, #tpu.memory_space<hbm>>
        %dma_start3A_47 = tpu.memref_squeeze %dma_start3A_46 : memref<1x160x128xi32, #tpu.memory_space<hbm>> -> memref<160x128xi32, #tpu.memory_space<hbm>>
        %dma_start3A_48 = arith.constant 0 : i32
        %dma_start3A_49 = tpu.memref_slice %dma_start3A_47[%mul3A_14, %dma_start3A_48] : memref<160x128xi32, #tpu.memory_space<hbm>> -> memref<16x128xi32, #tpu.memory_space<hbm>>
        tpu.enqueue_dma source(%dma_start3A_49 : memref<16x128xi32, #tpu.memory_space<hbm>>) target(%arg9 : memref<16x128xi32, #tpu.memory_space<vmem>>) target_semaphore(%run_scoped3A : memref<!tpu.dma_semaphore, #tpu.memory_space<semaphore_mem>>)
        %dma_wait3A = arith.constant 0 : i32
        %dma_wait3A_50 = arith.constant 0 : i32
        %dma_wait3A_51 = tpu.memref_slice %arg4[%arg1, %dma_wait3A, %dma_wait3A_50] : memref<16x160x128xi32, #tpu.memory_space<hbm>> -> memref<1x160x128xi32, #tpu.memory_space<hbm>>
        %dma_wait3A_52 = tpu.memref_squeeze %dma_wait3A_51 : memref<1x160x128xi32, #tpu.memory_space<hbm>> -> memref<160x128xi32, #tpu.memory_space<hbm>>
        %dma_wait3A_53 = arith.constant 0 : i32
        %dma_wait3A_54 = tpu.memref_slice %dma_wait3A_52[%mul3A_14, %dma_wait3A_53] : memref<160x128xi32, #tpu.memory_space<hbm>> -> memref<16x128xi32, #tpu.memory_space<hbm>>
        %dma_wait3A_55 = arith.constant 0 : i32
        %dma_wait3A_56 = arith.constant 0 : i32
        %dma_wait3A_57 = tpu.memref_slice %arg4[%arg1, %dma_wait3A_55, %dma_wait3A_56] : memref<16x160x128xi32, #tpu.memory_space<hbm>> -> memref<1x160x128xi32, #tpu.memory_space<hbm>>
        %dma_wait3A_58 = tpu.memref_squeeze %dma_wait3A_57 : memref<1x160x128xi32, #tpu.memory_space<hbm>> -> memref<160x128xi32, #tpu.memory_space<hbm>>
        %dma_wait3A_59 = arith.constant 0 : i32
        %dma_wait3A_60 = tpu.memref_slice %dma_wait3A_58[%mul3A_14, %dma_wait3A_59] : memref<160x128xi32, #tpu.memory_space<hbm>> -> memref<16x128xi32, #tpu.memory_space<hbm>>
        tpu.wait_dma2 semaphore(%run_scoped3A : memref<!tpu.dma_semaphore, #tpu.memory_space<semaphore_mem>>) src(%dma_wait3A_60 : memref<16x128xi32, #tpu.memory_space<hbm>>) dst(%arg9 : memref<16x128xi32, #tpu.memory_space<vmem>>)
        tpu.yield
      }) : () -> ()
      %dma_start3A = arith.constant 0 : i32
      %dma_start3A_15 = arith.constant 0 : i32
      %dma_start3A_16 = arith.constant 0 : i32
      %dma_start3A_17 = arith.constant 0 : i32
      %dma_start3A_18 = tpu.memref_slice %arg10[%dma_start3A_15, %dma_start3A_16, %dma_start3A_17] : memref<2x128x128xf32, #tpu.memory_space<vmem>> -> memref<1x128x128xf32, #tpu.memory_space<vmem>>
      %dma_start3A_19 = tpu.memref_squeeze %dma_start3A_18 : memref<1x128x128xf32, #tpu.memory_space<vmem>> -> memref<128x128xf32, #tpu.memory_space<vmem>>
      %dma_start3A_20 = arith.constant 0 : i32
      %dma_start3A_21 = tpu.memref_slice %arg8[%dma_start3A, %dma_start3A_20] : memref<16x128xi32, #tpu.memory_space<vmem>> -> memref<1x128xi32, #tpu.memory_space<vmem>>
      %dma_start3A_22 = tpu.memref_squeeze %dma_start3A_21 : memref<1x128xi32, #tpu.memory_space<vmem>> -> memref<128xi32, #tpu.memory_space<vmem>>
      %dma_start3A_23 = arith.constant 0 : i32
      %dma_start3A_24 = arith.constant 0 : i32
      %dma_start3A_25 = tpu.memref_slice %arg2[%arg0, %dma_start3A_23, %dma_start3A_24] : memref<2x10240x128xf32, #tpu.memory_space<hbm>> -> memref<1x10240x128xf32, #tpu.memory_space<hbm>>
      %dma_start3A_26 = tpu.memref_squeeze %dma_start3A_25 : memref<1x10240x128xf32, #tpu.memory_space<hbm>> -> memref<10240x128xf32, #tpu.memory_space<hbm>>
      %dma_start3A_27 = arith.constant 0 : i32
      %dma_start3A_28 = arith.constant 0 : i32
      %dma_start3A_29 = tpu.memref_slice %dma_start3A_26[%dma_start3A_27, %dma_start3A_28] : memref<10240x128xf32, #tpu.memory_space<hbm>> -> memref<10240x128xf32, #tpu.memory_space<hbm>>
      tpu.enqueue_indirect_dma source(%dma_start3A_29 : memref<10240x128xf32, #tpu.memory_space<hbm>>) target(%dma_start3A_19 : memref<128x128xf32, #tpu.memory_space<vmem>>) offsets(%dma_start3A_22 : memref<128xi32, #tpu.memory_space<vmem>>) semaphore(%arg11 : memref<!tpu.dma_semaphore, #tpu.memory_space<semaphore_mem>>)
      %scan3A_30 = arith.constant 0 : i32
      %scan3A_31 = arith.constant 0 : i32
      %scan3A_32 = arith.constant 8 : i32
      %scan3A_33 = arith.addi %scan3A_31, %scan3A_32 : i32
      %scan3A_34 = arith.constant 1 : i32
      %scan3A_35 = scf.for %scan3A_38 = %scan3A_31 to %scan3A_33 step %scan3A_34 iter_args(%scan3A_39 = %scan3A_30) -> (i32)  : i32 {
        %mul3A_40 = arith.constant 2 : i32
        %mul3A_41 = arith.muli %mul3A_40, %scan3A_38 : i32
        %add3A_42 = arith.constant 1 : i32
        %add3A_43 = arith.addi %mul3A_41, %add3A_42 : i32
        %dma_start3A_44 = arith.constant 1 : i32
        %dma_start3A_45 = arith.constant 0 : i32
        %dma_start3A_46 = arith.constant 0 : i32
        %dma_start3A_47 = tpu.memref_slice %arg10[%dma_start3A_44, %dma_start3A_45, %dma_start3A_46] : memref<2x128x128xf32, #tpu.memory_space<vmem>> -> memref<1x128x128xf32, #tpu.memory_space<vmem>>
        %dma_start3A_48 = tpu.memref_squeeze %dma_start3A_47 : memref<1x128x128xf32, #tpu.memory_space<vmem>> -> memref<128x128xf32, #tpu.memory_space<vmem>>
        %dma_start3A_49 = arith.constant 0 : i32
        %dma_start3A_50 = tpu.memref_slice %arg8[%add3A_43, %dma_start3A_49] : memref<16x128xi32, #tpu.memory_space<vmem>> -> memref<1x128xi32, #tpu.memory_space<vmem>>
        %dma_start3A_51 = tpu.memref_squeeze %dma_start3A_50 : memref<1x128xi32, #tpu.memory_space<vmem>> -> memref<128xi32, #tpu.memory_space<vmem>>
        %dma_start3A_52 = arith.constant 0 : i32
        %dma_start3A_53 = arith.constant 0 : i32
        %dma_start3A_54 = tpu.memref_slice %arg2[%arg0, %dma_start3A_52, %dma_start3A_53] : memref<2x10240x128xf32, #tpu.memory_space<hbm>> -> memref<1x10240x128xf32, #tpu.memory_space<hbm>>
        %dma_start3A_55 = tpu.memref_squeeze %dma_start3A_54 : memref<1x10240x128xf32, #tpu.memory_space<hbm>> -> memref<10240x128xf32, #tpu.memory_space<hbm>>
        %dma_start3A_56 = arith.constant 0 : i32
        %dma_start3A_57 = arith.constant 0 : i32
        %dma_start3A_58 = tpu.memref_slice %dma_start3A_55[%dma_start3A_56, %dma_start3A_57] : memref<10240x128xf32, #tpu.memory_space<hbm>> -> memref<10240x128xf32, #tpu.memory_space<hbm>>
        tpu.enqueue_indirect_dma source(%dma_start3A_58 : memref<10240x128xf32, #tpu.memory_space<hbm>>) target(%dma_start3A_48 : memref<128x128xf32, #tpu.memory_space<vmem>>) offsets(%dma_start3A_51 : memref<128xi32, #tpu.memory_space<vmem>>) semaphore(%arg12 : memref<!tpu.dma_semaphore, #tpu.memory_space<semaphore_mem>>)
        %dma_wait3A = arith.constant 0 : i32
        %dma_wait3A_59 = arith.constant 0 : i32
        %dma_wait3A_60 = arith.constant 0 : i32
        %dma_wait3A_61 = tpu.memref_slice %arg10[%dma_wait3A, %dma_wait3A_59, %dma_wait3A_60] : memref<2x128x128xf32, #tpu.memory_space<vmem>> -> memref<1x128x128xf32, #tpu.memory_space<vmem>>
        %dma_wait3A_62 = tpu.memref_squeeze %dma_wait3A_61 : memref<1x128x128xf32, #tpu.memory_space<vmem>> -> memref<128x128xf32, #tpu.memory_space<vmem>>
        %dma_wait3A_63 = arith.constant 0 : i32
        %dma_wait3A_64 = tpu.memref_slice %arg8[%mul3A_41, %dma_wait3A_63] : memref<16x128xi32, #tpu.memory_space<vmem>> -> memref<1x128xi32, #tpu.memory_space<vmem>>
        %dma_wait3A_65 = tpu.memref_squeeze %dma_wait3A_64 : memref<1x128xi32, #tpu.memory_space<vmem>> -> memref<128xi32, #tpu.memory_space<vmem>>
        %dma_wait3A_66 = arith.constant 0 : i32
        %dma_wait3A_67 = arith.constant 0 : i32
        %dma_wait3A_68 = tpu.memref_slice %arg2[%arg0, %dma_wait3A_66, %dma_wait3A_67] : memref<2x10240x128xf32, #tpu.memory_space<hbm>> -> memref<1x10240x128xf32, #tpu.memory_space<hbm>>
        %dma_wait3A_69 = tpu.memref_squeeze %dma_wait3A_68 : memref<1x10240x128xf32, #tpu.memory_space<hbm>> -> memref<10240x128xf32, #tpu.memory_space<hbm>>
        %dma_wait3A_70 = arith.constant 0 : i32
        %dma_wait3A_71 = arith.constant 0 : i32
        %dma_wait3A_72 = tpu.memref_slice %dma_wait3A_69[%dma_wait3A_70, %dma_wait3A_71] : memref<10240x128xf32, #tpu.memory_space<hbm>> -> memref<10240x128xf32, #tpu.memory_space<hbm>>
        tpu.wait_indirect_dma semaphore(%arg11 : memref<!tpu.dma_semaphore, #tpu.memory_space<semaphore_mem>>) src(%dma_wait3A_72 : memref<10240x128xf32, #tpu.memory_space<hbm>>) dst(%dma_wait3A_62 : memref<128x128xf32, #tpu.memory_space<vmem>>)
        %run_scoped3A = arith.constant 0 : i32
        "tpu.region"() ({
          %run_scoped3A_92 = tpu.sem_alloc : memref<!tpu.dma_semaphore, #tpu.memory_space<semaphore_mem>>
          %dma_start3A_93 = arith.constant 0 : i32
          %dma_start3A_94 = arith.constant 0 : i32
          %dma_start3A_95 = tpu.memref_slice %arg10[%run_scoped3A, %dma_start3A_93, %dma_start3A_94] : memref<2x128x128xf32, #tpu.memory_space<vmem>> -> memref<1x128x128xf32, #tpu.memory_space<vmem>>
          %dma_start3A_96 = tpu.memref_squeeze %dma_start3A_95 : memref<1x128x128xf32, #tpu.memory_space<vmem>> -> memref<128x128xf32, #tpu.memory_space<vmem>>
          %dma_start3A_97 = arith.constant 0 : i32
          %dma_start3A_98 = tpu.memref_slice %arg9[%mul3A_41, %dma_start3A_97] : memref<16x128xi32, #tpu.memory_space<vmem>> -> memref<1x128xi32, #tpu.memory_space<vmem>>
          %dma_start3A_99 = tpu.memref_squeeze %dma_start3A_98 : memref<1x128xi32, #tpu.memory_space<vmem>> -> memref<128xi32, #tpu.memory_space<vmem>>
          %dma_start3A_100 = arith.constant 0 : i32
          %dma_start3A_101 = arith.constant 0 : i32
          %dma_start3A_102 = tpu.memref_slice %arg7[%dma_start3A_100, %dma_start3A_101] : memref<10240x128xf32, #tpu.memory_space<vmem_shared>> -> memref<10240x128xf32, #tpu.memory_space<vmem_shared>>
          tpu.enqueue_indirect_dma source(%dma_start3A_96 : memref<128x128xf32, #tpu.memory_space<vmem>>) target(%dma_start3A_102 : memref<10240x128xf32, #tpu.memory_space<vmem_shared>>) offsets(%dma_start3A_99 : memref<128xi32, #tpu.memory_space<vmem>>) semaphore(%run_scoped3A_92 : memref<!tpu.dma_semaphore, #tpu.memory_space<semaphore_mem>>) {add = true}
          %dma_wait3A_103 = arith.constant 0 : i32
          %dma_wait3A_104 = arith.constant 0 : i32
          %dma_wait3A_105 = tpu.memref_slice %arg10[%run_scoped3A, %dma_wait3A_103, %dma_wait3A_104] : memref<2x128x128xf32, #tpu.memory_space<vmem>> -> memref<1x128x128xf32, #tpu.memory_space<vmem>>
          %dma_wait3A_106 = tpu.memref_squeeze %dma_wait3A_105 : memref<1x128x128xf32, #tpu.memory_space<vmem>> -> memref<128x128xf32, #tpu.memory_space<vmem>>
          %dma_wait3A_107 = arith.constant 0 : i32
          %dma_wait3A_108 = tpu.memref_slice %arg9[%mul3A_41, %dma_wait3A_107] : memref<16x128xi32, #tpu.memory_space<vmem>> -> memref<1x128xi32, #tpu.memory_space<vmem>>
          %dma_wait3A_109 = tpu.memref_squeeze %dma_wait3A_108 : memref<1x128xi32, #tpu.memory_space<vmem>> -> memref<128xi32, #tpu.memory_space<vmem>>
          %dma_wait3A_110 = arith.constant 0 : i32
          %dma_wait3A_111 = arith.constant 0 : i32
          %dma_wait3A_112 = tpu.memref_slice %arg7[%dma_wait3A_110, %dma_wait3A_111] : memref<10240x128xf32, #tpu.memory_space<vmem_shared>> -> memref<10240x128xf32, #tpu.memory_space<vmem_shared>>
          tpu.wait_indirect_dma semaphore(%run_scoped3A_92 : memref<!tpu.dma_semaphore, #tpu.memory_space<semaphore_mem>>) src(%dma_wait3A_106 : memref<128x128xf32, #tpu.memory_space<vmem>>) dst(%dma_wait3A_112 : memref<10240x128xf32, #tpu.memory_space<vmem_shared>>)
          tpu.yield
        }) : () -> ()
        %lt3A = arith.constant 7 : i32
        %lt3A_73 = arith.cmpi slt, %scan3A_38, %lt3A : i32
        %convert_element_type3A = arith.extui %lt3A_73 : i1 to i32
        %cond3A = arith.constant 0 : i32
        %cond3A_74 = arith.cmpi ne, %convert_element_type3A, %cond3A : i32
        scf.if %cond3A_74 {
          %add3A_92 = arith.constant 2 : i32
          %add3A_93 = arith.addi %mul3A_41, %add3A_92 : i32
          %dma_start3A_94 = arith.constant 0 : i32
          %dma_start3A_95 = arith.constant 0 : i32
          %dma_start3A_96 = arith.constant 0 : i32
          %dma_start3A_97 = tpu.memref_slice %arg10[%dma_start3A_94, %dma_start3A_95, %dma_start3A_96] : memref<2x128x128xf32, #tpu.memory_space<vmem>> -> memref<1x128x128xf32, #tpu.memory_space<vmem>>
          %dma_start3A_98 = tpu.memref_squeeze %dma_start3A_97 : memref<1x128x128xf32, #tpu.memory_space<vmem>> -> memref<128x128xf32, #tpu.memory_space<vmem>>
          %dma_start3A_99 = arith.constant 0 : i32
          %dma_start3A_100 = tpu.memref_slice %arg8[%add3A_93, %dma_start3A_99] : memref<16x128xi32, #tpu.memory_space<vmem>> -> memref<1x128xi32, #tpu.memory_space<vmem>>
          %dma_start3A_101 = tpu.memref_squeeze %dma_start3A_100 : memref<1x128xi32, #tpu.memory_space<vmem>> -> memref<128xi32, #tpu.memory_space<vmem>>
          %dma_start3A_102 = arith.constant 0 : i32
          %dma_start3A_103 = arith.constant 0 : i32
          %dma_start3A_104 = tpu.memref_slice %arg2[%arg0, %dma_start3A_102, %dma_start3A_103] : memref<2x10240x128xf32, #tpu.memory_space<hbm>> -> memref<1x10240x128xf32, #tpu.memory_space<hbm>>
          %dma_start3A_105 = tpu.memref_squeeze %dma_start3A_104 : memref<1x10240x128xf32, #tpu.memory_space<hbm>> -> memref<10240x128xf32, #tpu.memory_space<hbm>>
          %dma_start3A_106 = arith.constant 0 : i32
          %dma_start3A_107 = arith.constant 0 : i32
          %dma_start3A_108 = tpu.memref_slice %dma_start3A_105[%dma_start3A_106, %dma_start3A_107] : memref<10240x128xf32, #tpu.memory_space<hbm>> -> memref<10240x128xf32, #tpu.memory_space<hbm>>
          tpu.enqueue_indirect_dma source(%dma_start3A_108 : memref<10240x128xf32, #tpu.memory_space<hbm>>) target(%dma_start3A_98 : memref<128x128xf32, #tpu.memory_space<vmem>>) offsets(%dma_start3A_101 : memref<128xi32, #tpu.memory_space<vmem>>) semaphore(%arg11 : memref<!tpu.dma_semaphore, #tpu.memory_space<semaphore_mem>>)
        } else {
        }
        %dma_wait3A_75 = arith.constant 1 : i32
        %dma_wait3A_76 = arith.constant 0 : i32
        %dma_wait3A_77 = arith.constant 0 : i32
        %dma_wait3A_78 = tpu.memref_slice %arg10[%dma_wait3A_75, %dma_wait3A_76, %dma_wait3A_77] : memref<2x128x128xf32, #tpu.memory_space<vmem>> -> memref<1x128x128xf32, #tpu.memory_space<vmem>>
        %dma_wait3A_79 = tpu.memref_squeeze %dma_wait3A_78 : memref<1x128x128xf32, #tpu.memory_space<vmem>> -> memref<128x128xf32, #tpu.memory_space<vmem>>
        %dma_wait3A_80 = arith.constant 0 : i32
        %dma_wait3A_81 = tpu.memref_slice %arg8[%add3A_43, %dma_wait3A_80] : memref<16x128xi32, #tpu.memory_space<vmem>> -> memref<1x128xi32, #tpu.memory_space<vmem>>
        %dma_wait3A_82 = tpu.memref_squeeze %dma_wait3A_81 : memref<1x128xi32, #tpu.memory_space<vmem>> -> memref<128xi32, #tpu.memory_space<vmem>>
        %dma_wait3A_83 = arith.constant 0 : i32
        %dma_wait3A_84 = arith.constant 0 : i32
        %dma_wait3A_85 = tpu.memref_slice %arg2[%arg0, %dma_wait3A_83, %dma_wait3A_84] : memref<2x10240x128xf32, #tpu.memory_space<hbm>> -> memref<1x10240x128xf32, #tpu.memory_space<hbm>>
        %dma_wait3A_86 = tpu.memref_squeeze %dma_wait3A_85 : memref<1x10240x128xf32, #tpu.memory_space<hbm>> -> memref<10240x128xf32, #tpu.memory_space<hbm>>
        %dma_wait3A_87 = arith.constant 0 : i32
        %dma_wait3A_88 = arith.constant 0 : i32
        %dma_wait3A_89 = tpu.memref_slice %dma_wait3A_86[%dma_wait3A_87, %dma_wait3A_88] : memref<10240x128xf32, #tpu.memory_space<hbm>> -> memref<10240x128xf32, #tpu.memory_space<hbm>>
        tpu.wait_indirect_dma semaphore(%arg12 : memref<!tpu.dma_semaphore, #tpu.memory_space<semaphore_mem>>) src(%dma_wait3A_89 : memref<10240x128xf32, #tpu.memory_space<hbm>>) dst(%dma_wait3A_79 : memref<128x128xf32, #tpu.memory_space<vmem>>)
        %run_scoped3A_90 = arith.constant 1 : i32
        "tpu.region"() ({
          %run_scoped3A_92 = tpu.sem_alloc : memref<!tpu.dma_semaphore, #tpu.memory_space<semaphore_mem>>
          %dma_start3A_93 = arith.constant 0 : i32
          %dma_start3A_94 = arith.constant 0 : i32
          %dma_start3A_95 = tpu.memref_slice %arg10[%run_scoped3A_90, %dma_start3A_93, %dma_start3A_94] : memref<2x128x128xf32, #tpu.memory_space<vmem>> -> memref<1x128x128xf32, #tpu.memory_space<vmem>>
          %dma_start3A_96 = tpu.memref_squeeze %dma_start3A_95 : memref<1x128x128xf32, #tpu.memory_space<vmem>> -> memref<128x128xf32, #tpu.memory_space<vmem>>
          %dma_start3A_97 = arith.constant 0 : i32
          %dma_start3A_98 = tpu.memref_slice %arg9[%add3A_43, %dma_start3A_97] : memref<16x128xi32, #tpu.memory_space<vmem>> -> memref<1x128xi32, #tpu.memory_space<vmem>>
          %dma_start3A_99 = tpu.memref_squeeze %dma_start3A_98 : memref<1x128xi32, #tpu.memory_space<vmem>> -> memref<128xi32, #tpu.memory_space<vmem>>
          %dma_start3A_100 = arith.constant 0 : i32
          %dma_start3A_101 = arith.constant 0 : i32
          %dma_start3A_102 = tpu.memref_slice %arg7[%dma_start3A_100, %dma_start3A_101] : memref<10240x128xf32, #tpu.memory_space<vmem_shared>> -> memref<10240x128xf32, #tpu.memory_space<vmem_shared>>
          tpu.enqueue_indirect_dma source(%dma_start3A_96 : memref<128x128xf32, #tpu.memory_space<vmem>>) target(%dma_start3A_102 : memref<10240x128xf32, #tpu.memory_space<vmem_shared>>) offsets(%dma_start3A_99 : memref<128xi32, #tpu.memory_space<vmem>>) semaphore(%run_scoped3A_92 : memref<!tpu.dma_semaphore, #tpu.memory_space<semaphore_mem>>) {add = true}
          %dma_wait3A_103 = arith.constant 0 : i32
          %dma_wait3A_104 = arith.constant 0 : i32
          %dma_wait3A_105 = tpu.memref_slice %arg10[%run_scoped3A_90, %dma_wait3A_103, %dma_wait3A_104] : memref<2x128x128xf32, #tpu.memory_space<vmem>> -> memref<1x128x128xf32, #tpu.memory_space<vmem>>
          %dma_wait3A_106 = tpu.memref_squeeze %dma_wait3A_105 : memref<1x128x128xf32, #tpu.memory_space<vmem>> -> memref<128x128xf32, #tpu.memory_space<vmem>>
          %dma_wait3A_107 = arith.constant 0 : i32
          %dma_wait3A_108 = tpu.memref_slice %arg9[%add3A_43, %dma_wait3A_107] : memref<16x128xi32, #tpu.memory_space<vmem>> -> memref<1x128xi32, #tpu.memory_space<vmem>>
          %dma_wait3A_109 = tpu.memref_squeeze %dma_wait3A_108 : memref<1x128xi32, #tpu.memory_space<vmem>> -> memref<128xi32, #tpu.memory_space<vmem>>
          %dma_wait3A_110 = arith.constant 0 : i32
          %dma_wait3A_111 = arith.constant 0 : i32
          %dma_wait3A_112 = tpu.memref_slice %arg7[%dma_wait3A_110, %dma_wait3A_111] : memref<10240x128xf32, #tpu.memory_space<vmem_shared>> -> memref<10240x128xf32, #tpu.memory_space<vmem_shared>>
          tpu.wait_indirect_dma semaphore(%run_scoped3A_92 : memref<!tpu.dma_semaphore, #tpu.memory_space<semaphore_mem>>) src(%dma_wait3A_106 : memref<128x128xf32, #tpu.memory_space<vmem>>) dst(%dma_wait3A_112 : memref<10240x128xf32, #tpu.memory_space<vmem_shared>>)
          tpu.yield
        }) : () -> ()
        %scan3A_91 = arith.constant 0 : i32
        scf.yield %scan3A_91 : i32
      }
      %scan3A_36 = arith.constant 8 : i32
      %scan3A_37 = arith.constant 0 : i32
      scf.yield %scan3A_37 : i32
    }
    %scan3A_6 = arith.constant 10 : i32
    %barrier3A_7 = arith.constant 0 : index
    tpu.barrier barrier_id(%barrier3A_7)
    "tpu.region"() ({
      %run_scoped3A = tpu.sem_alloc : memref<!tpu.dma_semaphore, #tpu.memory_space<semaphore_mem>>
      %dma_start3A = arith.constant 0 : i32
      %dma_start3A_8 = arith.constant 0 : i32
      %dma_start3A_9 = tpu.memref_slice %arg6[%arg0, %dma_start3A, %dma_start3A_8] : memref<2x10240x128xf32, #tpu.memory_space<hbm>> -> memref<1x10240x128xf32, #tpu.memory_space<hbm>>
      %dma_start3A_10 = tpu.memref_squeeze %dma_start3A_9 : memref<1x10240x128xf32, #tpu.memory_space<hbm>> -> memref<10240x128xf32, #tpu.memory_space<hbm>>
      %dma_start3A_11 = arith.constant 0 : i32
      %dma_start3A_12 = tpu.memref_slice %dma_start3A_10[%mul3A_0, %dma_start3A_11] : memref<10240x128xf32, #tpu.memory_space<hbm>> -> memref<640x128xf32, #tpu.memory_space<hbm>>
      %dma_start3A_13 = arith.constant 0 : i32
      %dma_start3A_14 = tpu.memref_slice %arg7[%mul3A_0, %dma_start3A_13] : memref<10240x128xf32, #tpu.memory_space<vmem_shared>> -> memref<640x128xf32, #tpu.memory_space<vmem_shared>>
      tpu.enqueue_dma source(%dma_start3A_14 : memref<640x128xf32, #tpu.memory_space<vmem_shared>>) target(%dma_start3A_12 : memref<640x128xf32, #tpu.memory_space<hbm>>) target_semaphore(%run_scoped3A : memref<!tpu.dma_semaphore, #tpu.memory_space<semaphore_mem>>)
      %dma_wait3A = arith.constant 0 : i32
      %dma_wait3A_15 = arith.constant 0 : i32
      %dma_wait3A_16 = tpu.memref_slice %arg6[%arg0, %dma_wait3A, %dma_wait3A_15] : memref<2x10240x128xf32, #tpu.memory_space<hbm>> -> memref<1x10240x128xf32, #tpu.memory_space<hbm>>
      %dma_wait3A_17 = tpu.memref_squeeze %dma_wait3A_16 : memref<1x10240x128xf32, #tpu.memory_space<hbm>> -> memref<10240x128xf32, #tpu.memory_space<hbm>>
      %dma_wait3A_18 = arith.constant 0 : i32
      %dma_wait3A_19 = tpu.memref_slice %dma_wait3A_17[%mul3A_0, %dma_wait3A_18] : memref<10240x128xf32, #tpu.memory_space<hbm>> -> memref<640x128xf32, #tpu.memory_space<hbm>>
      %dma_wait3A_20 = arith.constant 0 : i32
      %dma_wait3A_21 = tpu.memref_slice %arg7[%mul3A_0, %dma_wait3A_20] : memref<10240x128xf32, #tpu.memory_space<vmem_shared>> -> memref<640x128xf32, #tpu.memory_space<vmem_shared>>
      tpu.wait_dma2 semaphore(%run_scoped3A : memref<!tpu.dma_semaphore, #tpu.memory_space<semaphore_mem>>) src(%dma_wait3A_21 : memref<640x128xf32, #tpu.memory_space<vmem_shared>>) dst(%dma_wait3A_19 : memref<640x128xf32, #tpu.memory_space<hbm>>)
      tpu.yield
    }) : () -> ()
    return
  }
}

#map = affine_map<(d0, d1) -> (0, 0, 0)>
#map1 = affine_map<(d0, d1) -> (0, 0)>
module attributes {stable_mosaic.version = 14 : i64} {
  func.func @_deg_body(%arg0: i32, %arg1: i32, %arg2: memref<16x160x128xi32, #tpu.memory_space<hbm>>, %arg3: memref<128x128xf32, #tpu.memory_space<hbm>>, %arg4: memref<640x128xf32, #tpu.memory_space<hbm>>, %arg5: memref<2x10240x128xf32, #tpu.memory_space<hbm>>, %arg6: memref<10240x128xf32, #tpu.memory_space<vmem_shared>>, %arg7: memref<160x128xi32, #tpu.memory_space<vmem>>, %arg8: memref<128x128xf32, #tpu.memory_space<vmem>>) attributes {dimension_semantics = [#tpu.dimension_semantics<core_parallel>, #tpu.dimension_semantics<subcore_parallel>], iteration_bounds = array<i64: 2, 16>, scalar_prefetch = 0 : i64, scratch_operands = 3 : i64, tpu.core_type = #tpu.core_type<sc_vector_subcore>, window_params = [{transform_indices = #map}, {transform_indices = #map1}, {transform_indices = #map1}, {transform_indices = #map}]} {
    "tpu.region"() ({
      %run_scoped3A = tpu.sem_alloc : memref<!tpu.dma_semaphore, #tpu.memory_space<semaphore_mem>>
      %dma_start3A = arith.constant 0 : i32
      %dma_start3A_10 = arith.constant 0 : i32
      %dma_start3A_11 = tpu.memref_slice %arg2[%arg1, %dma_start3A, %dma_start3A_10] : memref<16x160x128xi32, #tpu.memory_space<hbm>> -> memref<1x160x128xi32, #tpu.memory_space<hbm>>
      %dma_start3A_12 = tpu.memref_squeeze %dma_start3A_11 : memref<1x160x128xi32, #tpu.memory_space<hbm>> -> memref<160x128xi32, #tpu.memory_space<hbm>>
      %dma_start3A_13 = arith.constant 0 : i32
      %dma_start3A_14 = arith.constant 0 : i32
      %dma_start3A_15 = tpu.memref_slice %arg2[%arg1, %dma_start3A_13, %dma_start3A_14] : memref<16x160x128xi32, #tpu.memory_space<hbm>> -> memref<1x160x128xi32, #tpu.memory_space<hbm>>
      %dma_start3A_16 = tpu.memref_squeeze %dma_start3A_15 : memref<1x160x128xi32, #tpu.memory_space<hbm>> -> memref<160x128xi32, #tpu.memory_space<hbm>>
      tpu.enqueue_dma source(%dma_start3A_16 : memref<160x128xi32, #tpu.memory_space<hbm>>) target(%arg7 : memref<160x128xi32, #tpu.memory_space<vmem>>) target_semaphore(%run_scoped3A : memref<!tpu.dma_semaphore, #tpu.memory_space<semaphore_mem>>)
      %dma_wait3A = arith.constant 0 : i32
      %dma_wait3A_17 = arith.constant 0 : i32
      %dma_wait3A_18 = tpu.memref_slice %arg2[%arg1, %dma_wait3A, %dma_wait3A_17] : memref<16x160x128xi32, #tpu.memory_space<hbm>> -> memref<1x160x128xi32, #tpu.memory_space<hbm>>
      %dma_wait3A_19 = tpu.memref_squeeze %dma_wait3A_18 : memref<1x160x128xi32, #tpu.memory_space<hbm>> -> memref<160x128xi32, #tpu.memory_space<hbm>>
      %dma_wait3A_20 = arith.constant 0 : i32
      %dma_wait3A_21 = arith.constant 0 : i32
      %dma_wait3A_22 = tpu.memref_slice %arg2[%arg1, %dma_wait3A_20, %dma_wait3A_21] : memref<16x160x128xi32, #tpu.memory_space<hbm>> -> memref<1x160x128xi32, #tpu.memory_space<hbm>>
      %dma_wait3A_23 = tpu.memref_squeeze %dma_wait3A_22 : memref<1x160x128xi32, #tpu.memory_space<hbm>> -> memref<160x128xi32, #tpu.memory_space<hbm>>
      tpu.wait_dma2 semaphore(%run_scoped3A : memref<!tpu.dma_semaphore, #tpu.memory_space<semaphore_mem>>) src(%dma_wait3A_23 : memref<160x128xi32, #tpu.memory_space<hbm>>) dst(%arg7 : memref<160x128xi32, #tpu.memory_space<vmem>>)
      tpu.yield
    }) : () -> ()
    "tpu.region"() ({
      %run_scoped3A = tpu.sem_alloc : memref<!tpu.dma_semaphore, #tpu.memory_space<semaphore_mem>>
      tpu.enqueue_dma source(%arg3 : memref<128x128xf32, #tpu.memory_space<hbm>>) target(%arg8 : memref<128x128xf32, #tpu.memory_space<vmem>>) target_semaphore(%run_scoped3A : memref<!tpu.dma_semaphore, #tpu.memory_space<semaphore_mem>>)
      tpu.wait_dma2 semaphore(%run_scoped3A : memref<!tpu.dma_semaphore, #tpu.memory_space<semaphore_mem>>) src(%arg3 : memref<128x128xf32, #tpu.memory_space<hbm>>) dst(%arg8 : memref<128x128xf32, #tpu.memory_space<vmem>>)
      tpu.yield
    }) : () -> ()
    %mul3A = arith.constant 640 : i32
    %mul3A_0 = arith.muli %arg1, %mul3A : i32
    "tpu.region"() ({
      %run_scoped3A = tpu.sem_alloc : memref<!tpu.dma_semaphore, #tpu.memory_space<semaphore_mem>>
      %dma_start3A = arith.constant 0 : i32
      %dma_start3A_10 = tpu.memref_slice %arg6[%mul3A_0, %dma_start3A] : memref<10240x128xf32, #tpu.memory_space<vmem_shared>> -> memref<640x128xf32, #tpu.memory_space<vmem_shared>>
      tpu.enqueue_dma source(%arg4 : memref<640x128xf32, #tpu.memory_space<hbm>>) target(%dma_start3A_10 : memref<640x128xf32, #tpu.memory_space<vmem_shared>>) target_semaphore(%run_scoped3A : memref<!tpu.dma_semaphore, #tpu.memory_space<semaphore_mem>>)
      %dma_wait3A = arith.constant 0 : i32
      %dma_wait3A_11 = tpu.memref_slice %arg6[%mul3A_0, %dma_wait3A] : memref<10240x128xf32, #tpu.memory_space<vmem_shared>> -> memref<640x128xf32, #tpu.memory_space<vmem_shared>>
      tpu.wait_dma2 semaphore(%run_scoped3A : memref<!tpu.dma_semaphore, #tpu.memory_space<semaphore_mem>>) src(%arg4 : memref<640x128xf32, #tpu.memory_space<hbm>>) dst(%dma_wait3A_11 : memref<640x128xf32, #tpu.memory_space<vmem_shared>>)
      tpu.yield
    }) : () -> ()
    %barrier3A = arith.constant 0 : index
    tpu.barrier barrier_id(%barrier3A)
    %mul3A_1 = arith.constant 80 : i32
    %mul3A_2 = arith.muli %arg0, %mul3A_1 : i32
    %scan3A = arith.constant 0 : i32
    %scan3A_3 = arith.constant 0 : i32
    %scan3A_4 = arith.constant 80 : i32
    %scan3A_5 = arith.addi %scan3A_3, %scan3A_4 : i32
    %scan3A_6 = arith.constant 1 : i32
    %scan3A_7 = scf.for %scan3A_10 = %scan3A_3 to %scan3A_5 step %scan3A_6 iter_args(%scan3A_11 = %scan3A) -> (i32)  : i32 {
      %add3A = arith.addi %mul3A_2, %scan3A_10 : i32
      "tpu.region"() ({
        %run_scoped3A = tpu.sem_alloc : memref<!tpu.dma_semaphore, #tpu.memory_space<semaphore_mem>>
        %dma_start3A = arith.constant 0 : i32
        %dma_start3A_13 = tpu.memref_slice %arg7[%add3A, %dma_start3A] : memref<160x128xi32, #tpu.memory_space<vmem>> -> memref<1x128xi32, #tpu.memory_space<vmem>>
        %dma_start3A_14 = tpu.memref_squeeze %dma_start3A_13 : memref<1x128xi32, #tpu.memory_space<vmem>> -> memref<128xi32, #tpu.memory_space<vmem>>
        %dma_start3A_15 = arith.constant 0 : i32
        %dma_start3A_16 = arith.constant 0 : i32
        %dma_start3A_17 = tpu.memref_slice %arg6[%dma_start3A_15, %dma_start3A_16] : memref<10240x128xf32, #tpu.memory_space<vmem_shared>> -> memref<10240x128xf32, #tpu.memory_space<vmem_shared>>
        tpu.enqueue_indirect_dma source(%arg8 : memref<128x128xf32, #tpu.memory_space<vmem>>) target(%dma_start3A_17 : memref<10240x128xf32, #tpu.memory_space<vmem_shared>>) offsets(%dma_start3A_14 : memref<128xi32, #tpu.memory_space<vmem>>) semaphore(%run_scoped3A : memref<!tpu.dma_semaphore, #tpu.memory_space<semaphore_mem>>) {add = true}
        %dma_wait3A = arith.constant 0 : i32
        %dma_wait3A_18 = tpu.memref_slice %arg7[%add3A, %dma_wait3A] : memref<160x128xi32, #tpu.memory_space<vmem>> -> memref<1x128xi32, #tpu.memory_space<vmem>>
        %dma_wait3A_19 = tpu.memref_squeeze %dma_wait3A_18 : memref<1x128xi32, #tpu.memory_space<vmem>> -> memref<128xi32, #tpu.memory_space<vmem>>
        %dma_wait3A_20 = arith.constant 0 : i32
        %dma_wait3A_21 = arith.constant 0 : i32
        %dma_wait3A_22 = tpu.memref_slice %arg6[%dma_wait3A_20, %dma_wait3A_21] : memref<10240x128xf32, #tpu.memory_space<vmem_shared>> -> memref<10240x128xf32, #tpu.memory_space<vmem_shared>>
        tpu.wait_indirect_dma semaphore(%run_scoped3A : memref<!tpu.dma_semaphore, #tpu.memory_space<semaphore_mem>>) src(%arg8 : memref<128x128xf32, #tpu.memory_space<vmem>>) dst(%dma_wait3A_22 : memref<10240x128xf32, #tpu.memory_space<vmem_shared>>)
        tpu.yield
      }) : () -> ()
      %scan3A_12 = arith.constant 0 : i32
      scf.yield %scan3A_12 : i32
    }
    %scan3A_8 = arith.constant 80 : i32
    %barrier3A_9 = arith.constant 0 : index
    tpu.barrier barrier_id(%barrier3A_9)
    "tpu.region"() ({
      %run_scoped3A = tpu.sem_alloc : memref<!tpu.dma_semaphore, #tpu.memory_space<semaphore_mem>>
      %dma_start3A = arith.constant 0 : i32
      %dma_start3A_10 = arith.constant 0 : i32
      %dma_start3A_11 = tpu.memref_slice %arg5[%arg0, %dma_start3A, %dma_start3A_10] : memref<2x10240x128xf32, #tpu.memory_space<hbm>> -> memref<1x10240x128xf32, #tpu.memory_space<hbm>>
      %dma_start3A_12 = tpu.memref_squeeze %dma_start3A_11 : memref<1x10240x128xf32, #tpu.memory_space<hbm>> -> memref<10240x128xf32, #tpu.memory_space<hbm>>
      %dma_start3A_13 = arith.constant 0 : i32
      %dma_start3A_14 = tpu.memref_slice %dma_start3A_12[%mul3A_0, %dma_start3A_13] : memref<10240x128xf32, #tpu.memory_space<hbm>> -> memref<640x128xf32, #tpu.memory_space<hbm>>
      %dma_start3A_15 = arith.constant 0 : i32
      %dma_start3A_16 = tpu.memref_slice %arg6[%mul3A_0, %dma_start3A_15] : memref<10240x128xf32, #tpu.memory_space<vmem_shared>> -> memref<640x128xf32, #tpu.memory_space<vmem_shared>>
      tpu.enqueue_dma source(%dma_start3A_16 : memref<640x128xf32, #tpu.memory_space<vmem_shared>>) target(%dma_start3A_14 : memref<640x128xf32, #tpu.memory_space<hbm>>) target_semaphore(%run_scoped3A : memref<!tpu.dma_semaphore, #tpu.memory_space<semaphore_mem>>)
      %dma_wait3A = arith.constant 0 : i32
      %dma_wait3A_17 = arith.constant 0 : i32
      %dma_wait3A_18 = tpu.memref_slice %arg5[%arg0, %dma_wait3A, %dma_wait3A_17] : memref<2x10240x128xf32, #tpu.memory_space<hbm>> -> memref<1x10240x128xf32, #tpu.memory_space<hbm>>
      %dma_wait3A_19 = tpu.memref_squeeze %dma_wait3A_18 : memref<1x10240x128xf32, #tpu.memory_space<hbm>> -> memref<10240x128xf32, #tpu.memory_space<hbm>>
      %dma_wait3A_20 = arith.constant 0 : i32
      %dma_wait3A_21 = tpu.memref_slice %dma_wait3A_19[%mul3A_0, %dma_wait3A_20] : memref<10240x128xf32, #tpu.memory_space<hbm>> -> memref<640x128xf32, #tpu.memory_space<hbm>>
      %dma_wait3A_22 = arith.constant 0 : i32
      %dma_wait3A_23 = tpu.memref_slice %arg6[%mul3A_0, %dma_wait3A_22] : memref<10240x128xf32, #tpu.memory_space<vmem_shared>> -> memref<640x128xf32, #tpu.memory_space<vmem_shared>>
      tpu.wait_dma2 semaphore(%run_scoped3A : memref<!tpu.dma_semaphore, #tpu.memory_space<semaphore_mem>>) src(%dma_wait3A_23 : memref<640x128xf32, #tpu.memory_space<vmem_shared>>) dst(%dma_wait3A_21 : memref<640x128xf32, #tpu.memory_space<hbm>>)
      tpu.yield
    }) : () -> ()
    return
  }
}

#map = affine_map<(d0, d1) -> (0, 0)>
#map1 = affine_map<(d0, d1) -> (0, 0, 0)>
module attributes {stable_mosaic.version = 14 : i64} {
  func.func @_scatter_body(%arg0: i32, %arg1: i32, %arg2: memref<10240x128xf32, #tpu.memory_space<hbm>>, %arg3: memref<16x160x128xi32, #tpu.memory_space<hbm>>, %arg4: memref<16x160x128xi32, #tpu.memory_space<hbm>>, %arg5: memref<640x128xf32, #tpu.memory_space<hbm>>, %arg6: memref<2x10240x128xf32, #tpu.memory_space<hbm>>, %arg7: memref<10240x128xf32, #tpu.memory_space<vmem_shared>>, %arg8: memref<16x128xi32, #tpu.memory_space<vmem>>, %arg9: memref<16x128xi32, #tpu.memory_space<vmem>>, %arg10: memref<2x128x128xf32, #tpu.memory_space<vmem>>, %arg11: memref<!tpu.dma_semaphore, #tpu.memory_space<semaphore_mem>>, %arg12: memref<!tpu.dma_semaphore, #tpu.memory_space<semaphore_mem>>) attributes {dimension_semantics = [#tpu.dimension_semantics<core_parallel>, #tpu.dimension_semantics<subcore_parallel>], iteration_bounds = array<i64: 2, 16>, scalar_prefetch = 0 : i64, scratch_operands = 6 : i64, tpu.core_type = #tpu.core_type<sc_vector_subcore>, window_params = [{transform_indices = #map}, {transform_indices = #map1}, {transform_indices = #map1}, {transform_indices = #map}, {transform_indices = #map1}]} {
    %mul3A = arith.constant 640 : i32
    %mul3A_0 = arith.muli %arg1, %mul3A : i32
    "tpu.region"() ({
      %run_scoped3A = tpu.sem_alloc : memref<!tpu.dma_semaphore, #tpu.memory_space<semaphore_mem>>
      %dma_start3A = arith.constant 0 : i32
      %dma_start3A_20 = tpu.memref_slice %arg7[%mul3A_0, %dma_start3A] : memref<10240x128xf32, #tpu.memory_space<vmem_shared>> -> memref<640x128xf32, #tpu.memory_space<vmem_shared>>
      tpu.enqueue_dma source(%arg5 : memref<640x128xf32, #tpu.memory_space<hbm>>) target(%dma_start3A_20 : memref<640x128xf32, #tpu.memory_space<vmem_shared>>) target_semaphore(%run_scoped3A : memref<!tpu.dma_semaphore, #tpu.memory_space<semaphore_mem>>)
      %dma_wait3A = arith.constant 0 : i32
      %dma_wait3A_21 = tpu.memref_slice %arg7[%mul3A_0, %dma_wait3A] : memref<10240x128xf32, #tpu.memory_space<vmem_shared>> -> memref<640x128xf32, #tpu.memory_space<vmem_shared>>
      tpu.wait_dma2 semaphore(%run_scoped3A : memref<!tpu.dma_semaphore, #tpu.memory_space<semaphore_mem>>) src(%arg5 : memref<640x128xf32, #tpu.memory_space<hbm>>) dst(%dma_wait3A_21 : memref<640x128xf32, #tpu.memory_space<vmem_shared>>)
      tpu.yield
    }) : () -> ()
    %barrier3A = arith.constant 0 : index
    tpu.barrier barrier_id(%barrier3A)
    %eq3A = arith.constant 0 : i32
    %eq3A_1 = arith.cmpi eq, %arg0, %eq3A : i32
    %jit3A = arith.constant 7 : i32
    %jit3A_2 = arith.constant 3 : i32
    %select_n3A = arith.select %eq3A_1, %jit3A, %jit3A_2 : i32
    %eq3A_3 = arith.constant 0 : i32
    %eq3A_4 = arith.cmpi eq, %arg0, %eq3A_3 : i32
    %jit3A_5 = arith.constant 0 : i32
    %jit3A_6 = arith.constant 7 : i32
    %select_n3A_7 = arith.select %eq3A_4, %jit3A_5, %jit3A_6 : i32
    %while3A = arith.constant 0 : i32
    %while3A_8 = arith.constant 0 : i32
    %while3A_9 = arith.subi %select_n3A, %while3A : i32
    %while3A_10 = arith.addi %while3A, %while3A_9 : i32
    %while3A_11 = arith.constant 1 : i32
    %while3A_12 = arith.divsi %while3A_9, %while3A_11 : i32
    %while3A_13 = arith.muli %while3A_12, %while3A_11 : i32
    %while3A_14 = arith.addi %while3A, %while3A_13 : i32
    %while3A_15 = arith.constant 1 : i32
    %while3A_16 = scf.for %while3A_20 = %while3A to %while3A_14 step %while3A_15 iter_args(%while3A_21 = %while3A_8) -> (i32)  : i32 {
      %add3A = arith.addi %select_n3A_7, %while3A_20 : i32
      %mul3A_22 = arith.constant 16 : i32
      %mul3A_23 = arith.muli %add3A, %mul3A_22 : i32
      "tpu.region"() ({
        %run_scoped3A = tpu.sem_alloc : memref<!tpu.dma_semaphore, #tpu.memory_space<semaphore_mem>>
        %dma_start3A_44 = arith.constant 0 : i32
        %dma_start3A_45 = arith.constant 0 : i32
        %dma_start3A_46 = tpu.memref_slice %arg3[%arg1, %dma_start3A_44, %dma_start3A_45] : memref<16x160x128xi32, #tpu.memory_space<hbm>> -> memref<1x160x128xi32, #tpu.memory_space<hbm>>
        %dma_start3A_47 = tpu.memref_squeeze %dma_start3A_46 : memref<1x160x128xi32, #tpu.memory_space<hbm>> -> memref<160x128xi32, #tpu.memory_space<hbm>>
        %dma_start3A_48 = arith.constant 0 : i32
        %dma_start3A_49 = tpu.memref_slice %dma_start3A_47[%mul3A_23, %dma_start3A_48] : memref<160x128xi32, #tpu.memory_space<hbm>> -> memref<16x128xi32, #tpu.memory_space<hbm>>
        %dma_start3A_50 = arith.constant 0 : i32
        %dma_start3A_51 = arith.constant 0 : i32
        %dma_start3A_52 = tpu.memref_slice %arg3[%arg1, %dma_start3A_50, %dma_start3A_51] : memref<16x160x128xi32, #tpu.memory_space<hbm>> -> memref<1x160x128xi32, #tpu.memory_space<hbm>>
        %dma_start3A_53 = tpu.memref_squeeze %dma_start3A_52 : memref<1x160x128xi32, #tpu.memory_space<hbm>> -> memref<160x128xi32, #tpu.memory_space<hbm>>
        %dma_start3A_54 = arith.constant 0 : i32
        %dma_start3A_55 = tpu.memref_slice %dma_start3A_53[%mul3A_23, %dma_start3A_54] : memref<160x128xi32, #tpu.memory_space<hbm>> -> memref<16x128xi32, #tpu.memory_space<hbm>>
        tpu.enqueue_dma source(%dma_start3A_55 : memref<16x128xi32, #tpu.memory_space<hbm>>) target(%arg8 : memref<16x128xi32, #tpu.memory_space<vmem>>) target_semaphore(%run_scoped3A : memref<!tpu.dma_semaphore, #tpu.memory_space<semaphore_mem>>)
        %dma_wait3A = arith.constant 0 : i32
        %dma_wait3A_56 = arith.constant 0 : i32
        %dma_wait3A_57 = tpu.memref_slice %arg3[%arg1, %dma_wait3A, %dma_wait3A_56] : memref<16x160x128xi32, #tpu.memory_space<hbm>> -> memref<1x160x128xi32, #tpu.memory_space<hbm>>
        %dma_wait3A_58 = tpu.memref_squeeze %dma_wait3A_57 : memref<1x160x128xi32, #tpu.memory_space<hbm>> -> memref<160x128xi32, #tpu.memory_space<hbm>>
        %dma_wait3A_59 = arith.constant 0 : i32
        %dma_wait3A_60 = tpu.memref_slice %dma_wait3A_58[%mul3A_23, %dma_wait3A_59] : memref<160x128xi32, #tpu.memory_space<hbm>> -> memref<16x128xi32, #tpu.memory_space<hbm>>
        %dma_wait3A_61 = arith.constant 0 : i32
        %dma_wait3A_62 = arith.constant 0 : i32
        %dma_wait3A_63 = tpu.memref_slice %arg3[%arg1, %dma_wait3A_61, %dma_wait3A_62] : memref<16x160x128xi32, #tpu.memory_space<hbm>> -> memref<1x160x128xi32, #tpu.memory_space<hbm>>
        %dma_wait3A_64 = tpu.memref_squeeze %dma_wait3A_63 : memref<1x160x128xi32, #tpu.memory_space<hbm>> -> memref<160x128xi32, #tpu.memory_space<hbm>>
        %dma_wait3A_65 = arith.constant 0 : i32
        %dma_wait3A_66 = tpu.memref_slice %dma_wait3A_64[%mul3A_23, %dma_wait3A_65] : memref<160x128xi32, #tpu.memory_space<hbm>> -> memref<16x128xi32, #tpu.memory_space<hbm>>
        tpu.wait_dma2 semaphore(%run_scoped3A : memref<!tpu.dma_semaphore, #tpu.memory_space<semaphore_mem>>) src(%dma_wait3A_66 : memref<16x128xi32, #tpu.memory_space<hbm>>) dst(%arg8 : memref<16x128xi32, #tpu.memory_space<vmem>>)
        tpu.yield
      }) : () -> ()
      %mul3A_24 = arith.constant 16 : i32
      %mul3A_25 = arith.muli %add3A, %mul3A_24 : i32
      "tpu.region"() ({
        %run_scoped3A = tpu.sem_alloc : memref<!tpu.dma_semaphore, #tpu.memory_space<semaphore_mem>>
        %dma_start3A_44 = arith.constant 0 : i32
        %dma_start3A_45 = arith.constant 0 : i32
        %dma_start3A_46 = tpu.memref_slice %arg4[%arg1, %dma_start3A_44, %dma_start3A_45] : memref<16x160x128xi32, #tpu.memory_space<hbm>> -> memref<1x160x128xi32, #tpu.memory_space<hbm>>
        %dma_start3A_47 = tpu.memref_squeeze %dma_start3A_46 : memref<1x160x128xi32, #tpu.memory_space<hbm>> -> memref<160x128xi32, #tpu.memory_space<hbm>>
        %dma_start3A_48 = arith.constant 0 : i32
        %dma_start3A_49 = tpu.memref_slice %dma_start3A_47[%mul3A_25, %dma_start3A_48] : memref<160x128xi32, #tpu.memory_space<hbm>> -> memref<16x128xi32, #tpu.memory_space<hbm>>
        %dma_start3A_50 = arith.constant 0 : i32
        %dma_start3A_51 = arith.constant 0 : i32
        %dma_start3A_52 = tpu.memref_slice %arg4[%arg1, %dma_start3A_50, %dma_start3A_51] : memref<16x160x128xi32, #tpu.memory_space<hbm>> -> memref<1x160x128xi32, #tpu.memory_space<hbm>>
        %dma_start3A_53 = tpu.memref_squeeze %dma_start3A_52 : memref<1x160x128xi32, #tpu.memory_space<hbm>> -> memref<160x128xi32, #tpu.memory_space<hbm>>
        %dma_start3A_54 = arith.constant 0 : i32
        %dma_start3A_55 = tpu.memref_slice %dma_start3A_53[%mul3A_25, %dma_start3A_54] : memref<160x128xi32, #tpu.memory_space<hbm>> -> memref<16x128xi32, #tpu.memory_space<hbm>>
        tpu.enqueue_dma source(%dma_start3A_55 : memref<16x128xi32, #tpu.memory_space<hbm>>) target(%arg9 : memref<16x128xi32, #tpu.memory_space<vmem>>) target_semaphore(%run_scoped3A : memref<!tpu.dma_semaphore, #tpu.memory_space<semaphore_mem>>)
        %dma_wait3A = arith.constant 0 : i32
        %dma_wait3A_56 = arith.constant 0 : i32
        %dma_wait3A_57 = tpu.memref_slice %arg4[%arg1, %dma_wait3A, %dma_wait3A_56] : memref<16x160x128xi32, #tpu.memory_space<hbm>> -> memref<1x160x128xi32, #tpu.memory_space<hbm>>
        %dma_wait3A_58 = tpu.memref_squeeze %dma_wait3A_57 : memref<1x160x128xi32, #tpu.memory_space<hbm>> -> memref<160x128xi32, #tpu.memory_space<hbm>>
        %dma_wait3A_59 = arith.constant 0 : i32
        %dma_wait3A_60 = tpu.memref_slice %dma_wait3A_58[%mul3A_25, %dma_wait3A_59] : memref<160x128xi32, #tpu.memory_space<hbm>> -> memref<16x128xi32, #tpu.memory_space<hbm>>
        %dma_wait3A_61 = arith.constant 0 : i32
        %dma_wait3A_62 = arith.constant 0 : i32
        %dma_wait3A_63 = tpu.memref_slice %arg4[%arg1, %dma_wait3A_61, %dma_wait3A_62] : memref<16x160x128xi32, #tpu.memory_space<hbm>> -> memref<1x160x128xi32, #tpu.memory_space<hbm>>
        %dma_wait3A_64 = tpu.memref_squeeze %dma_wait3A_63 : memref<1x160x128xi32, #tpu.memory_space<hbm>> -> memref<160x128xi32, #tpu.memory_space<hbm>>
        %dma_wait3A_65 = arith.constant 0 : i32
        %dma_wait3A_66 = tpu.memref_slice %dma_wait3A_64[%mul3A_25, %dma_wait3A_65] : memref<160x128xi32, #tpu.memory_space<hbm>> -> memref<16x128xi32, #tpu.memory_space<hbm>>
        tpu.wait_dma2 semaphore(%run_scoped3A : memref<!tpu.dma_semaphore, #tpu.memory_space<semaphore_mem>>) src(%dma_wait3A_66 : memref<16x128xi32, #tpu.memory_space<hbm>>) dst(%arg9 : memref<16x128xi32, #tpu.memory_space<vmem>>)
        tpu.yield
      }) : () -> ()
      %dma_start3A = arith.constant 0 : i32
      %dma_start3A_26 = arith.constant 0 : i32
      %dma_start3A_27 = arith.constant 0 : i32
      %dma_start3A_28 = arith.constant 0 : i32
      %dma_start3A_29 = tpu.memref_slice %arg10[%dma_start3A_26, %dma_start3A_27, %dma_start3A_28] : memref<2x128x128xf32, #tpu.memory_space<vmem>> -> memref<1x128x128xf32, #tpu.memory_space<vmem>>
      %dma_start3A_30 = tpu.memref_squeeze %dma_start3A_29 : memref<1x128x128xf32, #tpu.memory_space<vmem>> -> memref<128x128xf32, #tpu.memory_space<vmem>>
      %dma_start3A_31 = arith.constant 0 : i32
      %dma_start3A_32 = tpu.memref_slice %arg8[%dma_start3A, %dma_start3A_31] : memref<16x128xi32, #tpu.memory_space<vmem>> -> memref<1x128xi32, #tpu.memory_space<vmem>>
      %dma_start3A_33 = tpu.memref_squeeze %dma_start3A_32 : memref<1x128xi32, #tpu.memory_space<vmem>> -> memref<128xi32, #tpu.memory_space<vmem>>
      %dma_start3A_34 = arith.constant 0 : i32
      %dma_start3A_35 = arith.constant 0 : i32
      %dma_start3A_36 = tpu.memref_slice %arg2[%dma_start3A_34, %dma_start3A_35] : memref<10240x128xf32, #tpu.memory_space<hbm>> -> memref<10240x128xf32, #tpu.memory_space<hbm>>
      tpu.enqueue_indirect_dma source(%dma_start3A_36 : memref<10240x128xf32, #tpu.memory_space<hbm>>) target(%dma_start3A_30 : memref<128x128xf32, #tpu.memory_space<vmem>>) offsets(%dma_start3A_33 : memref<128xi32, #tpu.memory_space<vmem>>) semaphore(%arg11 : memref<!tpu.dma_semaphore, #tpu.memory_space<semaphore_mem>>)
      %scan3A = arith.constant 0 : i32
      %scan3A_37 = arith.constant 0 : i32
      %scan3A_38 = arith.constant 8 : i32
      %scan3A_39 = arith.addi %scan3A_37, %scan3A_38 : i32
      %scan3A_40 = arith.constant 1 : i32
      %scan3A_41 = scf.for %scan3A_44 = %scan3A_37 to %scan3A_39 step %scan3A_40 iter_args(%scan3A_45 = %scan3A) -> (i32)  : i32 {
        %mul3A_46 = arith.constant 2 : i32
        %mul3A_47 = arith.muli %mul3A_46, %scan3A_44 : i32
        %add3A_48 = arith.constant 1 : i32
        %add3A_49 = arith.addi %mul3A_47, %add3A_48 : i32
        %dma_start3A_50 = arith.constant 1 : i32
        %dma_start3A_51 = arith.constant 0 : i32
        %dma_start3A_52 = arith.constant 0 : i32
        %dma_start3A_53 = tpu.memref_slice %arg10[%dma_start3A_50, %dma_start3A_51, %dma_start3A_52] : memref<2x128x128xf32, #tpu.memory_space<vmem>> -> memref<1x128x128xf32, #tpu.memory_space<vmem>>
        %dma_start3A_54 = tpu.memref_squeeze %dma_start3A_53 : memref<1x128x128xf32, #tpu.memory_space<vmem>> -> memref<128x128xf32, #tpu.memory_space<vmem>>
        %dma_start3A_55 = arith.constant 0 : i32
        %dma_start3A_56 = tpu.memref_slice %arg8[%add3A_49, %dma_start3A_55] : memref<16x128xi32, #tpu.memory_space<vmem>> -> memref<1x128xi32, #tpu.memory_space<vmem>>
        %dma_start3A_57 = tpu.memref_squeeze %dma_start3A_56 : memref<1x128xi32, #tpu.memory_space<vmem>> -> memref<128xi32, #tpu.memory_space<vmem>>
        %dma_start3A_58 = arith.constant 0 : i32
        %dma_start3A_59 = arith.constant 0 : i32
        %dma_start3A_60 = tpu.memref_slice %arg2[%dma_start3A_58, %dma_start3A_59] : memref<10240x128xf32, #tpu.memory_space<hbm>> -> memref<10240x128xf32, #tpu.memory_space<hbm>>
        tpu.enqueue_indirect_dma source(%dma_start3A_60 : memref<10240x128xf32, #tpu.memory_space<hbm>>) target(%dma_start3A_54 : memref<128x128xf32, #tpu.memory_space<vmem>>) offsets(%dma_start3A_57 : memref<128xi32, #tpu.memory_space<vmem>>) semaphore(%arg12 : memref<!tpu.dma_semaphore, #tpu.memory_space<semaphore_mem>>)
        %dma_wait3A = arith.constant 0 : i32
        %dma_wait3A_61 = arith.constant 0 : i32
        %dma_wait3A_62 = arith.constant 0 : i32
        %dma_wait3A_63 = tpu.memref_slice %arg10[%dma_wait3A, %dma_wait3A_61, %dma_wait3A_62] : memref<2x128x128xf32, #tpu.memory_space<vmem>> -> memref<1x128x128xf32, #tpu.memory_space<vmem>>
        %dma_wait3A_64 = tpu.memref_squeeze %dma_wait3A_63 : memref<1x128x128xf32, #tpu.memory_space<vmem>> -> memref<128x128xf32, #tpu.memory_space<vmem>>
        %dma_wait3A_65 = arith.constant 0 : i32
        %dma_wait3A_66 = tpu.memref_slice %arg8[%mul3A_47, %dma_wait3A_65] : memref<16x128xi32, #tpu.memory_space<vmem>> -> memref<1x128xi32, #tpu.memory_space<vmem>>
        %dma_wait3A_67 = tpu.memref_squeeze %dma_wait3A_66 : memref<1x128xi32, #tpu.memory_space<vmem>> -> memref<128xi32, #tpu.memory_space<vmem>>
        %dma_wait3A_68 = arith.constant 0 : i32
        %dma_wait3A_69 = arith.constant 0 : i32
        %dma_wait3A_70 = tpu.memref_slice %arg2[%dma_wait3A_68, %dma_wait3A_69] : memref<10240x128xf32, #tpu.memory_space<hbm>> -> memref<10240x128xf32, #tpu.memory_space<hbm>>
        tpu.wait_indirect_dma semaphore(%arg11 : memref<!tpu.dma_semaphore, #tpu.memory_space<semaphore_mem>>) src(%dma_wait3A_70 : memref<10240x128xf32, #tpu.memory_space<hbm>>) dst(%dma_wait3A_64 : memref<128x128xf32, #tpu.memory_space<vmem>>)
        %run_scoped3A = arith.constant 0 : i32
        "tpu.region"() ({
          %run_scoped3A_86 = tpu.sem_alloc : memref<!tpu.dma_semaphore, #tpu.memory_space<semaphore_mem>>
          %dma_start3A_87 = arith.constant 0 : i32
          %dma_start3A_88 = arith.constant 0 : i32
          %dma_start3A_89 = tpu.memref_slice %arg10[%run_scoped3A, %dma_start3A_87, %dma_start3A_88] : memref<2x128x128xf32, #tpu.memory_space<vmem>> -> memref<1x128x128xf32, #tpu.memory_space<vmem>>
          %dma_start3A_90 = tpu.memref_squeeze %dma_start3A_89 : memref<1x128x128xf32, #tpu.memory_space<vmem>> -> memref<128x128xf32, #tpu.memory_space<vmem>>
          %dma_start3A_91 = arith.constant 0 : i32
          %dma_start3A_92 = tpu.memref_slice %arg9[%mul3A_47, %dma_start3A_91] : memref<16x128xi32, #tpu.memory_space<vmem>> -> memref<1x128xi32, #tpu.memory_space<vmem>>
          %dma_start3A_93 = tpu.memref_squeeze %dma_start3A_92 : memref<1x128xi32, #tpu.memory_space<vmem>> -> memref<128xi32, #tpu.memory_space<vmem>>
          %dma_start3A_94 = arith.constant 0 : i32
          %dma_start3A_95 = arith.constant 0 : i32
          %dma_start3A_96 = tpu.memref_slice %arg7[%dma_start3A_94, %dma_start3A_95] : memref<10240x128xf32, #tpu.memory_space<vmem_shared>> -> memref<10240x128xf32, #tpu.memory_space<vmem_shared>>
          tpu.enqueue_indirect_dma source(%dma_start3A_90 : memref<128x128xf32, #tpu.memory_space<vmem>>) target(%dma_start3A_96 : memref<10240x128xf32, #tpu.memory_space<vmem_shared>>) offsets(%dma_start3A_93 : memref<128xi32, #tpu.memory_space<vmem>>) semaphore(%run_scoped3A_86 : memref<!tpu.dma_semaphore, #tpu.memory_space<semaphore_mem>>) {add = true}
          %dma_wait3A_97 = arith.constant 0 : i32
          %dma_wait3A_98 = arith.constant 0 : i32
          %dma_wait3A_99 = tpu.memref_slice %arg10[%run_scoped3A, %dma_wait3A_97, %dma_wait3A_98] : memref<2x128x128xf32, #tpu.memory_space<vmem>> -> memref<1x128x128xf32, #tpu.memory_space<vmem>>
          %dma_wait3A_100 = tpu.memref_squeeze %dma_wait3A_99 : memref<1x128x128xf32, #tpu.memory_space<vmem>> -> memref<128x128xf32, #tpu.memory_space<vmem>>
          %dma_wait3A_101 = arith.constant 0 : i32
          %dma_wait3A_102 = tpu.memref_slice %arg9[%mul3A_47, %dma_wait3A_101] : memref<16x128xi32, #tpu.memory_space<vmem>> -> memref<1x128xi32, #tpu.memory_space<vmem>>
          %dma_wait3A_103 = tpu.memref_squeeze %dma_wait3A_102 : memref<1x128xi32, #tpu.memory_space<vmem>> -> memref<128xi32, #tpu.memory_space<vmem>>
          %dma_wait3A_104 = arith.constant 0 : i32
          %dma_wait3A_105 = arith.constant 0 : i32
          %dma_wait3A_106 = tpu.memref_slice %arg7[%dma_wait3A_104, %dma_wait3A_105] : memref<10240x128xf32, #tpu.memory_space<vmem_shared>> -> memref<10240x128xf32, #tpu.memory_space<vmem_shared>>
          tpu.wait_indirect_dma semaphore(%run_scoped3A_86 : memref<!tpu.dma_semaphore, #tpu.memory_space<semaphore_mem>>) src(%dma_wait3A_100 : memref<128x128xf32, #tpu.memory_space<vmem>>) dst(%dma_wait3A_106 : memref<10240x128xf32, #tpu.memory_space<vmem_shared>>)
          tpu.yield
        }) : () -> ()
        %lt3A = arith.constant 7 : i32
        %lt3A_71 = arith.cmpi slt, %scan3A_44, %lt3A : i32
        %convert_element_type3A = arith.extui %lt3A_71 : i1 to i32
        %cond3A = arith.constant 0 : i32
        %cond3A_72 = arith.cmpi ne, %convert_element_type3A, %cond3A : i32
        scf.if %cond3A_72 {
          %add3A_86 = arith.constant 2 : i32
          %add3A_87 = arith.addi %mul3A_47, %add3A_86 : i32
          %dma_start3A_88 = arith.constant 0 : i32
          %dma_start3A_89 = arith.constant 0 : i32
          %dma_start3A_90 = arith.constant 0 : i32
          %dma_start3A_91 = tpu.memref_slice %arg10[%dma_start3A_88, %dma_start3A_89, %dma_start3A_90] : memref<2x128x128xf32, #tpu.memory_space<vmem>> -> memref<1x128x128xf32, #tpu.memory_space<vmem>>
          %dma_start3A_92 = tpu.memref_squeeze %dma_start3A_91 : memref<1x128x128xf32, #tpu.memory_space<vmem>> -> memref<128x128xf32, #tpu.memory_space<vmem>>
          %dma_start3A_93 = arith.constant 0 : i32
          %dma_start3A_94 = tpu.memref_slice %arg8[%add3A_87, %dma_start3A_93] : memref<16x128xi32, #tpu.memory_space<vmem>> -> memref<1x128xi32, #tpu.memory_space<vmem>>
          %dma_start3A_95 = tpu.memref_squeeze %dma_start3A_94 : memref<1x128xi32, #tpu.memory_space<vmem>> -> memref<128xi32, #tpu.memory_space<vmem>>
          %dma_start3A_96 = arith.constant 0 : i32
          %dma_start3A_97 = arith.constant 0 : i32
          %dma_start3A_98 = tpu.memref_slice %arg2[%dma_start3A_96, %dma_start3A_97] : memref<10240x128xf32, #tpu.memory_space<hbm>> -> memref<10240x128xf32, #tpu.memory_space<hbm>>
          tpu.enqueue_indirect_dma source(%dma_start3A_98 : memref<10240x128xf32, #tpu.memory_space<hbm>>) target(%dma_start3A_92 : memref<128x128xf32, #tpu.memory_space<vmem>>) offsets(%dma_start3A_95 : memref<128xi32, #tpu.memory_space<vmem>>) semaphore(%arg11 : memref<!tpu.dma_semaphore, #tpu.memory_space<semaphore_mem>>)
        } else {
        }
        %dma_wait3A_73 = arith.constant 1 : i32
        %dma_wait3A_74 = arith.constant 0 : i32
        %dma_wait3A_75 = arith.constant 0 : i32
        %dma_wait3A_76 = tpu.memref_slice %arg10[%dma_wait3A_73, %dma_wait3A_74, %dma_wait3A_75] : memref<2x128x128xf32, #tpu.memory_space<vmem>> -> memref<1x128x128xf32, #tpu.memory_space<vmem>>
        %dma_wait3A_77 = tpu.memref_squeeze %dma_wait3A_76 : memref<1x128x128xf32, #tpu.memory_space<vmem>> -> memref<128x128xf32, #tpu.memory_space<vmem>>
        %dma_wait3A_78 = arith.constant 0 : i32
        %dma_wait3A_79 = tpu.memref_slice %arg8[%add3A_49, %dma_wait3A_78] : memref<16x128xi32, #tpu.memory_space<vmem>> -> memref<1x128xi32, #tpu.memory_space<vmem>>
        %dma_wait3A_80 = tpu.memref_squeeze %dma_wait3A_79 : memref<1x128xi32, #tpu.memory_space<vmem>> -> memref<128xi32, #tpu.memory_space<vmem>>
        %dma_wait3A_81 = arith.constant 0 : i32
        %dma_wait3A_82 = arith.constant 0 : i32
        %dma_wait3A_83 = tpu.memref_slice %arg2[%dma_wait3A_81, %dma_wait3A_82] : memref<10240x128xf32, #tpu.memory_space<hbm>> -> memref<10240x128xf32, #tpu.memory_space<hbm>>
        tpu.wait_indirect_dma semaphore(%arg12 : memref<!tpu.dma_semaphore, #tpu.memory_space<semaphore_mem>>) src(%dma_wait3A_83 : memref<10240x128xf32, #tpu.memory_space<hbm>>) dst(%dma_wait3A_77 : memref<128x128xf32, #tpu.memory_space<vmem>>)
        %run_scoped3A_84 = arith.constant 1 : i32
        "tpu.region"() ({
          %run_scoped3A_86 = tpu.sem_alloc : memref<!tpu.dma_semaphore, #tpu.memory_space<semaphore_mem>>
          %dma_start3A_87 = arith.constant 0 : i32
          %dma_start3A_88 = arith.constant 0 : i32
          %dma_start3A_89 = tpu.memref_slice %arg10[%run_scoped3A_84, %dma_start3A_87, %dma_start3A_88] : memref<2x128x128xf32, #tpu.memory_space<vmem>> -> memref<1x128x128xf32, #tpu.memory_space<vmem>>
          %dma_start3A_90 = tpu.memref_squeeze %dma_start3A_89 : memref<1x128x128xf32, #tpu.memory_space<vmem>> -> memref<128x128xf32, #tpu.memory_space<vmem>>
          %dma_start3A_91 = arith.constant 0 : i32
          %dma_start3A_92 = tpu.memref_slice %arg9[%add3A_49, %dma_start3A_91] : memref<16x128xi32, #tpu.memory_space<vmem>> -> memref<1x128xi32, #tpu.memory_space<vmem>>
          %dma_start3A_93 = tpu.memref_squeeze %dma_start3A_92 : memref<1x128xi32, #tpu.memory_space<vmem>> -> memref<128xi32, #tpu.memory_space<vmem>>
          %dma_start3A_94 = arith.constant 0 : i32
          %dma_start3A_95 = arith.constant 0 : i32
          %dma_start3A_96 = tpu.memref_slice %arg7[%dma_start3A_94, %dma_start3A_95] : memref<10240x128xf32, #tpu.memory_space<vmem_shared>> -> memref<10240x128xf32, #tpu.memory_space<vmem_shared>>
          tpu.enqueue_indirect_dma source(%dma_start3A_90 : memref<128x128xf32, #tpu.memory_space<vmem>>) target(%dma_start3A_96 : memref<10240x128xf32, #tpu.memory_space<vmem_shared>>) offsets(%dma_start3A_93 : memref<128xi32, #tpu.memory_space<vmem>>) semaphore(%run_scoped3A_86 : memref<!tpu.dma_semaphore, #tpu.memory_space<semaphore_mem>>) {add = true}
          %dma_wait3A_97 = arith.constant 0 : i32
          %dma_wait3A_98 = arith.constant 0 : i32
          %dma_wait3A_99 = tpu.memref_slice %arg10[%run_scoped3A_84, %dma_wait3A_97, %dma_wait3A_98] : memref<2x128x128xf32, #tpu.memory_space<vmem>> -> memref<1x128x128xf32, #tpu.memory_space<vmem>>
          %dma_wait3A_100 = tpu.memref_squeeze %dma_wait3A_99 : memref<1x128x128xf32, #tpu.memory_space<vmem>> -> memref<128x128xf32, #tpu.memory_space<vmem>>
          %dma_wait3A_101 = arith.constant 0 : i32
          %dma_wait3A_102 = tpu.memref_slice %arg9[%add3A_49, %dma_wait3A_101] : memref<16x128xi32, #tpu.memory_space<vmem>> -> memref<1x128xi32, #tpu.memory_space<vmem>>
          %dma_wait3A_103 = tpu.memref_squeeze %dma_wait3A_102 : memref<1x128xi32, #tpu.memory_space<vmem>> -> memref<128xi32, #tpu.memory_space<vmem>>
          %dma_wait3A_104 = arith.constant 0 : i32
          %dma_wait3A_105 = arith.constant 0 : i32
          %dma_wait3A_106 = tpu.memref_slice %arg7[%dma_wait3A_104, %dma_wait3A_105] : memref<10240x128xf32, #tpu.memory_space<vmem_shared>> -> memref<10240x128xf32, #tpu.memory_space<vmem_shared>>
          tpu.wait_indirect_dma semaphore(%run_scoped3A_86 : memref<!tpu.dma_semaphore, #tpu.memory_space<semaphore_mem>>) src(%dma_wait3A_100 : memref<128x128xf32, #tpu.memory_space<vmem>>) dst(%dma_wait3A_106 : memref<10240x128xf32, #tpu.memory_space<vmem_shared>>)
          tpu.yield
        }) : () -> ()
        %scan3A_85 = arith.constant 0 : i32
        scf.yield %scan3A_85 : i32
      }
      %scan3A_42 = arith.constant 8 : i32
      %while3A_43 = arith.constant 0 : i32
      scf.yield %while3A_43 : i32
    }
    %while3A_17 = arith.constant 1 : i32
    %while3A_18 = scf.for %while3A_20 = %while3A_14 to %while3A_10 step %while3A_17 iter_args(%while3A_21 = %while3A_16) -> (i32)  : i32 {
      %add3A = arith.addi %select_n3A_7, %while3A_20 : i32
      %mul3A_22 = arith.constant 16 : i32
      %mul3A_23 = arith.muli %add3A, %mul3A_22 : i32
      "tpu.region"() ({
        %run_scoped3A = tpu.sem_alloc : memref<!tpu.dma_semaphore, #tpu.memory_space<semaphore_mem>>
        %dma_start3A_44 = arith.constant 0 : i32
        %dma_start3A_45 = arith.constant 0 : i32
        %dma_start3A_46 = tpu.memref_slice %arg3[%arg1, %dma_start3A_44, %dma_start3A_45] : memref<16x160x128xi32, #tpu.memory_space<hbm>> -> memref<1x160x128xi32, #tpu.memory_space<hbm>>
        %dma_start3A_47 = tpu.memref_squeeze %dma_start3A_46 : memref<1x160x128xi32, #tpu.memory_space<hbm>> -> memref<160x128xi32, #tpu.memory_space<hbm>>
        %dma_start3A_48 = arith.constant 0 : i32
        %dma_start3A_49 = tpu.memref_slice %dma_start3A_47[%mul3A_23, %dma_start3A_48] : memref<160x128xi32, #tpu.memory_space<hbm>> -> memref<16x128xi32, #tpu.memory_space<hbm>>
        %dma_start3A_50 = arith.constant 0 : i32
        %dma_start3A_51 = arith.constant 0 : i32
        %dma_start3A_52 = tpu.memref_slice %arg3[%arg1, %dma_start3A_50, %dma_start3A_51] : memref<16x160x128xi32, #tpu.memory_space<hbm>> -> memref<1x160x128xi32, #tpu.memory_space<hbm>>
        %dma_start3A_53 = tpu.memref_squeeze %dma_start3A_52 : memref<1x160x128xi32, #tpu.memory_space<hbm>> -> memref<160x128xi32, #tpu.memory_space<hbm>>
        %dma_start3A_54 = arith.constant 0 : i32
        %dma_start3A_55 = tpu.memref_slice %dma_start3A_53[%mul3A_23, %dma_start3A_54] : memref<160x128xi32, #tpu.memory_space<hbm>> -> memref<16x128xi32, #tpu.memory_space<hbm>>
        tpu.enqueue_dma source(%dma_start3A_55 : memref<16x128xi32, #tpu.memory_space<hbm>>) target(%arg8 : memref<16x128xi32, #tpu.memory_space<vmem>>) target_semaphore(%run_scoped3A : memref<!tpu.dma_semaphore, #tpu.memory_space<semaphore_mem>>)
        %dma_wait3A = arith.constant 0 : i32
        %dma_wait3A_56 = arith.constant 0 : i32
        %dma_wait3A_57 = tpu.memref_slice %arg3[%arg1, %dma_wait3A, %dma_wait3A_56] : memref<16x160x128xi32, #tpu.memory_space<hbm>> -> memref<1x160x128xi32, #tpu.memory_space<hbm>>
        %dma_wait3A_58 = tpu.memref_squeeze %dma_wait3A_57 : memref<1x160x128xi32, #tpu.memory_space<hbm>> -> memref<160x128xi32, #tpu.memory_space<hbm>>
        %dma_wait3A_59 = arith.constant 0 : i32
        %dma_wait3A_60 = tpu.memref_slice %dma_wait3A_58[%mul3A_23, %dma_wait3A_59] : memref<160x128xi32, #tpu.memory_space<hbm>> -> memref<16x128xi32, #tpu.memory_space<hbm>>
        %dma_wait3A_61 = arith.constant 0 : i32
        %dma_wait3A_62 = arith.constant 0 : i32
        %dma_wait3A_63 = tpu.memref_slice %arg3[%arg1, %dma_wait3A_61, %dma_wait3A_62] : memref<16x160x128xi32, #tpu.memory_space<hbm>> -> memref<1x160x128xi32, #tpu.memory_space<hbm>>
        %dma_wait3A_64 = tpu.memref_squeeze %dma_wait3A_63 : memref<1x160x128xi32, #tpu.memory_space<hbm>> -> memref<160x128xi32, #tpu.memory_space<hbm>>
        %dma_wait3A_65 = arith.constant 0 : i32
        %dma_wait3A_66 = tpu.memref_slice %dma_wait3A_64[%mul3A_23, %dma_wait3A_65] : memref<160x128xi32, #tpu.memory_space<hbm>> -> memref<16x128xi32, #tpu.memory_space<hbm>>
        tpu.wait_dma2 semaphore(%run_scoped3A : memref<!tpu.dma_semaphore, #tpu.memory_space<semaphore_mem>>) src(%dma_wait3A_66 : memref<16x128xi32, #tpu.memory_space<hbm>>) dst(%arg8 : memref<16x128xi32, #tpu.memory_space<vmem>>)
        tpu.yield
      }) : () -> ()
      %mul3A_24 = arith.constant 16 : i32
      %mul3A_25 = arith.muli %add3A, %mul3A_24 : i32
      "tpu.region"() ({
        %run_scoped3A = tpu.sem_alloc : memref<!tpu.dma_semaphore, #tpu.memory_space<semaphore_mem>>
        %dma_start3A_44 = arith.constant 0 : i32
        %dma_start3A_45 = arith.constant 0 : i32
        %dma_start3A_46 = tpu.memref_slice %arg4[%arg1, %dma_start3A_44, %dma_start3A_45] : memref<16x160x128xi32, #tpu.memory_space<hbm>> -> memref<1x160x128xi32, #tpu.memory_space<hbm>>
        %dma_start3A_47 = tpu.memref_squeeze %dma_start3A_46 : memref<1x160x128xi32, #tpu.memory_space<hbm>> -> memref<160x128xi32, #tpu.memory_space<hbm>>
        %dma_start3A_48 = arith.constant 0 : i32
        %dma_start3A_49 = tpu.memref_slice %dma_start3A_47[%mul3A_25, %dma_start3A_48] : memref<160x128xi32, #tpu.memory_space<hbm>> -> memref<16x128xi32, #tpu.memory_space<hbm>>
        %dma_start3A_50 = arith.constant 0 : i32
        %dma_start3A_51 = arith.constant 0 : i32
        %dma_start3A_52 = tpu.memref_slice %arg4[%arg1, %dma_start3A_50, %dma_start3A_51] : memref<16x160x128xi32, #tpu.memory_space<hbm>> -> memref<1x160x128xi32, #tpu.memory_space<hbm>>
        %dma_start3A_53 = tpu.memref_squeeze %dma_start3A_52 : memref<1x160x128xi32, #tpu.memory_space<hbm>> -> memref<160x128xi32, #tpu.memory_space<hbm>>
        %dma_start3A_54 = arith.constant 0 : i32
        %dma_start3A_55 = tpu.memref_slice %dma_start3A_53[%mul3A_25, %dma_start3A_54] : memref<160x128xi32, #tpu.memory_space<hbm>> -> memref<16x128xi32, #tpu.memory_space<hbm>>
        tpu.enqueue_dma source(%dma_start3A_55 : memref<16x128xi32, #tpu.memory_space<hbm>>) target(%arg9 : memref<16x128xi32, #tpu.memory_space<vmem>>) target_semaphore(%run_scoped3A : memref<!tpu.dma_semaphore, #tpu.memory_space<semaphore_mem>>)
        %dma_wait3A = arith.constant 0 : i32
        %dma_wait3A_56 = arith.constant 0 : i32
        %dma_wait3A_57 = tpu.memref_slice %arg4[%arg1, %dma_wait3A, %dma_wait3A_56] : memref<16x160x128xi32, #tpu.memory_space<hbm>> -> memref<1x160x128xi32, #tpu.memory_space<hbm>>
        %dma_wait3A_58 = tpu.memref_squeeze %dma_wait3A_57 : memref<1x160x128xi32, #tpu.memory_space<hbm>> -> memref<160x128xi32, #tpu.memory_space<hbm>>
        %dma_wait3A_59 = arith.constant 0 : i32
        %dma_wait3A_60 = tpu.memref_slice %dma_wait3A_58[%mul3A_25, %dma_wait3A_59] : memref<160x128xi32, #tpu.memory_space<hbm>> -> memref<16x128xi32, #tpu.memory_space<hbm>>
        %dma_wait3A_61 = arith.constant 0 : i32
        %dma_wait3A_62 = arith.constant 0 : i32
        %dma_wait3A_63 = tpu.memref_slice %arg4[%arg1, %dma_wait3A_61, %dma_wait3A_62] : memref<16x160x128xi32, #tpu.memory_space<hbm>> -> memref<1x160x128xi32, #tpu.memory_space<hbm>>
        %dma_wait3A_64 = tpu.memref_squeeze %dma_wait3A_63 : memref<1x160x128xi32, #tpu.memory_space<hbm>> -> memref<160x128xi32, #tpu.memory_space<hbm>>
        %dma_wait3A_65 = arith.constant 0 : i32
        %dma_wait3A_66 = tpu.memref_slice %dma_wait3A_64[%mul3A_25, %dma_wait3A_65] : memref<160x128xi32, #tpu.memory_space<hbm>> -> memref<16x128xi32, #tpu.memory_space<hbm>>
        tpu.wait_dma2 semaphore(%run_scoped3A : memref<!tpu.dma_semaphore, #tpu.memory_space<semaphore_mem>>) src(%dma_wait3A_66 : memref<16x128xi32, #tpu.memory_space<hbm>>) dst(%arg9 : memref<16x128xi32, #tpu.memory_space<vmem>>)
        tpu.yield
      }) : () -> ()
      %dma_start3A = arith.constant 0 : i32
      %dma_start3A_26 = arith.constant 0 : i32
      %dma_start3A_27 = arith.constant 0 : i32
      %dma_start3A_28 = arith.constant 0 : i32
      %dma_start3A_29 = tpu.memref_slice %arg10[%dma_start3A_26, %dma_start3A_27, %dma_start3A_28] : memref<2x128x128xf32, #tpu.memory_space<vmem>> -> memref<1x128x128xf32, #tpu.memory_space<vmem>>
      %dma_start3A_30 = tpu.memref_squeeze %dma_start3A_29 : memref<1x128x128xf32, #tpu.memory_space<vmem>> -> memref<128x128xf32, #tpu.memory_space<vmem>>
      %dma_start3A_31 = arith.constant 0 : i32
      %dma_start3A_32 = tpu.memref_slice %arg8[%dma_start3A, %dma_start3A_31] : memref<16x128xi32, #tpu.memory_space<vmem>> -> memref<1x128xi32, #tpu.memory_space<vmem>>
      %dma_start3A_33 = tpu.memref_squeeze %dma_start3A_32 : memref<1x128xi32, #tpu.memory_space<vmem>> -> memref<128xi32, #tpu.memory_space<vmem>>
      %dma_start3A_34 = arith.constant 0 : i32
      %dma_start3A_35 = arith.constant 0 : i32
      %dma_start3A_36 = tpu.memref_slice %arg2[%dma_start3A_34, %dma_start3A_35] : memref<10240x128xf32, #tpu.memory_space<hbm>> -> memref<10240x128xf32, #tpu.memory_space<hbm>>
      tpu.enqueue_indirect_dma source(%dma_start3A_36 : memref<10240x128xf32, #tpu.memory_space<hbm>>) target(%dma_start3A_30 : memref<128x128xf32, #tpu.memory_space<vmem>>) offsets(%dma_start3A_33 : memref<128xi32, #tpu.memory_space<vmem>>) semaphore(%arg11 : memref<!tpu.dma_semaphore, #tpu.memory_space<semaphore_mem>>)
      %scan3A = arith.constant 0 : i32
      %scan3A_37 = arith.constant 0 : i32
      %scan3A_38 = arith.constant 8 : i32
      %scan3A_39 = arith.addi %scan3A_37, %scan3A_38 : i32
      %scan3A_40 = arith.constant 1 : i32
      %scan3A_41 = scf.for %scan3A_44 = %scan3A_37 to %scan3A_39 step %scan3A_40 iter_args(%scan3A_45 = %scan3A) -> (i32)  : i32 {
        %mul3A_46 = arith.constant 2 : i32
        %mul3A_47 = arith.muli %mul3A_46, %scan3A_44 : i32
        %add3A_48 = arith.constant 1 : i32
        %add3A_49 = arith.addi %mul3A_47, %add3A_48 : i32
        %dma_start3A_50 = arith.constant 1 : i32
        %dma_start3A_51 = arith.constant 0 : i32
        %dma_start3A_52 = arith.constant 0 : i32
        %dma_start3A_53 = tpu.memref_slice %arg10[%dma_start3A_50, %dma_start3A_51, %dma_start3A_52] : memref<2x128x128xf32, #tpu.memory_space<vmem>> -> memref<1x128x128xf32, #tpu.memory_space<vmem>>
        %dma_start3A_54 = tpu.memref_squeeze %dma_start3A_53 : memref<1x128x128xf32, #tpu.memory_space<vmem>> -> memref<128x128xf32, #tpu.memory_space<vmem>>
        %dma_start3A_55 = arith.constant 0 : i32
        %dma_start3A_56 = tpu.memref_slice %arg8[%add3A_49, %dma_start3A_55] : memref<16x128xi32, #tpu.memory_space<vmem>> -> memref<1x128xi32, #tpu.memory_space<vmem>>
        %dma_start3A_57 = tpu.memref_squeeze %dma_start3A_56 : memref<1x128xi32, #tpu.memory_space<vmem>> -> memref<128xi32, #tpu.memory_space<vmem>>
        %dma_start3A_58 = arith.constant 0 : i32
        %dma_start3A_59 = arith.constant 0 : i32
        %dma_start3A_60 = tpu.memref_slice %arg2[%dma_start3A_58, %dma_start3A_59] : memref<10240x128xf32, #tpu.memory_space<hbm>> -> memref<10240x128xf32, #tpu.memory_space<hbm>>
        tpu.enqueue_indirect_dma source(%dma_start3A_60 : memref<10240x128xf32, #tpu.memory_space<hbm>>) target(%dma_start3A_54 : memref<128x128xf32, #tpu.memory_space<vmem>>) offsets(%dma_start3A_57 : memref<128xi32, #tpu.memory_space<vmem>>) semaphore(%arg12 : memref<!tpu.dma_semaphore, #tpu.memory_space<semaphore_mem>>)
        %dma_wait3A = arith.constant 0 : i32
        %dma_wait3A_61 = arith.constant 0 : i32
        %dma_wait3A_62 = arith.constant 0 : i32
        %dma_wait3A_63 = tpu.memref_slice %arg10[%dma_wait3A, %dma_wait3A_61, %dma_wait3A_62] : memref<2x128x128xf32, #tpu.memory_space<vmem>> -> memref<1x128x128xf32, #tpu.memory_space<vmem>>
        %dma_wait3A_64 = tpu.memref_squeeze %dma_wait3A_63 : memref<1x128x128xf32, #tpu.memory_space<vmem>> -> memref<128x128xf32, #tpu.memory_space<vmem>>
        %dma_wait3A_65 = arith.constant 0 : i32
        %dma_wait3A_66 = tpu.memref_slice %arg8[%mul3A_47, %dma_wait3A_65] : memref<16x128xi32, #tpu.memory_space<vmem>> -> memref<1x128xi32, #tpu.memory_space<vmem>>
        %dma_wait3A_67 = tpu.memref_squeeze %dma_wait3A_66 : memref<1x128xi32, #tpu.memory_space<vmem>> -> memref<128xi32, #tpu.memory_space<vmem>>
        %dma_wait3A_68 = arith.constant 0 : i32
        %dma_wait3A_69 = arith.constant 0 : i32
        %dma_wait3A_70 = tpu.memref_slice %arg2[%dma_wait3A_68, %dma_wait3A_69] : memref<10240x128xf32, #tpu.memory_space<hbm>> -> memref<10240x128xf32, #tpu.memory_space<hbm>>
        tpu.wait_indirect_dma semaphore(%arg11 : memref<!tpu.dma_semaphore, #tpu.memory_space<semaphore_mem>>) src(%dma_wait3A_70 : memref<10240x128xf32, #tpu.memory_space<hbm>>) dst(%dma_wait3A_64 : memref<128x128xf32, #tpu.memory_space<vmem>>)
        %run_scoped3A = arith.constant 0 : i32
        "tpu.region"() ({
          %run_scoped3A_86 = tpu.sem_alloc : memref<!tpu.dma_semaphore, #tpu.memory_space<semaphore_mem>>
          %dma_start3A_87 = arith.constant 0 : i32
          %dma_start3A_88 = arith.constant 0 : i32
          %dma_start3A_89 = tpu.memref_slice %arg10[%run_scoped3A, %dma_start3A_87, %dma_start3A_88] : memref<2x128x128xf32, #tpu.memory_space<vmem>> -> memref<1x128x128xf32, #tpu.memory_space<vmem>>
          %dma_start3A_90 = tpu.memref_squeeze %dma_start3A_89 : memref<1x128x128xf32, #tpu.memory_space<vmem>> -> memref<128x128xf32, #tpu.memory_space<vmem>>
          %dma_start3A_91 = arith.constant 0 : i32
          %dma_start3A_92 = tpu.memref_slice %arg9[%mul3A_47, %dma_start3A_91] : memref<16x128xi32, #tpu.memory_space<vmem>> -> memref<1x128xi32, #tpu.memory_space<vmem>>
          %dma_start3A_93 = tpu.memref_squeeze %dma_start3A_92 : memref<1x128xi32, #tpu.memory_space<vmem>> -> memref<128xi32, #tpu.memory_space<vmem>>
          %dma_start3A_94 = arith.constant 0 : i32
          %dma_start3A_95 = arith.constant 0 : i32
          %dma_start3A_96 = tpu.memref_slice %arg7[%dma_start3A_94, %dma_start3A_95] : memref<10240x128xf32, #tpu.memory_space<vmem_shared>> -> memref<10240x128xf32, #tpu.memory_space<vmem_shared>>
          tpu.enqueue_indirect_dma source(%dma_start3A_90 : memref<128x128xf32, #tpu.memory_space<vmem>>) target(%dma_start3A_96 : memref<10240x128xf32, #tpu.memory_space<vmem_shared>>) offsets(%dma_start3A_93 : memref<128xi32, #tpu.memory_space<vmem>>) semaphore(%run_scoped3A_86 : memref<!tpu.dma_semaphore, #tpu.memory_space<semaphore_mem>>) {add = true}
          %dma_wait3A_97 = arith.constant 0 : i32
          %dma_wait3A_98 = arith.constant 0 : i32
          %dma_wait3A_99 = tpu.memref_slice %arg10[%run_scoped3A, %dma_wait3A_97, %dma_wait3A_98] : memref<2x128x128xf32, #tpu.memory_space<vmem>> -> memref<1x128x128xf32, #tpu.memory_space<vmem>>
          %dma_wait3A_100 = tpu.memref_squeeze %dma_wait3A_99 : memref<1x128x128xf32, #tpu.memory_space<vmem>> -> memref<128x128xf32, #tpu.memory_space<vmem>>
          %dma_wait3A_101 = arith.constant 0 : i32
          %dma_wait3A_102 = tpu.memref_slice %arg9[%mul3A_47, %dma_wait3A_101] : memref<16x128xi32, #tpu.memory_space<vmem>> -> memref<1x128xi32, #tpu.memory_space<vmem>>
          %dma_wait3A_103 = tpu.memref_squeeze %dma_wait3A_102 : memref<1x128xi32, #tpu.memory_space<vmem>> -> memref<128xi32, #tpu.memory_space<vmem>>
          %dma_wait3A_104 = arith.constant 0 : i32
          %dma_wait3A_105 = arith.constant 0 : i32
          %dma_wait3A_106 = tpu.memref_slice %arg7[%dma_wait3A_104, %dma_wait3A_105] : memref<10240x128xf32, #tpu.memory_space<vmem_shared>> -> memref<10240x128xf32, #tpu.memory_space<vmem_shared>>
          tpu.wait_indirect_dma semaphore(%run_scoped3A_86 : memref<!tpu.dma_semaphore, #tpu.memory_space<semaphore_mem>>) src(%dma_wait3A_100 : memref<128x128xf32, #tpu.memory_space<vmem>>) dst(%dma_wait3A_106 : memref<10240x128xf32, #tpu.memory_space<vmem_shared>>)
          tpu.yield
        }) : () -> ()
        %lt3A = arith.constant 7 : i32
        %lt3A_71 = arith.cmpi slt, %scan3A_44, %lt3A : i32
        %convert_element_type3A = arith.extui %lt3A_71 : i1 to i32
        %cond3A = arith.constant 0 : i32
        %cond3A_72 = arith.cmpi ne, %convert_element_type3A, %cond3A : i32
        scf.if %cond3A_72 {
          %add3A_86 = arith.constant 2 : i32
          %add3A_87 = arith.addi %mul3A_47, %add3A_86 : i32
          %dma_start3A_88 = arith.constant 0 : i32
          %dma_start3A_89 = arith.constant 0 : i32
          %dma_start3A_90 = arith.constant 0 : i32
          %dma_start3A_91 = tpu.memref_slice %arg10[%dma_start3A_88, %dma_start3A_89, %dma_start3A_90] : memref<2x128x128xf32, #tpu.memory_space<vmem>> -> memref<1x128x128xf32, #tpu.memory_space<vmem>>
          %dma_start3A_92 = tpu.memref_squeeze %dma_start3A_91 : memref<1x128x128xf32, #tpu.memory_space<vmem>> -> memref<128x128xf32, #tpu.memory_space<vmem>>
          %dma_start3A_93 = arith.constant 0 : i32
          %dma_start3A_94 = tpu.memref_slice %arg8[%add3A_87, %dma_start3A_93] : memref<16x128xi32, #tpu.memory_space<vmem>> -> memref<1x128xi32, #tpu.memory_space<vmem>>
          %dma_start3A_95 = tpu.memref_squeeze %dma_start3A_94 : memref<1x128xi32, #tpu.memory_space<vmem>> -> memref<128xi32, #tpu.memory_space<vmem>>
          %dma_start3A_96 = arith.constant 0 : i32
          %dma_start3A_97 = arith.constant 0 : i32
          %dma_start3A_98 = tpu.memref_slice %arg2[%dma_start3A_96, %dma_start3A_97] : memref<10240x128xf32, #tpu.memory_space<hbm>> -> memref<10240x128xf32, #tpu.memory_space<hbm>>
          tpu.enqueue_indirect_dma source(%dma_start3A_98 : memref<10240x128xf32, #tpu.memory_space<hbm>>) target(%dma_start3A_92 : memref<128x128xf32, #tpu.memory_space<vmem>>) offsets(%dma_start3A_95 : memref<128xi32, #tpu.memory_space<vmem>>) semaphore(%arg11 : memref<!tpu.dma_semaphore, #tpu.memory_space<semaphore_mem>>)
        } else {
        }
        %dma_wait3A_73 = arith.constant 1 : i32
        %dma_wait3A_74 = arith.constant 0 : i32
        %dma_wait3A_75 = arith.constant 0 : i32
        %dma_wait3A_76 = tpu.memref_slice %arg10[%dma_wait3A_73, %dma_wait3A_74, %dma_wait3A_75] : memref<2x128x128xf32, #tpu.memory_space<vmem>> -> memref<1x128x128xf32, #tpu.memory_space<vmem>>
        %dma_wait3A_77 = tpu.memref_squeeze %dma_wait3A_76 : memref<1x128x128xf32, #tpu.memory_space<vmem>> -> memref<128x128xf32, #tpu.memory_space<vmem>>
        %dma_wait3A_78 = arith.constant 0 : i32
        %dma_wait3A_79 = tpu.memref_slice %arg8[%add3A_49, %dma_wait3A_78] : memref<16x128xi32, #tpu.memory_space<vmem>> -> memref<1x128xi32, #tpu.memory_space<vmem>>
        %dma_wait3A_80 = tpu.memref_squeeze %dma_wait3A_79 : memref<1x128xi32, #tpu.memory_space<vmem>> -> memref<128xi32, #tpu.memory_space<vmem>>
        %dma_wait3A_81 = arith.constant 0 : i32
        %dma_wait3A_82 = arith.constant 0 : i32
        %dma_wait3A_83 = tpu.memref_slice %arg2[%dma_wait3A_81, %dma_wait3A_82] : memref<10240x128xf32, #tpu.memory_space<hbm>> -> memref<10240x128xf32, #tpu.memory_space<hbm>>
        tpu.wait_indirect_dma semaphore(%arg12 : memref<!tpu.dma_semaphore, #tpu.memory_space<semaphore_mem>>) src(%dma_wait3A_83 : memref<10240x128xf32, #tpu.memory_space<hbm>>) dst(%dma_wait3A_77 : memref<128x128xf32, #tpu.memory_space<vmem>>)
        %run_scoped3A_84 = arith.constant 1 : i32
        "tpu.region"() ({
          %run_scoped3A_86 = tpu.sem_alloc : memref<!tpu.dma_semaphore, #tpu.memory_space<semaphore_mem>>
          %dma_start3A_87 = arith.constant 0 : i32
          %dma_start3A_88 = arith.constant 0 : i32
          %dma_start3A_89 = tpu.memref_slice %arg10[%run_scoped3A_84, %dma_start3A_87, %dma_start3A_88] : memref<2x128x128xf32, #tpu.memory_space<vmem>> -> memref<1x128x128xf32, #tpu.memory_space<vmem>>
          %dma_start3A_90 = tpu.memref_squeeze %dma_start3A_89 : memref<1x128x128xf32, #tpu.memory_space<vmem>> -> memref<128x128xf32, #tpu.memory_space<vmem>>
          %dma_start3A_91 = arith.constant 0 : i32
          %dma_start3A_92 = tpu.memref_slice %arg9[%add3A_49, %dma_start3A_91] : memref<16x128xi32, #tpu.memory_space<vmem>> -> memref<1x128xi32, #tpu.memory_space<vmem>>
          %dma_start3A_93 = tpu.memref_squeeze %dma_start3A_92 : memref<1x128xi32, #tpu.memory_space<vmem>> -> memref<128xi32, #tpu.memory_space<vmem>>
          %dma_start3A_94 = arith.constant 0 : i32
          %dma_start3A_95 = arith.constant 0 : i32
          %dma_start3A_96 = tpu.memref_slice %arg7[%dma_start3A_94, %dma_start3A_95] : memref<10240x128xf32, #tpu.memory_space<vmem_shared>> -> memref<10240x128xf32, #tpu.memory_space<vmem_shared>>
          tpu.enqueue_indirect_dma source(%dma_start3A_90 : memref<128x128xf32, #tpu.memory_space<vmem>>) target(%dma_start3A_96 : memref<10240x128xf32, #tpu.memory_space<vmem_shared>>) offsets(%dma_start3A_93 : memref<128xi32, #tpu.memory_space<vmem>>) semaphore(%run_scoped3A_86 : memref<!tpu.dma_semaphore, #tpu.memory_space<semaphore_mem>>) {add = true}
          %dma_wait3A_97 = arith.constant 0 : i32
          %dma_wait3A_98 = arith.constant 0 : i32
          %dma_wait3A_99 = tpu.memref_slice %arg10[%run_scoped3A_84, %dma_wait3A_97, %dma_wait3A_98] : memref<2x128x128xf32, #tpu.memory_space<vmem>> -> memref<1x128x128xf32, #tpu.memory_space<vmem>>
          %dma_wait3A_100 = tpu.memref_squeeze %dma_wait3A_99 : memref<1x128x128xf32, #tpu.memory_space<vmem>> -> memref<128x128xf32, #tpu.memory_space<vmem>>
          %dma_wait3A_101 = arith.constant 0 : i32
          %dma_wait3A_102 = tpu.memref_slice %arg9[%add3A_49, %dma_wait3A_101] : memref<16x128xi32, #tpu.memory_space<vmem>> -> memref<1x128xi32, #tpu.memory_space<vmem>>
          %dma_wait3A_103 = tpu.memref_squeeze %dma_wait3A_102 : memref<1x128xi32, #tpu.memory_space<vmem>> -> memref<128xi32, #tpu.memory_space<vmem>>
          %dma_wait3A_104 = arith.constant 0 : i32
          %dma_wait3A_105 = arith.constant 0 : i32
          %dma_wait3A_106 = tpu.memref_slice %arg7[%dma_wait3A_104, %dma_wait3A_105] : memref<10240x128xf32, #tpu.memory_space<vmem_shared>> -> memref<10240x128xf32, #tpu.memory_space<vmem_shared>>
          tpu.wait_indirect_dma semaphore(%run_scoped3A_86 : memref<!tpu.dma_semaphore, #tpu.memory_space<semaphore_mem>>) src(%dma_wait3A_100 : memref<128x128xf32, #tpu.memory_space<vmem>>) dst(%dma_wait3A_106 : memref<10240x128xf32, #tpu.memory_space<vmem_shared>>)
          tpu.yield
        }) : () -> ()
        %scan3A_85 = arith.constant 0 : i32
        scf.yield %scan3A_85 : i32
      }
      %scan3A_42 = arith.constant 8 : i32
      %while3A_43 = arith.constant 0 : i32
      scf.yield %while3A_43 : i32
    }
    %barrier3A_19 = arith.constant 0 : index
    tpu.barrier barrier_id(%barrier3A_19)
    "tpu.region"() ({
      %run_scoped3A = tpu.sem_alloc : memref<!tpu.dma_semaphore, #tpu.memory_space<semaphore_mem>>
      %dma_start3A = arith.constant 0 : i32
      %dma_start3A_20 = arith.constant 0 : i32
      %dma_start3A_21 = tpu.memref_slice %arg6[%arg0, %dma_start3A, %dma_start3A_20] : memref<2x10240x128xf32, #tpu.memory_space<hbm>> -> memref<1x10240x128xf32, #tpu.memory_space<hbm>>
      %dma_start3A_22 = tpu.memref_squeeze %dma_start3A_21 : memref<1x10240x128xf32, #tpu.memory_space<hbm>> -> memref<10240x128xf32, #tpu.memory_space<hbm>>
      %dma_start3A_23 = arith.constant 0 : i32
      %dma_start3A_24 = tpu.memref_slice %dma_start3A_22[%mul3A_0, %dma_start3A_23] : memref<10240x128xf32, #tpu.memory_space<hbm>> -> memref<640x128xf32, #tpu.memory_space<hbm>>
      %dma_start3A_25 = arith.constant 0 : i32
      %dma_start3A_26 = tpu.memref_slice %arg7[%mul3A_0, %dma_start3A_25] : memref<10240x128xf32, #tpu.memory_space<vmem_shared>> -> memref<640x128xf32, #tpu.memory_space<vmem_shared>>
      tpu.enqueue_dma source(%dma_start3A_26 : memref<640x128xf32, #tpu.memory_space<vmem_shared>>) target(%dma_start3A_24 : memref<640x128xf32, #tpu.memory_space<hbm>>) target_semaphore(%run_scoped3A : memref<!tpu.dma_semaphore, #tpu.memory_space<semaphore_mem>>)
      %dma_wait3A = arith.constant 0 : i32
      %dma_wait3A_27 = arith.constant 0 : i32
      %dma_wait3A_28 = tpu.memref_slice %arg6[%arg0, %dma_wait3A, %dma_wait3A_27] : memref<2x10240x128xf32, #tpu.memory_space<hbm>> -> memref<1x10240x128xf32, #tpu.memory_space<hbm>>
      %dma_wait3A_29 = tpu.memref_squeeze %dma_wait3A_28 : memref<1x10240x128xf32, #tpu.memory_space<hbm>> -> memref<10240x128xf32, #tpu.memory_space<hbm>>
      %dma_wait3A_30 = arith.constant 0 : i32
      %dma_wait3A_31 = tpu.memref_slice %dma_wait3A_29[%mul3A_0, %dma_wait3A_30] : memref<10240x128xf32, #tpu.memory_space<hbm>> -> memref<640x128xf32, #tpu.memory_space<hbm>>
      %dma_wait3A_32 = arith.constant 0 : i32
      %dma_wait3A_33 = tpu.memref_slice %arg7[%mul3A_0, %dma_wait3A_32] : memref<10240x128xf32, #tpu.memory_space<vmem_shared>> -> memref<640x128xf32, #tpu.memory_space<vmem_shared>>
      tpu.wait_dma2 semaphore(%run_scoped3A : memref<!tpu.dma_semaphore, #tpu.memory_space<semaphore_mem>>) src(%dma_wait3A_33 : memref<640x128xf32, #tpu.memory_space<vmem_shared>>) dst(%dma_wait3A_31 : memref<640x128xf32, #tpu.memory_space<hbm>>)
      tpu.yield
    }) : () -> ()
    return
  }
}

#map = affine_map<(d0, d1) -> (0, 0, 0)>
#map1 = affine_map<(d0, d1) -> (0, 0)>
module attributes {stable_mosaic.version = 14 : i64} {
  func.func @_scatter_body(%arg0: i32, %arg1: i32, %arg2: memref<2x10240x128xf32, #tpu.memory_space<hbm>>, %arg3: memref<16x160x128xi32, #tpu.memory_space<hbm>>, %arg4: memref<16x160x128xi32, #tpu.memory_space<hbm>>, %arg5: memref<640x128xf32, #tpu.memory_space<hbm>>, %arg6: memref<2x10240x128xf32, #tpu.memory_space<hbm>>, %arg7: memref<10240x128xf32, #tpu.memory_space<vmem_shared>>, %arg8: memref<16x128xi32, #tpu.memory_space<vmem>>, %arg9: memref<16x128xi32, #tpu.memory_space<vmem>>, %arg10: memref<2x128x128xf32, #tpu.memory_space<vmem>>, %arg11: memref<!tpu.dma_semaphore, #tpu.memory_space<semaphore_mem>>, %arg12: memref<!tpu.dma_semaphore, #tpu.memory_space<semaphore_mem>>) attributes {dimension_semantics = [#tpu.dimension_semantics<core_parallel>, #tpu.dimension_semantics<subcore_parallel>], iteration_bounds = array<i64: 2, 16>, scalar_prefetch = 0 : i64, scratch_operands = 6 : i64, tpu.core_type = #tpu.core_type<sc_vector_subcore>, window_params = [{transform_indices = #map}, {transform_indices = #map}, {transform_indices = #map}, {transform_indices = #map1}, {transform_indices = #map}]} {
    %mul3A = arith.constant 640 : i32
    %mul3A_0 = arith.muli %arg1, %mul3A : i32
    "tpu.region"() ({
      %run_scoped3A = tpu.sem_alloc : memref<!tpu.dma_semaphore, #tpu.memory_space<semaphore_mem>>
      %dma_start3A = arith.constant 0 : i32
      %dma_start3A_8 = tpu.memref_slice %arg7[%mul3A_0, %dma_start3A] : memref<10240x128xf32, #tpu.memory_space<vmem_shared>> -> memref<640x128xf32, #tpu.memory_space<vmem_shared>>
      tpu.enqueue_dma source(%arg5 : memref<640x128xf32, #tpu.memory_space<hbm>>) target(%dma_start3A_8 : memref<640x128xf32, #tpu.memory_space<vmem_shared>>) target_semaphore(%run_scoped3A : memref<!tpu.dma_semaphore, #tpu.memory_space<semaphore_mem>>)
      %dma_wait3A = arith.constant 0 : i32
      %dma_wait3A_9 = tpu.memref_slice %arg7[%mul3A_0, %dma_wait3A] : memref<10240x128xf32, #tpu.memory_space<vmem_shared>> -> memref<640x128xf32, #tpu.memory_space<vmem_shared>>
      tpu.wait_dma2 semaphore(%run_scoped3A : memref<!tpu.dma_semaphore, #tpu.memory_space<semaphore_mem>>) src(%arg5 : memref<640x128xf32, #tpu.memory_space<hbm>>) dst(%dma_wait3A_9 : memref<640x128xf32, #tpu.memory_space<vmem_shared>>)
      tpu.yield
    }) : () -> ()
    %barrier3A = arith.constant 0 : index
    tpu.barrier barrier_id(%barrier3A)
    %scan3A = arith.constant 0 : i32
    %scan3A_1 = arith.constant 0 : i32
    %scan3A_2 = arith.constant 10 : i32
    %scan3A_3 = arith.addi %scan3A_1, %scan3A_2 : i32
    %scan3A_4 = arith.constant 1 : i32
    %scan3A_5 = scf.for %scan3A_8 = %scan3A_1 to %scan3A_3 step %scan3A_4 iter_args(%scan3A_9 = %scan3A) -> (i32)  : i32 {
      %add3A = arith.constant 0 : i32
      %add3A_10 = arith.addi %add3A, %scan3A_8 : i32
      %mul3A_11 = arith.constant 16 : i32
      %mul3A_12 = arith.muli %add3A_10, %mul3A_11 : i32
      "tpu.region"() ({
        %run_scoped3A = tpu.sem_alloc : memref<!tpu.dma_semaphore, #tpu.memory_space<semaphore_mem>>
        %dma_start3A_38 = arith.constant 0 : i32
        %dma_start3A_39 = arith.constant 0 : i32
        %dma_start3A_40 = tpu.memref_slice %arg3[%arg1, %dma_start3A_38, %dma_start3A_39] : memref<16x160x128xi32, #tpu.memory_space<hbm>> -> memref<1x160x128xi32, #tpu.memory_space<hbm>>
        %dma_start3A_41 = tpu.memref_squeeze %dma_start3A_40 : memref<1x160x128xi32, #tpu.memory_space<hbm>> -> memref<160x128xi32, #tpu.memory_space<hbm>>
        %dma_start3A_42 = arith.constant 0 : i32
        %dma_start3A_43 = tpu.memref_slice %dma_start3A_41[%mul3A_12, %dma_start3A_42] : memref<160x128xi32, #tpu.memory_space<hbm>> -> memref<16x128xi32, #tpu.memory_space<hbm>>
        %dma_start3A_44 = arith.constant 0 : i32
        %dma_start3A_45 = arith.constant 0 : i32
        %dma_start3A_46 = tpu.memref_slice %arg3[%arg1, %dma_start3A_44, %dma_start3A_45] : memref<16x160x128xi32, #tpu.memory_space<hbm>> -> memref<1x160x128xi32, #tpu.memory_space<hbm>>
        %dma_start3A_47 = tpu.memref_squeeze %dma_start3A_46 : memref<1x160x128xi32, #tpu.memory_space<hbm>> -> memref<160x128xi32, #tpu.memory_space<hbm>>
        %dma_start3A_48 = arith.constant 0 : i32
        %dma_start3A_49 = tpu.memref_slice %dma_start3A_47[%mul3A_12, %dma_start3A_48] : memref<160x128xi32, #tpu.memory_space<hbm>> -> memref<16x128xi32, #tpu.memory_space<hbm>>
        tpu.enqueue_dma source(%dma_start3A_49 : memref<16x128xi32, #tpu.memory_space<hbm>>) target(%arg8 : memref<16x128xi32, #tpu.memory_space<vmem>>) target_semaphore(%run_scoped3A : memref<!tpu.dma_semaphore, #tpu.memory_space<semaphore_mem>>)
        %dma_wait3A = arith.constant 0 : i32
        %dma_wait3A_50 = arith.constant 0 : i32
        %dma_wait3A_51 = tpu.memref_slice %arg3[%arg1, %dma_wait3A, %dma_wait3A_50] : memref<16x160x128xi32, #tpu.memory_space<hbm>> -> memref<1x160x128xi32, #tpu.memory_space<hbm>>
        %dma_wait3A_52 = tpu.memref_squeeze %dma_wait3A_51 : memref<1x160x128xi32, #tpu.memory_space<hbm>> -> memref<160x128xi32, #tpu.memory_space<hbm>>
        %dma_wait3A_53 = arith.constant 0 : i32
        %dma_wait3A_54 = tpu.memref_slice %dma_wait3A_52[%mul3A_12, %dma_wait3A_53] : memref<160x128xi32, #tpu.memory_space<hbm>> -> memref<16x128xi32, #tpu.memory_space<hbm>>
        %dma_wait3A_55 = arith.constant 0 : i32
        %dma_wait3A_56 = arith.constant 0 : i32
        %dma_wait3A_57 = tpu.memref_slice %arg3[%arg1, %dma_wait3A_55, %dma_wait3A_56] : memref<16x160x128xi32, #tpu.memory_space<hbm>> -> memref<1x160x128xi32, #tpu.memory_space<hbm>>
        %dma_wait3A_58 = tpu.memref_squeeze %dma_wait3A_57 : memref<1x160x128xi32, #tpu.memory_space<hbm>> -> memref<160x128xi32, #tpu.memory_space<hbm>>
        %dma_wait3A_59 = arith.constant 0 : i32
        %dma_wait3A_60 = tpu.memref_slice %dma_wait3A_58[%mul3A_12, %dma_wait3A_59] : memref<160x128xi32, #tpu.memory_space<hbm>> -> memref<16x128xi32, #tpu.memory_space<hbm>>
        tpu.wait_dma2 semaphore(%run_scoped3A : memref<!tpu.dma_semaphore, #tpu.memory_space<semaphore_mem>>) src(%dma_wait3A_60 : memref<16x128xi32, #tpu.memory_space<hbm>>) dst(%arg8 : memref<16x128xi32, #tpu.memory_space<vmem>>)
        tpu.yield
      }) : () -> ()
      %mul3A_13 = arith.constant 16 : i32
      %mul3A_14 = arith.muli %add3A_10, %mul3A_13 : i32
      "tpu.region"() ({
        %run_scoped3A = tpu.sem_alloc : memref<!tpu.dma_semaphore, #tpu.memory_space<semaphore_mem>>
        %dma_start3A_38 = arith.constant 0 : i32
        %dma_start3A_39 = arith.constant 0 : i32
        %dma_start3A_40 = tpu.memref_slice %arg4[%arg1, %dma_start3A_38, %dma_start3A_39] : memref<16x160x128xi32, #tpu.memory_space<hbm>> -> memref<1x160x128xi32, #tpu.memory_space<hbm>>
        %dma_start3A_41 = tpu.memref_squeeze %dma_start3A_40 : memref<1x160x128xi32, #tpu.memory_space<hbm>> -> memref<160x128xi32, #tpu.memory_space<hbm>>
        %dma_start3A_42 = arith.constant 0 : i32
        %dma_start3A_43 = tpu.memref_slice %dma_start3A_41[%mul3A_14, %dma_start3A_42] : memref<160x128xi32, #tpu.memory_space<hbm>> -> memref<16x128xi32, #tpu.memory_space<hbm>>
        %dma_start3A_44 = arith.constant 0 : i32
        %dma_start3A_45 = arith.constant 0 : i32
        %dma_start3A_46 = tpu.memref_slice %arg4[%arg1, %dma_start3A_44, %dma_start3A_45] : memref<16x160x128xi32, #tpu.memory_space<hbm>> -> memref<1x160x128xi32, #tpu.memory_space<hbm>>
        %dma_start3A_47 = tpu.memref_squeeze %dma_start3A_46 : memref<1x160x128xi32, #tpu.memory_space<hbm>> -> memref<160x128xi32, #tpu.memory_space<hbm>>
        %dma_start3A_48 = arith.constant 0 : i32
        %dma_start3A_49 = tpu.memref_slice %dma_start3A_47[%mul3A_14, %dma_start3A_48] : memref<160x128xi32, #tpu.memory_space<hbm>> -> memref<16x128xi32, #tpu.memory_space<hbm>>
        tpu.enqueue_dma source(%dma_start3A_49 : memref<16x128xi32, #tpu.memory_space<hbm>>) target(%arg9 : memref<16x128xi32, #tpu.memory_space<vmem>>) target_semaphore(%run_scoped3A : memref<!tpu.dma_semaphore, #tpu.memory_space<semaphore_mem>>)
        %dma_wait3A = arith.constant 0 : i32
        %dma_wait3A_50 = arith.constant 0 : i32
        %dma_wait3A_51 = tpu.memref_slice %arg4[%arg1, %dma_wait3A, %dma_wait3A_50] : memref<16x160x128xi32, #tpu.memory_space<hbm>> -> memref<1x160x128xi32, #tpu.memory_space<hbm>>
        %dma_wait3A_52 = tpu.memref_squeeze %dma_wait3A_51 : memref<1x160x128xi32, #tpu.memory_space<hbm>> -> memref<160x128xi32, #tpu.memory_space<hbm>>
        %dma_wait3A_53 = arith.constant 0 : i32
        %dma_wait3A_54 = tpu.memref_slice %dma_wait3A_52[%mul3A_14, %dma_wait3A_53] : memref<160x128xi32, #tpu.memory_space<hbm>> -> memref<16x128xi32, #tpu.memory_space<hbm>>
        %dma_wait3A_55 = arith.constant 0 : i32
        %dma_wait3A_56 = arith.constant 0 : i32
        %dma_wait3A_57 = tpu.memref_slice %arg4[%arg1, %dma_wait3A_55, %dma_wait3A_56] : memref<16x160x128xi32, #tpu.memory_space<hbm>> -> memref<1x160x128xi32, #tpu.memory_space<hbm>>
        %dma_wait3A_58 = tpu.memref_squeeze %dma_wait3A_57 : memref<1x160x128xi32, #tpu.memory_space<hbm>> -> memref<160x128xi32, #tpu.memory_space<hbm>>
        %dma_wait3A_59 = arith.constant 0 : i32
        %dma_wait3A_60 = tpu.memref_slice %dma_wait3A_58[%mul3A_14, %dma_wait3A_59] : memref<160x128xi32, #tpu.memory_space<hbm>> -> memref<16x128xi32, #tpu.memory_space<hbm>>
        tpu.wait_dma2 semaphore(%run_scoped3A : memref<!tpu.dma_semaphore, #tpu.memory_space<semaphore_mem>>) src(%dma_wait3A_60 : memref<16x128xi32, #tpu.memory_space<hbm>>) dst(%arg9 : memref<16x128xi32, #tpu.memory_space<vmem>>)
        tpu.yield
      }) : () -> ()
      %dma_start3A = arith.constant 0 : i32
      %dma_start3A_15 = arith.constant 0 : i32
      %dma_start3A_16 = arith.constant 0 : i32
      %dma_start3A_17 = arith.constant 0 : i32
      %dma_start3A_18 = tpu.memref_slice %arg10[%dma_start3A_15, %dma_start3A_16, %dma_start3A_17] : memref<2x128x128xf32, #tpu.memory_space<vmem>> -> memref<1x128x128xf32, #tpu.memory_space<vmem>>
      %dma_start3A_19 = tpu.memref_squeeze %dma_start3A_18 : memref<1x128x128xf32, #tpu.memory_space<vmem>> -> memref<128x128xf32, #tpu.memory_space<vmem>>
      %dma_start3A_20 = arith.constant 0 : i32
      %dma_start3A_21 = tpu.memref_slice %arg8[%dma_start3A, %dma_start3A_20] : memref<16x128xi32, #tpu.memory_space<vmem>> -> memref<1x128xi32, #tpu.memory_space<vmem>>
      %dma_start3A_22 = tpu.memref_squeeze %dma_start3A_21 : memref<1x128xi32, #tpu.memory_space<vmem>> -> memref<128xi32, #tpu.memory_space<vmem>>
      %dma_start3A_23 = arith.constant 0 : i32
      %dma_start3A_24 = arith.constant 0 : i32
      %dma_start3A_25 = tpu.memref_slice %arg2[%arg0, %dma_start3A_23, %dma_start3A_24] : memref<2x10240x128xf32, #tpu.memory_space<hbm>> -> memref<1x10240x128xf32, #tpu.memory_space<hbm>>
      %dma_start3A_26 = tpu.memref_squeeze %dma_start3A_25 : memref<1x10240x128xf32, #tpu.memory_space<hbm>> -> memref<10240x128xf32, #tpu.memory_space<hbm>>
      %dma_start3A_27 = arith.constant 0 : i32
      %dma_start3A_28 = arith.constant 0 : i32
      %dma_start3A_29 = tpu.memref_slice %dma_start3A_26[%dma_start3A_27, %dma_start3A_28] : memref<10240x128xf32, #tpu.memory_space<hbm>> -> memref<10240x128xf32, #tpu.memory_space<hbm>>
      tpu.enqueue_indirect_dma source(%dma_start3A_29 : memref<10240x128xf32, #tpu.memory_space<hbm>>) target(%dma_start3A_19 : memref<128x128xf32, #tpu.memory_space<vmem>>) offsets(%dma_start3A_22 : memref<128xi32, #tpu.memory_space<vmem>>) semaphore(%arg11 : memref<!tpu.dma_semaphore, #tpu.memory_space<semaphore_mem>>)
      %scan3A_30 = arith.constant 0 : i32
      %scan3A_31 = arith.constant 0 : i32
      %scan3A_32 = arith.constant 8 : i32
      %scan3A_33 = arith.addi %scan3A_31, %scan3A_32 : i32
      %scan3A_34 = arith.constant 1 : i32
      %scan3A_35 = scf.for %scan3A_38 = %scan3A_31 to %scan3A_33 step %scan3A_34 iter_args(%scan3A_39 = %scan3A_30) -> (i32)  : i32 {
        %mul3A_40 = arith.constant 2 : i32
        %mul3A_41 = arith.muli %mul3A_40, %scan3A_38 : i32
        %add3A_42 = arith.constant 1 : i32
        %add3A_43 = arith.addi %mul3A_41, %add3A_42 : i32
        %dma_start3A_44 = arith.constant 1 : i32
        %dma_start3A_45 = arith.constant 0 : i32
        %dma_start3A_46 = arith.constant 0 : i32
        %dma_start3A_47 = tpu.memref_slice %arg10[%dma_start3A_44, %dma_start3A_45, %dma_start3A_46] : memref<2x128x128xf32, #tpu.memory_space<vmem>> -> memref<1x128x128xf32, #tpu.memory_space<vmem>>
        %dma_start3A_48 = tpu.memref_squeeze %dma_start3A_47 : memref<1x128x128xf32, #tpu.memory_space<vmem>> -> memref<128x128xf32, #tpu.memory_space<vmem>>
        %dma_start3A_49 = arith.constant 0 : i32
        %dma_start3A_50 = tpu.memref_slice %arg8[%add3A_43, %dma_start3A_49] : memref<16x128xi32, #tpu.memory_space<vmem>> -> memref<1x128xi32, #tpu.memory_space<vmem>>
        %dma_start3A_51 = tpu.memref_squeeze %dma_start3A_50 : memref<1x128xi32, #tpu.memory_space<vmem>> -> memref<128xi32, #tpu.memory_space<vmem>>
        %dma_start3A_52 = arith.constant 0 : i32
        %dma_start3A_53 = arith.constant 0 : i32
        %dma_start3A_54 = tpu.memref_slice %arg2[%arg0, %dma_start3A_52, %dma_start3A_53] : memref<2x10240x128xf32, #tpu.memory_space<hbm>> -> memref<1x10240x128xf32, #tpu.memory_space<hbm>>
        %dma_start3A_55 = tpu.memref_squeeze %dma_start3A_54 : memref<1x10240x128xf32, #tpu.memory_space<hbm>> -> memref<10240x128xf32, #tpu.memory_space<hbm>>
        %dma_start3A_56 = arith.constant 0 : i32
        %dma_start3A_57 = arith.constant 0 : i32
        %dma_start3A_58 = tpu.memref_slice %dma_start3A_55[%dma_start3A_56, %dma_start3A_57] : memref<10240x128xf32, #tpu.memory_space<hbm>> -> memref<10240x128xf32, #tpu.memory_space<hbm>>
        tpu.enqueue_indirect_dma source(%dma_start3A_58 : memref<10240x128xf32, #tpu.memory_space<hbm>>) target(%dma_start3A_48 : memref<128x128xf32, #tpu.memory_space<vmem>>) offsets(%dma_start3A_51 : memref<128xi32, #tpu.memory_space<vmem>>) semaphore(%arg12 : memref<!tpu.dma_semaphore, #tpu.memory_space<semaphore_mem>>)
        %dma_wait3A = arith.constant 0 : i32
        %dma_wait3A_59 = arith.constant 0 : i32
        %dma_wait3A_60 = arith.constant 0 : i32
        %dma_wait3A_61 = tpu.memref_slice %arg10[%dma_wait3A, %dma_wait3A_59, %dma_wait3A_60] : memref<2x128x128xf32, #tpu.memory_space<vmem>> -> memref<1x128x128xf32, #tpu.memory_space<vmem>>
        %dma_wait3A_62 = tpu.memref_squeeze %dma_wait3A_61 : memref<1x128x128xf32, #tpu.memory_space<vmem>> -> memref<128x128xf32, #tpu.memory_space<vmem>>
        %dma_wait3A_63 = arith.constant 0 : i32
        %dma_wait3A_64 = tpu.memref_slice %arg8[%mul3A_41, %dma_wait3A_63] : memref<16x128xi32, #tpu.memory_space<vmem>> -> memref<1x128xi32, #tpu.memory_space<vmem>>
        %dma_wait3A_65 = tpu.memref_squeeze %dma_wait3A_64 : memref<1x128xi32, #tpu.memory_space<vmem>> -> memref<128xi32, #tpu.memory_space<vmem>>
        %dma_wait3A_66 = arith.constant 0 : i32
        %dma_wait3A_67 = arith.constant 0 : i32
        %dma_wait3A_68 = tpu.memref_slice %arg2[%arg0, %dma_wait3A_66, %dma_wait3A_67] : memref<2x10240x128xf32, #tpu.memory_space<hbm>> -> memref<1x10240x128xf32, #tpu.memory_space<hbm>>
        %dma_wait3A_69 = tpu.memref_squeeze %dma_wait3A_68 : memref<1x10240x128xf32, #tpu.memory_space<hbm>> -> memref<10240x128xf32, #tpu.memory_space<hbm>>
        %dma_wait3A_70 = arith.constant 0 : i32
        %dma_wait3A_71 = arith.constant 0 : i32
        %dma_wait3A_72 = tpu.memref_slice %dma_wait3A_69[%dma_wait3A_70, %dma_wait3A_71] : memref<10240x128xf32, #tpu.memory_space<hbm>> -> memref<10240x128xf32, #tpu.memory_space<hbm>>
        tpu.wait_indirect_dma semaphore(%arg11 : memref<!tpu.dma_semaphore, #tpu.memory_space<semaphore_mem>>) src(%dma_wait3A_72 : memref<10240x128xf32, #tpu.memory_space<hbm>>) dst(%dma_wait3A_62 : memref<128x128xf32, #tpu.memory_space<vmem>>)
        %run_scoped3A = arith.constant 0 : i32
        "tpu.region"() ({
          %run_scoped3A_92 = tpu.sem_alloc : memref<!tpu.dma_semaphore, #tpu.memory_space<semaphore_mem>>
          %dma_start3A_93 = arith.constant 0 : i32
          %dma_start3A_94 = arith.constant 0 : i32
          %dma_start3A_95 = tpu.memref_slice %arg10[%run_scoped3A, %dma_start3A_93, %dma_start3A_94] : memref<2x128x128xf32, #tpu.memory_space<vmem>> -> memref<1x128x128xf32, #tpu.memory_space<vmem>>
          %dma_start3A_96 = tpu.memref_squeeze %dma_start3A_95 : memref<1x128x128xf32, #tpu.memory_space<vmem>> -> memref<128x128xf32, #tpu.memory_space<vmem>>
          %dma_start3A_97 = arith.constant 0 : i32
          %dma_start3A_98 = tpu.memref_slice %arg9[%mul3A_41, %dma_start3A_97] : memref<16x128xi32, #tpu.memory_space<vmem>> -> memref<1x128xi32, #tpu.memory_space<vmem>>
          %dma_start3A_99 = tpu.memref_squeeze %dma_start3A_98 : memref<1x128xi32, #tpu.memory_space<vmem>> -> memref<128xi32, #tpu.memory_space<vmem>>
          %dma_start3A_100 = arith.constant 0 : i32
          %dma_start3A_101 = arith.constant 0 : i32
          %dma_start3A_102 = tpu.memref_slice %arg7[%dma_start3A_100, %dma_start3A_101] : memref<10240x128xf32, #tpu.memory_space<vmem_shared>> -> memref<10240x128xf32, #tpu.memory_space<vmem_shared>>
          tpu.enqueue_indirect_dma source(%dma_start3A_96 : memref<128x128xf32, #tpu.memory_space<vmem>>) target(%dma_start3A_102 : memref<10240x128xf32, #tpu.memory_space<vmem_shared>>) offsets(%dma_start3A_99 : memref<128xi32, #tpu.memory_space<vmem>>) semaphore(%run_scoped3A_92 : memref<!tpu.dma_semaphore, #tpu.memory_space<semaphore_mem>>) {add = true}
          %dma_wait3A_103 = arith.constant 0 : i32
          %dma_wait3A_104 = arith.constant 0 : i32
          %dma_wait3A_105 = tpu.memref_slice %arg10[%run_scoped3A, %dma_wait3A_103, %dma_wait3A_104] : memref<2x128x128xf32, #tpu.memory_space<vmem>> -> memref<1x128x128xf32, #tpu.memory_space<vmem>>
          %dma_wait3A_106 = tpu.memref_squeeze %dma_wait3A_105 : memref<1x128x128xf32, #tpu.memory_space<vmem>> -> memref<128x128xf32, #tpu.memory_space<vmem>>
          %dma_wait3A_107 = arith.constant 0 : i32
          %dma_wait3A_108 = tpu.memref_slice %arg9[%mul3A_41, %dma_wait3A_107] : memref<16x128xi32, #tpu.memory_space<vmem>> -> memref<1x128xi32, #tpu.memory_space<vmem>>
          %dma_wait3A_109 = tpu.memref_squeeze %dma_wait3A_108 : memref<1x128xi32, #tpu.memory_space<vmem>> -> memref<128xi32, #tpu.memory_space<vmem>>
          %dma_wait3A_110 = arith.constant 0 : i32
          %dma_wait3A_111 = arith.constant 0 : i32
          %dma_wait3A_112 = tpu.memref_slice %arg7[%dma_wait3A_110, %dma_wait3A_111] : memref<10240x128xf32, #tpu.memory_space<vmem_shared>> -> memref<10240x128xf32, #tpu.memory_space<vmem_shared>>
          tpu.wait_indirect_dma semaphore(%run_scoped3A_92 : memref<!tpu.dma_semaphore, #tpu.memory_space<semaphore_mem>>) src(%dma_wait3A_106 : memref<128x128xf32, #tpu.memory_space<vmem>>) dst(%dma_wait3A_112 : memref<10240x128xf32, #tpu.memory_space<vmem_shared>>)
          tpu.yield
        }) : () -> ()
        %lt3A = arith.constant 7 : i32
        %lt3A_73 = arith.cmpi slt, %scan3A_38, %lt3A : i32
        %convert_element_type3A = arith.extui %lt3A_73 : i1 to i32
        %cond3A = arith.constant 0 : i32
        %cond3A_74 = arith.cmpi ne, %convert_element_type3A, %cond3A : i32
        scf.if %cond3A_74 {
          %add3A_92 = arith.constant 2 : i32
          %add3A_93 = arith.addi %mul3A_41, %add3A_92 : i32
          %dma_start3A_94 = arith.constant 0 : i32
          %dma_start3A_95 = arith.constant 0 : i32
          %dma_start3A_96 = arith.constant 0 : i32
          %dma_start3A_97 = tpu.memref_slice %arg10[%dma_start3A_94, %dma_start3A_95, %dma_start3A_96] : memref<2x128x128xf32, #tpu.memory_space<vmem>> -> memref<1x128x128xf32, #tpu.memory_space<vmem>>
          %dma_start3A_98 = tpu.memref_squeeze %dma_start3A_97 : memref<1x128x128xf32, #tpu.memory_space<vmem>> -> memref<128x128xf32, #tpu.memory_space<vmem>>
          %dma_start3A_99 = arith.constant 0 : i32
          %dma_start3A_100 = tpu.memref_slice %arg8[%add3A_93, %dma_start3A_99] : memref<16x128xi32, #tpu.memory_space<vmem>> -> memref<1x128xi32, #tpu.memory_space<vmem>>
          %dma_start3A_101 = tpu.memref_squeeze %dma_start3A_100 : memref<1x128xi32, #tpu.memory_space<vmem>> -> memref<128xi32, #tpu.memory_space<vmem>>
          %dma_start3A_102 = arith.constant 0 : i32
          %dma_start3A_103 = arith.constant 0 : i32
          %dma_start3A_104 = tpu.memref_slice %arg2[%arg0, %dma_start3A_102, %dma_start3A_103] : memref<2x10240x128xf32, #tpu.memory_space<hbm>> -> memref<1x10240x128xf32, #tpu.memory_space<hbm>>
          %dma_start3A_105 = tpu.memref_squeeze %dma_start3A_104 : memref<1x10240x128xf32, #tpu.memory_space<hbm>> -> memref<10240x128xf32, #tpu.memory_space<hbm>>
          %dma_start3A_106 = arith.constant 0 : i32
          %dma_start3A_107 = arith.constant 0 : i32
          %dma_start3A_108 = tpu.memref_slice %dma_start3A_105[%dma_start3A_106, %dma_start3A_107] : memref<10240x128xf32, #tpu.memory_space<hbm>> -> memref<10240x128xf32, #tpu.memory_space<hbm>>
          tpu.enqueue_indirect_dma source(%dma_start3A_108 : memref<10240x128xf32, #tpu.memory_space<hbm>>) target(%dma_start3A_98 : memref<128x128xf32, #tpu.memory_space<vmem>>) offsets(%dma_start3A_101 : memref<128xi32, #tpu.memory_space<vmem>>) semaphore(%arg11 : memref<!tpu.dma_semaphore, #tpu.memory_space<semaphore_mem>>)
        } else {
        }
        %dma_wait3A_75 = arith.constant 1 : i32
        %dma_wait3A_76 = arith.constant 0 : i32
        %dma_wait3A_77 = arith.constant 0 : i32
        %dma_wait3A_78 = tpu.memref_slice %arg10[%dma_wait3A_75, %dma_wait3A_76, %dma_wait3A_77] : memref<2x128x128xf32, #tpu.memory_space<vmem>> -> memref<1x128x128xf32, #tpu.memory_space<vmem>>
        %dma_wait3A_79 = tpu.memref_squeeze %dma_wait3A_78 : memref<1x128x128xf32, #tpu.memory_space<vmem>> -> memref<128x128xf32, #tpu.memory_space<vmem>>
        %dma_wait3A_80 = arith.constant 0 : i32
        %dma_wait3A_81 = tpu.memref_slice %arg8[%add3A_43, %dma_wait3A_80] : memref<16x128xi32, #tpu.memory_space<vmem>> -> memref<1x128xi32, #tpu.memory_space<vmem>>
        %dma_wait3A_82 = tpu.memref_squeeze %dma_wait3A_81 : memref<1x128xi32, #tpu.memory_space<vmem>> -> memref<128xi32, #tpu.memory_space<vmem>>
        %dma_wait3A_83 = arith.constant 0 : i32
        %dma_wait3A_84 = arith.constant 0 : i32
        %dma_wait3A_85 = tpu.memref_slice %arg2[%arg0, %dma_wait3A_83, %dma_wait3A_84] : memref<2x10240x128xf32, #tpu.memory_space<hbm>> -> memref<1x10240x128xf32, #tpu.memory_space<hbm>>
        %dma_wait3A_86 = tpu.memref_squeeze %dma_wait3A_85 : memref<1x10240x128xf32, #tpu.memory_space<hbm>> -> memref<10240x128xf32, #tpu.memory_space<hbm>>
        %dma_wait3A_87 = arith.constant 0 : i32
        %dma_wait3A_88 = arith.constant 0 : i32
        %dma_wait3A_89 = tpu.memref_slice %dma_wait3A_86[%dma_wait3A_87, %dma_wait3A_88] : memref<10240x128xf32, #tpu.memory_space<hbm>> -> memref<10240x128xf32, #tpu.memory_space<hbm>>
        tpu.wait_indirect_dma semaphore(%arg12 : memref<!tpu.dma_semaphore, #tpu.memory_space<semaphore_mem>>) src(%dma_wait3A_89 : memref<10240x128xf32, #tpu.memory_space<hbm>>) dst(%dma_wait3A_79 : memref<128x128xf32, #tpu.memory_space<vmem>>)
        %run_scoped3A_90 = arith.constant 1 : i32
        "tpu.region"() ({
          %run_scoped3A_92 = tpu.sem_alloc : memref<!tpu.dma_semaphore, #tpu.memory_space<semaphore_mem>>
          %dma_start3A_93 = arith.constant 0 : i32
          %dma_start3A_94 = arith.constant 0 : i32
          %dma_start3A_95 = tpu.memref_slice %arg10[%run_scoped3A_90, %dma_start3A_93, %dma_start3A_94] : memref<2x128x128xf32, #tpu.memory_space<vmem>> -> memref<1x128x128xf32, #tpu.memory_space<vmem>>
          %dma_start3A_96 = tpu.memref_squeeze %dma_start3A_95 : memref<1x128x128xf32, #tpu.memory_space<vmem>> -> memref<128x128xf32, #tpu.memory_space<vmem>>
          %dma_start3A_97 = arith.constant 0 : i32
          %dma_start3A_98 = tpu.memref_slice %arg9[%add3A_43, %dma_start3A_97] : memref<16x128xi32, #tpu.memory_space<vmem>> -> memref<1x128xi32, #tpu.memory_space<vmem>>
          %dma_start3A_99 = tpu.memref_squeeze %dma_start3A_98 : memref<1x128xi32, #tpu.memory_space<vmem>> -> memref<128xi32, #tpu.memory_space<vmem>>
          %dma_start3A_100 = arith.constant 0 : i32
          %dma_start3A_101 = arith.constant 0 : i32
          %dma_start3A_102 = tpu.memref_slice %arg7[%dma_start3A_100, %dma_start3A_101] : memref<10240x128xf32, #tpu.memory_space<vmem_shared>> -> memref<10240x128xf32, #tpu.memory_space<vmem_shared>>
          tpu.enqueue_indirect_dma source(%dma_start3A_96 : memref<128x128xf32, #tpu.memory_space<vmem>>) target(%dma_start3A_102 : memref<10240x128xf32, #tpu.memory_space<vmem_shared>>) offsets(%dma_start3A_99 : memref<128xi32, #tpu.memory_space<vmem>>) semaphore(%run_scoped3A_92 : memref<!tpu.dma_semaphore, #tpu.memory_space<semaphore_mem>>) {add = true}
          %dma_wait3A_103 = arith.constant 0 : i32
          %dma_wait3A_104 = arith.constant 0 : i32
          %dma_wait3A_105 = tpu.memref_slice %arg10[%run_scoped3A_90, %dma_wait3A_103, %dma_wait3A_104] : memref<2x128x128xf32, #tpu.memory_space<vmem>> -> memref<1x128x128xf32, #tpu.memory_space<vmem>>
          %dma_wait3A_106 = tpu.memref_squeeze %dma_wait3A_105 : memref<1x128x128xf32, #tpu.memory_space<vmem>> -> memref<128x128xf32, #tpu.memory_space<vmem>>
          %dma_wait3A_107 = arith.constant 0 : i32
          %dma_wait3A_108 = tpu.memref_slice %arg9[%add3A_43, %dma_wait3A_107] : memref<16x128xi32, #tpu.memory_space<vmem>> -> memref<1x128xi32, #tpu.memory_space<vmem>>
          %dma_wait3A_109 = tpu.memref_squeeze %dma_wait3A_108 : memref<1x128xi32, #tpu.memory_space<vmem>> -> memref<128xi32, #tpu.memory_space<vmem>>
          %dma_wait3A_110 = arith.constant 0 : i32
          %dma_wait3A_111 = arith.constant 0 : i32
          %dma_wait3A_112 = tpu.memref_slice %arg7[%dma_wait3A_110, %dma_wait3A_111] : memref<10240x128xf32, #tpu.memory_space<vmem_shared>> -> memref<10240x128xf32, #tpu.memory_space<vmem_shared>>
          tpu.wait_indirect_dma semaphore(%run_scoped3A_92 : memref<!tpu.dma_semaphore, #tpu.memory_space<semaphore_mem>>) src(%dma_wait3A_106 : memref<128x128xf32, #tpu.memory_space<vmem>>) dst(%dma_wait3A_112 : memref<10240x128xf32, #tpu.memory_space<vmem_shared>>)
          tpu.yield
        }) : () -> ()
        %scan3A_91 = arith.constant 0 : i32
        scf.yield %scan3A_91 : i32
      }
      %scan3A_36 = arith.constant 8 : i32
      %scan3A_37 = arith.constant 0 : i32
      scf.yield %scan3A_37 : i32
    }
    %scan3A_6 = arith.constant 10 : i32
    %barrier3A_7 = arith.constant 0 : index
    tpu.barrier barrier_id(%barrier3A_7)
    "tpu.region"() ({
      %run_scoped3A = tpu.sem_alloc : memref<!tpu.dma_semaphore, #tpu.memory_space<semaphore_mem>>
      %dma_start3A = arith.constant 0 : i32
      %dma_start3A_8 = arith.constant 0 : i32
      %dma_start3A_9 = tpu.memref_slice %arg6[%arg0, %dma_start3A, %dma_start3A_8] : memref<2x10240x128xf32, #tpu.memory_space<hbm>> -> memref<1x10240x128xf32, #tpu.memory_space<hbm>>
      %dma_start3A_10 = tpu.memref_squeeze %dma_start3A_9 : memref<1x10240x128xf32, #tpu.memory_space<hbm>> -> memref<10240x128xf32, #tpu.memory_space<hbm>>
      %dma_start3A_11 = arith.constant 0 : i32
      %dma_start3A_12 = tpu.memref_slice %dma_start3A_10[%mul3A_0, %dma_start3A_11] : memref<10240x128xf32, #tpu.memory_space<hbm>> -> memref<640x128xf32, #tpu.memory_space<hbm>>
      %dma_start3A_13 = arith.constant 0 : i32
      %dma_start3A_14 = tpu.memref_slice %arg7[%mul3A_0, %dma_start3A_13] : memref<10240x128xf32, #tpu.memory_space<vmem_shared>> -> memref<640x128xf32, #tpu.memory_space<vmem_shared>>
      tpu.enqueue_dma source(%dma_start3A_14 : memref<640x128xf32, #tpu.memory_space<vmem_shared>>) target(%dma_start3A_12 : memref<640x128xf32, #tpu.memory_space<hbm>>) target_semaphore(%run_scoped3A : memref<!tpu.dma_semaphore, #tpu.memory_space<semaphore_mem>>)
      %dma_wait3A = arith.constant 0 : i32
      %dma_wait3A_15 = arith.constant 0 : i32
      %dma_wait3A_16 = tpu.memref_slice %arg6[%arg0, %dma_wait3A, %dma_wait3A_15] : memref<2x10240x128xf32, #tpu.memory_space<hbm>> -> memref<1x10240x128xf32, #tpu.memory_space<hbm>>
      %dma_wait3A_17 = tpu.memref_squeeze %dma_wait3A_16 : memref<1x10240x128xf32, #tpu.memory_space<hbm>> -> memref<10240x128xf32, #tpu.memory_space<hbm>>
      %dma_wait3A_18 = arith.constant 0 : i32
      %dma_wait3A_19 = tpu.memref_slice %dma_wait3A_17[%mul3A_0, %dma_wait3A_18] : memref<10240x128xf32, #tpu.memory_space<hbm>> -> memref<640x128xf32, #tpu.memory_space<hbm>>
      %dma_wait3A_20 = arith.constant 0 : i32
      %dma_wait3A_21 = tpu.memref_slice %arg7[%mul3A_0, %dma_wait3A_20] : memref<10240x128xf32, #tpu.memory_space<vmem_shared>> -> memref<640x128xf32, #tpu.memory_space<vmem_shared>>
      tpu.wait_dma2 semaphore(%run_scoped3A : memref<!tpu.dma_semaphore, #tpu.memory_space<semaphore_mem>>) src(%dma_wait3A_21 : memref<640x128xf32, #tpu.memory_space<vmem_shared>>) dst(%dma_wait3A_19 : memref<640x128xf32, #tpu.memory_space<hbm>>)
      tpu.yield
    }) : () -> ()
    return
  }
}

module attributes {stable_mosaic.version = 14 : i64} {
  func.func @_t1_body(%arg0: i32, %arg1: memref<2x2048x128xf32, #tpu.memory_space<vmem>>, %arg2: memref<2048x128xf32, #tpu.memory_space<vmem>>, %arg3: memref<2048x1xf32, #tpu.memory_space<vmem>>, %arg4: memref<2048x128xf32, #tpu.memory_space<vmem>>) attributes {dimension_semantics = [#tpu.dimension_semantics<arbitrary>], iteration_bounds = array<i64: 5>, scalar_prefetch = 0 : i64, scratch_operands = 0 : i64, tpu.core_type = #tpu.core_type<tc>, window_params = [{transform_indices = @transform_0, window_bounds = array<i64: 2, 2048, 128>}, {transform_indices = @transform_1, window_bounds = array<i64: 2048, 128>}, {transform_indices = @transform_2, window_bounds = array<i64: 2048, 1>}, {transform_indices = @transform_3, window_bounds = array<i64: 2048, 128>}]} {
    %get3A = arith.constant 0 : index
    %get3A_0 = arith.constant 0 : index
    %get3A_1 = arith.constant 0 : index
    %get3A_2 = vector.load %arg1[%get3A, %get3A_0, %get3A_1] : memref<2x2048x128xf32, #tpu.memory_space<vmem>>, vector<1x2048x1xf32>
    %get3A_3 = vector.shape_cast %get3A_2 : vector<1x2048x1xf32> to vector<2048xf32>
    %get3A_4 = arith.constant 1 : index
    %get3A_5 = arith.constant 0 : index
    %get3A_6 = arith.constant 0 : index
    %get3A_7 = vector.load %arg1[%get3A_4, %get3A_5, %get3A_6] : memref<2x2048x128xf32, #tpu.memory_space<vmem>>, vector<1x2048x1xf32>
    %get3A_8 = vector.shape_cast %get3A_7 : vector<1x2048x1xf32> to vector<2048xf32>
    %add3A = arith.addf %get3A_3, %get3A_8 : vector<2048xf32>
    %add3A_9 = arith.constant 1.000000e+00 : f32
    %add3A_10 = vector.broadcast %add3A_9 : f32 to vector<2048xf32>
    %add3A_11 = arith.addf %add3A, %add3A_10 : vector<2048xf32>
    %rsqrt3A = math.rsqrt %add3A_11 : vector<2048xf32>
    %broadcast_in_dim3A = vector.shape_cast %rsqrt3A : vector<2048xf32> to vector<2048x1xf32>
    %swap3A = arith.constant 0 : index
    %swap3A_12 = arith.constant 0 : index
    %swap3A_13 = vector.load %arg3[%swap3A, %swap3A_12] : memref<2048x1xf32, #tpu.memory_space<vmem>>, vector<2048x1xf32>
    tpu.vector_store %arg3[%swap3A, %swap3A_12], %broadcast_in_dim3A {strides = array<i32>} : memref<2048x1xf32, #tpu.memory_space<vmem>>, vector<2048x1xf32>,
    %get3A_14 = arith.constant 0 : index
    %get3A_15 = arith.constant 0 : index
    %get3A_16 = vector.load %arg2[%get3A_14, %get3A_15] : memref<2048x128xf32, #tpu.memory_space<vmem>>, vector<2048x128xf32>
    %mul3A = vector.broadcast %broadcast_in_dim3A : vector<2048x1xf32> to vector<2048x128xf32>
    %mul3A_17 = arith.mulf %get3A_16, %mul3A : vector<2048x128xf32>
    %swap3A_18 = arith.constant 0 : index
    %swap3A_19 = arith.constant 0 : index
    %swap3A_20 = vector.load %arg4[%swap3A_18, %swap3A_19] : memref<2048x128xf32, #tpu.memory_space<vmem>>, vector<2048x128xf32>
    tpu.vector_store %arg4[%swap3A_18, %swap3A_19], %mul3A_17 {strides = array<i32>} : memref<2048x128xf32, #tpu.memory_space<vmem>>, vector<2048x128xf32>,
    return
  }
  func.func @transform_0(%arg0: i32) -> (i32, i32, i32) {
    %c0_i32 = arith.constant 0 : i32
    %c0_i32_0 = arith.constant 0 : i32
    %c0_i32_1 = arith.constant 0 : i32
    return %c0_i32, %arg0, %c0_i32_0 : i32, i32, i32
  }
  func.func @transform_1(%arg0: i32) -> (i32, i32) {
    %c0_i32 = arith.constant 0 : i32
    %c0_i32_0 = arith.constant 0 : i32
    return %arg0, %c0_i32 : i32, i32
  }
  func.func @transform_2(%arg0: i32) -> (i32, i32) {
    %c0_i32 = arith.constant 0 : i32
    %c0_i32_0 = arith.constant 0 : i32
    return %arg0, %c0_i32 : i32, i32
  }
  func.func @transform_3(%arg0: i32) -> (i32, i32) {
    %c0_i32 = arith.constant 0 : i32
    %c0_i32_0 = arith.constant 0 : i32
    return %arg0, %c0_i32 : i32, i32
  }
}

module attributes {stable_mosaic.version = 14 : i64} {
  func.func @_dense2_body(%arg0: i32, %arg1: memref<2x2048x128xf32, #tpu.memory_space<vmem>>, %arg2: memref<2x2048x128xf32, #tpu.memory_space<vmem>>, %arg3: memref<2048x1xf32, #tpu.memory_space<vmem>>, %arg4: memref<256x256xf32, #tpu.memory_space<vmem>>, %arg5: memref<1x256xf32, #tpu.memory_space<vmem>>, %arg6: memref<2x2048x128xf32, #tpu.memory_space<vmem>>) attributes {dimension_semantics = [#tpu.dimension_semantics<arbitrary>], iteration_bounds = array<i64: 5>, scalar_prefetch = 0 : i64, scratch_operands = 0 : i64, tpu.core_type = #tpu.core_type<tc>, window_params = [{transform_indices = @transform_0, window_bounds = array<i64: 2, 2048, 128>}, {transform_indices = @transform_1, window_bounds = array<i64: 2, 2048, 128>}, {transform_indices = @transform_2, window_bounds = array<i64: 2048, 1>}, {pipeline_mode = #tpu.pipeline_mode<synchronous>, transform_indices = @transform_3, window_bounds = array<i64: 256, 256>}, {pipeline_mode = #tpu.pipeline_mode<synchronous>, transform_indices = @transform_4, window_bounds = array<i64: 1, 256>}, {transform_indices = @transform_5, window_bounds = array<i64: 2, 2048, 128>}]} {
    %get3A = arith.constant 0 : index
    %get3A_0 = arith.constant 0 : index
    %get3A_1 = vector.load %arg3[%get3A, %get3A_0] : memref<2048x1xf32, #tpu.memory_space<vmem>>, vector<2048x1xf32>
    %get3A_2 = arith.constant 0 : index
    %get3A_3 = arith.constant 0 : index
    %get3A_4 = arith.constant 0 : index
    %get3A_5 = vector.load %arg1[%get3A_2, %get3A_3, %get3A_4] : memref<2x2048x128xf32, #tpu.memory_space<vmem>>, vector<1x2048x128xf32>
    %get3A_6 = vector.shape_cast %get3A_5 : vector<1x2048x128xf32> to vector<2048x128xf32>
    %get3A_7 = arith.constant 1 : index
    %get3A_8 = arith.constant 0 : index
    %get3A_9 = arith.constant 0 : index
    %get3A_10 = vector.load %arg1[%get3A_7, %get3A_8, %get3A_9] : memref<2x2048x128xf32, #tpu.memory_space<vmem>>, vector<1x2048x128xf32>
    %get3A_11 = vector.shape_cast %get3A_10 : vector<1x2048x128xf32> to vector<2048x128xf32>
    %concatenate3A = tpu.concatenate %get3A_6, %get3A_11 in 1 : vector<2048x128xf32>, vector<2048x128xf32> -> vector<2048x256xf32>
    %get3A_12 = arith.constant 0 : index
    %get3A_13 = arith.constant 0 : index
    %get3A_14 = arith.constant 0 : index
    %get3A_15 = vector.load %arg2[%get3A_12, %get3A_13, %get3A_14] : memref<2x2048x128xf32, #tpu.memory_space<vmem>>, vector<1x2048x128xf32>
    %get3A_16 = vector.shape_cast %get3A_15 : vector<1x2048x128xf32> to vector<2048x128xf32>
    %get3A_17 = arith.constant 1 : index
    %get3A_18 = arith.constant 0 : index
    %get3A_19 = arith.constant 0 : index
    %get3A_20 = vector.load %arg2[%get3A_17, %get3A_18, %get3A_19] : memref<2x2048x128xf32, #tpu.memory_space<vmem>>, vector<1x2048x128xf32>
    %get3A_21 = vector.shape_cast %get3A_20 : vector<1x2048x128xf32> to vector<2048x128xf32>
    %concatenate3A_22 = tpu.concatenate %get3A_16, %get3A_21 in 1 : vector<2048x128xf32>, vector<2048x128xf32> -> vector<2048x256xf32>
    %add3A = arith.addf %concatenate3A, %concatenate3A_22 : vector<2048x256xf32>
    %mul3A = vector.broadcast %get3A_1 : vector<2048x1xf32> to vector<2048x256xf32>
    %mul3A_23 = arith.mulf %add3A, %mul3A : vector<2048x256xf32>
    %get3A_24 = arith.constant 0 : index
    %get3A_25 = arith.constant 0 : index
    %get3A_26 = vector.load %arg4[%get3A_24, %get3A_25] : memref<256x256xf32, #tpu.memory_space<vmem>>, vector<256x256xf32>
    %dot_general3A = arith.constant dense<0.000000e+00> : vector<2048x256xf32>
    %dot_general3A_27 = tpu.matmul %mul3A_23, %get3A_26, %dot_general3A {dimension_numbers = #tpu.dot_dimension_numbers<[1], [0], [0], [1], [0, 0, 1, 1], [], []>, transpose_lhs_hint = false} : vector<2048x256xf32>, vector<256x256xf32>, vector<2048x256xf32> -> vector<2048x256xf32>
    %get3A_28 = arith.constant 0 : index
    %get3A_29 = arith.constant 0 : index
    %get3A_30 = vector.load %arg5[%get3A_28, %get3A_29] : memref<1x256xf32, #tpu.memory_space<vmem>>, vector<1x256xf32>
    %add3A_31 = vector.broadcast %get3A_30 : vector<1x256xf32> to vector<2048x256xf32>
    %add3A_32 = arith.addf %dot_general3A_27, %add3A_31 : vector<2048x256xf32>
    %max3A = arith.constant 0.000000e+00 : f32
    %max3A_33 = vector.broadcast %max3A : f32 to vector<2048x256xf32>
    %max3A_34 = arith.maximumf %add3A_32, %max3A_33 : vector<2048x256xf32>
    %mul3A_35 = vector.broadcast %get3A_1 : vector<2048x1xf32> to vector<2048x256xf32>
    %mul3A_36 = arith.mulf %max3A_34, %mul3A_35 : vector<2048x256xf32>
    %slice3A = vector.extract_strided_slice %mul3A_36 {offsets = [0, 0], sizes = [2048, 128], strides = [1, 1]} : vector<2048x256xf32> to vector<2048x128xf32>
    %swap3A = arith.constant 0 : index
    %swap3A_37 = arith.constant 0 : index
    %swap3A_38 = arith.constant 0 : index
    %swap3A_39 = vector.load %arg6[%swap3A, %swap3A_37, %swap3A_38] : memref<2x2048x128xf32, #tpu.memory_space<vmem>>, vector<1x2048x128xf32>
    %swap3A_40 = vector.shape_cast %swap3A_39 : vector<1x2048x128xf32> to vector<2048x128xf32>
    %swap3A_41 = vector.shape_cast %slice3A : vector<2048x128xf32> to vector<1x2048x128xf32>
    tpu.vector_store %arg6[%swap3A, %swap3A_37, %swap3A_38], %swap3A_41 {strides = array<i32>} : memref<2x2048x128xf32, #tpu.memory_space<vmem>>, vector<1x2048x128xf32>,
    %slice3A_42 = vector.extract_strided_slice %mul3A_36 {offsets = [0, 128], sizes = [2048, 128], strides = [1, 1]} : vector<2048x256xf32> to vector<2048x128xf32>
    %swap3A_43 = arith.constant 1 : index
    %swap3A_44 = arith.constant 0 : index
    %swap3A_45 = arith.constant 0 : index
    %swap3A_46 = vector.load %arg6[%swap3A_43, %swap3A_44, %swap3A_45] : memref<2x2048x128xf32, #tpu.memory_space<vmem>>, vector<1x2048x128xf32>
    %swap3A_47 = vector.shape_cast %swap3A_46 : vector<1x2048x128xf32> to vector<2048x128xf32>
    %swap3A_48 = vector.shape_cast %slice3A_42 : vector<2048x128xf32> to vector<1x2048x128xf32>
    tpu.vector_store %arg6[%swap3A_43, %swap3A_44, %swap3A_45], %swap3A_48 {strides = array<i32>} : memref<2x2048x128xf32, #tpu.memory_space<vmem>>, vector<1x2048x128xf32>,
    return
  }
  func.func @transform_0(%arg0: i32) -> (i32, i32, i32) {
    %c0_i32 = arith.constant 0 : i32
    %c0_i32_0 = arith.constant 0 : i32
    %c0_i32_1 = arith.constant 0 : i32
    return %c0_i32, %arg0, %c0_i32_0 : i32, i32, i32
  }
  func.func @transform_1(%arg0: i32) -> (i32, i32, i32) {
    %c0_i32 = arith.constant 0 : i32
    %c0_i32_0 = arith.constant 0 : i32
    %c0_i32_1 = arith.constant 0 : i32
    return %c0_i32, %arg0, %c0_i32_0 : i32, i32, i32
  }
  func.func @transform_2(%arg0: i32) -> (i32, i32) {
    %c0_i32 = arith.constant 0 : i32
    %c0_i32_0 = arith.constant 0 : i32
    return %arg0, %c0_i32 : i32, i32
  }
  func.func @transform_3(%arg0: i32) -> (i32, i32) {
    %c0_i32 = arith.constant 0 : i32
    %c0_i32_0 = arith.constant 0 : i32
    %c0_i32_1 = arith.constant 0 : i32
    return %c0_i32, %c0_i32_0 : i32, i32
  }
  func.func @transform_4(%arg0: i32) -> (i32, i32) {
    %c0_i32 = arith.constant 0 : i32
    %c0_i32_0 = arith.constant 0 : i32
    %c0_i32_1 = arith.constant 0 : i32
    return %c0_i32, %c0_i32_0 : i32, i32
  }
  func.func @transform_5(%arg0: i32) -> (i32, i32, i32) {
    %c0_i32 = arith.constant 0 : i32
    %c0_i32_0 = arith.constant 0 : i32
    %c0_i32_1 = arith.constant 0 : i32
    return %c0_i32, %arg0, %c0_i32_0 : i32, i32, i32
  }
}

module attributes {stable_mosaic.version = 14 : i64} {
  func.func @_dense1_body(%arg0: i32, %arg1: memref<2x2048x128xf32, #tpu.memory_space<vmem>>, %arg2: memref<2048x128xf32, #tpu.memory_space<vmem>>, %arg3: memref<2048x1xf32, #tpu.memory_space<vmem>>, %arg4: memref<128x256xf32, #tpu.memory_space<vmem>>, %arg5: memref<1x256xf32, #tpu.memory_space<vmem>>, %arg6: memref<2x2048x128xf32, #tpu.memory_space<vmem>>) attributes {dimension_semantics = [#tpu.dimension_semantics<arbitrary>], iteration_bounds = array<i64: 5>, scalar_prefetch = 0 : i64, scratch_operands = 0 : i64, tpu.core_type = #tpu.core_type<tc>, window_params = [{transform_indices = @transform_0, window_bounds = array<i64: 2, 2048, 128>}, {transform_indices = @transform_1, window_bounds = array<i64: 2048, 128>}, {transform_indices = @transform_2, window_bounds = array<i64: 2048, 1>}, {pipeline_mode = #tpu.pipeline_mode<synchronous>, transform_indices = @transform_3, window_bounds = array<i64: 128, 256>}, {pipeline_mode = #tpu.pipeline_mode<synchronous>, transform_indices = @transform_4, window_bounds = array<i64: 1, 256>}, {transform_indices = @transform_5, window_bounds = array<i64: 2, 2048, 128>}]} {
    %get3A = arith.constant 0 : index
    %get3A_0 = arith.constant 0 : index
    %get3A_1 = vector.load %arg3[%get3A, %get3A_0] : memref<2048x1xf32, #tpu.memory_space<vmem>>, vector<2048x1xf32>
    %get3A_2 = arith.constant 0 : index
    %get3A_3 = arith.constant 0 : index
    %get3A_4 = arith.constant 0 : index
    %get3A_5 = vector.load %arg1[%get3A_2, %get3A_3, %get3A_4] : memref<2x2048x128xf32, #tpu.memory_space<vmem>>, vector<1x2048x128xf32>
    %get3A_6 = vector.shape_cast %get3A_5 : vector<1x2048x128xf32> to vector<2048x128xf32>
    %get3A_7 = arith.constant 1 : index
    %get3A_8 = arith.constant 0 : index
    %get3A_9 = arith.constant 0 : index
    %get3A_10 = vector.load %arg1[%get3A_7, %get3A_8, %get3A_9] : memref<2x2048x128xf32, #tpu.memory_space<vmem>>, vector<1x2048x128xf32>
    %get3A_11 = vector.shape_cast %get3A_10 : vector<1x2048x128xf32> to vector<2048x128xf32>
    %add3A = arith.addf %get3A_6, %get3A_11 : vector<2048x128xf32>
    %get3A_12 = arith.constant 0 : index
    %get3A_13 = arith.constant 0 : index
    %get3A_14 = vector.load %arg2[%get3A_12, %get3A_13] : memref<2048x128xf32, #tpu.memory_space<vmem>>, vector<2048x128xf32>
    %add3A_15 = arith.addf %add3A, %get3A_14 : vector<2048x128xf32>
    %mul3A = vector.broadcast %get3A_1 : vector<2048x1xf32> to vector<2048x128xf32>
    %mul3A_16 = arith.mulf %add3A_15, %mul3A : vector<2048x128xf32>
    %get3A_17 = arith.constant 0 : index
    %get3A_18 = arith.constant 0 : index
    %get3A_19 = vector.load %arg4[%get3A_17, %get3A_18] : memref<128x256xf32, #tpu.memory_space<vmem>>, vector<128x256xf32>
    %dot_general3A = arith.constant dense<0.000000e+00> : vector<2048x256xf32>
    %dot_general3A_20 = tpu.matmul %mul3A_16, %get3A_19, %dot_general3A {dimension_numbers = #tpu.dot_dimension_numbers<[1], [0], [0], [1], [0, 0, 1, 1], [], []>, transpose_lhs_hint = false} : vector<2048x128xf32>, vector<128x256xf32>, vector<2048x256xf32> -> vector<2048x256xf32>
    %get3A_21 = arith.constant 0 : index
    %get3A_22 = arith.constant 0 : index
    %get3A_23 = vector.load %arg5[%get3A_21, %get3A_22] : memref<1x256xf32, #tpu.memory_space<vmem>>, vector<1x256xf32>
    %add3A_24 = vector.broadcast %get3A_23 : vector<1x256xf32> to vector<2048x256xf32>
    %add3A_25 = arith.addf %dot_general3A_20, %add3A_24 : vector<2048x256xf32>
    %max3A = arith.constant 0.000000e+00 : f32
    %max3A_26 = vector.broadcast %max3A : f32 to vector<2048x256xf32>
    %max3A_27 = arith.maximumf %add3A_25, %max3A_26 : vector<2048x256xf32>
    %mul3A_28 = vector.broadcast %get3A_1 : vector<2048x1xf32> to vector<2048x256xf32>
    %mul3A_29 = arith.mulf %max3A_27, %mul3A_28 : vector<2048x256xf32>
    %slice3A = vector.extract_strided_slice %mul3A_29 {offsets = [0, 0], sizes = [2048, 128], strides = [1, 1]} : vector<2048x256xf32> to vector<2048x128xf32>
    %swap3A = arith.constant 0 : index
    %swap3A_30 = arith.constant 0 : index
    %swap3A_31 = arith.constant 0 : index
    %swap3A_32 = vector.load %arg6[%swap3A, %swap3A_30, %swap3A_31] : memref<2x2048x128xf32, #tpu.memory_space<vmem>>, vector<1x2048x128xf32>
    %swap3A_33 = vector.shape_cast %swap3A_32 : vector<1x2048x128xf32> to vector<2048x128xf32>
    %swap3A_34 = vector.shape_cast %slice3A : vector<2048x128xf32> to vector<1x2048x128xf32>
    tpu.vector_store %arg6[%swap3A, %swap3A_30, %swap3A_31], %swap3A_34 {strides = array<i32>} : memref<2x2048x128xf32, #tpu.memory_space<vmem>>, vector<1x2048x128xf32>,
    %slice3A_35 = vector.extract_strided_slice %mul3A_29 {offsets = [0, 128], sizes = [2048, 128], strides = [1, 1]} : vector<2048x256xf32> to vector<2048x128xf32>
    %swap3A_36 = arith.constant 1 : index
    %swap3A_37 = arith.constant 0 : index
    %swap3A_38 = arith.constant 0 : index
    %swap3A_39 = vector.load %arg6[%swap3A_36, %swap3A_37, %swap3A_38] : memref<2x2048x128xf32, #tpu.memory_space<vmem>>, vector<1x2048x128xf32>
    %swap3A_40 = vector.shape_cast %swap3A_39 : vector<1x2048x128xf32> to vector<2048x128xf32>
    %swap3A_41 = vector.shape_cast %slice3A_35 : vector<2048x128xf32> to vector<1x2048x128xf32>
    tpu.vector_store %arg6[%swap3A_36, %swap3A_37, %swap3A_38], %swap3A_41 {strides = array<i32>} : memref<2x2048x128xf32, #tpu.memory_space<vmem>>, vector<1x2048x128xf32>,
    return
  }
  func.func @transform_0(%arg0: i32) -> (i32, i32, i32) {
    %c0_i32 = arith.constant 0 : i32
    %c0_i32_0 = arith.constant 0 : i32
    %c0_i32_1 = arith.constant 0 : i32
    return %c0_i32, %arg0, %c0_i32_0 : i32, i32, i32
  }
  func.func @transform_1(%arg0: i32) -> (i32, i32) {
    %c0_i32 = arith.constant 0 : i32
    %c0_i32_0 = arith.constant 0 : i32
    return %arg0, %c0_i32 : i32, i32
  }
  func.func @transform_2(%arg0: i32) -> (i32, i32) {
    %c0_i32 = arith.constant 0 : i32
    %c0_i32_0 = arith.constant 0 : i32
    return %arg0, %c0_i32 : i32, i32
  }
  func.func @transform_3(%arg0: i32) -> (i32, i32) {
    %c0_i32 = arith.constant 0 : i32
    %c0_i32_0 = arith.constant 0 : i32
    %c0_i32_1 = arith.constant 0 : i32
    return %c0_i32, %c0_i32_0 : i32, i32
  }
  func.func @transform_4(%arg0: i32) -> (i32, i32) {
    %c0_i32 = arith.constant 0 : i32
    %c0_i32_0 = arith.constant 0 : i32
    %c0_i32_1 = arith.constant 0 : i32
    return %c0_i32, %c0_i32_0 : i32, i32
  }
  func.func @transform_5(%arg0: i32) -> (i32, i32, i32) {
    %c0_i32 = arith.constant 0 : i32
    %c0_i32_0 = arith.constant 0 : i32
    %c0_i32_1 = arith.constant 0 : i32
    return %c0_i32, %arg0, %c0_i32_0 : i32, i32, i32
  }
}

module attributes {stable_mosaic.version = 14 : i64} {
  func.func @_pool_body(%arg0: i32, %arg1: memref<2x2048x128xf32, #tpu.memory_space<vmem>>, %arg2: memref<2x2048x128xf32, #tpu.memory_space<vmem>>, %arg3: memref<2048x1xf32, #tpu.memory_space<vmem>>, %arg4: memref<2048x1xi32, #tpu.memory_space<vmem>>, %arg5: memref<128x256xf32, #tpu.memory_space<vmem>>, %arg6: memref<1x128xf32, #tpu.memory_space<vmem>>) attributes {dimension_semantics = [#tpu.dimension_semantics<arbitrary>], iteration_bounds = array<i64: 5>, scalar_prefetch = 0 : i64, scratch_operands = 0 : i64, tpu.core_type = #tpu.core_type<tc>, window_params = [{transform_indices = @transform_0, window_bounds = array<i64: 2, 2048, 128>}, {transform_indices = @transform_1, window_bounds = array<i64: 2, 2048, 128>}, {transform_indices = @transform_2, window_bounds = array<i64: 2048, 1>}, {transform_indices = @transform_3, window_bounds = array<i64: 2048, 1>}, {pipeline_mode = #tpu.pipeline_mode<synchronous>, transform_indices = @transform_4, window_bounds = array<i64: 128, 256>}, {pipeline_mode = #tpu.pipeline_mode<synchronous>, transform_indices = @transform_5, window_bounds = array<i64: 1, 128>}]} {
    %get3A = arith.constant 0 : index
    %get3A_0 = arith.constant 0 : index
    %get3A_1 = vector.load %arg3[%get3A, %get3A_0] : memref<2048x1xf32, #tpu.memory_space<vmem>>, vector<2048x1xf32>
    %get3A_2 = arith.constant 0 : index
    %get3A_3 = arith.constant 0 : index
    %get3A_4 = arith.constant 0 : index
    %get3A_5 = vector.load %arg1[%get3A_2, %get3A_3, %get3A_4] : memref<2x2048x128xf32, #tpu.memory_space<vmem>>, vector<1x2048x128xf32>
    %get3A_6 = vector.shape_cast %get3A_5 : vector<1x2048x128xf32> to vector<2048x128xf32>
    %get3A_7 = arith.constant 1 : index
    %get3A_8 = arith.constant 0 : index
    %get3A_9 = arith.constant 0 : index
    %get3A_10 = vector.load %arg1[%get3A_7, %get3A_8, %get3A_9] : memref<2x2048x128xf32, #tpu.memory_space<vmem>>, vector<1x2048x128xf32>
    %get3A_11 = vector.shape_cast %get3A_10 : vector<1x2048x128xf32> to vector<2048x128xf32>
    %concatenate3A = tpu.concatenate %get3A_6, %get3A_11 in 1 : vector<2048x128xf32>, vector<2048x128xf32> -> vector<2048x256xf32>
    %get3A_12 = arith.constant 0 : index
    %get3A_13 = arith.constant 0 : index
    %get3A_14 = arith.constant 0 : index
    %get3A_15 = vector.load %arg2[%get3A_12, %get3A_13, %get3A_14] : memref<2x2048x128xf32, #tpu.memory_space<vmem>>, vector<1x2048x128xf32>
    %get3A_16 = vector.shape_cast %get3A_15 : vector<1x2048x128xf32> to vector<2048x128xf32>
    %get3A_17 = arith.constant 1 : index
    %get3A_18 = arith.constant 0 : index
    %get3A_19 = arith.constant 0 : index
    %get3A_20 = vector.load %arg2[%get3A_17, %get3A_18, %get3A_19] : memref<2x2048x128xf32, #tpu.memory_space<vmem>>, vector<1x2048x128xf32>
    %get3A_21 = vector.shape_cast %get3A_20 : vector<1x2048x128xf32> to vector<2048x128xf32>
    %concatenate3A_22 = tpu.concatenate %get3A_16, %get3A_21 in 1 : vector<2048x128xf32>, vector<2048x128xf32> -> vector<2048x256xf32>
    %add3A = arith.addf %concatenate3A, %concatenate3A_22 : vector<2048x256xf32>
    %mul3A = vector.broadcast %get3A_1 : vector<2048x1xf32> to vector<2048x256xf32>
    %mul3A_23 = arith.mulf %add3A, %mul3A : vector<2048x256xf32>
    %iota3A = tpu.iota {dimensions = array<i32: 1>} : vector<1x128xi32>
    %get3A_24 = arith.constant 0 : index
    %get3A_25 = arith.constant 0 : index
    %get3A_26 = vector.load %arg4[%get3A_24, %get3A_25] : memref<2048x1xi32, #tpu.memory_space<vmem>>, vector<2048x1xi32>
    %eq3A = vector.broadcast %get3A_26 : vector<2048x1xi32> to vector<2048x128xi32>
    %eq3A_27 = vector.broadcast %iota3A : vector<1x128xi32> to vector<2048x128xi32>
    %eq3A_28 = arith.cmpi eq, %eq3A, %eq3A_27 : vector<2048x128xi32>
    %convert_element_type3A = arith.extui %eq3A_28 : vector<2048x128xi1> to vector<2048x128xi32>
    %convert_element_type3A_29 = arith.sitofp %convert_element_type3A : vector<2048x128xi32> to vector<2048x128xf32>
    %eq3A_30 = arith.constant 0 : i32
    %eq3A_31 = arith.cmpi eq, %arg0, %eq3A_30 : i32
    %convert_element_type3A_32 = arith.extui %eq3A_31 : i1 to i32
    %cond3A = arith.constant 0 : i32
    %cond3A_33 = arith.cmpi ne, %convert_element_type3A_32, %cond3A : i32
    scf.if %cond3A_33 {
      %broadcast_in_dim3A_49 = arith.constant 0.000000e+00 : f32
      %broadcast_in_dim3A_50 = vector.broadcast %broadcast_in_dim3A_49 : f32 to vector<128x256xf32>
      %swap3A_51 = arith.constant 0 : index
      %swap3A_52 = arith.constant 0 : index
      %swap3A_53 = vector.load %arg5[%swap3A_51, %swap3A_52] : memref<128x256xf32, #tpu.memory_space<vmem>>, vector<128x256xf32>
      tpu.vector_store %arg5[%swap3A_51, %swap3A_52], %broadcast_in_dim3A_50 {strides = array<i32>} : memref<128x256xf32, #tpu.memory_space<vmem>>, vector<128x256xf32>,
      %broadcast_in_dim3A_54 = arith.constant 0.000000e+00 : f32
      %broadcast_in_dim3A_55 = vector.broadcast %broadcast_in_dim3A_54 : f32 to vector<1x128xf32>
      %swap3A_56 = arith.constant 0 : index
      %swap3A_57 = arith.constant 0 : index
      %swap3A_58 = vector.load %arg6[%swap3A_56, %swap3A_57] : memref<1x128xf32, #tpu.memory_space<vmem>>, vector<1x128xf32>
      tpu.vector_store %arg6[%swap3A_56, %swap3A_57], %broadcast_in_dim3A_55 {strides = array<i32>} : memref<1x128xf32, #tpu.memory_space<vmem>>, vector<1x128xf32>,
    } else {
    }
    %get3A_34 = arith.constant 0 : index
    %get3A_35 = arith.constant 0 : index
    %get3A_36 = vector.load %arg5[%get3A_34, %get3A_35] : memref<128x256xf32, #tpu.memory_space<vmem>>, vector<128x256xf32>
    %dot_general3A = arith.constant dense<0.000000e+00> : vector<128x256xf32>
    %dot_general3A_37 = tpu.matmul %convert_element_type3A_29, %mul3A_23, %dot_general3A {dimension_numbers = #tpu.dot_dimension_numbers<[0], [0], [1], [1], [0, 1, 1, 1], [], []>, transpose_lhs_hint = false} : vector<2048x128xf32>, vector<2048x256xf32>, vector<128x256xf32> -> vector<128x256xf32>
    %add3A_38 = arith.addf %get3A_36, %dot_general3A_37 : vector<128x256xf32>
    %swap3A = arith.constant 0 : index
    %swap3A_39 = arith.constant 0 : index
    %swap3A_40 = vector.load %arg5[%swap3A, %swap3A_39] : memref<128x256xf32, #tpu.memory_space<vmem>>, vector<128x256xf32>
    tpu.vector_store %arg5[%swap3A, %swap3A_39], %add3A_38 {strides = array<i32>} : memref<128x256xf32, #tpu.memory_space<vmem>>, vector<128x256xf32>,
    %get3A_41 = arith.constant 0 : index
    %get3A_42 = arith.constant 0 : index
    %get3A_43 = vector.load %arg6[%get3A_41, %get3A_42] : memref<1x128xf32, #tpu.memory_space<vmem>>, vector<1x128xf32>
    %reduce_sum3A = arith.constant dense<0.000000e+00> : vector<128xf32>
    %reduce_sum3A_44 = vector.multi_reduction <add>, %convert_element_type3A_29, %reduce_sum3A [0] : vector<2048x128xf32> to vector<128xf32>
    %broadcast_in_dim3A = vector.shape_cast %reduce_sum3A_44 : vector<128xf32> to vector<1x128xf32>
    %add3A_45 = arith.addf %get3A_43, %broadcast_in_dim3A : vector<1x128xf32>
    %swap3A_46 = arith.constant 0 : index
    %swap3A_47 = arith.constant 0 : index
    %swap3A_48 = vector.load %arg6[%swap3A_46, %swap3A_47] : memref<1x128xf32, #tpu.memory_space<vmem>>, vector<1x128xf32>
    tpu.vector_store %arg6[%swap3A_46, %swap3A_47], %add3A_45 {strides = array<i32>} : memref<1x128xf32, #tpu.memory_space<vmem>>, vector<1x128xf32>,
    return
  }
  func.func @transform_0(%arg0: i32) -> (i32, i32, i32) {
    %c0_i32 = arith.constant 0 : i32
    %c0_i32_0 = arith.constant 0 : i32
    %c0_i32_1 = arith.constant 0 : i32
    return %c0_i32, %arg0, %c0_i32_0 : i32, i32, i32
  }
  func.func @transform_1(%arg0: i32) -> (i32, i32, i32) {
    %c0_i32 = arith.constant 0 : i32
    %c0_i32_0 = arith.constant 0 : i32
    %c0_i32_1 = arith.constant 0 : i32
    return %c0_i32, %arg0, %c0_i32_0 : i32, i32, i32
  }
  func.func @transform_2(%arg0: i32) -> (i32, i32) {
    %c0_i32 = arith.constant 0 : i32
    %c0_i32_0 = arith.constant 0 : i32
    return %arg0, %c0_i32 : i32, i32
  }
  func.func @transform_3(%arg0: i32) -> (i32, i32) {
    %c0_i32 = arith.constant 0 : i32
    %c0_i32_0 = arith.constant 0 : i32
    return %arg0, %c0_i32 : i32, i32
  }
  func.func @transform_4(%arg0: i32) -> (i32, i32) {
    %c0_i32 = arith.constant 0 : i32
    %c0_i32_0 = arith.constant 0 : i32
    %c0_i32_1 = arith.constant 0 : i32
    return %c0_i32, %c0_i32_0 : i32, i32
  }
  func.func @transform_5(%arg0: i32) -> (i32, i32) {
    %c0_i32 = arith.constant 0 : i32
    %c0_i32_0 = arith.constant 0 : i32
    %c0_i32_1 = arith.constant 0 : i32
    return %c0_i32, %c0_i32_0 : i32, i32
  }
}

module attributes {stable_mosaic.version = 14 : i64} {
  func.func @_head_body(%arg0: memref<128x256xf32, #tpu.memory_space<vmem>>, %arg1: memref<1x128xf32, #tpu.memory_space<vmem>>, %arg2: memref<256x256xf32, #tpu.memory_space<vmem>>, %arg3: memref<1x256xf32, #tpu.memory_space<vmem>>, %arg4: memref<256x10xf32, #tpu.memory_space<vmem>>, %arg5: memref<1x10xf32, #tpu.memory_space<vmem>>, %arg6: memref<128x10xf32, #tpu.memory_space<vmem>>) attributes {dimension_semantics = [], scalar_prefetch = 0 : i64, scratch_operands = 0 : i64, tpu.core_type = #tpu.core_type<tc>} {
    %get3A = arith.constant 0 : index
    %get3A_0 = arith.constant 0 : index
    %get3A_1 = vector.load %arg1[%get3A, %get3A_0] : memref<1x128xf32, #tpu.memory_space<vmem>>, vector<1x128xf32>
    %squeeze3A = vector.shape_cast %get3A_1 : vector<1x128xf32> to vector<128xf32>
    %broadcast_in_dim3A = vector.shape_cast %squeeze3A : vector<128xf32> to vector<128x1xf32>
    %get3A_2 = arith.constant 0 : index
    %get3A_3 = arith.constant 0 : index
    %get3A_4 = vector.load %arg0[%get3A_2, %get3A_3] : memref<128x256xf32, #tpu.memory_space<vmem>>, vector<128x256xf32>
    %get3A_5 = arith.constant 0 : index
    %get3A_6 = arith.constant 0 : index
    %get3A_7 = vector.load %arg2[%get3A_5, %get3A_6] : memref<256x256xf32, #tpu.memory_space<vmem>>, vector<256x256xf32>
    %dot_general3A = arith.constant dense<0.000000e+00> : vector<128x256xf32>
    %dot_general3A_8 = tpu.matmul %get3A_4, %get3A_7, %dot_general3A {dimension_numbers = #tpu.dot_dimension_numbers<[1], [0], [0], [1], [0, 0, 1, 1], [], []>, transpose_lhs_hint = false} : vector<128x256xf32>, vector<256x256xf32>, vector<128x256xf32> -> vector<128x256xf32>
    %get3A_9 = arith.constant 0 : index
    %get3A_10 = arith.constant 0 : index
    %get3A_11 = vector.load %arg3[%get3A_9, %get3A_10] : memref<1x256xf32, #tpu.memory_space<vmem>>, vector<1x256xf32>
    %mul3A = vector.broadcast %broadcast_in_dim3A : vector<128x1xf32> to vector<128x256xf32>
    %mul3A_12 = vector.broadcast %get3A_11 : vector<1x256xf32> to vector<128x256xf32>
    %mul3A_13 = arith.mulf %mul3A, %mul3A_12 : vector<128x256xf32>
    %add3A = arith.addf %dot_general3A_8, %mul3A_13 : vector<128x256xf32>
    %get3A_14 = arith.constant 0 : index
    %get3A_15 = arith.constant 0 : index
    %get3A_16 = vector.load %arg4[%get3A_14, %get3A_15] : memref<256x10xf32, #tpu.memory_space<vmem>>, vector<256x10xf32>
    %dot_general3A_17 = arith.constant dense<0.000000e+00> : vector<128x10xf32>
    %dot_general3A_18 = tpu.matmul %add3A, %get3A_16, %dot_general3A_17 {dimension_numbers = #tpu.dot_dimension_numbers<[1], [0], [0], [1], [0, 0, 1, 1], [], []>, transpose_lhs_hint = false} : vector<128x256xf32>, vector<256x10xf32>, vector<128x10xf32> -> vector<128x10xf32>
    %get3A_19 = arith.constant 0 : index
    %get3A_20 = arith.constant 0 : index
    %get3A_21 = vector.load %arg5[%get3A_19, %get3A_20] : memref<1x10xf32, #tpu.memory_space<vmem>>, vector<1x10xf32>
    %add3A_22 = vector.broadcast %get3A_21 : vector<1x10xf32> to vector<128x10xf32>
    %add3A_23 = arith.addf %dot_general3A_18, %add3A_22 : vector<128x10xf32>
    %swap3A = arith.constant 0 : index
    %swap3A_24 = arith.constant 0 : index
    %swap3A_25 = vector.load %arg6[%swap3A, %swap3A_24] : memref<128x10xf32, #tpu.memory_space<vmem>>, vector<128x10xf32>
    tpu.vector_store %arg6[%swap3A, %swap3A_24], %add3A_23 {strides = array<i32>} : memref<128x10xf32, #tpu.memory_space<vmem>>, vector<128x10xf32>,
    return
  }
}

</mosaic_0001>

<sc_bundles>
// kernel: kernel.11.cloned.1.call-start
scs
__scs_entry_jumppad:
0x0: {  	(pc) =	sbr.rel $0x88, $3  }
0x1: {  	(tag) =	ssettag $0x0;
	lr =	simm.s32 $0x1  }
0x2: {  	[smem:$0x3F96] =	sst lr;
	_ =	strace $0xD0000000  }
0x3: {  	_ = 	snop  }
0x4: {  	_ = 	snop  }
0x5: {  	_ = 	snop  }
0x6: {  	_ = 	snop  }
0x7: {  	_ = 	snop  }
__scs_overlays_trampoline_lowered:
0x8: {  	[smem:$0x3FA5] =	sst s0  }
0x9: {  	[smem:$0x3FA6] =	sst s1  }
0xa: {  	[smem:$0x3FA7] =	sst s2  }
0xb: {  	[smem:$0x3FA8] =	sst s3  }
0xc: {  	[smem:$0x3FA9] =	sst s4  }
0xd: {  	[smem:$0x3FAA] =	sst s5  }
0xe: {  	[smem:$0x3FAB] =	sst s6  }
0xf: {  	[smem:$0x3FAC] =	sst s7  }
0x10: {  	[smem:$0x3FAD] =	sst s8  }
0x11: {  	[smem:$0x3FAE] =	sst s9;
	s0 =	simm.s32 @!p0 $0x0  }
0x12: {  	s1 =	sld [smem:$0x3F94];
	s0 =	simm.s32 @p0 $0x1  }
0x13: {  	[smem:$0x3FAF] =	sst s0;
	s0 =	simm.s32 @!p1 $0x0  }
0x14: {  	s2 =	sld [smem:$0x3F93];
	s0 =	simm.s32 @p1 $0x1  }
0x15: {  	[smem:$0x3FB0] =	sst s0;
	s0 =	simm.s32 @!p2 $0x0  }
0x16: {  	s3 =	sld [smem:$0x3FDB];
	s0 =	simm.s32 @p2 $0x1  }
0x17: {  	s4 =	simm.s32 $0x1BF5;
	[smem:$0x3FB2] =	sst s0  }
0x18: {  	s0 =	sld [smem:$0x3F95];
	_ =	swait.ge [sflag:s4], $0x0  }
0x19: {  	s7 =	sld [smem:$0x3F96]  }
0x1a: {  	s8 =	sadd.s32 $0xFFFFE003, lr  }
0x1b: {  	s9 =	sadd.s32 $0xFFFFFEF7, lr;
	s5 =	simm.s32 $0xFFFFFFFF;
	p2 =	slt.u32 s8, $0xFFFFF086  }
0x1c: {  	p1 =	slt.u32 s9, $0xF7A;
	s5 =	simm.s32 @!p2 $0x0  }
0x1d: {  	s5 =	simm.s32 @p1 $0x1;
	p0 =	seq.s32 s7, s2  }
0x1e: {  	s7 =	smul.u32 @!p0 $0xF7A, s2;
	p2 =	seq.s32 @!p0 s5, $0x0  }
0x1f: {  	s9 =	smul.u32 $0xF7A, s1;
	s8 =	simm.s32 @!p0 $0x1BF5;
	p2 =	por !p2, p0  }
0x20: {  	[sflag:s8] =	ssyncset.s32 @!p0 $0xFFFFF086;
	s6 =	sadd.s32 @!p0 s3, s7;
	s7 =	simm.s32 @!p0 $0x108  }
0x21: {  	s3 =	sadd.s32 s3, s9;
	s6 =	sadd.s32 @!p0 $0x88, s6;
	s7 =	simm.s32 @p2 $0x1082  }
0x22: {  	[simem:s7], [sflag:s8] =	dma.local @!p0 [hbm:s6], $0xF7A  }
0x23: {  	s9 =	sor.u32 $0xD0000000, s2;
	s6 =	simm.s32 $0x108;
	_ =	swait.ge @!p0 [sflag:s8], $0x0  }
0x24: {  	s3 =	sadd.s32 $0x88, s3;
	s6 =	simm.s32 @!p1 $0x1082;
	[sflag:s4] =	ssyncset.s32 $0xFFFFF086  }
0x25: {  	[simem:s6], [sflag:s4] =	dma.local [hbm:s3], $0xF7A  }
0x26: {  	[smem:$0x3F96] =	sst s1;
	(tag) =	ssettag s2;
	_ =	strace s9  }
0x27: {  	s1 =	sld [smem:$0x3FA6]  }
0x28: {  	s2 =	sld [smem:$0x3FA7]  }
0x29: {  	s4 =	sld [smem:$0x3FA9]  }
0x2a: {  	p0 =	seq.s32 s5, $0x0;
	s5 =	sld [smem:$0x3FAA]  }
0x2b: {  	s6 =	sld [smem:$0x3FAB]  }
0x2c: {  	s7 =	sld [smem:$0x3FAC]  }
0x2d: {  	s3 =	simm.s32 $0x108;
	s8 =	sld [smem:$0x3FAD]  }
0x2e: {  	s3 =	simm.s32 @!p0 $0x1082;
	s9 =	sld [smem:$0x3FAE]  }
0x2f: {  	lr =	sadd.s32 s0, s3;
	s0 =	sld [smem:$0x3FA5]  }
0x30: {  	s3 =	sld [smem:$0x3FA8]  }
0x31: {  	[smem:$0x3FB1] =	sst s10  }
0x32: {  	s10 =	sld [smem:$0x3FAF];
	_ =	sdelay $0x3  }
0x33: {  	p0 =	seq.s32 s10, $0x1;
	s10 =	sld [smem:$0x3FB1];
	_ =	sdelay $0x3  }
0x34: {  	[smem:$0x3FB1] =	sst s10  }
0x35: {  	s10 =	sld [smem:$0x3FB0];
	_ =	sdelay $0x3  }
0x36: {  	p1 =	seq.s32 s10, $0x1;
	s10 =	sld [smem:$0x3FB1];
	_ =	sdelay $0x3  }
0x37: {  	[smem:$0x3FB1] =	sst s10  }
0x38: {  	s10 =	sld [smem:$0x3FB2]  }
0x39: {  	_ = 	snop;
	(pc) =	sbr.ind lr, $3  }
0x3a: {  	_ = 	snop  }
0x3b: {  	_ = 	snop  }
0x3c: {  	p2 =	seq.s32 s10, $0x1;
	s10 =	sld [smem:$0x3FB1]  }
0x3d: {  	_ =	shalt  }
0x3e: {  	_ =	shalt  }
0x3f: {  	_ =	shalt  }
0x40: {  	_ =	shalt  }
0x41: {  	_ =	shalt  }
0x42: {  	_ =	shalt  }
0x43: {  	_ =	shalt  }
0x44: {  	_ =	shalt  }
0x45: {  	_ =	shalt  }
0x46: {  	_ =	shalt  }
0x47: {  	_ =	shalt  }
0x48: {  	_ =	shalt  }
0x49: {  	_ =	shalt  }
0x4a: {  	_ =	shalt  }
0x4b: {  	_ =	shalt  }
0x4c: {  	_ =	shalt  }
0x4d: {  	_ =	shalt  }
0x4e: {  	_ =	shalt  }
0x4f: {  	_ =	shalt  }
0x50: {  	_ =	shalt  }
0x51: {  	_ =	shalt  }
0x52: {  	_ =	shalt  }
0x53: {  	_ =	shalt  }
0x54: {  	_ =	shalt  }
0x55: {  	_ =	shalt  }
0x56: {  	_ =	shalt  }
0x57: {  	_ =	shalt  }
0x58: {  	_ =	shalt  }
0x59: {  	_ =	shalt  }
0x5a: {  	_ =	shalt  }
0x5b: {  	_ =	shalt  }
0x5c: {  	_ =	shalt  }
0x5d: {  	_ =	shalt  }
0x5e: {  	_ =	shalt  }
0x5f: {  	_ =	shalt  }
0x60: {  	_ =	shalt  }
0x61: {  	_ =	shalt  }
0x62: {  	_ =	shalt  }
0x63: {  	_ =	shalt  }
0x64: {  	_ =	shalt  }
0x65: {  	_ =	shalt  }
0x66: {  	_ =	shalt  }
0x67: {  	_ =	shalt  }
0x68: {  	_ =	shalt  }
0x69: {  	_ =	shalt  }
0x6a: {  	_ =	shalt  }
0x6b: {  	_ =	shalt  }
0x6c: {  	_ =	shalt  }
0x6d: {  	_ =	shalt  }
0x6e: {  	_ =	shalt  }
0x6f: {  	_ =	shalt  }
0x70: {  	_ =	shalt  }
0x71: {  	_ =	shalt  }
0x72: {  	_ =	shalt  }
0x73: {  	_ =	shalt  }
0x74: {  	_ =	shalt  }
0x75: {  	_ =	shalt  }
0x76: {  	_ =	shalt  }
0x77: {  	_ =	shalt  }
0x78: {  	_ =	shalt  }
0x79: {  	_ =	shalt  }
0x7a: {  	_ =	shalt  }
0x7b: {  	_ =	shalt  }
0x7c: {  	_ =	shalt  }
0x7d: {  	_ =	shalt  }
0x7e: {  	_ =	shalt  }
0x7f: {  	_ =	shalt  }
0x80: {  	_ =	shalt  }
0x81: {  	_ =	shalt  }
0x82: {  	_ =	shalt  }
0x83: {  	_ =	shalt  }
0x84: {  	_ =	shalt  }
0x85: {  	_ =	shalt  }
0x86: {  	_ =	shalt  }
0x87: {  	_ =	shalt  }
.Lfunc_end0:
.L_simem_size_0:
called_computation_lowered:
.L_overlay_start_0:
0x88: {  	s2 =	sld [smem:$0x3FD9]  }
0x89: {  	s3 =	sld [smem:$0x3FFE];
	_ =	sdelay $0x1  }
0x8a: {  	s1 =	srdreg.scid  }
0x8b: {  	s0 =	sand.u32 $0x1, s1  }
0x8c: {  	s16 =	sshll.u32 s0, $0xA;
	s2 =	sadd.s32 s3, s2  }
0x8d: {  	s2 =	sadd.s32 s2, s16  }
0x8e: {  	[smem:$0x3FBD] =	sst s2  }
0x8f: {  	_ = 	snop  }
0x90: {  	(tm) =	ssettm $0x1  }
0x91: {  	s17 =	sld [smem:$0x3FFB];
	_ =	sdelay $0x3  }
0x92: {  	_ =	strace s17  }
0x93: {  	s2 =	sld [smem:$0x3FFC];
	_ =	sdelay $0x3  }
0x94: {  	_ =	strace s2  }
0x95: {  	s2 =	sld [smem:$0x3FFD];
	_ =	sdelay $0x3  }
0x96: {  	_ =	strace s2  }
0x97: {  	_ =	strace $0x8FFFFFFF  }
0x98: {  	s18 =	sld [smem:$0x3FDB];
	_ =	sdelay $0x1  }
0x99: {  	s19 =	simm.s32 $_scs_section_size  }
0x9a: {  	s4 =	simm.s32 $_size__tile_overlayer_lowered;
	s5 =	simm.s32 $_tile_overlayer_lowered  }
0x9b: {  	s22 =	simm.s32 $0x1BFF;
	s21 =	sshll.u32 s5, $0x1;
	s2 =	sadd.s32 s19, s18  }
0x9c: {  	s6 =	simm.s32 $0x0;
	s20 =	sshll.u32 s4, $0x1;
	s4 =	sadd.s32 s21, s2  }
0x9d: {  	[timem:s6], [sflag:s22] =	dma.local [hbm:s4], s20  }
0x9e: {  	_ =	swait.ge [sflag:s22], s20  }
0x9f: {  	s3 =	ssub.s32 $0x0, s20;
	[sflag:s22] =	ssyncset.done $0x0  }
0xa0: {  	[sflag:s22] =	ssyncadd.s32 s3;
	_ =	sdelay $0x1  }
0xa1: {  	s23 =	simm.s32 $0x1B8B  }
0xa2: {  	_ =	swait.ge [sflag:s23], $0x1  }
0xa3: {  	[sflag:s23] =	ssyncset.done $0x0  }
0xa4: {  	s25 =	simm.s32 $0x1B8E;
	s24 =	sld [smem:$0x3FFE];
	[sflag:s23] =	ssyncadd.s32 $0xFFFFFFFF  }
0xa5: {  	s26 =	simm.s32 $execute0_lowered;
	[smem:$0x3FD2] =	sst s25  }
0xa6: {  	s4 =	sshll.u32 s26, $0x1;
	_ =	strace $0x80000046;
	[dreg:$0x1] =	wrdreg $0xFFFFFFFF  }
0xa7: {  	s28 =	simm.s32 $_size_execute0_lowered;
	s2 =	sadd.s32 s2, s4;
	[dreg:$0x0] =	wrdreg $0x0  }
0xa8: {  	s4 =	sshll.u32 s28, $0x1;
	[dreg:$0x2] =	wrdreg s2  }
0xa9: {  	[dreg:$0x3] =	wrdreg s4  }
0xaa: {  	[dreg:$0x4] =	wrdreg $0xC0  }
0xab: {  	_ =	task [dreg:s6], $0x5FFFF  }
0xac: {  	[dreg:$0x1] =	wrdreg $0xFFFFFFFF  }
0xad: {  	[dreg:$0x0] =	wrdreg $0x60  }
0xae: {  	[dreg:$0x2] =	wrdreg s24  }
0xaf: {  	[dreg:$0x3] =	wrdreg $0x0  }
0xb0: {  	[dreg:$0x4] =	wrdreg $0x9  }
0xb1: {  	_ =	task.clear_ibuf [dreg:s6], $0x5FFFF;
	_ =	strace $0x90000046  }
0xb2: {  	s29 =	simm.s32 $0x9;
	_ =	strace $0x80000048  }
0xb3: {  	_ =	swait.ge [sflag:s29], $0x1  }
0xb4: {  	[sflag:s29] =	ssyncadd.s32 $0xFFFFFFFF  }
0xb5: {  	_ =	strace $0x90000048  }
0xb6: {  	_ =	sfence  }
0xb7: {  	s30 =	sld [smem:$0x0];
	_ =	sdelay $0x2  }
0xb8: {  	s31 =	sshll.u32 s1, $0xD;
	s1 =	sshrl.u32 s1, $0x2  }
0xb9: {  	s3 =	sand.u32 $0x4000, s31;
	s1 =	sadd.s32 s1, s30  }
0xba: {  	s0 =	sor.u32 s3, s0;
	s1 =	sshll.u32 s1, $0x11  }
0xbb: {  	s0 =	sor.u32 s1, s0  }
0xbc: {  	s0 =	sadd.s32 $0x8F2B, s0  }
0xbd: {  	[sflag:s0] =	ssyncadd.remote.s32 $0x1  }
0xbe: {  	_ =	sfence.sel $0xFFFF  }
0xbf: {  	[dreg:$0x0] =	wrdreg $0xFFFFFFFF;
	(pc) =	sbr.abs _section_cstart, $3  }
0xc0: {  	[dreg:$0x1] =	wrdreg $0xFFFFFFFF  }
0xc1: {  	_ =	task.clear_ibuf [dreg:s6], $0x2FFFF;
	_ =	strace $0x9FFFFFFF  }
0xc2: {  	(tm) =	ssettm $0x7FFFFFFF  }
0xc3: {  	_ =	shalt  }
tec
execute0_lowered:
.L_overlay_start_1:
0x0: {  	(tag) =	ssettag $0x1  }
0x1: {  	s6 =	rddreg [dreg:$0x0]  }
0x2: {  	s2 =	rddreg [dreg:$0x1]  }
0x3: {  	s0 =	rddreg [dreg:$0x2];
	s1 =	stileid.u32  }
0x4: {  	s3 =	simm.s32 $0x0;
	s5 =	srdreg.scid;
	s4 =	smul.u32 $0xA00, s1  }
0x5: {  	s14 =	simm.s32 $0x80;
	[smem:$0x7FF] =	sst s3;
	s11 =	smul.u32 $0x50000, s1  }
0x6: {  	s7 =	sand.u32 $0x1, s5;
	s5 =	sadd.s32 $0xD000, s6;
	s16 =	smul.u32 $0x2800, s1  }
0x7: {  	s12 =	sshll.u32 s1, $0x6;
	_ =	strace $0x80000047;
	s9 =	smul.u32 $0x28000, s7  }
0x8: {  	s10 =	ssub.s32 $0x2, s7;
	s7 =	smul.u32 $0xA000, s7;
	s12 =	sor.u32 $0x1C01, s12  }
0x9: {  	s8 =	sadd.s32 s4, s6;
	s4 =	sadd.s32 $0xF800, s6;
	s29 =	sshrl.u32 s10, $0x1  }
0xa: {  	s30 =	sshrl.u32 s11, $0x2;
	s11 =	simm.s32 $0x19000;
	s9 =	sadd.s32 s9, s6  }
0xb: {  	s10 =	ssub.s32 s10, s29;
	s6 =	sadd.s32 $0x3000, s8;
	s13 =	sadd.s32 s30, s2  }
0xc: {  	s31 =	sshrl.u32 s7, $0x2;
	s15 =	sadd.s32 $0x10000, s9;
	s7 =	smax.u32 s10, $0x1  }
0xd: {  	s8 =	sor.u32 $0x14000, s31;
	s9 =	simm.s32 $0x14000;
	s10 =	simm.s32 $0x1  }
0xe: {  	s13 =	sshrl.u32 s13, $0x3;
	s15 =	sadd.s32 s16, s15;
	s16 =	simm.s32 $0x0  }
.LBB2_1:
0xf: {  	[tilespmem:s9], [sflag:$0x1] =	stream.linear.gather [hbm4b:s6+s3], $0x5000, $0x38;
	[tilespmem:$0x1D000] =	vst v63  }
0x10: {  	_ =	swait.ge [sflag:s10], $0x5000  }
0x11: {  	[sflag:s10] =	ssyncset.done $0x0  }
0x12: {  	[sflag:s10] =	ssyncadd.s32 $0xFFFFB000  }
0x13: {  	[tilespmem:s11], [sflag:$0x1] =	stream.linear.gather [hbm4b:s4+s3], $0x4000, $0x38;
	[tilespmem:$0x1D000] =	vst v63  }
0x14: {  	_ =	swait.ge [sflag:s10], $0x4000  }
0x15: {  	[sflag:s10] =	ssyncset.done $0x0  }
0x16: {  	[sflag:s10] =	ssyncadd.s32 $0xFFFFC000  }
0x17: {  	[spmem:s13], [sflag:s12] =	dma.local [hbm:s5], $0x2800  }
0x18: {  	_ =	swait.ge [sflag:s10], $0x2800  }
0x19: {  	[sflag:s10] =	ssyncset.done $0x0  }
0x1a: {  	[sflag:s10] =	ssyncadd.s32 $0xFFFFD800  }
0x1b: {  	s17 =	sadd.s32 $0x0, s8;
	[bflag:$0x0] =	sbarrier.arrive $0xFFFF  }
0x1c: {  	[spmem:s2] =	stream.indirect.scatter.add.f32 [tilespmem:s11], [sflag:$0x1], $0x80, s17, s14, $0xb8;
	[tilespmem:$0x1D000] =	vst v63  }
0x1d: {  	s17 =	simm.s32 $0x200;
	_ =	swait.ge [sflag:s10], $0x4000  }
.LBB2_2:
0x1e: {  	s18 =	sshra.s32 s17, $0x2;
	[sflag:s10] =	ssyncset.done $0x0;
	p0 =	sne.s32 s17, $0x9E00  }
.Ltmp0:
0x1f: {  	s18 =	sadd.s32 s18, s8;
	[sflag:s10] =	ssyncadd.s32 $0xFFFFC000;
	(pc) =	sbr.rel @p0 .LBB2_2-.Ltmp0, $3  }
0x20: {  	[spmem:s2] =	stream.indirect.scatter.add.f32 [tilespmem:s11], [sflag:$0x1], $0x80, s18, s14, $0xb8;
	[tilespmem:$0x1D000] =	vst v63  }
0x21: {  	s17 =	sadd.s32 $0x200, s17;
	_ =	sdelay $0x1  }
0x22: {  	_ =	swait.ge [sflag:s10], $0x4000  }
0x23: {  	[sflag:s10] =	ssyncset.done $0x0;
	s16 =	sadd.s32 $0x1, s16  }
0x24: {  	[sflag:s10] =	ssyncadd.s32 $0xFFFFC000;
	p0 =	sne.s32 s16, s7  }
.Ltmp1:
0x25: {  	[bflag:$0x0] =	sbarrier.arrive $0xFFFF;
	(pc) =	sbr.rel @p0 .LBB2_1-.Ltmp1, $4  }
0x26: {  	[hbm:s15], [sflag:s12] =	dma.local [spmem:s13], $0x2800  }
0x27: {  	_ =	swait.ge [sflag:s10], $0x2800  }
0x28: {  	[sflag:s10] =	ssyncset.done $0x0  }
0x29: {  	[sflag:s10] =	ssyncadd.s32 $0xFFFFD800  }
0x2a: {  	_ =	sfence.sel $0x180000  }
0x2b: {  	[bflag:$0x0] =	sbarrier.arrive $0xFFFF  }
0x2c: {  	p0 =	sne.s32 s1, $0x0;
	_ =	strace $0x90000047  }
0x2d: {  	s0 =	sadd.s32 @!p0 $0x100000, s0;
	[bflag:$0x2] =	sbarrier.arrive $0xFFFF  }
0x2e: {  	[sflag:s0] =	ssyncadd.tile.s32 @!p0 $0x1;
	_ =	shalt  }
.Lfunc_end2:
_tile_overlayer_lowered:
.L_overlay_start_2:
0x2f: {  	(tag) =	ssettag $0x2  }
0x30: {  	s0 =	rddreg [dreg:$0x0];
	s2 =	stileid.u32  }
0x31: {  	s1 =	rddreg [dreg:$0x1];
	p0 =	sne.s32 s2, $0x0  }
0x32: {  	s3 =	rddreg [dreg:$0x2];
	[bflag:$0x3] =	sbarrier.arrive $0xFFFF;
	s2 =	simm.s32 @!p0 $0x1C01  }
0x33: {  	[timem:s3], [sflag:s2] =	dma.local @!p0 [hbm:s0], s1  }
0x34: {  	s0 =	simm.s32 @!p0 $0x1  }
0x35: {  	_ =	swait.ge @!p0 [sflag:s0], s1  }
0x36: {  	s1 =	ssub.s32 @!p0 $0x0, s1;
	[sflag:s0] =	ssyncset.done @!p0 $0x0  }
0x37: {  	[sflag:s0] =	ssyncadd.s32 @!p0 s1  }
0x38: {  	[bflag:$0x3] =	sbarrier.arrive $0xFFFF  }
0x39: {  	_ =	shalt  }

// kernel: kernel.14.cloned.1.call-start
scs
__scs_entry_jumppad:
0x0: {  	(pc) =	sbr.rel $0x88, $3  }
0x1: {  	(tag) =	ssettag $0x0;
	lr =	simm.s32 $0x1  }
0x2: {  	[smem:$0x3F96] =	sst lr;
	_ =	strace $0xD0000000  }
0x3: {  	_ = 	snop  }
0x4: {  	_ = 	snop  }
0x5: {  	_ = 	snop  }
0x6: {  	_ = 	snop  }
0x7: {  	_ = 	snop  }
__scs_overlays_trampoline_lowered:
0x8: {  	[smem:$0x3FA5] =	sst s0  }
0x9: {  	[smem:$0x3FA6] =	sst s1  }
0xa: {  	[smem:$0x3FA7] =	sst s2  }
0xb: {  	[smem:$0x3FA8] =	sst s3  }
0xc: {  	[smem:$0x3FA9] =	sst s4  }
0xd: {  	[smem:$0x3FAA] =	sst s5  }
0xe: {  	[smem:$0x3FAB] =	sst s6  }
0xf: {  	[smem:$0x3FAC] =	sst s7  }
0x10: {  	[smem:$0x3FAD] =	sst s8  }
0x11: {  	[smem:$0x3FAE] =	sst s9;
	s0 =	simm.s32 @!p0 $0x0  }
0x12: {  	s1 =	sld [smem:$0x3F94];
	s0 =	simm.s32 @p0 $0x1  }
0x13: {  	[smem:$0x3FAF] =	sst s0;
	s0 =	simm.s32 @!p1 $0x0  }
0x14: {  	s2 =	sld [smem:$0x3F93];
	s0 =	simm.s32 @p1 $0x1  }
0x15: {  	[smem:$0x3FB0] =	sst s0;
	s0 =	simm.s32 @!p2 $0x0  }
0x16: {  	s3 =	sld [smem:$0x3FDB];
	s0 =	simm.s32 @p2 $0x1  }
0x17: {  	s4 =	simm.s32 $0x1BF5;
	[smem:$0x3FB2] =	sst s0  }
0x18: {  	s0 =	sld [smem:$0x3F95];
	_ =	swait.ge [sflag:s4], $0x0  }
0x19: {  	s7 =	sld [smem:$0x3F96]  }
0x1a: {  	s8 =	sadd.s32 $0xFFFFE003, lr  }
0x1b: {  	s9 =	sadd.s32 $0xFFFFFEF7, lr;
	s5 =	simm.s32 $0xFFFFFFFF;
	p2 =	slt.u32 s8, $0xFFFFF086  }
0x1c: {  	p1 =	slt.u32 s9, $0xF7A;
	s5 =	simm.s32 @!p2 $0x0  }
0x1d: {  	s5 =	simm.s32 @p1 $0x1;
	p0 =	seq.s32 s7, s2  }
0x1e: {  	s7 =	smul.u32 @!p0 $0xF7A, s2;
	p2 =	seq.s32 @!p0 s5, $0x0  }
0x1f: {  	s9 =	smul.u32 $0xF7A, s1;
	s8 =	simm.s32 @!p0 $0x1BF5;
	p2 =	por !p2, p0  }
0x20: {  	[sflag:s8] =	ssyncset.s32 @!p0 $0xFFFFF086;
	s6 =	sadd.s32 @!p0 s3, s7;
	s7 =	simm.s32 @!p0 $0x108  }
0x21: {  	s3 =	sadd.s32 s3, s9;
	s6 =	sadd.s32 @!p0 $0x88, s6;
	s7 =	simm.s32 @p2 $0x1082  }
0x22: {  	[simem:s7], [sflag:s8] =	dma.local @!p0 [hbm:s6], $0xF7A  }
0x23: {  	s9 =	sor.u32 $0xD0000000, s2;
	s6 =	simm.s32 $0x108;
	_ =	swait.ge @!p0 [sflag:s8], $0x0  }
0x24: {  	s3 =	sadd.s32 $0x88, s3;
	s6 =	simm.s32 @!p1 $0x1082;
	[sflag:s4] =	ssyncset.s32 $0xFFFFF086  }
0x25: {  	[simem:s6], [sflag:s4] =	dma.local [hbm:s3], $0xF7A  }
0x26: {  	[smem:$0x3F96] =	sst s1;
	(tag) =	ssettag s2;
	_ =	strace s9  }
0x27: {  	s1 =	sld [smem:$0x3FA6]  }
0x28: {  	s2 =	sld [smem:$0x3FA7]  }
0x29: {  	s4 =	sld [smem:$0x3FA9]  }
0x2a: {  	p0 =	seq.s32 s5, $0x0;
	s5 =	sld [smem:$0x3FAA]  }
0x2b: {  	s6 =	sld [smem:$0x3FAB]  }
0x2c: {  	s7 =	sld [smem:$0x3FAC]  }
0x2d: {  	s3 =	simm.s32 $0x108;
	s8 =	sld [smem:$0x3FAD]  }
0x2e: {  	s3 =	simm.s32 @!p0 $0x1082;
	s9 =	sld [smem:$0x3FAE]  }
0x2f: {  	lr =	sadd.s32 s0, s3;
	s0 =	sld [smem:$0x3FA5]  }
0x30: {  	s3 =	sld [smem:$0x3FA8]  }
0x31: {  	[smem:$0x3FB1] =	sst s10  }
0x32: {  	s10 =	sld [smem:$0x3FAF];
	_ =	sdelay $0x3  }
0x33: {  	p0 =	seq.s32 s10, $0x1;
	s10 =	sld [smem:$0x3FB1];
	_ =	sdelay $0x3  }
0x34: {  	[smem:$0x3FB1] =	sst s10  }
0x35: {  	s10 =	sld [smem:$0x3FB0];
	_ =	sdelay $0x3  }
0x36: {  	p1 =	seq.s32 s10, $0x1;
	s10 =	sld [smem:$0x3FB1];
	_ =	sdelay $0x3  }
0x37: {  	[smem:$0x3FB1] =	sst s10  }
0x38: {  	s10 =	sld [smem:$0x3FB2]  }
0x39: {  	_ = 	snop;
	(pc) =	sbr.ind lr, $3  }
0x3a: {  	_ = 	snop  }
0x3b: {  	_ = 	snop  }
0x3c: {  	p2 =	seq.s32 s10, $0x1;
	s10 =	sld [smem:$0x3FB1]  }
0x3d: {  	_ =	shalt  }
0x3e: {  	_ =	shalt  }
0x3f: {  	_ =	shalt  }
0x40: {  	_ =	shalt  }
0x41: {  	_ =	shalt  }
0x42: {  	_ =	shalt  }
0x43: {  	_ =	shalt  }
0x44: {  	_ =	shalt  }
0x45: {  	_ =	shalt  }
0x46: {  	_ =	shalt  }
0x47: {  	_ =	shalt  }
0x48: {  	_ =	shalt  }
0x49: {  	_ =	shalt  }
0x4a: {  	_ =	shalt  }
0x4b: {  	_ =	shalt  }
0x4c: {  	_ =	shalt  }
0x4d: {  	_ =	shalt  }
0x4e: {  	_ =	shalt  }
0x4f: {  	_ =	shalt  }
0x50: {  	_ =	shalt  }
0x51: {  	_ =	shalt  }
0x52: {  	_ =	shalt  }
0x53: {  	_ =	shalt  }
0x54: {  	_ =	shalt  }
0x55: {  	_ =	shalt  }
0x56: {  	_ =	shalt  }
0x57: {  	_ =	shalt  }
0x58: {  	_ =	shalt  }
0x59: {  	_ =	shalt  }
0x5a: {  	_ =	shalt  }
0x5b: {  	_ =	shalt  }
0x5c: {  	_ =	shalt  }
0x5d: {  	_ =	shalt  }
0x5e: {  	_ =	shalt  }
0x5f: {  	_ =	shalt  }
0x60: {  	_ =	shalt  }
0x61: {  	_ =	shalt  }
0x62: {  	_ =	shalt  }
0x63: {  	_ =	shalt  }
0x64: {  	_ =	shalt  }
0x65: {  	_ =	shalt  }
0x66: {  	_ =	shalt  }
0x67: {  	_ =	shalt  }
0x68: {  	_ =	shalt  }
0x69: {  	_ =	shalt  }
0x6a: {  	_ =	shalt  }
0x6b: {  	_ =	shalt  }
0x6c: {  	_ =	shalt  }
0x6d: {  	_ =	shalt  }
0x6e: {  	_ =	shalt  }
0x6f: {  	_ =	shalt  }
0x70: {  	_ =	shalt  }
0x71: {  	_ =	shalt  }
0x72: {  	_ =	shalt  }
0x73: {  	_ =	shalt  }
0x74: {  	_ =	shalt  }
0x75: {  	_ =	shalt  }
0x76: {  	_ =	shalt  }
0x77: {  	_ =	shalt  }
0x78: {  	_ =	shalt  }
0x79: {  	_ =	shalt  }
0x7a: {  	_ =	shalt  }
0x7b: {  	_ =	shalt  }
0x7c: {  	_ =	shalt  }
0x7d: {  	_ =	shalt  }
0x7e: {  	_ =	shalt  }
0x7f: {  	_ =	shalt  }
0x80: {  	_ =	shalt  }
0x81: {  	_ =	shalt  }
0x82: {  	_ =	shalt  }
0x83: {  	_ =	shalt  }
0x84: {  	_ =	shalt  }
0x85: {  	_ =	shalt  }
0x86: {  	_ =	shalt  }
0x87: {  	_ =	shalt  }
.Lfunc_end0:
.L_simem_size_0:
called_computation.1_lowered:
.L_overlay_start_0:
0x88: {  	s2 =	sld [smem:$0x3FD9]  }
0x89: {  	s3 =	sld [smem:$0x3FFE];
	_ =	sdelay $0x1  }
0x8a: {  	s1 =	srdreg.scid  }
0x8b: {  	s0 =	sand.u32 $0x1, s1  }
0x8c: {  	s16 =	sshll.u32 s0, $0xA;
	s2 =	sadd.s32 s3, s2  }
0x8d: {  	s2 =	sadd.s32 s2, s16  }
0x8e: {  	[smem:$0x3FBD] =	sst s2  }
0x8f: {  	_ = 	snop  }
0x90: {  	(tm) =	ssettm $0x1  }
0x91: {  	s17 =	sld [smem:$0x3FFB];
	_ =	sdelay $0x3  }
0x92: {  	_ =	strace s17  }
0x93: {  	s2 =	sld [smem:$0x3FFC];
	_ =	sdelay $0x3  }
0x94: {  	_ =	strace s2  }
0x95: {  	s2 =	sld [smem:$0x3FFD];
	_ =	sdelay $0x3  }
0x96: {  	_ =	strace s2  }
0x97: {  	_ =	strace $0x8FFFFFFF  }
0x98: {  	s18 =	sld [smem:$0x3FDB];
	_ =	sdelay $0x1  }
0x99: {  	s19 =	simm.s32 $_scs_section_size  }
0x9a: {  	s4 =	simm.s32 $_size__tile_overlayer_lowered;
	s5 =	simm.s32 $_tile_overlayer_lowered  }
0x9b: {  	s22 =	simm.s32 $0x1BFF;
	s21 =	sshll.u32 s5, $0x1;
	s2 =	sadd.s32 s19, s18  }
0x9c: {  	s6 =	simm.s32 $0x0;
	s20 =	sshll.u32 s4, $0x1;
	s4 =	sadd.s32 s21, s2  }
0x9d: {  	[timem:s6], [sflag:s22] =	dma.local [hbm:s4], s20  }
0x9e: {  	_ =	swait.ge [sflag:s22], s20  }
0x9f: {  	s3 =	ssub.s32 $0x0, s20;
	[sflag:s22] =	ssyncset.done $0x0  }
0xa0: {  	[sflag:s22] =	ssyncadd.s32 s3;
	_ =	sdelay $0x1  }
0xa1: {  	s23 =	simm.s32 $0x1B8B  }
0xa2: {  	_ =	swait.ge [sflag:s23], $0x1  }
0xa3: {  	[sflag:s23] =	ssyncset.done $0x0  }
0xa4: {  	s25 =	simm.s32 $0x1B8E;
	s24 =	sld [smem:$0x3FFE];
	[sflag:s23] =	ssyncadd.s32 $0xFFFFFFFF  }
0xa5: {  	s26 =	simm.s32 $execute0_lowered;
	[smem:$0x3FD2] =	sst s25  }
0xa6: {  	s4 =	sshll.u32 s26, $0x1;
	_ =	strace $0x80000049;
	[dreg:$0x1] =	wrdreg $0xFFFFFFFF  }
0xa7: {  	s28 =	simm.s32 $_size_execute0_lowered;
	s2 =	sadd.s32 s2, s4;
	[dreg:$0x0] =	wrdreg $0x0  }
0xa8: {  	s4 =	sshll.u32 s28, $0x1;
	[dreg:$0x2] =	wrdreg s2  }
0xa9: {  	[dreg:$0x3] =	wrdreg s4  }
0xaa: {  	[dreg:$0x4] =	wrdreg $0xC0  }
0xab: {  	_ =	task [dreg:s6], $0x5FFFF  }
0xac: {  	[dreg:$0x1] =	wrdreg $0xFFFFFFFF  }
0xad: {  	[dreg:$0x0] =	wrdreg $0x60  }
0xae: {  	[dreg:$0x2] =	wrdreg s24  }
0xaf: {  	[dreg:$0x3] =	wrdreg $0x0  }
0xb0: {  	[dreg:$0x4] =	wrdreg $0x9  }
0xb1: {  	_ =	task.clear_ibuf [dreg:s6], $0x5FFFF;
	_ =	strace $0x90000049  }
0xb2: {  	s29 =	simm.s32 $0x9;
	_ =	strace $0x8000004B  }
0xb3: {  	_ =	swait.ge [sflag:s29], $0x1  }
0xb4: {  	[sflag:s29] =	ssyncadd.s32 $0xFFFFFFFF  }
0xb5: {  	_ =	strace $0x9000004B  }
0xb6: {  	_ =	sfence  }
0xb7: {  	s30 =	sld [smem:$0x0];
	_ =	sdelay $0x2  }
0xb8: {  	s31 =	sshll.u32 s1, $0xD;
	s1 =	sshrl.u32 s1, $0x2  }
0xb9: {  	s3 =	sand.u32 $0x4000, s31;
	s1 =	sadd.s32 s1, s30  }
0xba: {  	s0 =	sor.u32 s3, s0;
	s1 =	sshll.u32 s1, $0x11  }
0xbb: {  	s0 =	sor.u32 s1, s0  }
0xbc: {  	s0 =	sadd.s32 $0x8F2B, s0  }
0xbd: {  	[sflag:s0] =	ssyncadd.remote.s32 $0x1  }
0xbe: {  	_ =	sfence.sel $0xFFFF  }
0xbf: {  	[dreg:$0x0] =	wrdreg $0xFFFFFFFF;
	(pc) =	sbr.abs _section_cstart, $3  }
0xc0: {  	[dreg:$0x1] =	wrdreg $0xFFFFFFFF  }
0xc1: {  	_ =	task.clear_ibuf [dreg:s6], $0x2FFFF;
	_ =	strace $0x9FFFFFFF  }
0xc2: {  	(tm) =	ssettm $0x7FFFFFFF  }
0xc3: {  	_ =	shalt  }
tec
execute0_lowered:
.L_overlay_start_1:
0x0: {  	(tag) =	ssettag $0x1  }
0x1: {  	s0 =	rddreg [dreg:$0x0]  }
0x2: {  	s2 =	rddreg [dreg:$0x1];
	s3 =	simm.s32 $0x0  }
0x3: {  	s11 =	stileid.u32;
	s1 =	srdreg.scid;
	s22 =	simm.s32 $0x14080  }
0x4: {  	s23 =	simm.s32 $0x14100;
	s24 =	simm.s32 $0x14880;
	s25 =	simm.s32 $0x14180  }
0x5: {  	s26 =	simm.s32 $0x14900;
	s16 =	simm.s32 $0x14980;
	s17 =	simm.s32 $0x14280  }
0x6: {  	s12 =	simm.s32 $0x14000;
	s13 =	simm.s32 $0x14800;
	s14 =	simm.s32 $0x80  }
0x7: {  	s15 =	simm.s32 $0x15000;
	[smem:$0x7FF] =	sst s3;
	s8 =	sadd.s32 $0xD000, s0  }
0x8: {  	s28 =	simm.s32 $0x14680;
	_ =	strace $0x8000004A;
	[dreg:$0x15] =	wrdreg s8  }
0x9: {  	s29 =	simm.s32 $0x14E00;
	s30 =	simm.s32 $0x14700;
	[dreg:$0x5] =	wrdreg s22  }
0xa: {  	s31 =	simm.s32 $0x14E80;
	s5 =	smul.u32 $0xA00, s11;
	[dreg:$0x6] =	wrdreg s23  }
0xb: {  	s1 =	sand.u32 $0x1, s1;
	s4 =	sadd.s32 $0xF800, s0;
	[dreg:$0x7] =	wrdreg s24  }
0xc: {  	s7 =	smul.u32 $0x50000, s11;
	s10 =	sshll.u32 s11, $0x6;
	[dreg:$0x8] =	wrdreg s25  }
0xd: {  	s6 =	smul.u32 $0x28000, s1;
	s18 =	ssub.s32 $0x2, s1;
	[dreg:$0x9] =	wrdreg s26  }
0xe: {  	s19 =	ssub.s32 $0x0, s1;
	s10 =	sor.u32 $0x1C03, s10;
	[dreg:$0xb] =	wrdreg s16  }
0xf: {  	p0 =	seq.s32 s1, $0x0;
	[dreg:$0xc] =	wrdreg s17;
	s22 =	simm.s32 $0x14B00  }
0x10: {  	s23 =	simm.s32 $0x14400;
	s16 =	simm.s32 $0x19000;
	s25 =	simm.s32 $0x14B80  }
0x11: {  	s17 =	simm.s32 $0x1;
	s26 =	simm.s32 $0x14480;
	[dreg:$0x11] =	wrdreg s22  }
0x12: {  	s1 =	simm.s32 $0x14F00;
	s5 =	sadd.s32 s5, s0;
	[dreg:$0x12] =	wrdreg s23  }
0x13: {  	s9 =	sshrl.u32 s18, $0x1;
	s7 =	sshrl.u32 s7, $0x2;
	[dreg:$0x13] =	wrdreg s25  }
0x14: {  	s24 =	sand.u32 $0x700, s19;
	s19 =	simm.s32 $0x14300;
	[dreg:$0x14] =	wrdreg s26  }
0x15: {  	s22 =	simm.s32 $0x14580;
	s23 =	simm.s32 $0x14D00;
	s25 =	simm.s32 $0x14600  }
0x16: {  	s26 =	simm.s32 $0x14D80;
	[dreg:$0x18] =	wrdreg s10;
	s0 =	sadd.s32 s6, s0  }
0x17: {  	s6 =	ssub.s32 s18, s9;
	s20 =	sadd.s32 s7, s2;
	s21 =	sadd.s32 $0x60000, s5  }
0x18: {  	s5 =	sadd.s32 $0x3000, s5;
	s7 =	smul.u32 $0x2800, s11;
	[dreg:$0xe] =	wrdreg s19  }
0x19: {  	s18 =	simm.s32 $0x14A00;
	s11 =	simm.s32 $0x3;
	[dreg:$0x3] =	wrdreg s21  }
0x1a: {  	s19 =	simm.s32 $0x14C00;
	s9 =	simm.s32 $0x0;
	[dreg:$0x4] =	wrdreg s5  }
0x1b: {  	s5 =	simm.s32 $0x7;
	s6 =	smax.u32 s6, $0x1;
	[dreg:$0xd] =	wrdreg s18  }
0x1c: {  	s8 =	sshrl.u32 s20, $0x3;
	s20 =	simm.s32 $0x14A80;
	[dreg:$0x17] =	wrdreg s6  }
0x1d: {  	s0 =	sadd.s32 $0x6A000, s0;
	s21 =	simm.s32 $0x14380;
	[dreg:$0xf] =	wrdreg s20  }
0x1e: {  	s18 =	simm.s32 $0x2;
	s5 =	simm.s32 @!p0 $0x3;
	[dreg:$0x10] =	wrdreg s21  }
0x1f: {  	s20 =	simm.s32 $0x14500;
	s0 =	sadd.s32 s7, s0;
	[dreg:$0x16] =	wrdreg s5  }
0x20: {  	s21 =	simm.s32 $0x14C80;
	s5 =	simm.s32 $0x14200;
	[dreg:$0x19] =	wrdreg s0  }
0x21: {  	s0 =	simm.s32 $0x14780;
	[dreg:$0xa] =	wrdreg s5;
	s5 =	simm.s32 $0x14F80  }
.LBB2_1:
0x22: {  	s6 =	rddreg [dreg:$0x15]  }
0x23: {  	[spmem:s8], [sflag:s10] =	dma.local [hbm:s6], $0x2800  }
0x24: {  	_ =	swait.ge [sflag:s11], $0x2800  }
0x25: {  	[sflag:s11] =	ssyncset.done $0x0  }
0x26: {  	[sflag:s11] =	ssyncadd.s32 $0xFFFFD800  }
0x27: {  	[bflag:$0x0] =	sbarrier.arrive $0xFFFF  }
0x28: {  	s10 =	rddreg [dreg:$0x16]  }
0x29: {  	p1 =	sne.s32 s10, $0x1  }
.Ltmp0:
0x2a: {  	_ = 	snop;
	(pc) =	sbr.rel @!p1 .LBB2_2-.Ltmp0, $3  }
0x2b: {  	_ =	sdelay $0x1  }
0x2c: {  	s7 =	smov.u32 s8  }
0x2d: {  	p0 =	por $0x0, $0x0;
	s6 =	sadd.s32 $0xFFFFFFFF, s10;
	s10 =	rddreg [dreg:$0x3]  }
0x2e: {  	s8 =	sadd.s32 s24, s10  }
0x2f: {  	[tilespmem:s12], [sflag:$0x3] =	stream.linear.gather [hbm4b:s8+s3], $0x800, $0x38;
	[tilespmem:$0x1D000] =	vst v63  }
0x30: {  	_ =	swait.ge [sflag:s11], $0x800  }
0x31: {  	s10 =	rddreg [dreg:$0x4];
	[sflag:s11] =	ssyncset.done $0x0  }
0x32: {  	[sflag:s11] =	ssyncadd.s32 $0xFFFFF800;
	s8 =	sadd.s32 s24, s10  }
0x33: {  	[tilespmem:s13], [sflag:$0x3] =	stream.linear.gather [hbm4b:s8+s3], $0x800, $0x38;
	[tilespmem:$0x1D000] =	vst v63  }
0x34: {  	_ =	swait.ge [sflag:s11], $0x800  }
0x35: {  	[sflag:s11] =	ssyncset.done $0x0  }
0x36: {  	[sflag:s11] =	ssyncadd.s32 $0xFFFFF800  }
0x37: {  	[tilespmem:s15], [sflag:$0x1] =	stream.indirect.gather [hbm4b:s4+s14], $0x80, s12, s14, $0xb8;
	[tilespmem:$0x1D000] =	vst v63  }
0x38: {  	s10 =	rddreg [dreg:$0x5]  }
0x39: {  	[tilespmem:s16], [sflag:$0x2] =	stream.indirect.gather [hbm4b:s4+s14], $0x80, s10, s14, $0xb8;
	[tilespmem:$0x1D000] =	vst v63  }
0x3a: {  	_ =	swait.ge [sflag:s17], $0x4000  }
0x3b: {  	[sflag:s17] =	ssyncset.done $0x0  }
0x3c: {  	[sflag:s17] =	ssyncadd.s32 $0xFFFFC000  }
0x3d: {  	[spmem:s2] =	stream.indirect.scatter.add.f32 [tilespmem:s15], [sflag:$0x3], $0x80, s13, s14, $0xb8;
	[tilespmem:$0x1D000] =	vst v63  }
0x3e: {  	_ =	swait.ge [sflag:s11], $0x4000  }
0x3f: {  	[sflag:s11] =	ssyncset.done $0x0  }
0x40: {  	s10 =	rddreg [dreg:$0x6];
	[sflag:s11] =	ssyncadd.s32 $0xFFFFC000  }
0x41: {  	[tilespmem:s15], [sflag:$0x1] =	stream.indirect.gather [hbm4b:s4+s14], $0x80, s10, s14, $0xb8;
	[tilespmem:$0x1D000] =	vst v63  }
0x42: {  	_ =	swait.ge [sflag:s18], $0x4000  }
0x43: {  	[sflag:s18] =	ssyncset.done $0x0  }
0x44: {  	s10 =	rddreg [dreg:$0x7];
	[sflag:s18] =	ssyncadd.s32 $0xFFFFC000  }
0x45: {  	[spmem:s2] =	stream.indirect.scatter.add.f32 [tilespmem:s16], [sflag:$0x3], $0x80, s10, s14, $0xb8;
	[tilespmem:$0x1D000] =	vst v63  }
0x46: {  	_ =	swait.ge [sflag:s11], $0x4000  }
0x47: {  	[sflag:s11] =	ssyncset.done $0x0  }
0x48: {  	s10 =	rddreg [dreg:$0x8];
	[sflag:s11] =	ssyncadd.s32 $0xFFFFC000  }
0x49: {  	[tilespmem:s16], [sflag:$0x2] =	stream.indirect.gather [hbm4b:s4+s14], $0x80, s10, s14, $0xb8;
	[tilespmem:$0x1D000] =	vst v63  }
0x4a: {  	_ =	swait.ge [sflag:s17], $0x4000  }
0x4b: {  	[sflag:s17] =	ssyncset.done $0x0  }
0x4c: {  	s10 =	rddreg [dreg:$0x9];
	[sflag:s17] =	ssyncadd.s32 $0xFFFFC000  }
0x4d: {  	[spmem:s2] =	stream.indirect.scatter.add.f32 [tilespmem:s15], [sflag:$0x3], $0x80, s10, s14, $0xb8;
	[tilespmem:$0x1D000] =	vst v63  }
0x4e: {  	_ =	swait.ge [sflag:s11], $0x4000  }
0x4f: {  	[sflag:s11] =	ssyncset.done $0x0  }
0x50: {  	s10 =	rddreg [dreg:$0xa];
	[sflag:s11] =	ssyncadd.s32 $0xFFFFC000  }
0x51: {  	[tilespmem:s15], [sflag:$0x1] =	stream.indirect.gather [hbm4b:s4+s14], $0x80, s10, s14, $0xb8;
	[tilespmem:$0x1D000] =	vst v63  }
0x52: {  	_ =	swait.ge [sflag:s18], $0x4000  }
0x53: {  	[sflag:s18] =	ssyncset.done $0x0  }
0x54: {  	s10 =	rddreg [dreg:$0xb];
	[sflag:s18] =	ssyncadd.s32 $0xFFFFC000  }
0x55: {  	[spmem:s2] =	stream.indirect.scatter.add.f32 [tilespmem:s16], [sflag:$0x3], $0x80, s10, s14, $0xb8;
	[tilespmem:$0x1D000] =	vst v63  }
0x56: {  	_ =	swait.ge [sflag:s11], $0x4000  }
0x57: {  	[sflag:s11] =	ssyncset.done $0x0  }
0x58: {  	s10 =	rddreg [dreg:$0xc];
	[sflag:s11] =	ssyncadd.s32 $0xFFFFC000  }
0x59: {  	[tilespmem:s16], [sflag:$0x2] =	stream.indirect.gather [hbm4b:s4+s14], $0x80, s10, s14, $0xb8;
	[tilespmem:$0x1D000] =	vst v63  }
0x5a: {  	_ =	swait.ge [sflag:s17], $0x4000  }
0x5b: {  	[sflag:s17] =	ssyncset.done $0x0  }
0x5c: {  	s10 =	rddreg [dreg:$0xd];
	[sflag:s17] =	ssyncadd.s32 $0xFFFFC000  }
0x5d: {  	[spmem:s2] =	stream.indirect.scatter.add.f32 [tilespmem:s15], [sflag:$0x3], $0x80, s10, s14, $0xb8;
	[tilespmem:$0x1D000] =	vst v63  }
0x5e: {  	_ =	swait.ge [sflag:s11], $0x4000  }
0x5f: {  	[sflag:s11] =	ssyncset.done $0x0  }
0x60: {  	s10 =	rddreg [dreg:$0xe];
	[sflag:s11] =	ssyncadd.s32 $0xFFFFC000  }
0x61: {  	[tilespmem:s15], [sflag:$0x1] =	stream.indirect.gather [hbm4b:s4+s14], $0x80, s10, s14, $0xb8;
	[tilespmem:$0x1D000] =	vst v63  }
0x62: {  	_ =	swait.ge [sflag:s18], $0x4000  }
0x63: {  	[sflag:s18] =	ssyncset.done $0x0  }
0x64: {  	s10 =	rddreg [dreg:$0xf];
	[sflag:s18] =	ssyncadd.s32 $0xFFFFC000  }
0x65: {  	[spmem:s2] =	stream.indirect.scatter.add.f32 [tilespmem:s16], [sflag:$0x3], $0x80, s10, s14, $0xb8;
	[tilespmem:$0x1D000] =	vst v63  }
0x66: {  	_ =	swait.ge [sflag:s11], $0x4000  }
0x67: {  	[sflag:s11] =	ssyncset.done $0x0  }
0x68: {  	s10 =	rddreg [dreg:$0x10];
	[sflag:s11] =	ssyncadd.s32 $0xFFFFC000  }
0x69: {  	[tilespmem:s16], [sflag:$0x2] =	stream.indirect.gather [hbm4b:s4+s14], $0x80, s10, s14, $0xb8;
	[tilespmem:$0x1D000] =	vst v63  }
0x6a: {  	_ =	swait.ge [sflag:s17], $0x4000  }
0x6b: {  	[sflag:s17] =	ssyncset.done $0x0  }
0x6c: {  	s10 =	rddreg [dreg:$0x11];
	[sflag:s17] =	ssyncadd.s32 $0xFFFFC000  }
0x6d: {  	[spmem:s2] =	stream.indirect.scatter.add.f32 [tilespmem:s15], [sflag:$0x3], $0x80, s10, s14, $0xb8;
	[tilespmem:$0x1D000] =	vst v63  }
0x6e: {  	_ =	swait.ge [sflag:s11], $0x4000  }
0x6f: {  	[sflag:s11] =	ssyncset.done $0x0  }
0x70: {  	s10 =	rddreg [dreg:$0x12];
	[sflag:s11] =	ssyncadd.s32 $0xFFFFC000  }
0x71: {  	[tilespmem:s15], [sflag:$0x1] =	stream.indirect.gather [hbm4b:s4+s14], $0x80, s10, s14, $0xb8;
	[tilespmem:$0x1D000] =	vst v63  }
0x72: {  	_ =	swait.ge [sflag:s18], $0x4000  }
0x73: {  	[sflag:s18] =	ssyncset.done $0x0  }
0x74: {  	s10 =	rddreg [dreg:$0x13];
	[sflag:s18] =	ssyncadd.s32 $0xFFFFC000  }
0x75: {  	[spmem:s2] =	stream.indirect.scatter.add.f32 [tilespmem:s16], [sflag:$0x3], $0x80, s10, s14, $0xb8;
	[tilespmem:$0x1D000] =	vst v63  }
0x76: {  	_ =	swait.ge [sflag:s11], $0x4000  }
0x77: {  	[sflag:s11] =	ssyncset.done $0x0  }
0x78: {  	s10 =	rddreg [dreg:$0x14];
	[sflag:s11] =	ssyncadd.s32 $0xFFFFC000  }
0x79: {  	[tilespmem:s16], [sflag:$0x2] =	stream.indirect.gather [hbm4b:s4+s14], $0x80, s10, s14, $0xb8;
	[tilespmem:$0x1D000] =	vst v63  }
0x7a: {  	_ =	swait.ge [sflag:s17], $0x4000  }
0x7b: {  	[sflag:s17] =	ssyncset.done $0x0  }
0x7c: {  	[sflag:s17] =	ssyncadd.s32 $0xFFFFC000  }
0x7d: {  	[spmem:s2] =	stream.indirect.scatter.add.f32 [tilespmem:s15], [sflag:$0x3], $0x80, s19, s14, $0xb8;
	[tilespmem:$0x1D000] =	vst v63  }
0x7e: {  	_ =	swait.ge [sflag:s11], $0x4000  }
0x7f: {  	[sflag:s11] =	ssyncset.done $0x0  }
0x80: {  	[sflag:s11] =	ssyncadd.s32 $0xFFFFC000  }
0x81: {  	[tilespmem:s15], [sflag:$0x1] =	stream.indirect.gather [hbm4b:s4+s14], $0x80, s20, s14, $0xb8;
	[tilespmem:$0x1D000] =	vst v63  }
0x82: {  	_ =	swait.ge [sflag:s18], $0x4000  }
0x83: {  	[sflag:s18] =	ssyncset.done $0x0  }
0x84: {  	[sflag:s18] =	ssyncadd.s32 $0xFFFFC000  }
0x85: {  	[spmem:s2] =	stream.indirect.scatter.add.f32 [tilespmem:s16], [sflag:$0x3], $0x80, s21, s14, $0xb8;
	[tilespmem:$0x1D000] =	vst v63  }
0x86: {  	_ =	swait.ge [sflag:s11], $0x4000  }
0x87: {  	[sflag:s11] =	ssyncset.done $0x0  }
0x88: {  	[sflag:s11] =	ssyncadd.s32 $0xFFFFC000  }
0x89: {  	[tilespmem:s16], [sflag:$0x2] =	stream.indirect.gather [hbm4b:s4+s14], $0x80, s22, s14, $0xb8;
	[tilespmem:$0x1D000] =	vst v63  }
0x8a: {  	_ =	swait.ge [sflag:s17], $0x4000  }
0x8b: {  	[sflag:s17] =	ssyncset.done $0x0  }
0x8c: {  	[sflag:s17] =	ssyncadd.s32 $0xFFFFC000  }
0x8d: {  	[spmem:s2] =	stream.indirect.scatter.add.f32 [tilespmem:s15], [sflag:$0x3], $0x80, s23, s14, $0xb8;
	[tilespmem:$0x1D000] =	vst v63  }
0x8e: {  	_ =	swait.ge [sflag:s11], $0x4000  }
0x8f: {  	[sflag:s11] =	ssyncset.done $0x0  }
0x90: {  	[sflag:s11] =	ssyncadd.s32 $0xFFFFC000  }
0x91: {  	[tilespmem:s15], [sflag:$0x1] =	stream.indirect.gather [hbm4b:s4+s14], $0x80, s25, s14, $0xb8;
	[tilespmem:$0x1D000] =	vst v63  }
0x92: {  	_ =	swait.ge [sflag:s18], $0x4000  }
0x93: {  	[sflag:s18] =	ssyncset.done $0x0  }
0x94: {  	[sflag:s18] =	ssyncadd.s32 $0xFFFFC000  }
0x95: {  	[spmem:s2] =	stream.indirect.scatter.add.f32 [tilespmem:s16], [sflag:$0x3], $0x80, s26, s14, $0xb8;
	[tilespmem:$0x1D000] =	vst v63  }
0x96: {  	_ =	swait.ge [sflag:s11], $0x4000  }
0x97: {  	[sflag:s11] =	ssyncset.done $0x0  }
0x98: {  	[sflag:s11] =	ssyncadd.s32 $0xFFFFC000  }
0x99: {  	[tilespmem:s16], [sflag:$0x2] =	stream.indirect.gather [hbm4b:s4+s14], $0x80, s28, s14, $0xb8;
	[tilespmem:$0x1D000] =	vst v63  }
0x9a: {  	_ =	swait.ge [sflag:s17], $0x4000  }
0x9b: {  	[sflag:s17] =	ssyncset.done $0x0  }
0x9c: {  	[sflag:s17] =	ssyncadd.s32 $0xFFFFC000  }
0x9d: {  	[spmem:s2] =	stream.indirect.scatter.add.f32 [tilespmem:s15], [sflag:$0x3], $0x80, s29, s14, $0xb8;
	[tilespmem:$0x1D000] =	vst v63  }
0x9e: {  	_ =	swait.ge [sflag:s11], $0x4000  }
0x9f: {  	[sflag:s11] =	ssyncset.done $0x0  }
0xa0: {  	[sflag:s11] =	ssyncadd.s32 $0xFFFFC000  }
0xa1: {  	[tilespmem:s15], [sflag:$0x1] =	stream.indirect.gather [hbm4b:s4+s14], $0x80, s30, s14, $0xb8;
	[tilespmem:$0x1D000] =	vst v63  }
0xa2: {  	_ =	swait.ge [sflag:s18], $0x4000  }
0xa3: {  	[sflag:s18] =	ssyncset.done $0x0  }
0xa4: {  	[sflag:s18] =	ssyncadd.s32 $0xFFFFC000  }
0xa5: {  	[spmem:s2] =	stream.indirect.scatter.add.f32 [tilespmem:s16], [sflag:$0x3], $0x80, s31, s14, $0xb8;
	[tilespmem:$0x1D000] =	vst v63  }
0xa6: {  	_ =	swait.ge [sflag:s11], $0x4000  }
0xa7: {  	[sflag:s11] =	ssyncset.done $0x0  }
0xa8: {  	[sflag:s11] =	ssyncadd.s32 $0xFFFFC000  }
0xa9: {  	[tilespmem:s16], [sflag:$0x2] =	stream.indirect.gather [hbm4b:s4+s14], $0x80, s0, s14, $0xb8;
	[tilespmem:$0x1D000] =	vst v63  }
0xaa: {  	_ =	swait.ge [sflag:s17], $0x4000  }
0xab: {  	[sflag:s17] =	ssyncset.done $0x0  }
0xac: {  	[sflag:s17] =	ssyncadd.s32 $0xFFFFC000  }
0xad: {  	[spmem:s2] =	stream.indirect.scatter.add.f32 [tilespmem:s15], [sflag:$0x3], $0x80, s1, s14, $0xb8;
	[tilespmem:$0x1D000] =	vst v63  }
0xae: {  	_ =	swait.ge [sflag:s11], $0x4000  }
0xaf: {  	[sflag:s11] =	ssyncset.done $0x0  }
0xb0: {  	[sflag:s11] =	ssyncadd.s32 $0xFFFFC000  }
0xb1: {  	p1 =	sne.s32 s6, $0x1;
	_ =	swait.ge [sflag:s18], $0x4000  }
.Ltmp1:
0xb2: {  	[sflag:s18] =	ssyncset.done $0x0;
	(pc) =	sbr.rel @!p1 .LBB2_4-.Ltmp1, $4  }
0xb3: {  	[sflag:s18] =	ssyncadd.s32 $0xFFFFC000  }
0xb4: {  	[spmem:s2] =	stream.indirect.scatter.add.f32 [tilespmem:s16], [sflag:$0x3], $0x80, s5, s14, $0xb8;
	[tilespmem:$0x1D000] =	vst v63  }
0xb5: {  	s6 =	sadd.s32 $0xFFFFFFFF, s6;
	p0 =	por $0x1, $0x1;
	_ =	swait.ge [sflag:s11], $0x4000  }
0xb6: {  	s8 =	smov.u32 s24;
	s10 =	rddreg [dreg:$0x3];
	[sflag:s11] =	ssyncset.done $0x0  }
.LBB2_5:
0xb7: {  	s8 =	sadd.s32 $0x100, s8  }
0xb8: {  	[sflag:s11] =	ssyncadd.s32 $0xFFFFC000;
	s10 =	sadd.s32 s8, s10  }
0xb9: {  	[tilespmem:s12], [sflag:$0x3] =	stream.linear.gather [hbm4b:s10+s3], $0x800, $0x38;
	[tilespmem:$0x1D000] =	vst v63  }
0xba: {  	_ =	swait.ge [sflag:s11], $0x800  }
0xbb: {  	s10 =	rddreg [dreg:$0x4];
	[sflag:s11] =	ssyncset.done $0x0  }
0xbc: {  	[sflag:s11] =	ssyncadd.s32 $0xFFFFF800;
	s10 =	sadd.s32 s8, s10  }
0xbd: {  	[tilespmem:s13], [sflag:$0x3] =	stream.linear.gather [hbm4b:s10+s3], $0x800, $0x38;
	[tilespmem:$0x1D000] =	vst v63  }
0xbe: {  	_ =	swait.ge [sflag:s11], $0x800  }
0xbf: {  	[sflag:s11] =	ssyncset.done $0x0  }
0xc0: {  	[sflag:s11] =	ssyncadd.s32 $0xFFFFF800  }
0xc1: {  	[tilespmem:s15], [sflag:$0x1] =	stream.indirect.gather [hbm4b:s4+s14], $0x80, s12, s14, $0xb8;
	[tilespmem:$0x1D000] =	vst v63  }
0xc2: {  	s10 =	rddreg [dreg:$0x5]  }
0xc3: {  	[tilespmem:s16], [sflag:$0x2] =	stream.indirect.gather [hbm4b:s4+s14], $0x80, s10, s14, $0xb8;
	[tilespmem:$0x1D000] =	vst v63  }
0xc4: {  	_ =	swait.ge [sflag:s17], $0x4000  }
0xc5: {  	[sflag:s17] =	ssyncset.done $0x0  }
0xc6: {  	[sflag:s17] =	ssyncadd.s32 $0xFFFFC000  }
0xc7: {  	[spmem:s2] =	stream.indirect.scatter.add.f32 [tilespmem:s15], [sflag:$0x3], $0x80, s13, s14, $0xb8;
	[tilespmem:$0x1D000] =	vst v63  }
0xc8: {  	_ =	swait.ge [sflag:s11], $0x4000  }
0xc9: {  	[sflag:s11] =	ssyncset.done $0x0  }
0xca: {  	s10 =	rddreg [dreg:$0x6];
	[sflag:s11] =	ssyncadd.s32 $0xFFFFC000  }
0xcb: {  	[tilespmem:s15], [sflag:$0x1] =	stream.indirect.gather [hbm4b:s4+s14], $0x80, s10, s14, $0xb8;
	[tilespmem:$0x1D000] =	vst v63  }
0xcc: {  	_ =	swait.ge [sflag:s18], $0x4000  }
0xcd: {  	[sflag:s18] =	ssyncset.done $0x0  }
0xce: {  	s10 =	rddreg [dreg:$0x7];
	[sflag:s18] =	ssyncadd.s32 $0xFFFFC000  }
0xcf: {  	[spmem:s2] =	stream.indirect.scatter.add.f32 [tilespmem:s16], [sflag:$0x3], $0x80, s10, s14, $0xb8;
	[tilespmem:$0x1D000] =	vst v63  }
0xd0: {  	_ =	swait.ge [sflag:s11], $0x4000  }
0xd1: {  	[sflag:s11] =	ssyncset.done $0x0  }
0xd2: {  	s10 =	rddreg [dreg:$0x8];
	[sflag:s11] =	ssyncadd.s32 $0xFFFFC000  }
0xd3: {  	[tilespmem:s16], [sflag:$0x2] =	stream.indirect.gather [hbm4b:s4+s14], $0x80, s10, s14, $0xb8;
	[tilespmem:$0x1D000] =	vst v63  }
0xd4: {  	_ =	swait.ge [sflag:s17], $0x4000  }
0xd5: {  	[sflag:s17] =	ssyncset.done $0x0  }
0xd6: {  	s10 =	rddreg [dreg:$0x9];
	[sflag:s17] =	ssyncadd.s32 $0xFFFFC000  }
0xd7: {  	[spmem:s2] =	stream.indirect.scatter.add.f32 [tilespmem:s15], [sflag:$0x3], $0x80, s10, s14, $0xb8;
	[tilespmem:$0x1D000] =	vst v63  }
0xd8: {  	_ =	swait.ge [sflag:s11], $0x4000  }
0xd9: {  	[sflag:s11] =	ssyncset.done $0x0  }
0xda: {  	s10 =	rddreg [dreg:$0xa];
	[sflag:s11] =	ssyncadd.s32 $0xFFFFC000  }
0xdb: {  	[tilespmem:s15], [sflag:$0x1] =	stream.indirect.gather [hbm4b:s4+s14], $0x80, s10, s14, $0xb8;
	[tilespmem:$0x1D000] =	vst v63  }
0xdc: {  	_ =	swait.ge [sflag:s18], $0x4000  }
0xdd: {  	[sflag:s18] =	ssyncset.done $0x0  }
0xde: {  	s10 =	rddreg [dreg:$0xb];
	[sflag:s18] =	ssyncadd.s32 $0xFFFFC000  }
0xdf: {  	[spmem:s2] =	stream.indirect.scatter.add.f32 [tilespmem:s16], [sflag:$0x3], $0x80, s10, s14, $0xb8;
	[tilespmem:$0x1D000] =	vst v63  }
0xe0: {  	_ =	swait.ge [sflag:s11], $0x4000  }
0xe1: {  	[sflag:s11] =	ssyncset.done $0x0  }
0xe2: {  	s10 =	rddreg [dreg:$0xc];
	[sflag:s11] =	ssyncadd.s32 $0xFFFFC000  }
0xe3: {  	[tilespmem:s16], [sflag:$0x2] =	stream.indirect.gather [hbm4b:s4+s14], $0x80, s10, s14, $0xb8;
	[tilespmem:$0x1D000] =	vst v63  }
0xe4: {  	_ =	swait.ge [sflag:s17], $0x4000  }
0xe5: {  	[sflag:s17] =	ssyncset.done $0x0  }
0xe6: {  	s10 =	rddreg [dreg:$0xd];
	[sflag:s17] =	ssyncadd.s32 $0xFFFFC000  }
0xe7: {  	[spmem:s2] =	stream.indirect.scatter.add.f32 [tilespmem:s15], [sflag:$0x3], $0x80, s10, s14, $0xb8;
	[tilespmem:$0x1D000] =	vst v63  }
0xe8: {  	_ =	swait.ge [sflag:s11], $0x4000  }
0xe9: {  	[sflag:s11] =	ssyncset.done $0x0  }
0xea: {  	s10 =	rddreg [dreg:$0xe];
	[sflag:s11] =	ssyncadd.s32 $0xFFFFC000  }
0xeb: {  	[tilespmem:s15], [sflag:$0x1] =	stream.indirect.gather [hbm4b:s4+s14], $0x80, s10, s14, $0xb8;
	[tilespmem:$0x1D000] =	vst v63  }
0xec: {  	_ =	swait.ge [sflag:s18], $0x4000  }
0xed: {  	[sflag:s18] =	ssyncset.done $0x0  }
0xee: {  	s10 =	rddreg [dreg:$0xf];
	[sflag:s18] =	ssyncadd.s32 $0xFFFFC000  }
0xef: {  	[spmem:s2] =	stream.indirect.scatter.add.f32 [tilespmem:s16], [sflag:$0x3], $0x80, s10, s14, $0xb8;
	[tilespmem:$0x1D000] =	vst v63  }
0xf0: {  	_ =	swait.ge [sflag:s11], $0x4000  }
0xf1: {  	[sflag:s11] =	ssyncset.done $0x0  }
0xf2: {  	s10 =	rddreg [dreg:$0x10];
	[sflag:s11] =	ssyncadd.s32 $0xFFFFC000  }
0xf3: {  	[tilespmem:s16], [sflag:$0x2] =	stream.indirect.gather [hbm4b:s4+s14], $0x80, s10, s14, $0xb8;
	[tilespmem:$0x1D000] =	vst v63  }
0xf4: {  	_ =	swait.ge [sflag:s17], $0x4000  }
0xf5: {  	[sflag:s17] =	ssyncset.done $0x0  }
0xf6: {  	s10 =	rddreg [dreg:$0x11];
	[sflag:s17] =	ssyncadd.s32 $0xFFFFC000  }
0xf7: {  	[spmem:s2] =	stream.indirect.scatter.add.f32 [tilespmem:s15], [sflag:$0x3], $0x80, s10, s14, $0xb8;
	[tilespmem:$0x1D000] =	vst v63  }
0xf8: {  	_ =	swait.ge [sflag:s11], $0x4000  }
0xf9: {  	[sflag:s11] =	ssyncset.done $0x0  }
0xfa: {  	s10 =	rddreg [dreg:$0x12];
	[sflag:s11] =	ssyncadd.s32 $0xFFFFC000  }
0xfb: {  	[tilespmem:s15], [sflag:$0x1] =	stream.indirect.gather [hbm4b:s4+s14], $0x80, s10, s14, $0xb8;
	[tilespmem:$0x1D000] =	vst v63  }
0xfc: {  	_ =	swait.ge [sflag:s18], $0x4000  }
0xfd: {  	[sflag:s18] =	ssyncset.done $0x0  }
0xfe: {  	s10 =	rddreg [dreg:$0x13];
	[sflag:s18] =	ssyncadd.s32 $0xFFFFC000  }
0xff: {  	[spmem:s2] =	stream.indirect.scatter.add.f32 [tilespmem:s16], [sflag:$0x3], $0x80, s10, s14, $0xb8;
	[tilespmem:$0x1D000] =	vst v63  }
0x100: {  	_ =	swait.ge [sflag:s11], $0x4000  }
0x101: {  	[sflag:s11] =	ssyncset.done $0x0  }
0x102: {  	s10 =	rddreg [dreg:$0x14];
	[sflag:s11] =	ssyncadd.s32 $0xFFFFC000  }
0x103: {  	[tilespmem:s16], [sflag:$0x2] =	stream.indirect.gather [hbm4b:s4+s14], $0x80, s10, s14, $0xb8;
	[tilespmem:$0x1D000] =	vst v63  }
0x104: {  	_ =	swait.ge [sflag:s17], $0x4000  }
0x105: {  	[sflag:s17] =	ssyncset.done $0x0  }
0x106: {  	[sflag:s17] =	ssyncadd.s32 $0xFFFFC000  }
0x107: {  	[spmem:s2] =	stream.indirect.scatter.add.f32 [tilespmem:s15], [sflag:$0x3], $0x80, s19, s14, $0xb8;
	[tilespmem:$0x1D000] =	vst v63  }
0x108: {  	_ =	swait.ge [sflag:s11], $0x4000  }
0x109: {  	[sflag:s11] =	ssyncset.done $0x0  }
0x10a: {  	[sflag:s11] =	ssyncadd.s32 $0xFFFFC000  }
0x10b: {  	[tilespmem:s15], [sflag:$0x1] =	stream.indirect.gather [hbm4b:s4+s14], $0x80, s20, s14, $0xb8;
	[tilespmem:$0x1D000] =	vst v63  }
0x10c: {  	_ =	swait.ge [sflag:s18], $0x4000  }
0x10d: {  	[sflag:s18] =	ssyncset.done $0x0  }
0x10e: {  	[sflag:s18] =	ssyncadd.s32 $0xFFFFC000  }
0x10f: {  	[spmem:s2] =	stream.indirect.scatter.add.f32 [tilespmem:s16], [sflag:$0x3], $0x80, s21, s14, $0xb8;
	[tilespmem:$0x1D000] =	vst v63  }
0x110: {  	_ =	swait.ge [sflag:s11], $0x4000  }
0x111: {  	[sflag:s11] =	ssyncset.done $0x0  }
0x112: {  	[sflag:s11] =	ssyncadd.s32 $0xFFFFC000  }
0x113: {  	[tilespmem:s16], [sflag:$0x2] =	stream.indirect.gather [hbm4b:s4+s14], $0x80, s22, s14, $0xb8;
	[tilespmem:$0x1D000] =	vst v63  }
0x114: {  	_ =	swait.ge [sflag:s17], $0x4000  }
0x115: {  	[sflag:s17] =	ssyncset.done $0x0  }
0x116: {  	[sflag:s17] =	ssyncadd.s32 $0xFFFFC000  }
0x117: {  	[spmem:s2] =	stream.indirect.scatter.add.f32 [tilespmem:s15], [sflag:$0x3], $0x80, s23, s14, $0xb8;
	[tilespmem:$0x1D000] =	vst v63  }
0x118: {  	_ =	swait.ge [sflag:s11], $0x4000  }
0x119: {  	[sflag:s11] =	ssyncset.done $0x0  }
0x11a: {  	[sflag:s11] =	ssyncadd.s32 $0xFFFFC000  }
0x11b: {  	[tilespmem:s15], [sflag:$0x1] =	stream.indirect.gather [hbm4b:s4+s14], $0x80, s25, s14, $0xb8;
	[tilespmem:$0x1D000] =	vst v63  }
0x11c: {  	_ =	swait.ge [sflag:s18], $0x4000  }
0x11d: {  	[sflag:s18] =	ssyncset.done $0x0  }
0x11e: {  	[sflag:s18] =	ssyncadd.s32 $0xFFFFC000  }
0x11f: {  	[spmem:s2] =	stream.indirect.scatter.add.f32 [tilespmem:s16], [sflag:$0x3], $0x80, s26, s14, $0xb8;
	[tilespmem:$0x1D000] =	vst v63  }
0x120: {  	_ =	swait.ge [sflag:s11], $0x4000  }
0x121: {  	[sflag:s11] =	ssyncset.done $0x0  }
0x122: {  	[sflag:s11] =	ssyncadd.s32 $0xFFFFC000  }
0x123: {  	[tilespmem:s16], [sflag:$0x2] =	stream.indirect.gather [hbm4b:s4+s14], $0x80, s28, s14, $0xb8;
	[tilespmem:$0x1D000] =	vst v63  }
0x124: {  	_ =	swait.ge [sflag:s17], $0x4000  }
0x125: {  	[sflag:s17] =	ssyncset.done $0x0  }
0x126: {  	[sflag:s17] =	ssyncadd.s32 $0xFFFFC000  }
0x127: {  	[spmem:s2] =	stream.indirect.scatter.add.f32 [tilespmem:s15], [sflag:$0x3], $0x80, s29, s14, $0xb8;
	[tilespmem:$0x1D000] =	vst v63  }
0x128: {  	_ =	swait.ge [sflag:s11], $0x4000  }
0x129: {  	[sflag:s11] =	ssyncset.done $0x0  }
0x12a: {  	[sflag:s11] =	ssyncadd.s32 $0xFFFFC000  }
0x12b: {  	[tilespmem:s15], [sflag:$0x1] =	stream.indirect.gather [hbm4b:s4+s14], $0x80, s30, s14, $0xb8;
	[tilespmem:$0x1D000] =	vst v63  }
0x12c: {  	_ =	swait.ge [sflag:s18], $0x4000  }
0x12d: {  	[sflag:s18] =	ssyncset.done $0x0  }
0x12e: {  	[sflag:s18] =	ssyncadd.s32 $0xFFFFC000  }
0x12f: {  	[spmem:s2] =	stream.indirect.scatter.add.f32 [tilespmem:s16], [sflag:$0x3], $0x80, s31, s14, $0xb8;
	[tilespmem:$0x1D000] =	vst v63  }
0x130: {  	_ =	swait.ge [sflag:s11], $0x4000  }
0x131: {  	[sflag:s11] =	ssyncset.done $0x0  }
0x132: {  	[sflag:s11] =	ssyncadd.s32 $0xFFFFC000  }
0x133: {  	[tilespmem:s16], [sflag:$0x2] =	stream.indirect.gather [hbm4b:s4+s14], $0x80, s0, s14, $0xb8;
	[tilespmem:$0x1D000] =	vst v63  }
0x134: {  	_ =	swait.ge [sflag:s17], $0x4000  }
0x135: {  	[sflag:s17] =	ssyncset.done $0x0  }
0x136: {  	[sflag:s17] =	ssyncadd.s32 $0xFFFFC000  }
0x137: {  	[spmem:s2] =	stream.indirect.scatter.add.f32 [tilespmem:s15], [sflag:$0x3], $0x80, s1, s14, $0xb8;
	[tilespmem:$0x1D000] =	vst v63  }
0x138: {  	_ =	swait.ge [sflag:s11], $0x4000  }
0x139: {  	[sflag:s11] =	ssyncset.done $0x0  }
0x13a: {  	[sflag:s11] =	ssyncadd.s32 $0xFFFFC000  }
0x13b: {  	p1 =	sne.s32 s6, $0x1;
	_ =	swait.ge [sflag:s18], $0x4000  }
.Ltmp2:
0x13c: {  	[sflag:s18] =	ssyncset.done $0x0;
	(pc) =	sbr.rel @p1 .LBB2_5-.Ltmp2, $4  }
0x13d: {  	[sflag:s18] =	ssyncadd.s32 $0xFFFFC000  }
0x13e: {  	[spmem:s2] =	stream.indirect.scatter.add.f32 [tilespmem:s16], [sflag:$0x3], $0x80, s5, s14, $0xb8;
	[tilespmem:$0x1D000] =	vst v63  }
0x13f: {  	_ =	swait.ge [sflag:s11], $0x4000  }
0x140: {  	s6 =	sadd.s32 $0xFFFFFFFF, s6;
	s10 =	rddreg [dreg:$0x3];
	[sflag:s11] =	ssyncset.done $0x0  }
.LBB2_6:
0x141: {  	s6 =	sadd.s32 @p0 $0x100, s8;
	s8 =	smov.u32 s24  }
0x142: {  	s8 =	smov.u32 @p0 s6  }
0x143: {  	[sflag:s11] =	ssyncadd.s32 @p0 $0xFFFFC000;
	s6 =	sadd.s32 s8, s10  }
0x144: {  	[tilespmem:s12], [sflag:$0x3] =	stream.linear.gather [hbm4b:s6+s3], $0x800, $0x38;
	[tilespmem:$0x1D000] =	vst v63  }
0x145: {  	_ =	swait.ge [sflag:s11], $0x800  }
0x146: {  	s10 =	rddreg [dreg:$0x4];
	[sflag:s11] =	ssyncset.done $0x0  }
0x147: {  	s6 =	sadd.s32 s8, s10;
	[sflag:s11] =	ssyncadd.s32 $0xFFFFF800  }
0x148: {  	[tilespmem:s13], [sflag:$0x3] =	stream.linear.gather [hbm4b:s6+s3], $0x800, $0x38;
	[tilespmem:$0x1D000] =	vst v63  }
0x149: {  	_ =	swait.ge [sflag:s11], $0x800  }
0x14a: {  	[sflag:s11] =	ssyncset.done $0x0  }
0x14b: {  	[sflag:s11] =	ssyncadd.s32 $0xFFFFF800  }
0x14c: {  	[tilespmem:s15], [sflag:$0x1] =	stream.indirect.gather [hbm4b:s4+s14], $0x80, s12, s14, $0xb8;
	[tilespmem:$0x1D000] =	vst v63  }
0x14d: {  	s8 =	rddreg [dreg:$0x5]  }
0x14e: {  	[tilespmem:s16], [sflag:$0x2] =	stream.indirect.gather [hbm4b:s4+s14], $0x80, s8, s14, $0xb8;
	[tilespmem:$0x1D000] =	vst v63  }
0x14f: {  	_ =	swait.ge [sflag:s17], $0x4000  }
0x150: {  	[sflag:s17] =	ssyncset.done $0x0  }
0x151: {  	[sflag:s17] =	ssyncadd.s32 $0xFFFFC000  }
0x152: {  	[spmem:s2] =	stream.indirect.scatter.add.f32 [tilespmem:s15], [sflag:$0x3], $0x80, s13, s14, $0xb8;
	[tilespmem:$0x1D000] =	vst v63  }
0x153: {  	_ =	swait.ge [sflag:s11], $0x4000  }
0x154: {  	[sflag:s11] =	ssyncset.done $0x0  }
0x155: {  	s10 =	rddreg [dreg:$0x6];
	[sflag:s11] =	ssyncadd.s32 $0xFFFFC000  }
0x156: {  	[tilespmem:s15], [sflag:$0x1] =	stream.indirect.gather [hbm4b:s4+s14], $0x80, s10, s14, $0xb8;
	[tilespmem:$0x1D000] =	vst v63  }
0x157: {  	_ =	swait.ge [sflag:s18], $0x4000  }
0x158: {  	[sflag:s18] =	ssyncset.done $0x0  }
0x159: {  	s8 =	rddreg [dreg:$0x7];
	[sflag:s18] =	ssyncadd.s32 $0xFFFFC000  }
0x15a: {  	[spmem:s2] =	stream.indirect.scatter.add.f32 [tilespmem:s16], [sflag:$0x3], $0x80, s8, s14, $0xb8;
	[tilespmem:$0x1D000] =	vst v63  }
0x15b: {  	_ =	swait.ge [sflag:s11], $0x4000  }
0x15c: {  	[sflag:s11] =	ssyncset.done $0x0  }
0x15d: {  	s10 =	rddreg [dreg:$0x8];
	[sflag:s11] =	ssyncadd.s32 $0xFFFFC000  }
0x15e: {  	[tilespmem:s16], [sflag:$0x2] =	stream.indirect.gather [hbm4b:s4+s14], $0x80, s10, s14, $0xb8;
	[tilespmem:$0x1D000] =	vst v63  }
0x15f: {  	_ =	swait.ge [sflag:s17], $0x4000  }
0x160: {  	[sflag:s17] =	ssyncset.done $0x0  }
0x161: {  	s8 =	rddreg [dreg:$0x9];
	[sflag:s17] =	ssyncadd.s32 $0xFFFFC000  }
0x162: {  	[spmem:s2] =	stream.indirect.scatter.add.f32 [tilespmem:s15], [sflag:$0x3], $0x80, s8, s14, $0xb8;
	[tilespmem:$0x1D000] =	vst v63  }
0x163: {  	_ =	swait.ge [sflag:s11], $0x4000  }
0x164: {  	[sflag:s11] =	ssyncset.done $0x0  }
0x165: {  	s10 =	rddreg [dreg:$0xa];
	[sflag:s11] =	ssyncadd.s32 $0xFFFFC000  }
0x166: {  	[tilespmem:s15], [sflag:$0x1] =	stream.indirect.gather [hbm4b:s4+s14], $0x80, s10, s14, $0xb8;
	[tilespmem:$0x1D000] =	vst v63  }
0x167: {  	_ =	swait.ge [sflag:s18], $0x4000  }
0x168: {  	[sflag:s18] =	ssyncset.done $0x0  }
0x169: {  	s8 =	rddreg [dreg:$0xb];
	[sflag:s18] =	ssyncadd.s32 $0xFFFFC000  }
0x16a: {  	[spmem:s2] =	stream.indirect.scatter.add.f32 [tilespmem:s16], [sflag:$0x3], $0x80, s8, s14, $0xb8;
	[tilespmem:$0x1D000] =	vst v63  }
0x16b: {  	_ =	swait.ge [sflag:s11], $0x4000  }
0x16c: {  	[sflag:s11] =	ssyncset.done $0x0  }
0x16d: {  	s10 =	rddreg [dreg:$0xc];
	[sflag:s11] =	ssyncadd.s32 $0xFFFFC000  }
0x16e: {  	[tilespmem:s16], [sflag:$0x2] =	stream.indirect.gather [hbm4b:s4+s14], $0x80, s10, s14, $0xb8;
	[tilespmem:$0x1D000] =	vst v63  }
0x16f: {  	_ =	swait.ge [sflag:s17], $0x4000  }
0x170: {  	[sflag:s17] =	ssyncset.done $0x0  }
0x171: {  	s8 =	rddreg [dreg:$0xd];
	[sflag:s17] =	ssyncadd.s32 $0xFFFFC000  }
0x172: {  	[spmem:s2] =	stream.indirect.scatter.add.f32 [tilespmem:s15], [sflag:$0x3], $0x80, s8, s14, $0xb8;
	[tilespmem:$0x1D000] =	vst v63  }
0x173: {  	_ =	swait.ge [sflag:s11], $0x4000  }
0x174: {  	[sflag:s11] =	ssyncset.done $0x0  }
0x175: {  	s10 =	rddreg [dreg:$0xe];
	[sflag:s11] =	ssyncadd.s32 $0xFFFFC000  }
0x176: {  	[tilespmem:s15], [sflag:$0x1] =	stream.indirect.gather [hbm4b:s4+s14], $0x80, s10, s14, $0xb8;
	[tilespmem:$0x1D000] =	vst v63  }
0x177: {  	_ =	swait.ge [sflag:s18], $0x4000  }
0x178: {  	[sflag:s18] =	ssyncset.done $0x0  }
0x179: {  	s8 =	rddreg [dreg:$0xf];
	[sflag:s18] =	ssyncadd.s32 $0xFFFFC000  }
0x17a: {  	[spmem:s2] =	stream.indirect.scatter.add.f32 [tilespmem:s16], [sflag:$0x3], $0x80, s8, s14, $0xb8;
	[tilespmem:$0x1D000] =	vst v63  }
0x17b: {  	_ =	swait.ge [sflag:s11], $0x4000  }
0x17c: {  	[sflag:s11] =	ssyncset.done $0x0  }
0x17d: {  	s10 =	rddreg [dreg:$0x10];
	[sflag:s11] =	ssyncadd.s32 $0xFFFFC000  }
0x17e: {  	[tilespmem:s16], [sflag:$0x2] =	stream.indirect.gather [hbm4b:s4+s14], $0x80, s10, s14, $0xb8;
	[tilespmem:$0x1D000] =	vst v63  }
0x17f: {  	_ =	swait.ge [sflag:s17], $0x4000  }
0x180: {  	[sflag:s17] =	ssyncset.done $0x0  }
0x181: {  	s8 =	rddreg [dreg:$0x11];
	[sflag:s17] =	ssyncadd.s32 $0xFFFFC000  }
0x182: {  	[spmem:s2] =	stream.indirect.scatter.add.f32 [tilespmem:s15], [sflag:$0x3], $0x80, s8, s14, $0xb8;
	[tilespmem:$0x1D000] =	vst v63  }
0x183: {  	_ =	swait.ge [sflag:s11], $0x4000  }
0x184: {  	[sflag:s11] =	ssyncset.done $0x0  }
0x185: {  	s10 =	rddreg [dreg:$0x12];
	[sflag:s11] =	ssyncadd.s32 $0xFFFFC000  }
0x186: {  	[tilespmem:s15], [sflag:$0x1] =	stream.indirect.gather [hbm4b:s4+s14], $0x80, s10, s14, $0xb8;
	[tilespmem:$0x1D000] =	vst v63  }
0x187: {  	_ =	swait.ge [sflag:s18], $0x4000  }
0x188: {  	[sflag:s18] =	ssyncset.done $0x0  }
0x189: {  	s8 =	rddreg [dreg:$0x13];
	[sflag:s18] =	ssyncadd.s32 $0xFFFFC000  }
0x18a: {  	[spmem:s2] =	stream.indirect.scatter.add.f32 [tilespmem:s16], [sflag:$0x3], $0x80, s8, s14, $0xb8;
	[tilespmem:$0x1D000] =	vst v63  }
0x18b: {  	_ =	swait.ge [sflag:s11], $0x4000  }
0x18c: {  	[sflag:s11] =	ssyncset.done $0x0  }
0x18d: {  	s10 =	rddreg [dreg:$0x14];
	[sflag:s11] =	ssyncadd.s32 $0xFFFFC000  }
0x18e: {  	[tilespmem:s16], [sflag:$0x2] =	stream.indirect.gather [hbm4b:s4+s14], $0x80, s10, s14, $0xb8;
	[tilespmem:$0x1D000] =	vst v63  }
0x18f: {  	_ =	swait.ge [sflag:s17], $0x4000  }
0x190: {  	[sflag:s17] =	ssyncset.done $0x0  }
0x191: {  	[sflag:s17] =	ssyncadd.s32 $0xFFFFC000  }
0x192: {  	[spmem:s2] =	stream.indirect.scatter.add.f32 [tilespmem:s15], [sflag:$0x3], $0x80, s19, s14, $0xb8;
	[tilespmem:$0x1D000] =	vst v63  }
0x193: {  	_ =	swait.ge [sflag:s11], $0x4000  }
0x194: {  	[sflag:s11] =	ssyncset.done $0x0  }
0x195: {  	[sflag:s11] =	ssyncadd.s32 $0xFFFFC000  }
0x196: {  	[tilespmem:s15], [sflag:$0x1] =	stream.indirect.gather [hbm4b:s4+s14], $0x80, s20, s14, $0xb8;
	[tilespmem:$0x1D000] =	vst v63  }
0x197: {  	_ =	swait.ge [sflag:s18], $0x4000  }
0x198: {  	[sflag:s18] =	ssyncset.done $0x0  }
0x199: {  	[sflag:s18] =	ssyncadd.s32 $0xFFFFC000  }
0x19a: {  	[spmem:s2] =	stream.indirect.scatter.add.f32 [tilespmem:s16], [sflag:$0x3], $0x80, s21, s14, $0xb8;
	[tilespmem:$0x1D000] =	vst v63  }
0x19b: {  	_ =	swait.ge [sflag:s11], $0x4000  }
0x19c: {  	[sflag:s11] =	ssyncset.done $0x0  }
0x19d: {  	[sflag:s11] =	ssyncadd.s32 $0xFFFFC000  }
0x19e: {  	[tilespmem:s16], [sflag:$0x2] =	stream.indirect.gather [hbm4b:s4+s14], $0x80, s22, s14, $0xb8;
	[tilespmem:$0x1D000] =	vst v63  }
0x19f: {  	_ =	swait.ge [sflag:s17], $0x4000  }
0x1a0: {  	[sflag:s17] =	ssyncset.done $0x0  }
0x1a1: {  	[sflag:s17] =	ssyncadd.s32 $0xFFFFC000  }
0x1a2: {  	[spmem:s2] =	stream.indirect.scatter.add.f32 [tilespmem:s15], [sflag:$0x3], $0x80, s23, s14, $0xb8;
	[tilespmem:$0x1D000] =	vst v63  }
0x1a3: {  	_ =	swait.ge [sflag:s11], $0x4000  }
0x1a4: {  	[sflag:s11] =	ssyncset.done $0x0  }
0x1a5: {  	[sflag:s11] =	ssyncadd.s32 $0xFFFFC000  }
0x1a6: {  	[tilespmem:s15], [sflag:$0x1] =	stream.indirect.gather [hbm4b:s4+s14], $0x80, s25, s14, $0xb8;
	[tilespmem:$0x1D000] =	vst v63  }
0x1a7: {  	_ =	swait.ge [sflag:s18], $0x4000  }
0x1a8: {  	[sflag:s18] =	ssyncset.done $0x0  }
0x1a9: {  	[sflag:s18] =	ssyncadd.s32 $0xFFFFC000  }
0x1aa: {  	[spmem:s2] =	stream.indirect.scatter.add.f32 [tilespmem:s16], [sflag:$0x3], $0x80, s26, s14, $0xb8;
	[tilespmem:$0x1D000] =	vst v63  }
0x1ab: {  	_ =	swait.ge [sflag:s11], $0x4000  }
0x1ac: {  	[sflag:s11] =	ssyncset.done $0x0  }
0x1ad: {  	[sflag:s11] =	ssyncadd.s32 $0xFFFFC000  }
0x1ae: {  	[tilespmem:s16], [sflag:$0x2] =	stream.indirect.gather [hbm4b:s4+s14], $0x80, s28, s14, $0xb8;
	[tilespmem:$0x1D000] =	vst v63  }
0x1af: {  	_ =	swait.ge [sflag:s17], $0x4000  }
0x1b0: {  	[sflag:s17] =	ssyncset.done $0x0  }
0x1b1: {  	[sflag:s17] =	ssyncadd.s32 $0xFFFFC000  }
0x1b2: {  	[spmem:s2] =	stream.indirect.scatter.add.f32 [tilespmem:s15], [sflag:$0x3], $0x80, s29, s14, $0xb8;
	[tilespmem:$0x1D000] =	vst v63  }
0x1b3: {  	_ =	swait.ge [sflag:s11], $0x4000  }
0x1b4: {  	[sflag:s11] =	ssyncset.done $0x0  }
0x1b5: {  	[sflag:s11] =	ssyncadd.s32 $0xFFFFC000  }
0x1b6: {  	[tilespmem:s15], [sflag:$0x1] =	stream.indirect.gather [hbm4b:s4+s14], $0x80, s30, s14, $0xb8;
	[tilespmem:$0x1D000] =	vst v63  }
0x1b7: {  	_ =	swait.ge [sflag:s18], $0x4000  }
0x1b8: {  	[sflag:s18] =	ssyncset.done $0x0  }
0x1b9: {  	[sflag:s18] =	ssyncadd.s32 $0xFFFFC000  }
0x1ba: {  	[spmem:s2] =	stream.indirect.scatter.add.f32 [tilespmem:s16], [sflag:$0x3], $0x80, s31, s14, $0xb8;
	[tilespmem:$0x1D000] =	vst v63  }
0x1bb: {  	_ =	swait.ge [sflag:s11], $0x4000  }
0x1bc: {  	[sflag:s11] =	ssyncset.done $0x0  }
0x1bd: {  	[sflag:s11] =	ssyncadd.s32 $0xFFFFC000  }
0x1be: {  	[tilespmem:s16], [sflag:$0x2] =	stream.indirect.gather [hbm4b:s4+s14], $0x80, s0, s14, $0xb8;
	[tilespmem:$0x1D000] =	vst v63  }
0x1bf: {  	_ =	swait.ge [sflag:s17], $0x4000  }
0x1c0: {  	[sflag:s17] =	ssyncset.done $0x0  }
0x1c1: {  	[sflag:s17] =	ssyncadd.s32 $0xFFFFC000  }
0x1c2: {  	[spmem:s2] =	stream.indirect.scatter.add.f32 [tilespmem:s15], [sflag:$0x3], $0x80, s1, s14, $0xb8;
	[tilespmem:$0x1D000] =	vst v63  }
0x1c3: {  	_ =	swait.ge [sflag:s11], $0x4000  }
0x1c4: {  	[sflag:s11] =	ssyncset.done $0x0  }
0x1c5: {  	[sflag:s11] =	ssyncadd.s32 $0xFFFFC000  }
0x1c6: {  	_ =	swait.ge [sflag:s18], $0x4000  }
0x1c7: {  	[sflag:s18] =	ssyncset.done $0x0  }
0x1c8: {  	[sflag:s18] =	ssyncadd.s32 $0xFFFFC000  }
0x1c9: {  	[spmem:s2] =	stream.indirect.scatter.add.f32 [tilespmem:s16], [sflag:$0x3], $0x80, s5, s14, $0xb8;
	[tilespmem:$0x1D000] =	vst v63  }
0x1ca: {  	_ =	swait.ge [sflag:s11], $0x4000  }
0x1cb: {  	[sflag:s11] =	ssyncset.done $0x0  }
0x1cc: {  	[sflag:s11] =	ssyncadd.s32 $0xFFFFC000  }
0x1cd: {  	[bflag:$0x0] =	sbarrier.arrive $0xFFFF  }
0x1ce: {  	s10 =	rddreg [dreg:$0x18]  }
0x1cf: {  	s6 =	rddreg [dreg:$0x19]  }
0x1d0: {  	[hbm:s6], [sflag:s10] =	dma.local [spmem:s7], $0x2800  }
0x1d1: {  	_ =	swait.ge [sflag:s11], $0x2800  }
0x1d2: {  	s9 =	sadd.s32 $0x1, s9;
	s8 =	smov.u32 s7;
	s7 =	rddreg [dreg:$0x17]  }
0x1d3: {  	p0 =	sne.s32 s9, s7  }
.Ltmp3:
0x1d4: {  	_ = 	snop;
	(pc) =	sbr.rel @p0 .LBB2_1-.Ltmp3, $4  }
.Ltmp4:
0x1d5: {  	_ = 	snop;
	(pc) =	sbr.rel @!p0 .LBB2_7-.Ltmp4, $4  }
0x1d6: {  	_ = 	snop  }
0x1d7: {  	[sflag:s11] =	ssyncset.done $0x0  }
0x1d8: {  	[sflag:s11] =	ssyncadd.s32 $0xFFFFD800  }
0x1d9: {  	_ = 	snop  }
.LBB2_2:
.Ltmp5:
0x1da: {  	(pc) =	sbr.rel .LBB2_6-.Ltmp5, $2  }
0x1db: {  	_ =	sdelay $0x2  }
0x1dc: {  	s8 =	smov.u32 s24  }
.LBB2_4:
.Ltmp6:
0x1dd: {  	(pc) =	sbr.rel .LBB2_6-.Ltmp6, $2  }
0x1de: {  	_ =	sdelay $0x2  }
0x1df: {  	s8 =	smov.u32 s24  }
.LBB2_7:
0x1e0: {  	_ =	sfence.sel $0x180000  }
0x1e1: {  	[bflag:$0x0] =	sbarrier.arrive $0xFFFF  }
0x1e2: {  	_ =	strace $0x9000004A  }
0x1e3: {  	s0 =	stileid.u32;
	[bflag:$0x2] =	sbarrier.arrive $0xFFFF  }
0x1e4: {  	p0 =	sne.s32 s0, $0x0;
	s0 =	rddreg [dreg:$0x2]  }
0x1e5: {  	s0 =	sadd.s32 @!p0 $0x100000, s0  }
0x1e6: {  	[sflag:s0] =	ssyncadd.tile.s32 @!p0 $0x1;
	_ =	shalt  }
.Lfunc_end2:
_tile_overlayer_lowered:
.L_overlay_start_2:
0x1e7: {  	(tag) =	ssettag $0x2  }
0x1e8: {  	s0 =	rddreg [dreg:$0x0];
	s2 =	stileid.u32  }
0x1e9: {  	s1 =	rddreg [dreg:$0x1];
	p0 =	sne.s32 s2, $0x0  }
0x1ea: {  	s3 =	rddreg [dreg:$0x2];
	[bflag:$0x3] =	sbarrier.arrive $0xFFFF;
	s2 =	simm.s32 @!p0 $0x1C03  }
0x1eb: {  	[timem:s3], [sflag:s2] =	dma.local @!p0 [hbm:s0], s1  }
0x1ec: {  	s0 =	simm.s32 @!p0 $0x3  }
0x1ed: {  	_ =	swait.ge @!p0 [sflag:s0], s1  }
0x1ee: {  	s1 =	ssub.s32 @!p0 $0x0, s1;
	[sflag:s0] =	ssyncset.done @!p0 $0x0  }
0x1ef: {  	[sflag:s0] =	ssyncadd.s32 @!p0 s1  }
0x1f0: {  	[bflag:$0x3] =	sbarrier.arrive $0xFFFF  }
0x1f1: {  	_ =	shalt  }

// kernel: kernel.17.cloned.1.call-start
scs
__scs_entry_jumppad:
0x0: {  	(pc) =	sbr.rel $0x88, $3  }
0x1: {  	(tag) =	ssettag $0x0;
	lr =	simm.s32 $0x1  }
0x2: {  	[smem:$0x3F96] =	sst lr;
	_ =	strace $0xD0000000  }
0x3: {  	_ = 	snop  }
0x4: {  	_ = 	snop  }
0x5: {  	_ = 	snop  }
0x6: {  	_ = 	snop  }
0x7: {  	_ = 	snop  }
__scs_overlays_trampoline_lowered:
0x8: {  	[smem:$0x3FA5] =	sst s0  }
0x9: {  	[smem:$0x3FA6] =	sst s1  }
0xa: {  	[smem:$0x3FA7] =	sst s2  }
0xb: {  	[smem:$0x3FA8] =	sst s3  }
0xc: {  	[smem:$0x3FA9] =	sst s4  }
0xd: {  	[smem:$0x3FAA] =	sst s5  }
0xe: {  	[smem:$0x3FAB] =	sst s6  }
0xf: {  	[smem:$0x3FAC] =	sst s7  }
0x10: {  	[smem:$0x3FAD] =	sst s8  }
0x11: {  	[smem:$0x3FAE] =	sst s9;
	s0 =	simm.s32 @!p0 $0x0  }
0x12: {  	s1 =	sld [smem:$0x3F94];
	s0 =	simm.s32 @p0 $0x1  }
0x13: {  	[smem:$0x3FAF] =	sst s0;
	s0 =	simm.s32 @!p1 $0x0  }
0x14: {  	s2 =	sld [smem:$0x3F93];
	s0 =	simm.s32 @p1 $0x1  }
0x15: {  	[smem:$0x3FB0] =	sst s0;
	s0 =	simm.s32 @!p2 $0x0  }
0x16: {  	s3 =	sld [smem:$0x3FDB];
	s0 =	simm.s32 @p2 $0x1  }
0x17: {  	s4 =	simm.s32 $0x1BF5;
	[smem:$0x3FB2] =	sst s0  }
0x18: {  	s0 =	sld [smem:$0x3F95];
	_ =	swait.ge [sflag:s4], $0x0  }
0x19: {  	s7 =	sld [smem:$0x3F96]  }
0x1a: {  	s8 =	sadd.s32 $0xFFFFE003, lr  }
0x1b: {  	s9 =	sadd.s32 $0xFFFFFEF7, lr;
	s5 =	simm.s32 $0xFFFFFFFF;
	p2 =	slt.u32 s8, $0xFFFFF086  }
0x1c: {  	p1 =	slt.u32 s9, $0xF7A;
	s5 =	simm.s32 @!p2 $0x0  }
0x1d: {  	s5 =	simm.s32 @p1 $0x1;
	p0 =	seq.s32 s7, s2  }
0x1e: {  	s7 =	smul.u32 @!p0 $0xF7A, s2;
	p2 =	seq.s32 @!p0 s5, $0x0  }
0x1f: {  	s9 =	smul.u32 $0xF7A, s1;
	s8 =	simm.s32 @!p0 $0x1BF5;
	p2 =	por !p2, p0  }
0x20: {  	[sflag:s8] =	ssyncset.s32 @!p0 $0xFFFFF086;
	s6 =	sadd.s32 @!p0 s3, s7;
	s7 =	simm.s32 @!p0 $0x108  }
0x21: {  	s3 =	sadd.s32 s3, s9;
	s6 =	sadd.s32 @!p0 $0x88, s6;
	s7 =	simm.s32 @p2 $0x1082  }
0x22: {  	[simem:s7], [sflag:s8] =	dma.local @!p0 [hbm:s6], $0xF7A  }
0x23: {  	s9 =	sor.u32 $0xD0000000, s2;
	s6 =	simm.s32 $0x108;
	_ =	swait.ge @!p0 [sflag:s8], $0x0  }
0x24: {  	s3 =	sadd.s32 $0x88, s3;
	s6 =	simm.s32 @!p1 $0x1082;
	[sflag:s4] =	ssyncset.s32 $0xFFFFF086  }
0x25: {  	[simem:s6], [sflag:s4] =	dma.local [hbm:s3], $0xF7A  }
0x26: {  	[smem:$0x3F96] =	sst s1;
	(tag) =	ssettag s2;
	_ =	strace s9  }
0x27: {  	s1 =	sld [smem:$0x3FA6]  }
0x28: {  	s2 =	sld [smem:$0x3FA7]  }
0x29: {  	s4 =	sld [smem:$0x3FA9]  }
0x2a: {  	p0 =	seq.s32 s5, $0x0;
	s5 =	sld [smem:$0x3FAA]  }
0x2b: {  	s6 =	sld [smem:$0x3FAB]  }
0x2c: {  	s7 =	sld [smem:$0x3FAC]  }
0x2d: {  	s3 =	simm.s32 $0x108;
	s8 =	sld [smem:$0x3FAD]  }
0x2e: {  	s3 =	simm.s32 @!p0 $0x1082;
	s9 =	sld [smem:$0x3FAE]  }
0x2f: {  	lr =	sadd.s32 s0, s3;
	s0 =	sld [smem:$0x3FA5]  }
0x30: {  	s3 =	sld [smem:$0x3FA8]  }
0x31: {  	[smem:$0x3FB1] =	sst s10  }
0x32: {  	s10 =	sld [smem:$0x3FAF];
	_ =	sdelay $0x3  }
0x33: {  	p0 =	seq.s32 s10, $0x1;
	s10 =	sld [smem:$0x3FB1];
	_ =	sdelay $0x3  }
0x34: {  	[smem:$0x3FB1] =	sst s10  }
0x35: {  	s10 =	sld [smem:$0x3FB0];
	_ =	sdelay $0x3  }
0x36: {  	p1 =	seq.s32 s10, $0x1;
	s10 =	sld [smem:$0x3FB1];
	_ =	sdelay $0x3  }
0x37: {  	[smem:$0x3FB1] =	sst s10  }
0x38: {  	s10 =	sld [smem:$0x3FB2]  }
0x39: {  	_ = 	snop;
	(pc) =	sbr.ind lr, $3  }
0x3a: {  	_ = 	snop  }
0x3b: {  	_ = 	snop  }
0x3c: {  	p2 =	seq.s32 s10, $0x1;
	s10 =	sld [smem:$0x3FB1]  }
0x3d: {  	_ =	shalt  }
0x3e: {  	_ =	shalt  }
0x3f: {  	_ =	shalt  }
0x40: {  	_ =	shalt  }
0x41: {  	_ =	shalt  }
0x42: {  	_ =	shalt  }
0x43: {  	_ =	shalt  }
0x44: {  	_ =	shalt  }
0x45: {  	_ =	shalt  }
0x46: {  	_ =	shalt  }
0x47: {  	_ =	shalt  }
0x48: {  	_ =	shalt  }
0x49: {  	_ =	shalt  }
0x4a: {  	_ =	shalt  }
0x4b: {  	_ =	shalt  }
0x4c: {  	_ =	shalt  }
0x4d: {  	_ =	shalt  }
0x4e: {  	_ =	shalt  }
0x4f: {  	_ =	shalt  }
0x50: {  	_ =	shalt  }
0x51: {  	_ =	shalt  }
0x52: {  	_ =	shalt  }
0x53: {  	_ =	shalt  }
0x54: {  	_ =	shalt  }
0x55: {  	_ =	shalt  }
0x56: {  	_ =	shalt  }
0x57: {  	_ =	shalt  }
0x58: {  	_ =	shalt  }
0x59: {  	_ =	shalt  }
0x5a: {  	_ =	shalt  }
0x5b: {  	_ =	shalt  }
0x5c: {  	_ =	shalt  }
0x5d: {  	_ =	shalt  }
0x5e: {  	_ =	shalt  }
0x5f: {  	_ =	shalt  }
0x60: {  	_ =	shalt  }
0x61: {  	_ =	shalt  }
0x62: {  	_ =	shalt  }
0x63: {  	_ =	shalt  }
0x64: {  	_ =	shalt  }
0x65: {  	_ =	shalt  }
0x66: {  	_ =	shalt  }
0x67: {  	_ =	shalt  }
0x68: {  	_ =	shalt  }
0x69: {  	_ =	shalt  }
0x6a: {  	_ =	shalt  }
0x6b: {  	_ =	shalt  }
0x6c: {  	_ =	shalt  }
0x6d: {  	_ =	shalt  }
0x6e: {  	_ =	shalt  }
0x6f: {  	_ =	shalt  }
0x70: {  	_ =	shalt  }
0x71: {  	_ =	shalt  }
0x72: {  	_ =	shalt  }
0x73: {  	_ =	shalt  }
0x74: {  	_ =	shalt  }
0x75: {  	_ =	shalt  }
0x76: {  	_ =	shalt  }
0x77: {  	_ =	shalt  }
0x78: {  	_ =	shalt  }
0x79: {  	_ =	shalt  }
0x7a: {  	_ =	shalt  }
0x7b: {  	_ =	shalt  }
0x7c: {  	_ =	shalt  }
0x7d: {  	_ =	shalt  }
0x7e: {  	_ =	shalt  }
0x7f: {  	_ =	shalt  }
0x80: {  	_ =	shalt  }
0x81: {  	_ =	shalt  }
0x82: {  	_ =	shalt  }
0x83: {  	_ =	shalt  }
0x84: {  	_ =	shalt  }
0x85: {  	_ =	shalt  }
0x86: {  	_ =	shalt  }
0x87: {  	_ =	shalt  }
.Lfunc_end0:
.L_simem_size_0:
called_computation.2_lowered:
.L_overlay_start_0:
0x88: {  	s2 =	sld [smem:$0x3FD9]  }
0x89: {  	s3 =	sld [smem:$0x3FFE];
	_ =	sdelay $0x1  }
0x8a: {  	s1 =	srdreg.scid  }
0x8b: {  	s0 =	sand.u32 $0x1, s1  }
0x8c: {  	s16 =	sshll.u32 s0, $0xA;
	s2 =	sadd.s32 s3, s2  }
0x8d: {  	s2 =	sadd.s32 s2, s16  }
0x8e: {  	[smem:$0x3FBD] =	sst s2  }
0x8f: {  	_ = 	snop  }
0x90: {  	(tm) =	ssettm $0x1  }
0x91: {  	s17 =	sld [smem:$0x3FFB];
	_ =	sdelay $0x3  }
0x92: {  	_ =	strace s17  }
0x93: {  	s2 =	sld [smem:$0x3FFC];
	_ =	sdelay $0x3  }
0x94: {  	_ =	strace s2  }
0x95: {  	s2 =	sld [smem:$0x3FFD];
	_ =	sdelay $0x3  }
0x96: {  	_ =	strace s2  }
0x97: {  	_ =	strace $0x8FFFFFFF  }
0x98: {  	s18 =	sld [smem:$0x3FDB];
	_ =	sdelay $0x1  }
0x99: {  	s19 =	simm.s32 $_scs_section_size  }
0x9a: {  	s4 =	simm.s32 $_size__tile_overlayer_lowered;
	s5 =	simm.s32 $_tile_overlayer_lowered  }
0x9b: {  	s22 =	simm.s32 $0x1BFF;
	s21 =	sshll.u32 s5, $0x1;
	s2 =	sadd.s32 s19, s18  }
0x9c: {  	s6 =	simm.s32 $0x0;
	s20 =	sshll.u32 s4, $0x1;
	s4 =	sadd.s32 s21, s2  }
0x9d: {  	[timem:s6], [sflag:s22] =	dma.local [hbm:s4], s20  }
0x9e: {  	_ =	swait.ge [sflag:s22], s20  }
0x9f: {  	s3 =	ssub.s32 $0x0, s20;
	[sflag:s22] =	ssyncset.done $0x0  }
0xa0: {  	[sflag:s22] =	ssyncadd.s32 s3;
	_ =	sdelay $0x1  }
0xa1: {  	s23 =	simm.s32 $0x1B8B  }
0xa2: {  	_ =	swait.ge [sflag:s23], $0x1  }
0xa3: {  	[sflag:s23] =	ssyncset.done $0x0  }
0xa4: {  	s25 =	simm.s32 $0x1B8E;
	s24 =	sld [smem:$0x3FFE];
	[sflag:s23] =	ssyncadd.s32 $0xFFFFFFFF  }
0xa5: {  	s26 =	simm.s32 $execute0_lowered;
	[smem:$0x3FD2] =	sst s25  }
0xa6: {  	s4 =	sshll.u32 s26, $0x1;
	_ =	strace $0x8000004C;
	[dreg:$0x1] =	wrdreg $0xFFFFFFFF  }
0xa7: {  	s28 =	simm.s32 $_size_execute0_lowered;
	s2 =	sadd.s32 s2, s4;
	[dreg:$0x0] =	wrdreg $0x0  }
0xa8: {  	s4 =	sshll.u32 s28, $0x1;
	[dreg:$0x2] =	wrdreg s2  }
0xa9: {  	[dreg:$0x3] =	wrdreg s4  }
0xaa: {  	[dreg:$0x4] =	wrdreg $0xC0  }
0xab: {  	_ =	task [dreg:s6], $0x5FFFF  }
0xac: {  	[dreg:$0x1] =	wrdreg $0xFFFFFFFF  }
0xad: {  	[dreg:$0x0] =	wrdreg $0x60  }
0xae: {  	[dreg:$0x2] =	wrdreg s24  }
0xaf: {  	[dreg:$0x3] =	wrdreg $0x0  }
0xb0: {  	[dreg:$0x4] =	wrdreg $0x9  }
0xb1: {  	_ =	task.clear_ibuf [dreg:s6], $0x5FFFF;
	_ =	strace $0x9000004C  }
0xb2: {  	s29 =	simm.s32 $0x9;
	_ =	strace $0x8000004E  }
0xb3: {  	_ =	swait.ge [sflag:s29], $0x1  }
0xb4: {  	[sflag:s29] =	ssyncadd.s32 $0xFFFFFFFF  }
0xb5: {  	_ =	strace $0x9000004E  }
0xb6: {  	_ =	sfence  }
0xb7: {  	s30 =	sld [smem:$0x0];
	_ =	sdelay $0x2  }
0xb8: {  	s31 =	sshll.u32 s1, $0xD;
	s1 =	sshrl.u32 s1, $0x2  }
0xb9: {  	s3 =	sand.u32 $0x4000, s31;
	s1 =	sadd.s32 s1, s30  }
0xba: {  	s0 =	sor.u32 s3, s0;
	s1 =	sshll.u32 s1, $0x11  }
0xbb: {  	s0 =	sor.u32 s1, s0  }
0xbc: {  	s0 =	sadd.s32 $0x8F2B, s0  }
0xbd: {  	[sflag:s0] =	ssyncadd.remote.s32 $0x1  }
0xbe: {  	_ =	sfence.sel $0xFFFF  }
0xbf: {  	[dreg:$0x0] =	wrdreg $0xFFFFFFFF;
	(pc) =	sbr.abs _section_cstart, $3  }
0xc0: {  	[dreg:$0x1] =	wrdreg $0xFFFFFFFF  }
0xc1: {  	_ =	task.clear_ibuf [dreg:s6], $0x2FFFF;
	_ =	strace $0x9FFFFFFF  }
0xc2: {  	(tm) =	ssettm $0x7FFFFFFF  }
0xc3: {  	_ =	shalt  }
tec
execute0_lowered:
.L_overlay_start_1:
0x0: {  	(tag) =	ssettag $0x1  }
0x1: {  	s0 =	rddreg [dreg:$0x0]  }
0x2: {  	s2 =	rddreg [dreg:$0x1]  }
0x3: {  	s3 =	simm.s32 $0x0;
	s8 =	stileid.u32;
	s4 =	srdreg.scid  }
0x4: {  	s11 =	simm.s32 $0x14080;
	[smem:$0x7FF] =	sst s3;
	s6 =	sadd.s32 $0xD000, s0  }
0x5: {  	s13 =	simm.s32 $0x14100;
	_ =	strace $0x8000004D;
	[dreg:$0x13] =	wrdreg s6  }
0x6: {  	s14 =	simm.s32 $0x14880;
	s15 =	simm.s32 $0x14180;
	[dreg:$0x5] =	wrdreg s11  }
0x7: {  	s16 =	simm.s32 $0x14900;
	s17 =	simm.s32 $0x14200;
	[dreg:$0x6] =	wrdreg s13  }
0x8: {  	s18 =	simm.s32 $0x14980;
	s19 =	simm.s32 $0x14280;
	[dreg:$0x7] =	wrdreg s14  }
0x9: {  	s20 =	simm.s32 $0x14A00;
	s21 =	simm.s32 $0x14300;
	[dreg:$0x8] =	wrdreg s15  }
0xa: {  	s22 =	simm.s32 $0x14A80;
	s23 =	simm.s32 $0x14380;
	[dreg:$0x9] =	wrdreg s16  }
0xb: {  	s25 =	simm.s32 $0x14B00;
	s28 =	simm.s32 $0x14680;
	[dreg:$0xa] =	wrdreg s17  }
0xc: {  	s29 =	simm.s32 $0x14E00;
	s30 =	simm.s32 $0x14700;
	[dreg:$0xb] =	wrdreg s18  }
0xd: {  	s31 =	simm.s32 $0x14E80;
	s1 =	smul.u32 $0xA00, s8;
	[dreg:$0xc] =	wrdreg s19  }
0xe: {  	s4 =	sand.u32 $0x1, s4;
	s7 =	smul.u32 $0x50000, s8;
	[dreg:$0xd] =	wrdreg s20  }
0xf: {  	s12 =	sshll.u32 s8, $0x6;
	s5 =	smul.u32 $0x28000, s4;
	[dreg:$0xe] =	wrdreg s21  }
0x10: {  	s4 =	ssub.s32 $0x2, s4;
	s24 =	sor.u32 $0x1C03, s12;
	[dreg:$0xf] =	wrdreg s22  }
0x11: {  	s11 =	simm.s32 $0x14800;
	s12 =	simm.s32 $0x80;
	[dreg:$0x10] =	wrdreg s23  }
0x12: {  	s13 =	simm.s32 $0x15000;
	s14 =	simm.s32 $0x19000;
	[dreg:$0x11] =	wrdreg s25  }
0x13: {  	s15 =	simm.s32 $0x1;
	s16 =	simm.s32 $0x2;
	s17 =	simm.s32 $0x14B80  }
0x14: {  	s18 =	simm.s32 $0x14480;
	s19 =	simm.s32 $0x14C00;
	s20 =	simm.s32 $0x14500  }
0x15: {  	s21 =	simm.s32 $0x14C80;
	s22 =	simm.s32 $0x14580;
	s23 =	simm.s32 $0x14D00  }
0x16: {  	s25 =	simm.s32 $0x14600;
	s1 =	sadd.s32 s1, s0;
	s26 =	sshrl.u32 s4, $0x1  }
0x17: {  	s9 =	sshrl.u32 s7, $0x2;
	s7 =	smul.u32 $0x2800, s8;
	[dreg:$0x14] =	wrdreg s24  }
0x18: {  	s0 =	sadd.s32 s5, s0;
	s4 =	ssub.s32 s4, s26;
	s6 =	sadd.s32 $0x60000, s1  }
0x19: {  	s1 =	sadd.s32 $0x3000, s1;
	s10 =	sadd.s32 s9, s2;
	[dreg:$0x3] =	wrdreg s6  }
0x1a: {  	s9 =	simm.s32 $0x3;
	s26 =	simm.s32 $0x14400;
	[dreg:$0x4] =	wrdreg s1  }
0x1b: {  	s6 =	sadd.s32 $0xF800, s0;
	s0 =	sadd.s32 $0x6A000, s0;
	s4 =	smax.u32 s4, $0x1  }
0x1c: {  	s8 =	sshrl.u32 s10, $0x3;
	s10 =	simm.s32 $0x14000;
	[dreg:$0x12] =	wrdreg s26  }
0x1d: {  	s26 =	simm.s32 $0x14D80;
	s1 =	simm.s32 $0x14F00;
	[dreg:$0x15] =	wrdreg s4  }
0x1e: {  	s0 =	sadd.s32 s7, s0;
	s4 =	simm.s32 $0x14F80;
	[dreg:$0x16] =	wrdreg s8  }
0x1f: {  	s7 =	simm.s32 $0x0;
	[dreg:$0x17] =	wrdreg s0;
	s0 =	simm.s32 $0x14780  }
.LBB2_1:
0x20: {  	[dreg:$0x18] =	wrdreg s7  }
0x21: {  	s5 =	rddreg [dreg:$0x13]  }
0x22: {  	[spmem:s8], [sflag:s24] =	dma.local [hbm:s5], $0x2800  }
0x23: {  	_ =	swait.ge [sflag:s9], $0x2800  }
0x24: {  	[sflag:s9] =	ssyncset.done $0x0  }
0x25: {  	[sflag:s9] =	ssyncadd.s32 $0xFFFFD800  }
0x26: {  	[bflag:$0x0] =	sbarrier.arrive $0xFFFF  }
0x27: {  	s24 =	rddreg [dreg:$0x3]  }
0x28: {  	s5 =	sadd.s32 $0x0, s24  }
0x29: {  	[tilespmem:s10], [sflag:$0x3] =	stream.linear.gather [hbm4b:s5+s3], $0x800, $0x38;
	[tilespmem:$0x1D000] =	vst v63  }
0x2a: {  	_ =	swait.ge [sflag:s9], $0x800  }
0x2b: {  	s7 =	rddreg [dreg:$0x4];
	[sflag:s9] =	ssyncset.done $0x0  }
0x2c: {  	[sflag:s9] =	ssyncadd.s32 $0xFFFFF800;
	s5 =	sadd.s32 $0x0, s7  }
0x2d: {  	[tilespmem:s11], [sflag:$0x3] =	stream.linear.gather [hbm4b:s5+s3], $0x800, $0x38;
	[tilespmem:$0x1D000] =	vst v63  }
0x2e: {  	_ =	swait.ge [sflag:s9], $0x800  }
0x2f: {  	[sflag:s9] =	ssyncset.done $0x0  }
0x30: {  	[sflag:s9] =	ssyncadd.s32 $0xFFFFF800  }
0x31: {  	[tilespmem:s13], [sflag:$0x1] =	stream.indirect.gather [hbm4b:s6+s12], $0x80, s10, s12, $0xb8;
	[tilespmem:$0x1D000] =	vst v63  }
0x32: {  	s8 =	rddreg [dreg:$0x5]  }
0x33: {  	[tilespmem:s14], [sflag:$0x2] =	stream.indirect.gather [hbm4b:s6+s12], $0x80, s8, s12, $0xb8;
	[tilespmem:$0x1D000] =	vst v63  }
0x34: {  	_ =	swait.ge [sflag:s15], $0x4000  }
0x35: {  	[sflag:s15] =	ssyncset.done $0x0  }
0x36: {  	[sflag:s15] =	ssyncadd.s32 $0xFFFFC000  }
0x37: {  	[spmem:s2] =	stream.indirect.scatter.add.f32 [tilespmem:s13], [sflag:$0x3], $0x80, s11, s12, $0xb8;
	[tilespmem:$0x1D000] =	vst v63  }
0x38: {  	_ =	swait.ge [sflag:s9], $0x4000  }
0x39: {  	[sflag:s9] =	ssyncset.done $0x0  }
0x3a: {  	s24 =	rddreg [dreg:$0x6];
	[sflag:s9] =	ssyncadd.s32 $0xFFFFC000  }
0x3b: {  	[tilespmem:s13], [sflag:$0x1] =	stream.indirect.gather [hbm4b:s6+s12], $0x80, s24, s12, $0xb8;
	[tilespmem:$0x1D000] =	vst v63  }
0x3c: {  	_ =	swait.ge [sflag:s16], $0x4000  }
0x3d: {  	[sflag:s16] =	ssyncset.done $0x0  }
0x3e: {  	s7 =	rddreg [dreg:$0x7];
	[sflag:s16] =	ssyncadd.s32 $0xFFFFC000  }
0x3f: {  	[spmem:s2] =	stream.indirect.scatter.add.f32 [tilespmem:s14], [sflag:$0x3], $0x80, s7, s12, $0xb8;
	[tilespmem:$0x1D000] =	vst v63  }
0x40: {  	_ =	swait.ge [sflag:s9], $0x4000  }
0x41: {  	[sflag:s9] =	ssyncset.done $0x0  }
0x42: {  	s8 =	rddreg [dreg:$0x8];
	[sflag:s9] =	ssyncadd.s32 $0xFFFFC000  }
0x43: {  	[tilespmem:s14], [sflag:$0x2] =	stream.indirect.gather [hbm4b:s6+s12], $0x80, s8, s12, $0xb8;
	[tilespmem:$0x1D000] =	vst v63  }
0x44: {  	_ =	swait.ge [sflag:s15], $0x4000  }
0x45: {  	[sflag:s15] =	ssyncset.done $0x0  }
0x46: {  	s24 =	rddreg [dreg:$0x9];
	[sflag:s15] =	ssyncadd.s32 $0xFFFFC000  }
0x47: {  	[spmem:s2] =	stream.indirect.scatter.add.f32 [tilespmem:s13], [sflag:$0x3], $0x80, s24, s12, $0xb8;
	[tilespmem:$0x1D000] =	vst v63  }
0x48: {  	_ =	swait.ge [sflag:s9], $0x4000  }
0x49: {  	[sflag:s9] =	ssyncset.done $0x0  }
0x4a: {  	s7 =	rddreg [dreg:$0xa];
	[sflag:s9] =	ssyncadd.s32 $0xFFFFC000  }
0x4b: {  	[tilespmem:s13], [sflag:$0x1] =	stream.indirect.gather [hbm4b:s6+s12], $0x80, s7, s12, $0xb8;
	[tilespmem:$0x1D000] =	vst v63  }
0x4c: {  	_ =	swait.ge [sflag:s16], $0x4000  }
0x4d: {  	[sflag:s16] =	ssyncset.done $0x0  }
0x4e: {  	s8 =	rddreg [dreg:$0xb];
	[sflag:s16] =	ssyncadd.s32 $0xFFFFC000  }
0x4f: {  	[spmem:s2] =	stream.indirect.scatter.add.f32 [tilespmem:s14], [sflag:$0x3], $0x80, s8, s12, $0xb8;
	[tilespmem:$0x1D000] =	vst v63  }
0x50: {  	_ =	swait.ge [sflag:s9], $0x4000  }
0x51: {  	[sflag:s9] =	ssyncset.done $0x0  }
0x52: {  	s24 =	rddreg [dreg:$0xc];
	[sflag:s9] =	ssyncadd.s32 $0xFFFFC000  }
0x53: {  	[tilespmem:s14], [sflag:$0x2] =	stream.indirect.gather [hbm4b:s6+s12], $0x80, s24, s12, $0xb8;
	[tilespmem:$0x1D000] =	vst v63  }
0x54: {  	_ =	swait.ge [sflag:s15], $0x4000  }
0x55: {  	[sflag:s15] =	ssyncset.done $0x0  }
0x56: {  	s7 =	rddreg [dreg:$0xd];
	[sflag:s15] =	ssyncadd.s32 $0xFFFFC000  }
0x57: {  	[spmem:s2] =	stream.indirect.scatter.add.f32 [tilespmem:s13], [sflag:$0x3], $0x80, s7, s12, $0xb8;
	[tilespmem:$0x1D000] =	vst v63  }
0x58: {  	_ =	swait.ge [sflag:s9], $0x4000  }
0x59: {  	[sflag:s9] =	ssyncset.done $0x0  }
0x5a: {  	s8 =	rddreg [dreg:$0xe];
	[sflag:s9] =	ssyncadd.s32 $0xFFFFC000  }
0x5b: {  	[tilespmem:s13], [sflag:$0x1] =	stream.indirect.gather [hbm4b:s6+s12], $0x80, s8, s12, $0xb8;
	[tilespmem:$0x1D000] =	vst v63  }
0x5c: {  	_ =	swait.ge [sflag:s16], $0x4000  }
0x5d: {  	[sflag:s16] =	ssyncset.done $0x0  }
0x5e: {  	s24 =	rddreg [dreg:$0xf];
	[sflag:s16] =	ssyncadd.s32 $0xFFFFC000  }
0x5f: {  	[spmem:s2] =	stream.indirect.scatter.add.f32 [tilespmem:s14], [sflag:$0x3], $0x80, s24, s12, $0xb8;
	[tilespmem:$0x1D000] =	vst v63  }
0x60: {  	_ =	swait.ge [sflag:s9], $0x4000  }
0x61: {  	[sflag:s9] =	ssyncset.done $0x0  }
0x62: {  	s7 =	rddreg [dreg:$0x10];
	[sflag:s9] =	ssyncadd.s32 $0xFFFFC000  }
0x63: {  	[tilespmem:s14], [sflag:$0x2] =	stream.indirect.gather [hbm4b:s6+s12], $0x80, s7, s12, $0xb8;
	[tilespmem:$0x1D000] =	vst v63  }
0x64: {  	_ =	swait.ge [sflag:s15], $0x4000  }
0x65: {  	[sflag:s15] =	ssyncset.done $0x0  }
0x66: {  	s8 =	rddreg [dreg:$0x11];
	[sflag:s15] =	ssyncadd.s32 $0xFFFFC000  }
0x67: {  	[spmem:s2] =	stream.indirect.scatter.add.f32 [tilespmem:s13], [sflag:$0x3], $0x80, s8, s12, $0xb8;
	[tilespmem:$0x1D000] =	vst v63  }
0x68: {  	_ =	swait.ge [sflag:s9], $0x4000  }
0x69: {  	[sflag:s9] =	ssyncset.done $0x0  }
0x6a: {  	s24 =	rddreg [dreg:$0x12];
	[sflag:s9] =	ssyncadd.s32 $0xFFFFC000  }
0x6b: {  	[tilespmem:s13], [sflag:$0x1] =	stream.indirect.gather [hbm4b:s6+s12], $0x80, s24, s12, $0xb8;
	[tilespmem:$0x1D000] =	vst v63  }
0x6c: {  	_ =	swait.ge [sflag:s16], $0x4000  }
0x6d: {  	[sflag:s16] =	ssyncset.done $0x0  }
0x6e: {  	[sflag:s16] =	ssyncadd.s32 $0xFFFFC000  }
0x6f: {  	[spmem:s2] =	stream.indirect.scatter.add.f32 [tilespmem:s14], [sflag:$0x3], $0x80, s17, s12, $0xb8;
	[tilespmem:$0x1D000] =	vst v63  }
0x70: {  	_ =	swait.ge [sflag:s9], $0x4000  }
0x71: {  	[sflag:s9] =	ssyncset.done $0x0  }
0x72: {  	[sflag:s9] =	ssyncadd.s32 $0xFFFFC000  }
0x73: {  	[tilespmem:s14], [sflag:$0x2] =	stream.indirect.gather [hbm4b:s6+s12], $0x80, s18, s12, $0xb8;
	[tilespmem:$0x1D000] =	vst v63  }
0x74: {  	_ =	swait.ge [sflag:s15], $0x4000  }
0x75: {  	[sflag:s15] =	ssyncset.done $0x0  }
0x76: {  	[sflag:s15] =	ssyncadd.s32 $0xFFFFC000  }
0x77: {  	[spmem:s2] =	stream.indirect.scatter.add.f32 [tilespmem:s13], [sflag:$0x3], $0x80, s19, s12, $0xb8;
	[tilespmem:$0x1D000] =	vst v63  }
0x78: {  	_ =	swait.ge [sflag:s9], $0x4000  }
0x79: {  	[sflag:s9] =	ssyncset.done $0x0  }
0x7a: {  	[sflag:s9] =	ssyncadd.s32 $0xFFFFC000  }
0x7b: {  	[tilespmem:s13], [sflag:$0x1] =	stream.indirect.gather [hbm4b:s6+s12], $0x80, s20, s12, $0xb8;
	[tilespmem:$0x1D000] =	vst v63  }
0x7c: {  	_ =	swait.ge [sflag:s16], $0x4000  }
0x7d: {  	[sflag:s16] =	ssyncset.done $0x0  }
0x7e: {  	[sflag:s16] =	ssyncadd.s32 $0xFFFFC000  }
0x7f: {  	[spmem:s2] =	stream.indirect.scatter.add.f32 [tilespmem:s14], [sflag:$0x3], $0x80, s21, s12, $0xb8;
	[tilespmem:$0x1D000] =	vst v63  }
0x80: {  	_ =	swait.ge [sflag:s9], $0x4000  }
0x81: {  	[sflag:s9] =	ssyncset.done $0x0  }
0x82: {  	[sflag:s9] =	ssyncadd.s32 $0xFFFFC000  }
0x83: {  	[tilespmem:s14], [sflag:$0x2] =	stream.indirect.gather [hbm4b:s6+s12], $0x80, s22, s12, $0xb8;
	[tilespmem:$0x1D000] =	vst v63  }
0x84: {  	_ =	swait.ge [sflag:s15], $0x4000  }
0x85: {  	[sflag:s15] =	ssyncset.done $0x0  }
0x86: {  	[sflag:s15] =	ssyncadd.s32 $0xFFFFC000  }
0x87: {  	[spmem:s2] =	stream.indirect.scatter.add.f32 [tilespmem:s13], [sflag:$0x3], $0x80, s23, s12, $0xb8;
	[tilespmem:$0x1D000] =	vst v63  }
0x88: {  	_ =	swait.ge [sflag:s9], $0x4000  }
0x89: {  	[sflag:s9] =	ssyncset.done $0x0  }
0x8a: {  	[sflag:s9] =	ssyncadd.s32 $0xFFFFC000  }
0x8b: {  	[tilespmem:s13], [sflag:$0x1] =	stream.indirect.gather [hbm4b:s6+s12], $0x80, s25, s12, $0xb8;
	[tilespmem:$0x1D000] =	vst v63  }
0x8c: {  	_ =	swait.ge [sflag:s16], $0x4000  }
0x8d: {  	[sflag:s16] =	ssyncset.done $0x0  }
0x8e: {  	[sflag:s16] =	ssyncadd.s32 $0xFFFFC000  }
0x8f: {  	[spmem:s2] =	stream.indirect.scatter.add.f32 [tilespmem:s14], [sflag:$0x3], $0x80, s26, s12, $0xb8;
	[tilespmem:$0x1D000] =	vst v63  }
0x90: {  	_ =	swait.ge [sflag:s9], $0x4000  }
0x91: {  	[sflag:s9] =	ssyncset.done $0x0  }
0x92: {  	[sflag:s9] =	ssyncadd.s32 $0xFFFFC000  }
0x93: {  	[tilespmem:s14], [sflag:$0x2] =	stream.indirect.gather [hbm4b:s6+s12], $0x80, s28, s12, $0xb8;
	[tilespmem:$0x1D000] =	vst v63  }
0x94: {  	_ =	swait.ge [sflag:s15], $0x4000  }
0x95: {  	[sflag:s15] =	ssyncset.done $0x0  }
0x96: {  	[sflag:s15] =	ssyncadd.s32 $0xFFFFC000  }
0x97: {  	[spmem:s2] =	stream.indirect.scatter.add.f32 [tilespmem:s13], [sflag:$0x3], $0x80, s29, s12, $0xb8;
	[tilespmem:$0x1D000] =	vst v63  }
0x98: {  	_ =	swait.ge [sflag:s9], $0x4000  }
0x99: {  	[sflag:s9] =	ssyncset.done $0x0  }
0x9a: {  	[sflag:s9] =	ssyncadd.s32 $0xFFFFC000  }
0x9b: {  	[tilespmem:s13], [sflag:$0x1] =	stream.indirect.gather [hbm4b:s6+s12], $0x80, s30, s12, $0xb8;
	[tilespmem:$0x1D000] =	vst v63  }
0x9c: {  	_ =	swait.ge [sflag:s16], $0x4000  }
0x9d: {  	[sflag:s16] =	ssyncset.done $0x0  }
0x9e: {  	[sflag:s16] =	ssyncadd.s32 $0xFFFFC000  }
0x9f: {  	[spmem:s2] =	stream.indirect.scatter.add.f32 [tilespmem:s14], [sflag:$0x3], $0x80, s31, s12, $0xb8;
	[tilespmem:$0x1D000] =	vst v63  }
0xa0: {  	_ =	swait.ge [sflag:s9], $0x4000  }
0xa1: {  	[sflag:s9] =	ssyncset.done $0x0  }
0xa2: {  	[sflag:s9] =	ssyncadd.s32 $0xFFFFC000  }
0xa3: {  	[tilespmem:s14], [sflag:$0x2] =	stream.indirect.gather [hbm4b:s6+s12], $0x80, s0, s12, $0xb8;
	[tilespmem:$0x1D000] =	vst v63  }
0xa4: {  	_ =	swait.ge [sflag:s15], $0x4000  }
0xa5: {  	[sflag:s15] =	ssyncset.done $0x0  }
0xa6: {  	[sflag:s15] =	ssyncadd.s32 $0xFFFFC000  }
0xa7: {  	[spmem:s2] =	stream.indirect.scatter.add.f32 [tilespmem:s13], [sflag:$0x3], $0x80, s1, s12, $0xb8;
	[tilespmem:$0x1D000] =	vst v63  }
0xa8: {  	_ =	swait.ge [sflag:s9], $0x4000  }
0xa9: {  	[sflag:s9] =	ssyncset.done $0x0  }
0xaa: {  	[sflag:s9] =	ssyncadd.s32 $0xFFFFC000  }
0xab: {  	_ =	swait.ge [sflag:s16], $0x4000  }
0xac: {  	[sflag:s16] =	ssyncset.done $0x0  }
0xad: {  	[sflag:s16] =	ssyncadd.s32 $0xFFFFC000  }
0xae: {  	[spmem:s2] =	stream.indirect.scatter.add.f32 [tilespmem:s14], [sflag:$0x3], $0x80, s4, s12, $0xb8;
	[tilespmem:$0x1D000] =	vst v63  }
0xaf: {  	s5 =	simm.s32 $0x200;
	_ =	swait.ge [sflag:s9], $0x4000  }
0xb0: {  	s24 =	simm.s32 $0x100;
	s8 =	rddreg [dreg:$0x3];
	[sflag:s9] =	ssyncset.done $0x0  }
.LBB2_2:
0xb1: {  	[sflag:s9] =	ssyncadd.s32 $0xFFFFC000;
	s8 =	sadd.s32 s24, s8  }
0xb2: {  	[tilespmem:s10], [sflag:$0x3] =	stream.linear.gather [hbm4b:s8+s3], $0x800, $0x38;
	[tilespmem:$0x1D000] =	vst v63  }
0xb3: {  	_ =	swait.ge [sflag:s9], $0x800  }
0xb4: {  	s8 =	rddreg [dreg:$0x4];
	[sflag:s9] =	ssyncset.done $0x0  }
0xb5: {  	[sflag:s9] =	ssyncadd.s32 $0xFFFFF800;
	s8 =	sadd.s32 s24, s8  }
0xb6: {  	[tilespmem:s11], [sflag:$0x3] =	stream.linear.gather [hbm4b:s8+s3], $0x800, $0x38;
	[tilespmem:$0x1D000] =	vst v63  }
0xb7: {  	_ =	swait.ge [sflag:s9], $0x800  }
0xb8: {  	[sflag:s9] =	ssyncset.done $0x0  }
0xb9: {  	[sflag:s9] =	ssyncadd.s32 $0xFFFFF800  }
0xba: {  	[tilespmem:s13], [sflag:$0x1] =	stream.indirect.gather [hbm4b:s6+s12], $0x80, s10, s12, $0xb8;
	[tilespmem:$0x1D000] =	vst v63  }
0xbb: {  	s8 =	rddreg [dreg:$0x5]  }
0xbc: {  	[tilespmem:s14], [sflag:$0x2] =	stream.indirect.gather [hbm4b:s6+s12], $0x80, s8, s12, $0xb8;
	[tilespmem:$0x1D000] =	vst v63  }
0xbd: {  	_ =	swait.ge [sflag:s15], $0x4000  }
0xbe: {  	[sflag:s15] =	ssyncset.done $0x0  }
0xbf: {  	[sflag:s15] =	ssyncadd.s32 $0xFFFFC000  }
0xc0: {  	[spmem:s2] =	stream.indirect.scatter.add.f32 [tilespmem:s13], [sflag:$0x3], $0x80, s11, s12, $0xb8;
	[tilespmem:$0x1D000] =	vst v63  }
0xc1: {  	_ =	swait.ge [sflag:s9], $0x4000  }
0xc2: {  	[sflag:s9] =	ssyncset.done $0x0  }
0xc3: {  	s8 =	rddreg [dreg:$0x6];
	[sflag:s9] =	ssyncadd.s32 $0xFFFFC000  }
0xc4: {  	[tilespmem:s13], [sflag:$0x1] =	stream.indirect.gather [hbm4b:s6+s12], $0x80, s8, s12, $0xb8;
	[tilespmem:$0x1D000] =	vst v63  }
0xc5: {  	_ =	swait.ge [sflag:s16], $0x4000  }
0xc6: {  	[sflag:s16] =	ssyncset.done $0x0  }
0xc7: {  	s8 =	rddreg [dreg:$0x7];
	[sflag:s16] =	ssyncadd.s32 $0xFFFFC000  }
0xc8: {  	[spmem:s2] =	stream.indirect.scatter.add.f32 [tilespmem:s14], [sflag:$0x3], $0x80, s8, s12, $0xb8;
	[tilespmem:$0x1D000] =	vst v63  }
0xc9: {  	_ =	swait.ge [sflag:s9], $0x4000  }
0xca: {  	[sflag:s9] =	ssyncset.done $0x0  }
0xcb: {  	s8 =	rddreg [dreg:$0x8];
	[sflag:s9] =	ssyncadd.s32 $0xFFFFC000  }
0xcc: {  	[tilespmem:s14], [sflag:$0x2] =	stream.indirect.gather [hbm4b:s6+s12], $0x80, s8, s12, $0xb8;
	[tilespmem:$0x1D000] =	vst v63  }
0xcd: {  	_ =	swait.ge [sflag:s15], $0x4000  }
0xce: {  	[sflag:s15] =	ssyncset.done $0x0  }
0xcf: {  	s8 =	rddreg [dreg:$0x9];
	[sflag:s15] =	ssyncadd.s32 $0xFFFFC000  }
0xd0: {  	[spmem:s2] =	stream.indirect.scatter.add.f32 [tilespmem:s13], [sflag:$0x3], $0x80, s8, s12, $0xb8;
	[tilespmem:$0x1D000] =	vst v63  }
0xd1: {  	_ =	swait.ge [sflag:s9], $0x4000  }
0xd2: {  	[sflag:s9] =	ssyncset.done $0x0  }
0xd3: {  	s8 =	rddreg [dreg:$0xa];
	[sflag:s9] =	ssyncadd.s32 $0xFFFFC000  }
0xd4: {  	[tilespmem:s13], [sflag:$0x1] =	stream.indirect.gather [hbm4b:s6+s12], $0x80, s8, s12, $0xb8;
	[tilespmem:$0x1D000] =	vst v63  }
0xd5: {  	_ =	swait.ge [sflag:s16], $0x4000  }
0xd6: {  	[sflag:s16] =	ssyncset.done $0x0  }
0xd7: {  	s8 =	rddreg [dreg:$0xb];
	[sflag:s16] =	ssyncadd.s32 $0xFFFFC000  }
0xd8: {  	[spmem:s2] =	stream.indirect.scatter.add.f32 [tilespmem:s14], [sflag:$0x3], $0x80, s8, s12, $0xb8;
	[tilespmem:$0x1D000] =	vst v63  }
0xd9: {  	_ =	swait.ge [sflag:s9], $0x4000  }
0xda: {  	[sflag:s9] =	ssyncset.done $0x0  }
0xdb: {  	s8 =	rddreg [dreg:$0xc];
	[sflag:s9] =	ssyncadd.s32 $0xFFFFC000  }
0xdc: {  	[tilespmem:s14], [sflag:$0x2] =	stream.indirect.gather [hbm4b:s6+s12], $0x80, s8, s12, $0xb8;
	[tilespmem:$0x1D000] =	vst v63  }
0xdd: {  	_ =	swait.ge [sflag:s15], $0x4000  }
0xde: {  	[sflag:s15] =	ssyncset.done $0x0  }
0xdf: {  	s8 =	rddreg [dreg:$0xd];
	[sflag:s15] =	ssyncadd.s32 $0xFFFFC000  }
0xe0: {  	[spmem:s2] =	stream.indirect.scatter.add.f32 [tilespmem:s13], [sflag:$0x3], $0x80, s8, s12, $0xb8;
	[tilespmem:$0x1D000] =	vst v63  }
0xe1: {  	_ =	swait.ge [sflag:s9], $0x4000  }
0xe2: {  	[sflag:s9] =	ssyncset.done $0x0  }
0xe3: {  	s8 =	rddreg [dreg:$0xe];
	[sflag:s9] =	ssyncadd.s32 $0xFFFFC000  }
0xe4: {  	[tilespmem:s13], [sflag:$0x1] =	stream.indirect.gather [hbm4b:s6+s12], $0x80, s8, s12, $0xb8;
	[tilespmem:$0x1D000] =	vst v63  }
0xe5: {  	_ =	swait.ge [sflag:s16], $0x4000  }
0xe6: {  	[sflag:s16] =	ssyncset.done $0x0  }
0xe7: {  	s8 =	rddreg [dreg:$0xf];
	[sflag:s16] =	ssyncadd.s32 $0xFFFFC000  }
0xe8: {  	[spmem:s2] =	stream.indirect.scatter.add.f32 [tilespmem:s14], [sflag:$0x3], $0x80, s8, s12, $0xb8;
	[tilespmem:$0x1D000] =	vst v63  }
0xe9: {  	_ =	swait.ge [sflag:s9], $0x4000  }
0xea: {  	[sflag:s9] =	ssyncset.done $0x0  }
0xeb: {  	s8 =	rddreg [dreg:$0x10];
	[sflag:s9] =	ssyncadd.s32 $0xFFFFC000  }
0xec: {  	[tilespmem:s14], [sflag:$0x2] =	stream.indirect.gather [hbm4b:s6+s12], $0x80, s8, s12, $0xb8;
	[tilespmem:$0x1D000] =	vst v63  }
0xed: {  	_ =	swait.ge [sflag:s15], $0x4000  }
0xee: {  	[sflag:s15] =	ssyncset.done $0x0  }
0xef: {  	s8 =	rddreg [dreg:$0x11];
	[sflag:s15] =	ssyncadd.s32 $0xFFFFC000  }
0xf0: {  	[spmem:s2] =	stream.indirect.scatter.add.f32 [tilespmem:s13], [sflag:$0x3], $0x80, s8, s12, $0xb8;
	[tilespmem:$0x1D000] =	vst v63  }
0xf1: {  	_ =	swait.ge [sflag:s9], $0x4000  }
0xf2: {  	[sflag:s9] =	ssyncset.done $0x0  }
0xf3: {  	s8 =	rddreg [dreg:$0x12];
	[sflag:s9] =	ssyncadd.s32 $0xFFFFC000  }
0xf4: {  	[tilespmem:s13], [sflag:$0x1] =	stream.indirect.gather [hbm4b:s6+s12], $0x80, s8, s12, $0xb8;
	[tilespmem:$0x1D000] =	vst v63  }
0xf5: {  	_ =	swait.ge [sflag:s16], $0x4000  }
0xf6: {  	[sflag:s16] =	ssyncset.done $0x0  }
0xf7: {  	[sflag:s16] =	ssyncadd.s32 $0xFFFFC000  }
0xf8: {  	[spmem:s2] =	stream.indirect.scatter.add.f32 [tilespmem:s14], [sflag:$0x3], $0x80, s17, s12, $0xb8;
	[tilespmem:$0x1D000] =	vst v63  }
0xf9: {  	_ =	swait.ge [sflag:s9], $0x4000  }
0xfa: {  	[sflag:s9] =	ssyncset.done $0x0  }
0xfb: {  	[sflag:s9] =	ssyncadd.s32 $0xFFFFC000  }
0xfc: {  	[tilespmem:s14], [sflag:$0x2] =	stream.indirect.gather [hbm4b:s6+s12], $0x80, s18, s12, $0xb8;
	[tilespmem:$0x1D000] =	vst v63  }
0xfd: {  	_ =	swait.ge [sflag:s15], $0x4000  }
0xfe: {  	[sflag:s15] =	ssyncset.done $0x0  }
0xff: {  	[sflag:s15] =	ssyncadd.s32 $0xFFFFC000  }
0x100: {  	[spmem:s2] =	stream.indirect.scatter.add.f32 [tilespmem:s13], [sflag:$0x3], $0x80, s19, s12, $0xb8;
	[tilespmem:$0x1D000] =	vst v63  }
0x101: {  	_ =	swait.ge [sflag:s9], $0x4000  }
0x102: {  	[sflag:s9] =	ssyncset.done $0x0  }
0x103: {  	[sflag:s9] =	ssyncadd.s32 $0xFFFFC000  }
0x104: {  	[tilespmem:s13], [sflag:$0x1] =	stream.indirect.gather [hbm4b:s6+s12], $0x80, s20, s12, $0xb8;
	[tilespmem:$0x1D000] =	vst v63  }
0x105: {  	_ =	swait.ge [sflag:s16], $0x4000  }
0x106: {  	[sflag:s16] =	ssyncset.done $0x0  }
0x107: {  	[sflag:s16] =	ssyncadd.s32 $0xFFFFC000  }
0x108: {  	[spmem:s2] =	stream.indirect.scatter.add.f32 [tilespmem:s14], [sflag:$0x3], $0x80, s21, s12, $0xb8;
	[tilespmem:$0x1D000] =	vst v63  }
0x109: {  	_ =	swait.ge [sflag:s9], $0x4000  }
0x10a: {  	[sflag:s9] =	ssyncset.done $0x0  }
0x10b: {  	[sflag:s9] =	ssyncadd.s32 $0xFFFFC000  }
0x10c: {  	[tilespmem:s14], [sflag:$0x2] =	stream.indirect.gather [hbm4b:s6+s12], $0x80, s22, s12, $0xb8;
	[tilespmem:$0x1D000] =	vst v63  }
0x10d: {  	_ =	swait.ge [sflag:s15], $0x4000  }
0x10e: {  	[sflag:s15] =	ssyncset.done $0x0  }
0x10f: {  	[sflag:s15] =	ssyncadd.s32 $0xFFFFC000  }
0x110: {  	[spmem:s2] =	stream.indirect.scatter.add.f32 [tilespmem:s13], [sflag:$0x3], $0x80, s23, s12, $0xb8;
	[tilespmem:$0x1D000] =	vst v63  }
0x111: {  	_ =	swait.ge [sflag:s9], $0x4000  }
0x112: {  	[sflag:s9] =	ssyncset.done $0x0  }
0x113: {  	[sflag:s9] =	ssyncadd.s32 $0xFFFFC000  }
0x114: {  	[tilespmem:s13], [sflag:$0x1] =	stream.indirect.gather [hbm4b:s6+s12], $0x80, s25, s12, $0xb8;
	[tilespmem:$0x1D000] =	vst v63  }
0x115: {  	_ =	swait.ge [sflag:s16], $0x4000  }
0x116: {  	[sflag:s16] =	ssyncset.done $0x0  }
0x117: {  	[sflag:s16] =	ssyncadd.s32 $0xFFFFC000  }
0x118: {  	[spmem:s2] =	stream.indirect.scatter.add.f32 [tilespmem:s14], [sflag:$0x3], $0x80, s26, s12, $0xb8;
	[tilespmem:$0x1D000] =	vst v63  }
0x119: {  	_ =	swait.ge [sflag:s9], $0x4000  }
0x11a: {  	[sflag:s9] =	ssyncset.done $0x0  }
0x11b: {  	[sflag:s9] =	ssyncadd.s32 $0xFFFFC000  }
0x11c: {  	[tilespmem:s14], [sflag:$0x2] =	stream.indirect.gather [hbm4b:s6+s12], $0x80, s28, s12, $0xb8;
	[tilespmem:$0x1D000] =	vst v63  }
0x11d: {  	_ =	swait.ge [sflag:s15], $0x4000  }
0x11e: {  	[sflag:s15] =	ssyncset.done $0x0  }
0x11f: {  	[sflag:s15] =	ssyncadd.s32 $0xFFFFC000  }
0x120: {  	[spmem:s2] =	stream.indirect.scatter.add.f32 [tilespmem:s13], [sflag:$0x3], $0x80, s29, s12, $0xb8;
	[tilespmem:$0x1D000] =	vst v63  }
0x121: {  	_ =	swait.ge [sflag:s9], $0x4000  }
0x122: {  	[sflag:s9] =	ssyncset.done $0x0  }
0x123: {  	[sflag:s9] =	ssyncadd.s32 $0xFFFFC000  }
0x124: {  	[tilespmem:s13], [sflag:$0x1] =	stream.indirect.gather [hbm4b:s6+s12], $0x80, s30, s12, $0xb8;
	[tilespmem:$0x1D000] =	vst v63  }
0x125: {  	_ =	swait.ge [sflag:s16], $0x4000  }
0x126: {  	[sflag:s16] =	ssyncset.done $0x0  }
0x127: {  	[sflag:s16] =	ssyncadd.s32 $0xFFFFC000  }
0x128: {  	[spmem:s2] =	stream.indirect.scatter.add.f32 [tilespmem:s14], [sflag:$0x3], $0x80, s31, s12, $0xb8;
	[tilespmem:$0x1D000] =	vst v63  }
0x129: {  	_ =	swait.ge [sflag:s9], $0x4000  }
0x12a: {  	[sflag:s9] =	ssyncset.done $0x0  }
0x12b: {  	[sflag:s9] =	ssyncadd.s32 $0xFFFFC000  }
0x12c: {  	[tilespmem:s14], [sflag:$0x2] =	stream.indirect.gather [hbm4b:s6+s12], $0x80, s0, s12, $0xb8;
	[tilespmem:$0x1D000] =	vst v63  }
0x12d: {  	_ =	swait.ge [sflag:s15], $0x4000  }
0x12e: {  	[sflag:s15] =	ssyncset.done $0x0  }
0x12f: {  	[sflag:s15] =	ssyncadd.s32 $0xFFFFC000  }
0x130: {  	[spmem:s2] =	stream.indirect.scatter.add.f32 [tilespmem:s13], [sflag:$0x3], $0x80, s1, s12, $0xb8;
	[tilespmem:$0x1D000] =	vst v63  }
0x131: {  	_ =	swait.ge [sflag:s9], $0x4000  }
0x132: {  	[sflag:s9] =	ssyncset.done $0x0  }
0x133: {  	[sflag:s9] =	ssyncadd.s32 $0xFFFFC000  }
0x134: {  	p0 =	sne.s32 s5, $0x900;
	_ =	swait.ge [sflag:s16], $0x4000  }
.Ltmp0:
0x135: {  	[sflag:s16] =	ssyncset.done $0x0;
	(pc) =	sbr.rel @p0 .LBB2_2-.Ltmp0, $4  }
0x136: {  	[sflag:s16] =	ssyncadd.s32 $0xFFFFC000  }
0x137: {  	[spmem:s2] =	stream.indirect.scatter.add.f32 [tilespmem:s14], [sflag:$0x3], $0x80, s4, s12, $0xb8;
	[tilespmem:$0x1D000] =	vst v63  }
0x138: {  	s7 =	smov.u32 s5;
	s5 =	sadd.s32 $0x100, s5;
	_ =	swait.ge [sflag:s9], $0x4000  }
0x139: {  	s24 =	smov.u32 s7;
	s8 =	rddreg [dreg:$0x3];
	[sflag:s9] =	ssyncset.done $0x0  }
0x13a: {  	[sflag:s9] =	ssyncadd.s32 $0xFFFFC000;
	s5 =	sadd.s32 s24, s8  }
0x13b: {  	[tilespmem:s10], [sflag:$0x3] =	stream.linear.gather [hbm4b:s5+s3], $0x800, $0x38;
	[tilespmem:$0x1D000] =	vst v63  }
0x13c: {  	_ =	swait.ge [sflag:s9], $0x800  }
0x13d: {  	s7 =	rddreg [dreg:$0x4];
	[sflag:s9] =	ssyncset.done $0x0  }
0x13e: {  	s5 =	sadd.s32 s24, s7;
	[sflag:s9] =	ssyncadd.s32 $0xFFFFF800  }
0x13f: {  	[tilespmem:s11], [sflag:$0x3] =	stream.linear.gather [hbm4b:s5+s3], $0x800, $0x38;
	[tilespmem:$0x1D000] =	vst v63  }
0x140: {  	_ =	swait.ge [sflag:s9], $0x800  }
0x141: {  	[sflag:s9] =	ssyncset.done $0x0  }
0x142: {  	[sflag:s9] =	ssyncadd.s32 $0xFFFFF800  }
0x143: {  	[tilespmem:s13], [sflag:$0x1] =	stream.indirect.gather [hbm4b:s6+s12], $0x80, s10, s12, $0xb8;
	[tilespmem:$0x1D000] =	vst v63  }
0x144: {  	s8 =	rddreg [dreg:$0x5]  }
0x145: {  	[tilespmem:s14], [sflag:$0x2] =	stream.indirect.gather [hbm4b:s6+s12], $0x80, s8, s12, $0xb8;
	[tilespmem:$0x1D000] =	vst v63  }
0x146: {  	_ =	swait.ge [sflag:s15], $0x4000  }
0x147: {  	[sflag:s15] =	ssyncset.done $0x0  }
0x148: {  	[sflag:s15] =	ssyncadd.s32 $0xFFFFC000  }
0x149: {  	[spmem:s2] =	stream.indirect.scatter.add.f32 [tilespmem:s13], [sflag:$0x3], $0x80, s11, s12, $0xb8;
	[tilespmem:$0x1D000] =	vst v63  }
0x14a: {  	_ =	swait.ge [sflag:s9], $0x4000  }
0x14b: {  	[sflag:s9] =	ssyncset.done $0x0  }
0x14c: {  	s24 =	rddreg [dreg:$0x6];
	[sflag:s9] =	ssyncadd.s32 $0xFFFFC000  }
0x14d: {  	[tilespmem:s13], [sflag:$0x1] =	stream.indirect.gather [hbm4b:s6+s12], $0x80, s24, s12, $0xb8;
	[tilespmem:$0x1D000] =	vst v63  }
0x14e: {  	_ =	swait.ge [sflag:s16], $0x4000  }
0x14f: {  	[sflag:s16] =	ssyncset.done $0x0  }
0x150: {  	s7 =	rddreg [dreg:$0x7];
	[sflag:s16] =	ssyncadd.s32 $0xFFFFC000  }
0x151: {  	[spmem:s2] =	stream.indirect.scatter.add.f32 [tilespmem:s14], [sflag:$0x3], $0x80, s7, s12, $0xb8;
	[tilespmem:$0x1D000] =	vst v63  }
0x152: {  	_ =	swait.ge [sflag:s9], $0x4000  }
0x153: {  	[sflag:s9] =	ssyncset.done $0x0  }
0x154: {  	s8 =	rddreg [dreg:$0x8];
	[sflag:s9] =	ssyncadd.s32 $0xFFFFC000  }
0x155: {  	[tilespmem:s14], [sflag:$0x2] =	stream.indirect.gather [hbm4b:s6+s12], $0x80, s8, s12, $0xb8;
	[tilespmem:$0x1D000] =	vst v63  }
0x156: {  	_ =	swait.ge [sflag:s15], $0x4000  }
0x157: {  	[sflag:s15] =	ssyncset.done $0x0  }
0x158: {  	s24 =	rddreg [dreg:$0x9];
	[sflag:s15] =	ssyncadd.s32 $0xFFFFC000  }
0x159: {  	[spmem:s2] =	stream.indirect.scatter.add.f32 [tilespmem:s13], [sflag:$0x3], $0x80, s24, s12, $0xb8;
	[tilespmem:$0x1D000] =	vst v63  }
0x15a: {  	_ =	swait.ge [sflag:s9], $0x4000  }
0x15b: {  	[sflag:s9] =	ssyncset.done $0x0  }
0x15c: {  	s7 =	rddreg [dreg:$0xa];
	[sflag:s9] =	ssyncadd.s32 $0xFFFFC000  }
0x15d: {  	[tilespmem:s13], [sflag:$0x1] =	stream.indirect.gather [hbm4b:s6+s12], $0x80, s7, s12, $0xb8;
	[tilespmem:$0x1D000] =	vst v63  }
0x15e: {  	_ =	swait.ge [sflag:s16], $0x4000  }
0x15f: {  	[sflag:s16] =	ssyncset.done $0x0  }
0x160: {  	s8 =	rddreg [dreg:$0xb];
	[sflag:s16] =	ssyncadd.s32 $0xFFFFC000  }
0x161: {  	[spmem:s2] =	stream.indirect.scatter.add.f32 [tilespmem:s14], [sflag:$0x3], $0x80, s8, s12, $0xb8;
	[tilespmem:$0x1D000] =	vst v63  }
0x162: {  	_ =	swait.ge [sflag:s9], $0x4000  }
0x163: {  	[sflag:s9] =	ssyncset.done $0x0  }
0x164: {  	s24 =	rddreg [dreg:$0xc];
	[sflag:s9] =	ssyncadd.s32 $0xFFFFC000  }
0x165: {  	[tilespmem:s14], [sflag:$0x2] =	stream.indirect.gather [hbm4b:s6+s12], $0x80, s24, s12, $0xb8;
	[tilespmem:$0x1D000] =	vst v63  }
0x166: {  	_ =	swait.ge [sflag:s15], $0x4000  }
0x167: {  	[sflag:s15] =	ssyncset.done $0x0  }
0x168: {  	s7 =	rddreg [dreg:$0xd];
	[sflag:s15] =	ssyncadd.s32 $0xFFFFC000  }
0x169: {  	[spmem:s2] =	stream.indirect.scatter.add.f32 [tilespmem:s13], [sflag:$0x3], $0x80, s7, s12, $0xb8;
	[tilespmem:$0x1D000] =	vst v63  }
0x16a: {  	_ =	swait.ge [sflag:s9], $0x4000  }
0x16b: {  	[sflag:s9] =	ssyncset.done $0x0  }
0x16c: {  	s8 =	rddreg [dreg:$0xe];
	[sflag:s9] =	ssyncadd.s32 $0xFFFFC000  }
0x16d: {  	[tilespmem:s13], [sflag:$0x1] =	stream.indirect.gather [hbm4b:s6+s12], $0x80, s8, s12, $0xb8;
	[tilespmem:$0x1D000] =	vst v63  }
0x16e: {  	_ =	swait.ge [sflag:s16], $0x4000  }
0x16f: {  	[sflag:s16] =	ssyncset.done $0x0  }
0x170: {  	s24 =	rddreg [dreg:$0xf];
	[sflag:s16] =	ssyncadd.s32 $0xFFFFC000  }
0x171: {  	[spmem:s2] =	stream.indirect.scatter.add.f32 [tilespmem:s14], [sflag:$0x3], $0x80, s24, s12, $0xb8;
	[tilespmem:$0x1D000] =	vst v63  }
0x172: {  	_ =	swait.ge [sflag:s9], $0x4000  }
0x173: {  	[sflag:s9] =	ssyncset.done $0x0  }
0x174: {  	s7 =	rddreg [dreg:$0x10];
	[sflag:s9] =	ssyncadd.s32 $0xFFFFC000  }
0x175: {  	[tilespmem:s14], [sflag:$0x2] =	stream.indirect.gather [hbm4b:s6+s12], $0x80, s7, s12, $0xb8;
	[tilespmem:$0x1D000] =	vst v63  }
0x176: {  	_ =	swait.ge [sflag:s15], $0x4000  }
0x177: {  	[sflag:s15] =	ssyncset.done $0x0  }
0x178: {  	s8 =	rddreg [dreg:$0x11];
	[sflag:s15] =	ssyncadd.s32 $0xFFFFC000  }
0x179: {  	[spmem:s2] =	stream.indirect.scatter.add.f32 [tilespmem:s13], [sflag:$0x3], $0x80, s8, s12, $0xb8;
	[tilespmem:$0x1D000] =	vst v63  }
0x17a: {  	_ =	swait.ge [sflag:s9], $0x4000  }
0x17b: {  	[sflag:s9] =	ssyncset.done $0x0  }
0x17c: {  	s24 =	rddreg [dreg:$0x12];
	[sflag:s9] =	ssyncadd.s32 $0xFFFFC000  }
0x17d: {  	[tilespmem:s13], [sflag:$0x1] =	stream.indirect.gather [hbm4b:s6+s12], $0x80, s24, s12, $0xb8;
	[tilespmem:$0x1D000] =	vst v63  }
0x17e: {  	_ =	swait.ge [sflag:s16], $0x4000  }
0x17f: {  	[sflag:s16] =	ssyncset.done $0x0  }
0x180: {  	[sflag:s16] =	ssyncadd.s32 $0xFFFFC000  }
0x181: {  	[spmem:s2] =	stream.indirect.scatter.add.f32 [tilespmem:s14], [sflag:$0x3], $0x80, s17, s12, $0xb8;
	[tilespmem:$0x1D000] =	vst v63  }
0x182: {  	_ =	swait.ge [sflag:s9], $0x4000  }
0x183: {  	[sflag:s9] =	ssyncset.done $0x0  }
0x184: {  	[sflag:s9] =	ssyncadd.s32 $0xFFFFC000  }
0x185: {  	[tilespmem:s14], [sflag:$0x2] =	stream.indirect.gather [hbm4b:s6+s12], $0x80, s18, s12, $0xb8;
	[tilespmem:$0x1D000] =	vst v63  }
0x186: {  	_ =	swait.ge [sflag:s15], $0x4000  }
0x187: {  	[sflag:s15] =	ssyncset.done $0x0  }
0x188: {  	[sflag:s15] =	ssyncadd.s32 $0xFFFFC000  }
0x189: {  	[spmem:s2] =	stream.indirect.scatter.add.f32 [tilespmem:s13], [sflag:$0x3], $0x80, s19, s12, $0xb8;
	[tilespmem:$0x1D000] =	vst v63  }
0x18a: {  	_ =	swait.ge [sflag:s9], $0x4000  }
0x18b: {  	[sflag:s9] =	ssyncset.done $0x0  }
0x18c: {  	[sflag:s9] =	ssyncadd.s32 $0xFFFFC000  }
0x18d: {  	[tilespmem:s13], [sflag:$0x1] =	stream.indirect.gather [hbm4b:s6+s12], $0x80, s20, s12, $0xb8;
	[tilespmem:$0x1D000] =	vst v63  }
0x18e: {  	_ =	swait.ge [sflag:s16], $0x4000  }
0x18f: {  	[sflag:s16] =	ssyncset.done $0x0  }
0x190: {  	[sflag:s16] =	ssyncadd.s32 $0xFFFFC000  }
0x191: {  	[spmem:s2] =	stream.indirect.scatter.add.f32 [tilespmem:s14], [sflag:$0x3], $0x80, s21, s12, $0xb8;
	[tilespmem:$0x1D000] =	vst v63  }
0x192: {  	_ =	swait.ge [sflag:s9], $0x4000  }
0x193: {  	[sflag:s9] =	ssyncset.done $0x0  }
0x194: {  	[sflag:s9] =	ssyncadd.s32 $0xFFFFC000  }
0x195: {  	[tilespmem:s14], [sflag:$0x2] =	stream.indirect.gather [hbm4b:s6+s12], $0x80, s22, s12, $0xb8;
	[tilespmem:$0x1D000] =	vst v63  }
0x196: {  	_ =	swait.ge [sflag:s15], $0x4000  }
0x197: {  	[sflag:s15] =	ssyncset.done $0x0  }
0x198: {  	[sflag:s15] =	ssyncadd.s32 $0xFFFFC000  }
0x199: {  	[spmem:s2] =	stream.indirect.scatter.add.f32 [tilespmem:s13], [sflag:$0x3], $0x80, s23, s12, $0xb8;
	[tilespmem:$0x1D000] =	vst v63  }
0x19a: {  	_ =	swait.ge [sflag:s9], $0x4000  }
0x19b: {  	[sflag:s9] =	ssyncset.done $0x0  }
0x19c: {  	[sflag:s9] =	ssyncadd.s32 $0xFFFFC000  }
0x19d: {  	[tilespmem:s13], [sflag:$0x1] =	stream.indirect.gather [hbm4b:s6+s12], $0x80, s25, s12, $0xb8;
	[tilespmem:$0x1D000] =	vst v63  }
0x19e: {  	_ =	swait.ge [sflag:s16], $0x4000  }
0x19f: {  	[sflag:s16] =	ssyncset.done $0x0  }
0x1a0: {  	[sflag:s16] =	ssyncadd.s32 $0xFFFFC000  }
0x1a1: {  	[spmem:s2] =	stream.indirect.scatter.add.f32 [tilespmem:s14], [sflag:$0x3], $0x80, s26, s12, $0xb8;
	[tilespmem:$0x1D000] =	vst v63  }
0x1a2: {  	_ =	swait.ge [sflag:s9], $0x4000  }
0x1a3: {  	[sflag:s9] =	ssyncset.done $0x0  }
0x1a4: {  	[sflag:s9] =	ssyncadd.s32 $0xFFFFC000  }
0x1a5: {  	[tilespmem:s14], [sflag:$0x2] =	stream.indirect.gather [hbm4b:s6+s12], $0x80, s28, s12, $0xb8;
	[tilespmem:$0x1D000] =	vst v63  }
0x1a6: {  	_ =	swait.ge [sflag:s15], $0x4000  }
0x1a7: {  	[sflag:s15] =	ssyncset.done $0x0  }
0x1a8: {  	[sflag:s15] =	ssyncadd.s32 $0xFFFFC000  }
0x1a9: {  	[spmem:s2] =	stream.indirect.scatter.add.f32 [tilespmem:s13], [sflag:$0x3], $0x80, s29, s12, $0xb8;
	[tilespmem:$0x1D000] =	vst v63  }
0x1aa: {  	_ =	swait.ge [sflag:s9], $0x4000  }
0x1ab: {  	[sflag:s9] =	ssyncset.done $0x0  }
0x1ac: {  	[sflag:s9] =	ssyncadd.s32 $0xFFFFC000  }
0x1ad: {  	[tilespmem:s13], [sflag:$0x1] =	stream.indirect.gather [hbm4b:s6+s12], $0x80, s30, s12, $0xb8;
	[tilespmem:$0x1D000] =	vst v63  }
0x1ae: {  	_ =	swait.ge [sflag:s16], $0x4000  }
0x1af: {  	[sflag:s16] =	ssyncset.done $0x0  }
0x1b0: {  	[sflag:s16] =	ssyncadd.s32 $0xFFFFC000  }
0x1b1: {  	[spmem:s2] =	stream.indirect.scatter.add.f32 [tilespmem:s14], [sflag:$0x3], $0x80, s31, s12, $0xb8;
	[tilespmem:$0x1D000] =	vst v63  }
0x1b2: {  	_ =	swait.ge [sflag:s9], $0x4000  }
0x1b3: {  	[sflag:s9] =	ssyncset.done $0x0  }
0x1b4: {  	[sflag:s9] =	ssyncadd.s32 $0xFFFFC000  }
0x1b5: {  	[tilespmem:s14], [sflag:$0x2] =	stream.indirect.gather [hbm4b:s6+s12], $0x80, s0, s12, $0xb8;
	[tilespmem:$0x1D000] =	vst v63  }
0x1b6: {  	_ =	swait.ge [sflag:s15], $0x4000  }
0x1b7: {  	[sflag:s15] =	ssyncset.done $0x0  }
0x1b8: {  	[sflag:s15] =	ssyncadd.s32 $0xFFFFC000  }
0x1b9: {  	[spmem:s2] =	stream.indirect.scatter.add.f32 [tilespmem:s13], [sflag:$0x3], $0x80, s1, s12, $0xb8;
	[tilespmem:$0x1D000] =	vst v63  }
0x1ba: {  	_ =	swait.ge [sflag:s9], $0x4000  }
0x1bb: {  	[sflag:s9] =	ssyncset.done $0x0  }
0x1bc: {  	[sflag:s9] =	ssyncadd.s32 $0xFFFFC000  }
0x1bd: {  	_ =	swait.ge [sflag:s16], $0x4000  }
0x1be: {  	[sflag:s16] =	ssyncset.done $0x0  }
0x1bf: {  	[sflag:s16] =	ssyncadd.s32 $0xFFFFC000  }
0x1c0: {  	[spmem:s2] =	stream.indirect.scatter.add.f32 [tilespmem:s14], [sflag:$0x3], $0x80, s4, s12, $0xb8;
	[tilespmem:$0x1D000] =	vst v63  }
0x1c1: {  	_ =	swait.ge [sflag:s9], $0x4000  }
0x1c2: {  	[sflag:s9] =	ssyncset.done $0x0  }
0x1c3: {  	[sflag:s9] =	ssyncadd.s32 $0xFFFFC000  }
0x1c4: {  	[bflag:$0x0] =	sbarrier.arrive $0xFFFF  }
0x1c5: {  	s24 =	rddreg [dreg:$0x14]  }
0x1c6: {  	s8 =	rddreg [dreg:$0x16]  }
0x1c7: {  	s7 =	rddreg [dreg:$0x17]  }
0x1c8: {  	[hbm:s7], [sflag:s24] =	dma.local [spmem:s8], $0x2800  }
0x1c9: {  	_ =	swait.ge [sflag:s9], $0x2800  }
0x1ca: {  	s7 =	rddreg [dreg:$0x18]  }
0x1cb: {  	s5 =	rddreg [dreg:$0x15];
	s7 =	sadd.s32 $0x1, s7  }
0x1cc: {  	p0 =	sne.s32 s7, s5  }
.Ltmp1:
0x1cd: {  	_ = 	snop;
	(pc) =	sbr.rel @p0 .LBB2_1-.Ltmp1, $3  }
0x1ce: {  	_ =	sdelay $0x1  }
0x1cf: {  	[sflag:s9] =	ssyncset.done $0x0  }
0x1d0: {  	[sflag:s9] =	ssyncadd.s32 $0xFFFFD800  }
0x1d1: {  	_ =	sfence.sel $0x180000  }
0x1d2: {  	[bflag:$0x0] =	sbarrier.arrive $0xFFFF  }
0x1d3: {  	_ =	strace $0x9000004D  }
0x1d4: {  	s0 =	stileid.u32;
	[bflag:$0x2] =	sbarrier.arrive $0xFFFF  }
0x1d5: {  	p0 =	sne.s32 s0, $0x0;
	s0 =	rddreg [dreg:$0x2]  }
0x1d6: {  	s0 =	sadd.s32 @!p0 $0x100000, s0  }
0x1d7: {  	[sflag:s0] =	ssyncadd.tile.s32 @!p0 $0x1;
	_ =	shalt  }
.Lfunc_end2:
_tile_overlayer_lowered:
.L_overlay_start_2:
0x1d8: {  	(tag) =	ssettag $0x2  }
0x1d9: {  	s0 =	rddreg [dreg:$0x0];
	s2 =	stileid.u32  }
0x1da: {  	s1 =	rddreg [dreg:$0x1];
	p0 =	sne.s32 s2, $0x0  }
0x1db: {  	s3 =	rddreg [dreg:$0x2];
	[bflag:$0x3] =	sbarrier.arrive $0xFFFF;
	s2 =	simm.s32 @!p0 $0x1C03  }
0x1dc: {  	[timem:s3], [sflag:s2] =	dma.local @!p0 [hbm:s0], s1  }
0x1dd: {  	s0 =	simm.s32 @!p0 $0x3  }
0x1de: {  	_ =	swait.ge @!p0 [sflag:s0], s1  }
0x1df: {  	s1 =	ssub.s32 @!p0 $0x0, s1;
	[sflag:s0] =	ssyncset.done @!p0 $0x0  }
0x1e0: {  	[sflag:s0] =	ssyncadd.s32 @!p0 s1  }
0x1e1: {  	[bflag:$0x3] =	sbarrier.arrive $0xFFFF  }
0x1e2: {  	_ =	shalt  }

// kernel: kernel.20.cloned.1.call-start
scs
__scs_entry_jumppad:
0x0: {  	(pc) =	sbr.rel $0x88, $3  }
0x1: {  	(tag) =	ssettag $0x0;
	lr =	simm.s32 $0x1  }
0x2: {  	[smem:$0x3F96] =	sst lr;
	_ =	strace $0xD0000000  }
0x3: {  	_ = 	snop  }
0x4: {  	_ = 	snop  }
0x5: {  	_ = 	snop  }
0x6: {  	_ = 	snop  }
0x7: {  	_ = 	snop  }
__scs_overlays_trampoline_lowered:
0x8: {  	[smem:$0x3FA5] =	sst s0  }
0x9: {  	[smem:$0x3FA6] =	sst s1  }
0xa: {  	[smem:$0x3FA7] =	sst s2  }
0xb: {  	[smem:$0x3FA8] =	sst s3  }
0xc: {  	[smem:$0x3FA9] =	sst s4  }
0xd: {  	[smem:$0x3FAA] =	sst s5  }
0xe: {  	[smem:$0x3FAB] =	sst s6  }
0xf: {  	[smem:$0x3FAC] =	sst s7  }
0x10: {  	[smem:$0x3FAD] =	sst s8  }
0x11: {  	[smem:$0x3FAE] =	sst s9;
	s0 =	simm.s32 @!p0 $0x0  }
0x12: {  	s1 =	sld [smem:$0x3F94];
	s0 =	simm.s32 @p0 $0x1  }
0x13: {  	[smem:$0x3FAF] =	sst s0;
	s0 =	simm.s32 @!p1 $0x0  }
0x14: {  	s2 =	sld [smem:$0x3F93];
	s0 =	simm.s32 @p1 $0x1  }
0x15: {  	[smem:$0x3FB0] =	sst s0;
	s0 =	simm.s32 @!p2 $0x0  }
0x16: {  	s3 =	sld [smem:$0x3FDB];
	s0 =	simm.s32 @p2 $0x1  }
0x17: {  	s4 =	simm.s32 $0x1BF5;
	[smem:$0x3FB2] =	sst s0  }
0x18: {  	s0 =	sld [smem:$0x3F95];
	_ =	swait.ge [sflag:s4], $0x0  }
0x19: {  	s7 =	sld [smem:$0x3F96]  }
0x1a: {  	s8 =	sadd.s32 $0xFFFFE003, lr  }
0x1b: {  	s9 =	sadd.s32 $0xFFFFFEF7, lr;
	s5 =	simm.s32 $0xFFFFFFFF;
	p2 =	slt.u32 s8, $0xFFFFF086  }
0x1c: {  	p1 =	slt.u32 s9, $0xF7A;
	s5 =	simm.s32 @!p2 $0x0  }
0x1d: {  	s5 =	simm.s32 @p1 $0x1;
	p0 =	seq.s32 s7, s2  }
0x1e: {  	s7 =	smul.u32 @!p0 $0xF7A, s2;
	p2 =	seq.s32 @!p0 s5, $0x0  }
0x1f: {  	s9 =	smul.u32 $0xF7A, s1;
	s8 =	simm.s32 @!p0 $0x1BF5;
	p2 =	por !p2, p0  }
0x20: {  	[sflag:s8] =	ssyncset.s32 @!p0 $0xFFFFF086;
	s6 =	sadd.s32 @!p0 s3, s7;
	s7 =	simm.s32 @!p0 $0x108  }
0x21: {  	s3 =	sadd.s32 s3, s9;
	s6 =	sadd.s32 @!p0 $0x88, s6;
	s7 =	simm.s32 @p2 $0x1082  }
0x22: {  	[simem:s7], [sflag:s8] =	dma.local @!p0 [hbm:s6], $0xF7A  }
0x23: {  	s9 =	sor.u32 $0xD0000000, s2;
	s6 =	simm.s32 $0x108;
	_ =	swait.ge @!p0 [sflag:s8], $0x0  }
0x24: {  	s3 =	sadd.s32 $0x88, s3;
	s6 =	simm.s32 @!p1 $0x1082;
	[sflag:s4] =	ssyncset.s32 $0xFFFFF086  }
0x25: {  	[simem:s6], [sflag:s4] =	dma.local [hbm:s3], $0xF7A  }
0x26: {  	[smem:$0x3F96] =	sst s1;
	(tag) =	ssettag s2;
	_ =	strace s9  }
0x27: {  	s1 =	sld [smem:$0x3FA6]  }
0x28: {  	s2 =	sld [smem:$0x3FA7]  }
0x29: {  	s4 =	sld [smem:$0x3FA9]  }
0x2a: {  	p0 =	seq.s32 s5, $0x0;
	s5 =	sld [smem:$0x3FAA]  }
0x2b: {  	s6 =	sld [smem:$0x3FAB]  }
0x2c: {  	s7 =	sld [smem:$0x3FAC]  }
0x2d: {  	s3 =	simm.s32 $0x108;
	s8 =	sld [smem:$0x3FAD]  }
0x2e: {  	s3 =	simm.s32 @!p0 $0x1082;
	s9 =	sld [smem:$0x3FAE]  }
0x2f: {  	lr =	sadd.s32 s0, s3;
	s0 =	sld [smem:$0x3FA5]  }
0x30: {  	s3 =	sld [smem:$0x3FA8]  }
0x31: {  	[smem:$0x3FB1] =	sst s10  }
0x32: {  	s10 =	sld [smem:$0x3FAF];
	_ =	sdelay $0x3  }
0x33: {  	p0 =	seq.s32 s10, $0x1;
	s10 =	sld [smem:$0x3FB1];
	_ =	sdelay $0x3  }
0x34: {  	[smem:$0x3FB1] =	sst s10  }
0x35: {  	s10 =	sld [smem:$0x3FB0];
	_ =	sdelay $0x3  }
0x36: {  	p1 =	seq.s32 s10, $0x1;
	s10 =	sld [smem:$0x3FB1];
	_ =	sdelay $0x3  }
0x37: {  	[smem:$0x3FB1] =	sst s10  }
0x38: {  	s10 =	sld [smem:$0x3FB2]  }
0x39: {  	_ = 	snop;
	(pc) =	sbr.ind lr, $3  }
0x3a: {  	_ = 	snop  }
0x3b: {  	_ = 	snop  }
0x3c: {  	p2 =	seq.s32 s10, $0x1;
	s10 =	sld [smem:$0x3FB1]  }
0x3d: {  	_ =	shalt  }
0x3e: {  	_ =	shalt  }
0x3f: {  	_ =	shalt  }
0x40: {  	_ =	shalt  }
0x41: {  	_ =	shalt  }
0x42: {  	_ =	shalt  }
0x43: {  	_ =	shalt  }
0x44: {  	_ =	shalt  }
0x45: {  	_ =	shalt  }
0x46: {  	_ =	shalt  }
0x47: {  	_ =	shalt  }
0x48: {  	_ =	shalt  }
0x49: {  	_ =	shalt  }
0x4a: {  	_ =	shalt  }
0x4b: {  	_ =	shalt  }
0x4c: {  	_ =	shalt  }
0x4d: {  	_ =	shalt  }
0x4e: {  	_ =	shalt  }
0x4f: {  	_ =	shalt  }
0x50: {  	_ =	shalt  }
0x51: {  	_ =	shalt  }
0x52: {  	_ =	shalt  }
0x53: {  	_ =	shalt  }
0x54: {  	_ =	shalt  }
0x55: {  	_ =	shalt  }
0x56: {  	_ =	shalt  }
0x57: {  	_ =	shalt  }
0x58: {  	_ =	shalt  }
0x59: {  	_ =	shalt  }
0x5a: {  	_ =	shalt  }
0x5b: {  	_ =	shalt  }
0x5c: {  	_ =	shalt  }
0x5d: {  	_ =	shalt  }
0x5e: {  	_ =	shalt  }
0x5f: {  	_ =	shalt  }
0x60: {  	_ =	shalt  }
0x61: {  	_ =	shalt  }
0x62: {  	_ =	shalt  }
0x63: {  	_ =	shalt  }
0x64: {  	_ =	shalt  }
0x65: {  	_ =	shalt  }
0x66: {  	_ =	shalt  }
0x67: {  	_ =	shalt  }
0x68: {  	_ =	shalt  }
0x69: {  	_ =	shalt  }
0x6a: {  	_ =	shalt  }
0x6b: {  	_ =	shalt  }
0x6c: {  	_ =	shalt  }
0x6d: {  	_ =	shalt  }
0x6e: {  	_ =	shalt  }
0x6f: {  	_ =	shalt  }
0x70: {  	_ =	shalt  }
0x71: {  	_ =	shalt  }
0x72: {  	_ =	shalt  }
0x73: {  	_ =	shalt  }
0x74: {  	_ =	shalt  }
0x75: {  	_ =	shalt  }
0x76: {  	_ =	shalt  }
0x77: {  	_ =	shalt  }
0x78: {  	_ =	shalt  }
0x79: {  	_ =	shalt  }
0x7a: {  	_ =	shalt  }
0x7b: {  	_ =	shalt  }
0x7c: {  	_ =	shalt  }
0x7d: {  	_ =	shalt  }
0x7e: {  	_ =	shalt  }
0x7f: {  	_ =	shalt  }
0x80: {  	_ =	shalt  }
0x81: {  	_ =	shalt  }
0x82: {  	_ =	shalt  }
0x83: {  	_ =	shalt  }
0x84: {  	_ =	shalt  }
0x85: {  	_ =	shalt  }
0x86: {  	_ =	shalt  }
0x87: {  	_ =	shalt  }
.Lfunc_end0:
.L_simem_size_0:
called_computation.3_lowered:
.L_overlay_start_0:
0x88: {  	s2 =	sld [smem:$0x3FD9]  }
0x89: {  	s3 =	sld [smem:$0x3FFE];
	_ =	sdelay $0x1  }
0x8a: {  	s1 =	srdreg.scid  }
0x8b: {  	s0 =	sand.u32 $0x1, s1  }
0x8c: {  	s16 =	sshll.u32 s0, $0xA;
	s2 =	sadd.s32 s3, s2  }
0x8d: {  	s2 =	sadd.s32 s2, s16  }
0x8e: {  	[smem:$0x3FBD] =	sst s2  }
0x8f: {  	_ = 	snop  }
0x90: {  	(tm) =	ssettm $0x1  }
0x91: {  	s17 =	sld [smem:$0x3FFB];
	_ =	sdelay $0x3  }
0x92: {  	_ =	strace s17  }
0x93: {  	s2 =	sld [smem:$0x3FFC];
	_ =	sdelay $0x3  }
0x94: {  	_ =	strace s2  }
0x95: {  	s2 =	sld [smem:$0x3FFD];
	_ =	sdelay $0x3  }
0x96: {  	_ =	strace s2  }
0x97: {  	_ =	strace $0x8FFFFFFF  }
0x98: {  	s18 =	sld [smem:$0x3FDB];
	_ =	sdelay $0x1  }
0x99: {  	s19 =	simm.s32 $_scs_section_size  }
0x9a: {  	s4 =	simm.s32 $_size__tile_overlayer_lowered;
	s5 =	simm.s32 $_tile_overlayer_lowered  }
0x9b: {  	s22 =	simm.s32 $0x1BFF;
	s21 =	sshll.u32 s5, $0x1;
	s2 =	sadd.s32 s19, s18  }
0x9c: {  	s6 =	simm.s32 $0x0;
	s20 =	sshll.u32 s4, $0x1;
	s4 =	sadd.s32 s21, s2  }
0x9d: {  	[timem:s6], [sflag:s22] =	dma.local [hbm:s4], s20  }
0x9e: {  	_ =	swait.ge [sflag:s22], s20  }
0x9f: {  	s3 =	ssub.s32 $0x0, s20;
	[sflag:s22] =	ssyncset.done $0x0  }
0xa0: {  	[sflag:s22] =	ssyncadd.s32 s3;
	_ =	sdelay $0x1  }
0xa1: {  	s23 =	simm.s32 $0x1B8B  }
0xa2: {  	_ =	swait.ge [sflag:s23], $0x1  }
0xa3: {  	[sflag:s23] =	ssyncset.done $0x0  }
0xa4: {  	s25 =	simm.s32 $0x1B8E;
	s24 =	sld [smem:$0x3FFE];
	[sflag:s23] =	ssyncadd.s32 $0xFFFFFFFF  }
0xa5: {  	s26 =	simm.s32 $execute0_lowered;
	[smem:$0x3FD2] =	sst s25  }
0xa6: {  	s4 =	sshll.u32 s26, $0x1;
	_ =	strace $0x8000004F;
	[dreg:$0x1] =	wrdreg $0xFFFFFFFF  }
0xa7: {  	s28 =	simm.s32 $_size_execute0_lowered;
	s2 =	sadd.s32 s2, s4;
	[dreg:$0x0] =	wrdreg $0x0  }
0xa8: {  	s4 =	sshll.u32 s28, $0x1;
	[dreg:$0x2] =	wrdreg s2  }
0xa9: {  	[dreg:$0x3] =	wrdreg s4  }
0xaa: {  	[dreg:$0x4] =	wrdreg $0xC0  }
0xab: {  	_ =	task [dreg:s6], $0x5FFFF  }
0xac: {  	[dreg:$0x1] =	wrdreg $0xFFFFFFFF  }
0xad: {  	[dreg:$0x0] =	wrdreg $0x60  }
0xae: {  	[dreg:$0x2] =	wrdreg s24  }
0xaf: {  	[dreg:$0x3] =	wrdreg $0x0  }
0xb0: {  	[dreg:$0x4] =	wrdreg $0x9  }
0xb1: {  	_ =	task.clear_ibuf [dreg:s6], $0x5FFFF;
	_ =	strace $0x9000004F  }
0xb2: {  	s29 =	simm.s32 $0x9;
	_ =	strace $0x80000051  }
0xb3: {  	_ =	swait.ge [sflag:s29], $0x1  }
0xb4: {  	[sflag:s29] =	ssyncadd.s32 $0xFFFFFFFF  }
0xb5: {  	_ =	strace $0x90000051  }
0xb6: {  	_ =	sfence  }
0xb7: {  	s30 =	sld [smem:$0x0];
	_ =	sdelay $0x2  }
0xb8: {  	s31 =	sshll.u32 s1, $0xD;
	s1 =	sshrl.u32 s1, $0x2  }
0xb9: {  	s3 =	sand.u32 $0x4000, s31;
	s1 =	sadd.s32 s1, s30  }
0xba: {  	s0 =	sor.u32 s3, s0;
	s1 =	sshll.u32 s1, $0x11  }
0xbb: {  	s0 =	sor.u32 s1, s0  }
0xbc: {  	s0 =	sadd.s32 $0x8F2B, s0  }
0xbd: {  	[sflag:s0] =	ssyncadd.remote.s32 $0x1  }
0xbe: {  	_ =	sfence.sel $0xFFFF  }
0xbf: {  	[dreg:$0x0] =	wrdreg $0xFFFFFFFF;
	(pc) =	sbr.abs _section_cstart, $3  }
0xc0: {  	[dreg:$0x1] =	wrdreg $0xFFFFFFFF  }
0xc1: {  	_ =	task.clear_ibuf [dreg:s6], $0x2FFFF;
	_ =	strace $0x9FFFFFFF  }
0xc2: {  	(tm) =	ssettm $0x7FFFFFFF  }
0xc3: {  	_ =	shalt  }
tec
execute0_lowered:
.L_overlay_start_1:
0x0: {  	(tag) =	ssettag $0x1  }
0x1: {  	s0 =	rddreg [dreg:$0x0]  }
0x2: {  	s2 =	rddreg [dreg:$0x1]  }
0x3: {  	s3 =	simm.s32 $0x0;
	s8 =	stileid.u32;
	s4 =	srdreg.scid  }
0x4: {  	s11 =	simm.s32 $0x14080;
	[smem:$0x7FF] =	sst s3;
	s6 =	sadd.s32 $0xD000, s0  }
0x5: {  	s13 =	simm.s32 $0x14100;
	_ =	strace $0x80000050;
	[dreg:$0x13] =	wrdreg s6  }
0x6: {  	s14 =	simm.s32 $0x14880;
	s15 =	simm.s32 $0x14180;
	[dreg:$0x5] =	wrdreg s11  }
0x7: {  	s16 =	simm.s32 $0x14900;
	s17 =	simm.s32 $0x14200;
	[dreg:$0x6] =	wrdreg s13  }
0x8: {  	s18 =	simm.s32 $0x14980;
	s19 =	simm.s32 $0x14280;
	[dreg:$0x7] =	wrdreg s14  }
0x9: {  	s20 =	simm.s32 $0x14A00;
	s21 =	simm.s32 $0x14300;
	[dreg:$0x8] =	wrdreg s15  }
0xa: {  	s22 =	simm.s32 $0x14A80;
	s23 =	simm.s32 $0x14380;
	[dreg:$0x9] =	wrdreg s16  }
0xb: {  	s25 =	simm.s32 $0x14B00;
	s28 =	simm.s32 $0x14680;
	[dreg:$0xa] =	wrdreg s17  }
0xc: {  	s29 =	simm.s32 $0x14E00;
	s30 =	simm.s32 $0x14700;
	[dreg:$0xb] =	wrdreg s18  }
0xd: {  	s31 =	simm.s32 $0x14E80;
	s1 =	smul.u32 $0xA00, s8;
	[dreg:$0xc] =	wrdreg s19  }
0xe: {  	s4 =	sand.u32 $0x1, s4;
	s7 =	smul.u32 $0x50000, s8;
	[dreg:$0xd] =	wrdreg s20  }
0xf: {  	s12 =	sshll.u32 s8, $0x6;
	s5 =	smul.u32 $0x28000, s4;
	[dreg:$0xe] =	wrdreg s21  }
0x10: {  	s4 =	ssub.s32 $0x2, s4;
	s24 =	sor.u32 $0x1C03, s12;
	[dreg:$0xf] =	wrdreg s22  }
0x11: {  	s11 =	simm.s32 $0x14800;
	s12 =	simm.s32 $0x80;
	[dreg:$0x10] =	wrdreg s23  }
0x12: {  	s13 =	simm.s32 $0x15000;
	s14 =	simm.s32 $0x19000;
	[dreg:$0x11] =	wrdreg s25  }
0x13: {  	s15 =	simm.s32 $0x1;
	s16 =	simm.s32 $0x2;
	s17 =	simm.s32 $0x14B80  }
0x14: {  	s18 =	simm.s32 $0x14480;
	s19 =	simm.s32 $0x14C00;
	s20 =	simm.s32 $0x14500  }
0x15: {  	s21 =	simm.s32 $0x14C80;
	s22 =	simm.s32 $0x14580;
	s23 =	simm.s32 $0x14D00  }
0x16: {  	s25 =	simm.s32 $0x14600;
	s1 =	sadd.s32 s1, s0;
	s26 =	sshrl.u32 s4, $0x1  }
0x17: {  	s9 =	sshrl.u32 s7, $0x2;
	s7 =	smul.u32 $0x2800, s8;
	[dreg:$0x14] =	wrdreg s24  }
0x18: {  	s0 =	sadd.s32 s5, s0;
	s4 =	ssub.s32 s4, s26;
	s6 =	sadd.s32 $0x60000, s1  }
0x19: {  	s1 =	sadd.s32 $0x3000, s1;
	s10 =	sadd.s32 s9, s2;
	[dreg:$0x3] =	wrdreg s6  }
0x1a: {  	s9 =	simm.s32 $0x3;
	s26 =	simm.s32 $0x14400;
	[dreg:$0x4] =	wrdreg s1  }
0x1b: {  	s6 =	sadd.s32 $0xF800, s0;
	s0 =	sadd.s32 $0x6A000, s0;
	s4 =	smax.u32 s4, $0x1  }
0x1c: {  	s8 =	sshrl.u32 s10, $0x3;
	s10 =	simm.s32 $0x14000;
	[dreg:$0x12] =	wrdreg s26  }
0x1d: {  	s26 =	simm.s32 $0x14D80;
	s1 =	simm.s32 $0x14F00;
	[dreg:$0x15] =	wrdreg s4  }
0x1e: {  	s0 =	sadd.s32 s7, s0;
	s4 =	simm.s32 $0x14F80;
	[dreg:$0x16] =	wrdreg s8  }
0x1f: {  	s7 =	simm.s32 $0x0;
	[dreg:$0x17] =	wrdreg s0;
	s0 =	simm.s32 $0x14780  }
.LBB2_1:
0x20: {  	[dreg:$0x18] =	wrdreg s7  }
0x21: {  	s5 =	rddreg [dreg:$0x13]  }
0x22: {  	[spmem:s8], [sflag:s24] =	dma.local [hbm:s5], $0x2800  }
0x23: {  	_ =	swait.ge [sflag:s9], $0x2800  }
0x24: {  	[sflag:s9] =	ssyncset.done $0x0  }
0x25: {  	[sflag:s9] =	ssyncadd.s32 $0xFFFFD800  }
0x26: {  	[bflag:$0x0] =	sbarrier.arrive $0xFFFF  }
0x27: {  	s24 =	rddreg [dreg:$0x3]  }
0x28: {  	s5 =	sadd.s32 $0x0, s24  }
0x29: {  	[tilespmem:s10], [sflag:$0x3] =	stream.linear.gather [hbm4b:s5+s3], $0x800, $0x38;
	[tilespmem:$0x1D000] =	vst v63  }
0x2a: {  	_ =	swait.ge [sflag:s9], $0x800  }
0x2b: {  	s7 =	rddreg [dreg:$0x4];
	[sflag:s9] =	ssyncset.done $0x0  }
0x2c: {  	[sflag:s9] =	ssyncadd.s32 $0xFFFFF800;
	s5 =	sadd.s32 $0x0, s7  }
0x2d: {  	[tilespmem:s11], [sflag:$0x3] =	stream.linear.gather [hbm4b:s5+s3], $0x800, $0x38;
	[tilespmem:$0x1D000] =	vst v63  }
0x2e: {  	_ =	swait.ge [sflag:s9], $0x800  }
0x2f: {  	[sflag:s9] =	ssyncset.done $0x0  }
0x30: {  	[sflag:s9] =	ssyncadd.s32 $0xFFFFF800  }
0x31: {  	[tilespmem:s13], [sflag:$0x1] =	stream.indirect.gather [hbm4b:s6+s12], $0x80, s10, s12, $0xb8;
	[tilespmem:$0x1D000] =	vst v63  }
0x32: {  	s8 =	rddreg [dreg:$0x5]  }
0x33: {  	[tilespmem:s14], [sflag:$0x2] =	stream.indirect.gather [hbm4b:s6+s12], $0x80, s8, s12, $0xb8;
	[tilespmem:$0x1D000] =	vst v63  }
0x34: {  	_ =	swait.ge [sflag:s15], $0x4000  }
0x35: {  	[sflag:s15] =	ssyncset.done $0x0  }
0x36: {  	[sflag:s15] =	ssyncadd.s32 $0xFFFFC000  }
0x37: {  	[spmem:s2] =	stream.indirect.scatter.add.f32 [tilespmem:s13], [sflag:$0x3], $0x80, s11, s12, $0xb8;
	[tilespmem:$0x1D000] =	vst v63  }
0x38: {  	_ =	swait.ge [sflag:s9], $0x4000  }
0x39: {  	[sflag:s9] =	ssyncset.done $0x0  }
0x3a: {  	s24 =	rddreg [dreg:$0x6];
	[sflag:s9] =	ssyncadd.s32 $0xFFFFC000  }
0x3b: {  	[tilespmem:s13], [sflag:$0x1] =	stream.indirect.gather [hbm4b:s6+s12], $0x80, s24, s12, $0xb8;
	[tilespmem:$0x1D000] =	vst v63  }
0x3c: {  	_ =	swait.ge [sflag:s16], $0x4000  }
0x3d: {  	[sflag:s16] =	ssyncset.done $0x0  }
0x3e: {  	s7 =	rddreg [dreg:$0x7];
	[sflag:s16] =	ssyncadd.s32 $0xFFFFC000  }
0x3f: {  	[spmem:s2] =	stream.indirect.scatter.add.f32 [tilespmem:s14], [sflag:$0x3], $0x80, s7, s12, $0xb8;
	[tilespmem:$0x1D000] =	vst v63  }
0x40: {  	_ =	swait.ge [sflag:s9], $0x4000  }
0x41: {  	[sflag:s9] =	ssyncset.done $0x0  }
0x42: {  	s8 =	rddreg [dreg:$0x8];
	[sflag:s9] =	ssyncadd.s32 $0xFFFFC000  }
0x43: {  	[tilespmem:s14], [sflag:$0x2] =	stream.indirect.gather [hbm4b:s6+s12], $0x80, s8, s12, $0xb8;
	[tilespmem:$0x1D000] =	vst v63  }
0x44: {  	_ =	swait.ge [sflag:s15], $0x4000  }
0x45: {  	[sflag:s15] =	ssyncset.done $0x0  }
0x46: {  	s24 =	rddreg [dreg:$0x9];
	[sflag:s15] =	ssyncadd.s32 $0xFFFFC000  }
0x47: {  	[spmem:s2] =	stream.indirect.scatter.add.f32 [tilespmem:s13], [sflag:$0x3], $0x80, s24, s12, $0xb8;
	[tilespmem:$0x1D000] =	vst v63  }
0x48: {  	_ =	swait.ge [sflag:s9], $0x4000  }
0x49: {  	[sflag:s9] =	ssyncset.done $0x0  }
0x4a: {  	s7 =	rddreg [dreg:$0xa];
	[sflag:s9] =	ssyncadd.s32 $0xFFFFC000  }
0x4b: {  	[tilespmem:s13], [sflag:$0x1] =	stream.indirect.gather [hbm4b:s6+s12], $0x80, s7, s12, $0xb8;
	[tilespmem:$0x1D000] =	vst v63  }
0x4c: {  	_ =	swait.ge [sflag:s16], $0x4000  }
0x4d: {  	[sflag:s16] =	ssyncset.done $0x0  }
0x4e: {  	s8 =	rddreg [dreg:$0xb];
	[sflag:s16] =	ssyncadd.s32 $0xFFFFC000  }
0x4f: {  	[spmem:s2] =	stream.indirect.scatter.add.f32 [tilespmem:s14], [sflag:$0x3], $0x80, s8, s12, $0xb8;
	[tilespmem:$0x1D000] =	vst v63  }
0x50: {  	_ =	swait.ge [sflag:s9], $0x4000  }
0x51: {  	[sflag:s9] =	ssyncset.done $0x0  }
0x52: {  	s24 =	rddreg [dreg:$0xc];
	[sflag:s9] =	ssyncadd.s32 $0xFFFFC000  }
0x53: {  	[tilespmem:s14], [sflag:$0x2] =	stream.indirect.gather [hbm4b:s6+s12], $0x80, s24, s12, $0xb8;
	[tilespmem:$0x1D000] =	vst v63  }
0x54: {  	_ =	swait.ge [sflag:s15], $0x4000  }
0x55: {  	[sflag:s15] =	ssyncset.done $0x0  }
0x56: {  	s7 =	rddreg [dreg:$0xd];
	[sflag:s15] =	ssyncadd.s32 $0xFFFFC000  }
0x57: {  	[spmem:s2] =	stream.indirect.scatter.add.f32 [tilespmem:s13], [sflag:$0x3], $0x80, s7, s12, $0xb8;
	[tilespmem:$0x1D000] =	vst v63  }
0x58: {  	_ =	swait.ge [sflag:s9], $0x4000  }
0x59: {  	[sflag:s9] =	ssyncset.done $0x0  }
0x5a: {  	s8 =	rddreg [dreg:$0xe];
	[sflag:s9] =	ssyncadd.s32 $0xFFFFC000  }
0x5b: {  	[tilespmem:s13], [sflag:$0x1] =	stream.indirect.gather [hbm4b:s6+s12], $0x80, s8, s12, $0xb8;
	[tilespmem:$0x1D000] =	vst v63  }
0x5c: {  	_ =	swait.ge [sflag:s16], $0x4000  }
0x5d: {  	[sflag:s16] =	ssyncset.done $0x0  }
0x5e: {  	s24 =	rddreg [dreg:$0xf];
	[sflag:s16] =	ssyncadd.s32 $0xFFFFC000  }
0x5f: {  	[spmem:s2] =	stream.indirect.scatter.add.f32 [tilespmem:s14], [sflag:$0x3], $0x80, s24, s12, $0xb8;
	[tilespmem:$0x1D000] =	vst v63  }
0x60: {  	_ =	swait.ge [sflag:s9], $0x4000  }
0x61: {  	[sflag:s9] =	ssyncset.done $0x0  }
0x62: {  	s7 =	rddreg [dreg:$0x10];
	[sflag:s9] =	ssyncadd.s32 $0xFFFFC000  }
0x63: {  	[tilespmem:s14], [sflag:$0x2] =	stream.indirect.gather [hbm4b:s6+s12], $0x80, s7, s12, $0xb8;
	[tilespmem:$0x1D000] =	vst v63  }
0x64: {  	_ =	swait.ge [sflag:s15], $0x4000  }
0x65: {  	[sflag:s15] =	ssyncset.done $0x0  }
0x66: {  	s8 =	rddreg [dreg:$0x11];
	[sflag:s15] =	ssyncadd.s32 $0xFFFFC000  }
0x67: {  	[spmem:s2] =	stream.indirect.scatter.add.f32 [tilespmem:s13], [sflag:$0x3], $0x80, s8, s12, $0xb8;
	[tilespmem:$0x1D000] =	vst v63  }
0x68: {  	_ =	swait.ge [sflag:s9], $0x4000  }
0x69: {  	[sflag:s9] =	ssyncset.done $0x0  }
0x6a: {  	s24 =	rddreg [dreg:$0x12];
	[sflag:s9] =	ssyncadd.s32 $0xFFFFC000  }
0x6b: {  	[tilespmem:s13], [sflag:$0x1] =	stream.indirect.gather [hbm4b:s6+s12], $0x80, s24, s12, $0xb8;
	[tilespmem:$0x1D000] =	vst v63  }
0x6c: {  	_ =	swait.ge [sflag:s16], $0x4000  }
0x6d: {  	[sflag:s16] =	ssyncset.done $0x0  }
0x6e: {  	[sflag:s16] =	ssyncadd.s32 $0xFFFFC000  }
0x6f: {  	[spmem:s2] =	stream.indirect.scatter.add.f32 [tilespmem:s14], [sflag:$0x3], $0x80, s17, s12, $0xb8;
	[tilespmem:$0x1D000] =	vst v63  }
0x70: {  	_ =	swait.ge [sflag:s9], $0x4000  }
0x71: {  	[sflag:s9] =	ssyncset.done $0x0  }
0x72: {  	[sflag:s9] =	ssyncadd.s32 $0xFFFFC000  }
0x73: {  	[tilespmem:s14], [sflag:$0x2] =	stream.indirect.gather [hbm4b:s6+s12], $0x80, s18, s12, $0xb8;
	[tilespmem:$0x1D000] =	vst v63  }
0x74: {  	_ =	swait.ge [sflag:s15], $0x4000  }
0x75: {  	[sflag:s15] =	ssyncset.done $0x0  }
0x76: {  	[sflag:s15] =	ssyncadd.s32 $0xFFFFC000  }
0x77: {  	[spmem:s2] =	stream.indirect.scatter.add.f32 [tilespmem:s13], [sflag:$0x3], $0x80, s19, s12, $0xb8;
	[tilespmem:$0x1D000] =	vst v63  }
0x78: {  	_ =	swait.ge [sflag:s9], $0x4000  }
0x79: {  	[sflag:s9] =	ssyncset.done $0x0  }
0x7a: {  	[sflag:s9] =	ssyncadd.s32 $0xFFFFC000  }
0x7b: {  	[tilespmem:s13], [sflag:$0x1] =	stream.indirect.gather [hbm4b:s6+s12], $0x80, s20, s12, $0xb8;
	[tilespmem:$0x1D000] =	vst v63  }
0x7c: {  	_ =	swait.ge [sflag:s16], $0x4000  }
0x7d: {  	[sflag:s16] =	ssyncset.done $0x0  }
0x7e: {  	[sflag:s16] =	ssyncadd.s32 $0xFFFFC000  }
0x7f: {  	[spmem:s2] =	stream.indirect.scatter.add.f32 [tilespmem:s14], [sflag:$0x3], $0x80, s21, s12, $0xb8;
	[tilespmem:$0x1D000] =	vst v63  }
0x80: {  	_ =	swait.ge [sflag:s9], $0x4000  }
0x81: {  	[sflag:s9] =	ssyncset.done $0x0  }
0x82: {  	[sflag:s9] =	ssyncadd.s32 $0xFFFFC000  }
0x83: {  	[tilespmem:s14], [sflag:$0x2] =	stream.indirect.gather [hbm4b:s6+s12], $0x80, s22, s12, $0xb8;
	[tilespmem:$0x1D000] =	vst v63  }
0x84: {  	_ =	swait.ge [sflag:s15], $0x4000  }
0x85: {  	[sflag:s15] =	ssyncset.done $0x0  }
0x86: {  	[sflag:s15] =	ssyncadd.s32 $0xFFFFC000  }
0x87: {  	[spmem:s2] =	stream.indirect.scatter.add.f32 [tilespmem:s13], [sflag:$0x3], $0x80, s23, s12, $0xb8;
	[tilespmem:$0x1D000] =	vst v63  }
0x88: {  	_ =	swait.ge [sflag:s9], $0x4000  }
0x89: {  	[sflag:s9] =	ssyncset.done $0x0  }
0x8a: {  	[sflag:s9] =	ssyncadd.s32 $0xFFFFC000  }
0x8b: {  	[tilespmem:s13], [sflag:$0x1] =	stream.indirect.gather [hbm4b:s6+s12], $0x80, s25, s12, $0xb8;
	[tilespmem:$0x1D000] =	vst v63  }
0x8c: {  	_ =	swait.ge [sflag:s16], $0x4000  }
0x8d: {  	[sflag:s16] =	ssyncset.done $0x0  }
0x8e: {  	[sflag:s16] =	ssyncadd.s32 $0xFFFFC000  }
0x8f: {  	[spmem:s2] =	stream.indirect.scatter.add.f32 [tilespmem:s14], [sflag:$0x3], $0x80, s26, s12, $0xb8;
	[tilespmem:$0x1D000] =	vst v63  }
0x90: {  	_ =	swait.ge [sflag:s9], $0x4000  }
0x91: {  	[sflag:s9] =	ssyncset.done $0x0  }
0x92: {  	[sflag:s9] =	ssyncadd.s32 $0xFFFFC000  }
0x93: {  	[tilespmem:s14], [sflag:$0x2] =	stream.indirect.gather [hbm4b:s6+s12], $0x80, s28, s12, $0xb8;
	[tilespmem:$0x1D000] =	vst v63  }
0x94: {  	_ =	swait.ge [sflag:s15], $0x4000  }
0x95: {  	[sflag:s15] =	ssyncset.done $0x0  }
0x96: {  	[sflag:s15] =	ssyncadd.s32 $0xFFFFC000  }
0x97: {  	[spmem:s2] =	stream.indirect.scatter.add.f32 [tilespmem:s13], [sflag:$0x3], $0x80, s29, s12, $0xb8;
	[tilespmem:$0x1D000] =	vst v63  }
0x98: {  	_ =	swait.ge [sflag:s9], $0x4000  }
0x99: {  	[sflag:s9] =	ssyncset.done $0x0  }
0x9a: {  	[sflag:s9] =	ssyncadd.s32 $0xFFFFC000  }
0x9b: {  	[tilespmem:s13], [sflag:$0x1] =	stream.indirect.gather [hbm4b:s6+s12], $0x80, s30, s12, $0xb8;
	[tilespmem:$0x1D000] =	vst v63  }
0x9c: {  	_ =	swait.ge [sflag:s16], $0x4000  }
0x9d: {  	[sflag:s16] =	ssyncset.done $0x0  }
0x9e: {  	[sflag:s16] =	ssyncadd.s32 $0xFFFFC000  }
0x9f: {  	[spmem:s2] =	stream.indirect.scatter.add.f32 [tilespmem:s14], [sflag:$0x3], $0x80, s31, s12, $0xb8;
	[tilespmem:$0x1D000] =	vst v63  }
0xa0: {  	_ =	swait.ge [sflag:s9], $0x4000  }
0xa1: {  	[sflag:s9] =	ssyncset.done $0x0  }
0xa2: {  	[sflag:s9] =	ssyncadd.s32 $0xFFFFC000  }
0xa3: {  	[tilespmem:s14], [sflag:$0x2] =	stream.indirect.gather [hbm4b:s6+s12], $0x80, s0, s12, $0xb8;
	[tilespmem:$0x1D000] =	vst v63  }
0xa4: {  	_ =	swait.ge [sflag:s15], $0x4000  }
0xa5: {  	[sflag:s15] =	ssyncset.done $0x0  }
0xa6: {  	[sflag:s15] =	ssyncadd.s32 $0xFFFFC000  }
0xa7: {  	[spmem:s2] =	stream.indirect.scatter.add.f32 [tilespmem:s13], [sflag:$0x3], $0x80, s1, s12, $0xb8;
	[tilespmem:$0x1D000] =	vst v63  }
0xa8: {  	_ =	swait.ge [sflag:s9], $0x4000  }
0xa9: {  	[sflag:s9] =	ssyncset.done $0x0  }
0xaa: {  	[sflag:s9] =	ssyncadd.s32 $0xFFFFC000  }
0xab: {  	_ =	swait.ge [sflag:s16], $0x4000  }
0xac: {  	[sflag:s16] =	ssyncset.done $0x0  }
0xad: {  	[sflag:s16] =	ssyncadd.s32 $0xFFFFC000  }
0xae: {  	[spmem:s2] =	stream.indirect.scatter.add.f32 [tilespmem:s14], [sflag:$0x3], $0x80, s4, s12, $0xb8;
	[tilespmem:$0x1D000] =	vst v63  }
0xaf: {  	s5 =	simm.s32 $0x200;
	_ =	swait.ge [sflag:s9], $0x4000  }
0xb0: {  	s24 =	simm.s32 $0x100;
	s8 =	rddreg [dreg:$0x3];
	[sflag:s9] =	ssyncset.done $0x0  }
.LBB2_2:
0xb1: {  	[sflag:s9] =	ssyncadd.s32 $0xFFFFC000;
	s8 =	sadd.s32 s24, s8  }
0xb2: {  	[tilespmem:s10], [sflag:$0x3] =	stream.linear.gather [hbm4b:s8+s3], $0x800, $0x38;
	[tilespmem:$0x1D000] =	vst v63  }
0xb3: {  	_ =	swait.ge [sflag:s9], $0x800  }
0xb4: {  	s8 =	rddreg [dreg:$0x4];
	[sflag:s9] =	ssyncset.done $0x0  }
0xb5: {  	[sflag:s9] =	ssyncadd.s32 $0xFFFFF800;
	s8 =	sadd.s32 s24, s8  }
0xb6: {  	[tilespmem:s11], [sflag:$0x3] =	stream.linear.gather [hbm4b:s8+s3], $0x800, $0x38;
	[tilespmem:$0x1D000] =	vst v63  }
0xb7: {  	_ =	swait.ge [sflag:s9], $0x800  }
0xb8: {  	[sflag:s9] =	ssyncset.done $0x0  }
0xb9: {  	[sflag:s9] =	ssyncadd.s32 $0xFFFFF800  }
0xba: {  	[tilespmem:s13], [sflag:$0x1] =	stream.indirect.gather [hbm4b:s6+s12], $0x80, s10, s12, $0xb8;
	[tilespmem:$0x1D000] =	vst v63  }
0xbb: {  	s8 =	rddreg [dreg:$0x5]  }
0xbc: {  	[tilespmem:s14], [sflag:$0x2] =	stream.indirect.gather [hbm4b:s6+s12], $0x80, s8, s12, $0xb8;
	[tilespmem:$0x1D000] =	vst v63  }
0xbd: {  	_ =	swait.ge [sflag:s15], $0x4000  }
0xbe: {  	[sflag:s15] =	ssyncset.done $0x0  }
0xbf: {  	[sflag:s15] =	ssyncadd.s32 $0xFFFFC000  }
0xc0: {  	[spmem:s2] =	stream.indirect.scatter.add.f32 [tilespmem:s13], [sflag:$0x3], $0x80, s11, s12, $0xb8;
	[tilespmem:$0x1D000] =	vst v63  }
0xc1: {  	_ =	swait.ge [sflag:s9], $0x4000  }
0xc2: {  	[sflag:s9] =	ssyncset.done $0x0  }
0xc3: {  	s8 =	rddreg [dreg:$0x6];
	[sflag:s9] =	ssyncadd.s32 $0xFFFFC000  }
0xc4: {  	[tilespmem:s13], [sflag:$0x1] =	stream.indirect.gather [hbm4b:s6+s12], $0x80, s8, s12, $0xb8;
	[tilespmem:$0x1D000] =	vst v63  }
0xc5: {  	_ =	swait.ge [sflag:s16], $0x4000  }
0xc6: {  	[sflag:s16] =	ssyncset.done $0x0  }
0xc7: {  	s8 =	rddreg [dreg:$0x7];
	[sflag:s16] =	ssyncadd.s32 $0xFFFFC000  }
0xc8: {  	[spmem:s2] =	stream.indirect.scatter.add.f32 [tilespmem:s14], [sflag:$0x3], $0x80, s8, s12, $0xb8;
	[tilespmem:$0x1D000] =	vst v63  }
0xc9: {  	_ =	swait.ge [sflag:s9], $0x4000  }
0xca: {  	[sflag:s9] =	ssyncset.done $0x0  }
0xcb: {  	s8 =	rddreg [dreg:$0x8];
	[sflag:s9] =	ssyncadd.s32 $0xFFFFC000  }
0xcc: {  	[tilespmem:s14], [sflag:$0x2] =	stream.indirect.gather [hbm4b:s6+s12], $0x80, s8, s12, $0xb8;
	[tilespmem:$0x1D000] =	vst v63  }
0xcd: {  	_ =	swait.ge [sflag:s15], $0x4000  }
0xce: {  	[sflag:s15] =	ssyncset.done $0x0  }
0xcf: {  	s8 =	rddreg [dreg:$0x9];
	[sflag:s15] =	ssyncadd.s32 $0xFFFFC000  }
0xd0: {  	[spmem:s2] =	stream.indirect.scatter.add.f32 [tilespmem:s13], [sflag:$0x3], $0x80, s8, s12, $0xb8;
	[tilespmem:$0x1D000] =	vst v63  }
0xd1: {  	_ =	swait.ge [sflag:s9], $0x4000  }
0xd2: {  	[sflag:s9] =	ssyncset.done $0x0  }
0xd3: {  	s8 =	rddreg [dreg:$0xa];
	[sflag:s9] =	ssyncadd.s32 $0xFFFFC000  }
0xd4: {  	[tilespmem:s13], [sflag:$0x1] =	stream.indirect.gather [hbm4b:s6+s12], $0x80, s8, s12, $0xb8;
	[tilespmem:$0x1D000] =	vst v63  }
0xd5: {  	_ =	swait.ge [sflag:s16], $0x4000  }
0xd6: {  	[sflag:s16] =	ssyncset.done $0x0  }
0xd7: {  	s8 =	rddreg [dreg:$0xb];
	[sflag:s16] =	ssyncadd.s32 $0xFFFFC000  }
0xd8: {  	[spmem:s2] =	stream.indirect.scatter.add.f32 [tilespmem:s14], [sflag:$0x3], $0x80, s8, s12, $0xb8;
	[tilespmem:$0x1D000] =	vst v63  }
0xd9: {  	_ =	swait.ge [sflag:s9], $0x4000  }
0xda: {  	[sflag:s9] =	ssyncset.done $0x0  }
0xdb: {  	s8 =	rddreg [dreg:$0xc];
	[sflag:s9] =	ssyncadd.s32 $0xFFFFC000  }
0xdc: {  	[tilespmem:s14], [sflag:$0x2] =	stream.indirect.gather [hbm4b:s6+s12], $0x80, s8, s12, $0xb8;
	[tilespmem:$0x1D000] =	vst v63  }
0xdd: {  	_ =	swait.ge [sflag:s15], $0x4000  }
0xde: {  	[sflag:s15] =	ssyncset.done $0x0  }
0xdf: {  	s8 =	rddreg [dreg:$0xd];
	[sflag:s15] =	ssyncadd.s32 $0xFFFFC000  }
0xe0: {  	[spmem:s2] =	stream.indirect.scatter.add.f32 [tilespmem:s13], [sflag:$0x3], $0x80, s8, s12, $0xb8;
	[tilespmem:$0x1D000] =	vst v63  }
0xe1: {  	_ =	swait.ge [sflag:s9], $0x4000  }
0xe2: {  	[sflag:s9] =	ssyncset.done $0x0  }
0xe3: {  	s8 =	rddreg [dreg:$0xe];
	[sflag:s9] =	ssyncadd.s32 $0xFFFFC000  }
0xe4: {  	[tilespmem:s13], [sflag:$0x1] =	stream.indirect.gather [hbm4b:s6+s12], $0x80, s8, s12, $0xb8;
	[tilespmem:$0x1D000] =	vst v63  }
0xe5: {  	_ =	swait.ge [sflag:s16], $0x4000  }
0xe6: {  	[sflag:s16] =	ssyncset.done $0x0  }
0xe7: {  	s8 =	rddreg [dreg:$0xf];
	[sflag:s16] =	ssyncadd.s32 $0xFFFFC000  }
0xe8: {  	[spmem:s2] =	stream.indirect.scatter.add.f32 [tilespmem:s14], [sflag:$0x3], $0x80, s8, s12, $0xb8;
	[tilespmem:$0x1D000] =	vst v63  }
0xe9: {  	_ =	swait.ge [sflag:s9], $0x4000  }
0xea: {  	[sflag:s9] =	ssyncset.done $0x0  }
0xeb: {  	s8 =	rddreg [dreg:$0x10];
	[sflag:s9] =	ssyncadd.s32 $0xFFFFC000  }
0xec: {  	[tilespmem:s14], [sflag:$0x2] =	stream.indirect.gather [hbm4b:s6+s12], $0x80, s8, s12, $0xb8;
	[tilespmem:$0x1D000] =	vst v63  }
0xed: {  	_ =	swait.ge [sflag:s15], $0x4000  }
0xee: {  	[sflag:s15] =	ssyncset.done $0x0  }
0xef: {  	s8 =	rddreg [dreg:$0x11];
	[sflag:s15] =	ssyncadd.s32 $0xFFFFC000  }
0xf0: {  	[spmem:s2] =	stream.indirect.scatter.add.f32 [tilespmem:s13], [sflag:$0x3], $0x80, s8, s12, $0xb8;
	[tilespmem:$0x1D000] =	vst v63  }
0xf1: {  	_ =	swait.ge [sflag:s9], $0x4000  }
0xf2: {  	[sflag:s9] =	ssyncset.done $0x0  }
0xf3: {  	s8 =	rddreg [dreg:$0x12];
	[sflag:s9] =	ssyncadd.s32 $0xFFFFC000  }
0xf4: {  	[tilespmem:s13], [sflag:$0x1] =	stream.indirect.gather [hbm4b:s6+s12], $0x80, s8, s12, $0xb8;
	[tilespmem:$0x1D000] =	vst v63  }
0xf5: {  	_ =	swait.ge [sflag:s16], $0x4000  }
0xf6: {  	[sflag:s16] =	ssyncset.done $0x0  }
0xf7: {  	[sflag:s16] =	ssyncadd.s32 $0xFFFFC000  }
0xf8: {  	[spmem:s2] =	stream.indirect.scatter.add.f32 [tilespmem:s14], [sflag:$0x3], $0x80, s17, s12, $0xb8;
	[tilespmem:$0x1D000] =	vst v63  }
0xf9: {  	_ =	swait.ge [sflag:s9], $0x4000  }
0xfa: {  	[sflag:s9] =	ssyncset.done $0x0  }
0xfb: {  	[sflag:s9] =	ssyncadd.s32 $0xFFFFC000  }
0xfc: {  	[tilespmem:s14], [sflag:$0x2] =	stream.indirect.gather [hbm4b:s6+s12], $0x80, s18, s12, $0xb8;
	[tilespmem:$0x1D000] =	vst v63  }
0xfd: {  	_ =	swait.ge [sflag:s15], $0x4000  }
0xfe: {  	[sflag:s15] =	ssyncset.done $0x0  }
0xff: {  	[sflag:s15] =	ssyncadd.s32 $0xFFFFC000  }
0x100: {  	[spmem:s2] =	stream.indirect.scatter.add.f32 [tilespmem:s13], [sflag:$0x3], $0x80, s19, s12, $0xb8;
	[tilespmem:$0x1D000] =	vst v63  }
0x101: {  	_ =	swait.ge [sflag:s9], $0x4000  }
0x102: {  	[sflag:s9] =	ssyncset.done $0x0  }
0x103: {  	[sflag:s9] =	ssyncadd.s32 $0xFFFFC000  }
0x104: {  	[tilespmem:s13], [sflag:$0x1] =	stream.indirect.gather [hbm4b:s6+s12], $0x80, s20, s12, $0xb8;
	[tilespmem:$0x1D000] =	vst v63  }
0x105: {  	_ =	swait.ge [sflag:s16], $0x4000  }
0x106: {  	[sflag:s16] =	ssyncset.done $0x0  }
0x107: {  	[sflag:s16] =	ssyncadd.s32 $0xFFFFC000  }
0x108: {  	[spmem:s2] =	stream.indirect.scatter.add.f32 [tilespmem:s14], [sflag:$0x3], $0x80, s21, s12, $0xb8;
	[tilespmem:$0x1D000] =	vst v63  }
0x109: {  	_ =	swait.ge [sflag:s9], $0x4000  }
0x10a: {  	[sflag:s9] =	ssyncset.done $0x0  }
0x10b: {  	[sflag:s9] =	ssyncadd.s32 $0xFFFFC000  }
0x10c: {  	[tilespmem:s14], [sflag:$0x2] =	stream.indirect.gather [hbm4b:s6+s12], $0x80, s22, s12, $0xb8;
	[tilespmem:$0x1D000] =	vst v63  }
0x10d: {  	_ =	swait.ge [sflag:s15], $0x4000  }
0x10e: {  	[sflag:s15] =	ssyncset.done $0x0  }
0x10f: {  	[sflag:s15] =	ssyncadd.s32 $0xFFFFC000  }
0x110: {  	[spmem:s2] =	stream.indirect.scatter.add.f32 [tilespmem:s13], [sflag:$0x3], $0x80, s23, s12, $0xb8;
	[tilespmem:$0x1D000] =	vst v63  }
0x111: {  	_ =	swait.ge [sflag:s9], $0x4000  }
0x112: {  	[sflag:s9] =	ssyncset.done $0x0  }
0x113: {  	[sflag:s9] =	ssyncadd.s32 $0xFFFFC000  }
0x114: {  	[tilespmem:s13], [sflag:$0x1] =	stream.indirect.gather [hbm4b:s6+s12], $0x80, s25, s12, $0xb8;
	[tilespmem:$0x1D000] =	vst v63  }
0x115: {  	_ =	swait.ge [sflag:s16], $0x4000  }
0x116: {  	[sflag:s16] =	ssyncset.done $0x0  }
0x117: {  	[sflag:s16] =	ssyncadd.s32 $0xFFFFC000  }
0x118: {  	[spmem:s2] =	stream.indirect.scatter.add.f32 [tilespmem:s14], [sflag:$0x3], $0x80, s26, s12, $0xb8;
	[tilespmem:$0x1D000] =	vst v63  }
0x119: {  	_ =	swait.ge [sflag:s9], $0x4000  }
0x11a: {  	[sflag:s9] =	ssyncset.done $0x0  }
0x11b: {  	[sflag:s9] =	ssyncadd.s32 $0xFFFFC000  }
0x11c: {  	[tilespmem:s14], [sflag:$0x2] =	stream.indirect.gather [hbm4b:s6+s12], $0x80, s28, s12, $0xb8;
	[tilespmem:$0x1D000] =	vst v63  }
0x11d: {  	_ =	swait.ge [sflag:s15], $0x4000  }
0x11e: {  	[sflag:s15] =	ssyncset.done $0x0  }
0x11f: {  	[sflag:s15] =	ssyncadd.s32 $0xFFFFC000  }
0x120: {  	[spmem:s2] =	stream.indirect.scatter.add.f32 [tilespmem:s13], [sflag:$0x3], $0x80, s29, s12, $0xb8;
	[tilespmem:$0x1D000] =	vst v63  }
0x121: {  	_ =	swait.ge [sflag:s9], $0x4000  }
0x122: {  	[sflag:s9] =	ssyncset.done $0x0  }
0x123: {  	[sflag:s9] =	ssyncadd.s32 $0xFFFFC000  }
0x124: {  	[tilespmem:s13], [sflag:$0x1] =	stream.indirect.gather [hbm4b:s6+s12], $0x80, s30, s12, $0xb8;
	[tilespmem:$0x1D000] =	vst v63  }
0x125: {  	_ =	swait.ge [sflag:s16], $0x4000  }
0x126: {  	[sflag:s16] =	ssyncset.done $0x0  }
0x127: {  	[sflag:s16] =	ssyncadd.s32 $0xFFFFC000  }
0x128: {  	[spmem:s2] =	stream.indirect.scatter.add.f32 [tilespmem:s14], [sflag:$0x3], $0x80, s31, s12, $0xb8;
	[tilespmem:$0x1D000] =	vst v63  }
0x129: {  	_ =	swait.ge [sflag:s9], $0x4000  }
0x12a: {  	[sflag:s9] =	ssyncset.done $0x0  }
0x12b: {  	[sflag:s9] =	ssyncadd.s32 $0xFFFFC000  }
0x12c: {  	[tilespmem:s14], [sflag:$0x2] =	stream.indirect.gather [hbm4b:s6+s12], $0x80, s0, s12, $0xb8;
	[tilespmem:$0x1D000] =	vst v63  }
0x12d: {  	_ =	swait.ge [sflag:s15], $0x4000  }
0x12e: {  	[sflag:s15] =	ssyncset.done $0x0  }
0x12f: {  	[sflag:s15] =	ssyncadd.s32 $0xFFFFC000  }
0x130: {  	[spmem:s2] =	stream.indirect.scatter.add.f32 [tilespmem:s13], [sflag:$0x3], $0x80, s1, s12, $0xb8;
	[tilespmem:$0x1D000] =	vst v63  }
0x131: {  	_ =	swait.ge [sflag:s9], $0x4000  }
0x132: {  	[sflag:s9] =	ssyncset.done $0x0  }
0x133: {  	[sflag:s9] =	ssyncadd.s32 $0xFFFFC000  }
0x134: {  	p0 =	sne.s32 s5, $0x900;
	_ =	swait.ge [sflag:s16], $0x4000  }
.Ltmp0:
0x135: {  	[sflag:s16] =	ssyncset.done $0x0;
	(pc) =	sbr.rel @p0 .LBB2_2-.Ltmp0, $4  }
0x136: {  	[sflag:s16] =	ssyncadd.s32 $0xFFFFC000  }
0x137: {  	[spmem:s2] =	stream.indirect.scatter.add.f32 [tilespmem:s14], [sflag:$0x3], $0x80, s4, s12, $0xb8;
	[tilespmem:$0x1D000] =	vst v63  }
0x138: {  	s7 =	smov.u32 s5;
	s5 =	sadd.s32 $0x100, s5;
	_ =	swait.ge [sflag:s9], $0x4000  }
0x139: {  	s24 =	smov.u32 s7;
	s8 =	rddreg [dreg:$0x3];
	[sflag:s9] =	ssyncset.done $0x0  }
0x13a: {  	[sflag:s9] =	ssyncadd.s32 $0xFFFFC000;
	s5 =	sadd.s32 s24, s8  }
0x13b: {  	[tilespmem:s10], [sflag:$0x3] =	stream.linear.gather [hbm4b:s5+s3], $0x800, $0x38;
	[tilespmem:$0x1D000] =	vst v63  }
0x13c: {  	_ =	swait.ge [sflag:s9], $0x800  }
0x13d: {  	s7 =	rddreg [dreg:$0x4];
	[sflag:s9] =	ssyncset.done $0x0  }
0x13e: {  	s5 =	sadd.s32 s24, s7;
	[sflag:s9] =	ssyncadd.s32 $0xFFFFF800  }
0x13f: {  	[tilespmem:s11], [sflag:$0x3] =	stream.linear.gather [hbm4b:s5+s3], $0x800, $0x38;
	[tilespmem:$0x1D000] =	vst v63  }
0x140: {  	_ =	swait.ge [sflag:s9], $0x800  }
0x141: {  	[sflag:s9] =	ssyncset.done $0x0  }
0x142: {  	[sflag:s9] =	ssyncadd.s32 $0xFFFFF800  }
0x143: {  	[tilespmem:s13], [sflag:$0x1] =	stream.indirect.gather [hbm4b:s6+s12], $0x80, s10, s12, $0xb8;
	[tilespmem:$0x1D000] =	vst v63  }
0x144: {  	s8 =	rddreg [dreg:$0x5]  }
0x145: {  	[tilespmem:s14], [sflag:$0x2] =	stream.indirect.gather [hbm4b:s6+s12], $0x80, s8, s12, $0xb8;
	[tilespmem:$0x1D000] =	vst v63  }
0x146: {  	_ =	swait.ge [sflag:s15], $0x4000  }
0x147: {  	[sflag:s15] =	ssyncset.done $0x0  }
0x148: {  	[sflag:s15] =	ssyncadd.s32 $0xFFFFC000  }
0x149: {  	[spmem:s2] =	stream.indirect.scatter.add.f32 [tilespmem:s13], [sflag:$0x3], $0x80, s11, s12, $0xb8;
	[tilespmem:$0x1D000] =	vst v63  }
0x14a: {  	_ =	swait.ge [sflag:s9], $0x4000  }
0x14b: {  	[sflag:s9] =	ssyncset.done $0x0  }
0x14c: {  	s24 =	rddreg [dreg:$0x6];
	[sflag:s9] =	ssyncadd.s32 $0xFFFFC000  }
0x14d: {  	[tilespmem:s13], [sflag:$0x1] =	stream.indirect.gather [hbm4b:s6+s12], $0x80, s24, s12, $0xb8;
	[tilespmem:$0x1D000] =	vst v63  }
0x14e: {  	_ =	swait.ge [sflag:s16], $0x4000  }
0x14f: {  	[sflag:s16] =	ssyncset.done $0x0  }
0x150: {  	s7 =	rddreg [dreg:$0x7];
	[sflag:s16] =	ssyncadd.s32 $0xFFFFC000  }
0x151: {  	[spmem:s2] =	stream.indirect.scatter.add.f32 [tilespmem:s14], [sflag:$0x3], $0x80, s7, s12, $0xb8;
	[tilespmem:$0x1D000] =	vst v63  }
0x152: {  	_ =	swait.ge [sflag:s9], $0x4000  }
0x153: {  	[sflag:s9] =	ssyncset.done $0x0  }
0x154: {  	s8 =	rddreg [dreg:$0x8];
	[sflag:s9] =	ssyncadd.s32 $0xFFFFC000  }
0x155: {  	[tilespmem:s14], [sflag:$0x2] =	stream.indirect.gather [hbm4b:s6+s12], $0x80, s8, s12, $0xb8;
	[tilespmem:$0x1D000] =	vst v63  }
0x156: {  	_ =	swait.ge [sflag:s15], $0x4000  }
0x157: {  	[sflag:s15] =	ssyncset.done $0x0  }
0x158: {  	s24 =	rddreg [dreg:$0x9];
	[sflag:s15] =	ssyncadd.s32 $0xFFFFC000  }
0x159: {  	[spmem:s2] =	stream.indirect.scatter.add.f32 [tilespmem:s13], [sflag:$0x3], $0x80, s24, s12, $0xb8;
	[tilespmem:$0x1D000] =	vst v63  }
0x15a: {  	_ =	swait.ge [sflag:s9], $0x4000  }
0x15b: {  	[sflag:s9] =	ssyncset.done $0x0  }
0x15c: {  	s7 =	rddreg [dreg:$0xa];
	[sflag:s9] =	ssyncadd.s32 $0xFFFFC000  }
0x15d: {  	[tilespmem:s13], [sflag:$0x1] =	stream.indirect.gather [hbm4b:s6+s12], $0x80, s7, s12, $0xb8;
	[tilespmem:$0x1D000] =	vst v63  }
0x15e: {  	_ =	swait.ge [sflag:s16], $0x4000  }
0x15f: {  	[sflag:s16] =	ssyncset.done $0x0  }
0x160: {  	s8 =	rddreg [dreg:$0xb];
	[sflag:s16] =	ssyncadd.s32 $0xFFFFC000  }
0x161: {  	[spmem:s2] =	stream.indirect.scatter.add.f32 [tilespmem:s14], [sflag:$0x3], $0x80, s8, s12, $0xb8;
	[tilespmem:$0x1D000] =	vst v63  }
0x162: {  	_ =	swait.ge [sflag:s9], $0x4000  }
0x163: {  	[sflag:s9] =	ssyncset.done $0x0  }
0x164: {  	s24 =	rddreg [dreg:$0xc];
	[sflag:s9] =	ssyncadd.s32 $0xFFFFC000  }
0x165: {  	[tilespmem:s14], [sflag:$0x2] =	stream.indirect.gather [hbm4b:s6+s12], $0x80, s24, s12, $0xb8;
	[tilespmem:$0x1D000] =	vst v63  }
0x166: {  	_ =	swait.ge [sflag:s15], $0x4000  }
0x167: {  	[sflag:s15] =	ssyncset.done $0x0  }
0x168: {  	s7 =	rddreg [dreg:$0xd];
	[sflag:s15] =	ssyncadd.s32 $0xFFFFC000  }
0x169: {  	[spmem:s2] =	stream.indirect.scatter.add.f32 [tilespmem:s13], [sflag:$0x3], $0x80, s7, s12, $0xb8;
	[tilespmem:$0x1D000] =	vst v63  }
0x16a: {  	_ =	swait.ge [sflag:s9], $0x4000  }
0x16b: {  	[sflag:s9] =	ssyncset.done $0x0  }
0x16c: {  	s8 =	rddreg [dreg:$0xe];
	[sflag:s9] =	ssyncadd.s32 $0xFFFFC000  }
0x16d: {  	[tilespmem:s13], [sflag:$0x1] =	stream.indirect.gather [hbm4b:s6+s12], $0x80, s8, s12, $0xb8;
	[tilespmem:$0x1D000] =	vst v63  }
0x16e: {  	_ =	swait.ge [sflag:s16], $0x4000  }
0x16f: {  	[sflag:s16] =	ssyncset.done $0x0  }
0x170: {  	s24 =	rddreg [dreg:$0xf];
	[sflag:s16] =	ssyncadd.s32 $0xFFFFC000  }
0x171: {  	[spmem:s2] =	stream.indirect.scatter.add.f32 [tilespmem:s14], [sflag:$0x3], $0x80, s24, s12, $0xb8;
	[tilespmem:$0x1D000] =	vst v63  }
0x172: {  	_ =	swait.ge [sflag:s9], $0x4000  }
0x173: {  	[sflag:s9] =	ssyncset.done $0x0  }
0x174: {  	s7 =	rddreg [dreg:$0x10];
	[sflag:s9] =	ssyncadd.s32 $0xFFFFC000  }
0x175: {  	[tilespmem:s14], [sflag:$0x2] =	stream.indirect.gather [hbm4b:s6+s12], $0x80, s7, s12, $0xb8;
	[tilespmem:$0x1D000] =	vst v63  }
0x176: {  	_ =	swait.ge [sflag:s15], $0x4000  }
0x177: {  	[sflag:s15] =	ssyncset.done $0x0  }
0x178: {  	s8 =	rddreg [dreg:$0x11];
	[sflag:s15] =	ssyncadd.s32 $0xFFFFC000  }
0x179: {  	[spmem:s2] =	stream.indirect.scatter.add.f32 [tilespmem:s13], [sflag:$0x3], $0x80, s8, s12, $0xb8;
	[tilespmem:$0x1D000] =	vst v63  }
0x17a: {  	_ =	swait.ge [sflag:s9], $0x4000  }
0x17b: {  	[sflag:s9] =	ssyncset.done $0x0  }
0x17c: {  	s24 =	rddreg [dreg:$0x12];
	[sflag:s9] =	ssyncadd.s32 $0xFFFFC000  }
0x17d: {  	[tilespmem:s13], [sflag:$0x1] =	stream.indirect.gather [hbm4b:s6+s12], $0x80, s24, s12, $0xb8;
	[tilespmem:$0x1D000] =	vst v63  }
0x17e: {  	_ =	swait.ge [sflag:s16], $0x4000  }
0x17f: {  	[sflag:s16] =	ssyncset.done $0x0  }
0x180: {  	[sflag:s16] =	ssyncadd.s32 $0xFFFFC000  }
0x181: {  	[spmem:s2] =	stream.indirect.scatter.add.f32 [tilespmem:s14], [sflag:$0x3], $0x80, s17, s12, $0xb8;
	[tilespmem:$0x1D000] =	vst v63  }
0x182: {  	_ =	swait.ge [sflag:s9], $0x4000  }
0x183: {  	[sflag:s9] =	ssyncset.done $0x0  }
0x184: {  	[sflag:s9] =	ssyncadd.s32 $0xFFFFC000  }
0x185: {  	[tilespmem:s14], [sflag:$0x2] =	stream.indirect.gather [hbm4b:s6+s12], $0x80, s18, s12, $0xb8;
	[tilespmem:$0x1D000] =	vst v63  }
0x186: {  	_ =	swait.ge [sflag:s15], $0x4000  }
0x187: {  	[sflag:s15] =	ssyncset.done $0x0  }
0x188: {  	[sflag:s15] =	ssyncadd.s32 $0xFFFFC000  }
0x189: {  	[spmem:s2] =	stream.indirect.scatter.add.f32 [tilespmem:s13], [sflag:$0x3], $0x80, s19, s12, $0xb8;
	[tilespmem:$0x1D000] =	vst v63  }
0x18a: {  	_ =	swait.ge [sflag:s9], $0x4000  }
0x18b: {  	[sflag:s9] =	ssyncset.done $0x0  }
0x18c: {  	[sflag:s9] =	ssyncadd.s32 $0xFFFFC000  }
0x18d: {  	[tilespmem:s13], [sflag:$0x1] =	stream.indirect.gather [hbm4b:s6+s12], $0x80, s20, s12, $0xb8;
	[tilespmem:$0x1D000] =	vst v63  }
0x18e: {  	_ =	swait.ge [sflag:s16], $0x4000  }
0x18f: {  	[sflag:s16] =	ssyncset.done $0x0  }
0x190: {  	[sflag:s16] =	ssyncadd.s32 $0xFFFFC000  }
0x191: {  	[spmem:s2] =	stream.indirect.scatter.add.f32 [tilespmem:s14], [sflag:$0x3], $0x80, s21, s12, $0xb8;
	[tilespmem:$0x1D000] =	vst v63  }
0x192: {  	_ =	swait.ge [sflag:s9], $0x4000  }
0x193: {  	[sflag:s9] =	ssyncset.done $0x0  }
0x194: {  	[sflag:s9] =	ssyncadd.s32 $0xFFFFC000  }
0x195: {  	[tilespmem:s14], [sflag:$0x2] =	stream.indirect.gather [hbm4b:s6+s12], $0x80, s22, s12, $0xb8;
	[tilespmem:$0x1D000] =	vst v63  }
0x196: {  	_ =	swait.ge [sflag:s15], $0x4000  }
0x197: {  	[sflag:s15] =	ssyncset.done $0x0  }
0x198: {  	[sflag:s15] =	ssyncadd.s32 $0xFFFFC000  }
0x199: {  	[spmem:s2] =	stream.indirect.scatter.add.f32 [tilespmem:s13], [sflag:$0x3], $0x80, s23, s12, $0xb8;
	[tilespmem:$0x1D000] =	vst v63  }
0x19a: {  	_ =	swait.ge [sflag:s9], $0x4000  }
0x19b: {  	[sflag:s9] =	ssyncset.done $0x0  }
0x19c: {  	[sflag:s9] =	ssyncadd.s32 $0xFFFFC000  }
0x19d: {  	[tilespmem:s13], [sflag:$0x1] =	stream.indirect.gather [hbm4b:s6+s12], $0x80, s25, s12, $0xb8;
	[tilespmem:$0x1D000] =	vst v63  }
0x19e: {  	_ =	swait.ge [sflag:s16], $0x4000  }
0x19f: {  	[sflag:s16] =	ssyncset.done $0x0  }
0x1a0: {  	[sflag:s16] =	ssyncadd.s32 $0xFFFFC000  }
0x1a1: {  	[spmem:s2] =	stream.indirect.scatter.add.f32 [tilespmem:s14], [sflag:$0x3], $0x80, s26, s12, $0xb8;
	[tilespmem:$0x1D000] =	vst v63  }
0x1a2: {  	_ =	swait.ge [sflag:s9], $0x4000  }
0x1a3: {  	[sflag:s9] =	ssyncset.done $0x0  }
0x1a4: {  	[sflag:s9] =	ssyncadd.s32 $0xFFFFC000  }
0x1a5: {  	[tilespmem:s14], [sflag:$0x2] =	stream.indirect.gather [hbm4b:s6+s12], $0x80, s28, s12, $0xb8;
	[tilespmem:$0x1D000] =	vst v63  }
0x1a6: {  	_ =	swait.ge [sflag:s15], $0x4000  }
0x1a7: {  	[sflag:s15] =	ssyncset.done $0x0  }
0x1a8: {  	[sflag:s15] =	ssyncadd.s32 $0xFFFFC000  }
0x1a9: {  	[spmem:s2] =	stream.indirect.scatter.add.f32 [tilespmem:s13], [sflag:$0x3], $0x80, s29, s12, $0xb8;
	[tilespmem:$0x1D000] =	vst v63  }
0x1aa: {  	_ =	swait.ge [sflag:s9], $0x4000  }
0x1ab: {  	[sflag:s9] =	ssyncset.done $0x0  }
0x1ac: {  	[sflag:s9] =	ssyncadd.s32 $0xFFFFC000  }
0x1ad: {  	[tilespmem:s13], [sflag:$0x1] =	stream.indirect.gather [hbm4b:s6+s12], $0x80, s30, s12, $0xb8;
	[tilespmem:$0x1D000] =	vst v63  }
0x1ae: {  	_ =	swait.ge [sflag:s16], $0x4000  }
0x1af: {  	[sflag:s16] =	ssyncset.done $0x0  }
0x1b0: {  	[sflag:s16] =	ssyncadd.s32 $0xFFFFC000  }
0x1b1: {  	[spmem:s2] =	stream.indirect.scatter.add.f32 [tilespmem:s14], [sflag:$0x3], $0x80, s31, s12, $0xb8;
	[tilespmem:$0x1D000] =	vst v63  }
0x1b2: {  	_ =	swait.ge [sflag:s9], $0x4000  }
0x1b3: {  	[sflag:s9] =	ssyncset.done $0x0  }
0x1b4: {  	[sflag:s9] =	ssyncadd.s32 $0xFFFFC000  }
0x1b5: {  	[tilespmem:s14], [sflag:$0x2] =	stream.indirect.gather [hbm4b:s6+s12], $0x80, s0, s12, $0xb8;
	[tilespmem:$0x1D000] =	vst v63  }
0x1b6: {  	_ =	swait.ge [sflag:s15], $0x4000  }
0x1b7: {  	[sflag:s15] =	ssyncset.done $0x0  }
0x1b8: {  	[sflag:s15] =	ssyncadd.s32 $0xFFFFC000  }
0x1b9: {  	[spmem:s2] =	stream.indirect.scatter.add.f32 [tilespmem:s13], [sflag:$0x3], $0x80, s1, s12, $0xb8;
	[tilespmem:$0x1D000] =	vst v63  }
0x1ba: {  	_ =	swait.ge [sflag:s9], $0x4000  }
0x1bb: {  	[sflag:s9] =	ssyncset.done $0x0  }
0x1bc: {  	[sflag:s9] =	ssyncadd.s32 $0xFFFFC000  }
0x1bd: {  	_ =	swait.ge [sflag:s16], $0x4000  }
0x1be: {  	[sflag:s16] =	ssyncset.done $0x0  }
0x1bf: {  	[sflag:s16] =	ssyncadd.s32 $0xFFFFC000  }
0x1c0: {  	[spmem:s2] =	stream.indirect.scatter.add.f32 [tilespmem:s14], [sflag:$0x3], $0x80, s4, s12, $0xb8;
	[tilespmem:$0x1D000] =	vst v63  }
0x1c1: {  	_ =	swait.ge [sflag:s9], $0x4000  }
0x1c2: {  	[sflag:s9] =	ssyncset.done $0x0  }
0x1c3: {  	[sflag:s9] =	ssyncadd.s32 $0xFFFFC000  }
0x1c4: {  	[bflag:$0x0] =	sbarrier.arrive $0xFFFF  }
0x1c5: {  	s24 =	rddreg [dreg:$0x14]  }
0x1c6: {  	s8 =	rddreg [dreg:$0x16]  }
0x1c7: {  	s7 =	rddreg [dreg:$0x17]  }
0x1c8: {  	[hbm:s7], [sflag:s24] =	dma.local [spmem:s8], $0x2800  }
0x1c9: {  	_ =	swait.ge [sflag:s9], $0x2800  }
0x1ca: {  	s7 =	rddreg [dreg:$0x18]  }
0x1cb: {  	s5 =	rddreg [dreg:$0x15];
	s7 =	sadd.s32 $0x1, s7  }
0x1cc: {  	p0 =	sne.s32 s7, s5  }
.Ltmp1:
0x1cd: {  	_ = 	snop;
	(pc) =	sbr.rel @p0 .LBB2_1-.Ltmp1, $3  }
0x1ce: {  	_ =	sdelay $0x1  }
0x1cf: {  	[sflag:s9] =	ssyncset.done $0x0  }
0x1d0: {  	[sflag:s9] =	ssyncadd.s32 $0xFFFFD800  }
0x1d1: {  	_ =	sfence.sel $0x180000  }
0x1d2: {  	[bflag:$0x0] =	sbarrier.arrive $0xFFFF  }
0x1d3: {  	_ =	strace $0x90000050  }
0x1d4: {  	s0 =	stileid.u32;
	[bflag:$0x2] =	sbarrier.arrive $0xFFFF  }
0x1d5: {  	p0 =	sne.s32 s0, $0x0;
	s0 =	rddreg [dreg:$0x2]  }
0x1d6: {  	s0 =	sadd.s32 @!p0 $0x100000, s0  }
0x1d7: {  	[sflag:s0] =	ssyncadd.tile.s32 @!p0 $0x1;
	_ =	shalt  }
.Lfunc_end2:
_tile_overlayer_lowered:
.L_overlay_start_2:
0x1d8: {  	(tag) =	ssettag $0x2  }
0x1d9: {  	s0 =	rddreg [dreg:$0x0];
	s2 =	stileid.u32  }
0x1da: {  	s1 =	rddreg [dreg:$0x1];
	p0 =	sne.s32 s2, $0x0  }
0x1db: {  	s3 =	rddreg [dreg:$0x2];
	[bflag:$0x3] =	sbarrier.arrive $0xFFFF;
	s2 =	simm.s32 @!p0 $0x1C03  }
0x1dc: {  	[timem:s3], [sflag:s2] =	dma.local @!p0 [hbm:s0], s1  }
0x1dd: {  	s0 =	simm.s32 @!p0 $0x3  }
0x1de: {  	_ =	swait.ge @!p0 [sflag:s0], s1  }
0x1df: {  	s1 =	ssub.s32 @!p0 $0x0, s1;
	[sflag:s0] =	ssyncset.done @!p0 $0x0  }
0x1e0: {  	[sflag:s0] =	ssyncadd.s32 @!p0 s1  }
0x1e1: {  	[bflag:$0x3] =	sbarrier.arrive $0xFFFF  }
0x1e2: {  	_ =	shalt  }

</sc_bundles>
